<compile_context>
chip_gen: v7x
topology: tpu7x:2x2x1
jax: 0.10.2.dev20260603
libtpu: 0.0.44.dev20260713+nightly
codegen_flags: <defaults>
</compile_context>

<pallas_src>
import functools

import jax
import jax.numpy as jnp
from jax import lax
from jax.experimental import pallas as pl
from jax.experimental.pallas import tpu as pltpu
from jax.experimental.pallas import tpu_sc as plsc

VOCAB = 1000000
EMBED = 64
NUM_CLASSES = 100
B = 16384
L = 200

NC = 2
NS = 16
NW = NC * NS
SEQ_PER_W = B // NW
SPLIT = 128
OUT_CHUNK = 64
NBUF = 4

_mesh = plsc.VectorSubcoreMesh(core_axis_name="c", subcore_axis_name="s")


@functools.partial(
    pl.kernel,
    mesh=_mesh,
    compiler_params=pltpu.CompilerParams(use_tc_tiling_on_sc=False),
    out_type=jax.ShapeDtypeStruct((B, EMBED), jnp.float32),
    scratch_types=[
        pltpu.VMEM((OUT_CHUNK * L,), jnp.int32),
        pltpu.VMEM((NBUF, L, EMBED // 2), jnp.int32),
        pltpu.VMEM((OUT_CHUNK, EMBED), jnp.float32),
        pltpu.SemaphoreType.DMA,
        pltpu.SemaphoreType.DMA,
        pltpu.SemaphoreType.DMA,
        pltpu.SemaphoreType.DMA,
        pltpu.SemaphoreType.DMA,
    ],
)
def _sc_pool(ids_hbm, table_hbm, out_hbm, ids_v, rows_v, pooled_v,
             gsem0, gsem1, gsem2, gsem3, osem):
    wid = lax.axis_index("s") * NC + lax.axis_index("c")
    seq0 = wid * SEQ_PER_W
    gsems = (gsem0, gsem1, gsem2, gsem3)

    def fire(jj, buf):
        base = L * jj
        pltpu.async_copy(
            table_hbm.at[ids_v.at[pl.ds(base, SPLIT)]],
            rows_v.at[buf].at[pl.ds(0, SPLIT)], gsems[buf])
        pltpu.async_copy(
            table_hbm.at[ids_v.at[pl.ds(base + SPLIT, L - SPLIT)]],
            rows_v.at[buf].at[pl.ds(SPLIT, L - SPLIT)], gsems[buf])

    def drain(buf):
        pltpu.make_async_copy(
            table_hbm.at[pl.ds(0, L)], rows_v.at[buf], gsems[buf]).wait()

    ROWS_PER_ITER = 25

    def reduce_into(jj, buf):
        rv = rows_v.at[buf]

        mhi = jnp.full((16,), -65536, jnp.int32)
        sh = jnp.full((16,), 16, jnp.int32)

        def red(l, accs):
            out = list(accs)
            for r in range(ROWS_PER_ITER):
                row = ROWS_PER_ITER * l + r
                o = 4 * (r % 2)
                v0 = rv[row, pl.ds(0, 16)]
                v1 = rv[row, pl.ds(16, 16)]
                out[o + 0] = out[o + 0] + lax.bitcast_convert_type(lax.shift_left(v0, sh), jnp.float32)
                out[o + 1] = out[o + 1] + lax.bitcast_convert_type(lax.shift_left(v1, sh), jnp.float32)
                out[o + 2] = out[o + 2] + lax.bitcast_convert_type(v0 & mhi, jnp.float32)
                out[o + 3] = out[o + 3] + lax.bitcast_convert_type(v1 & mhi, jnp.float32)
            return tuple(out)

        z = jnp.zeros((16,), jnp.float32)
        accs = lax.fori_loop(0, L // ROWS_PER_ITER, red, (z,) * 8)
        scale = jnp.float32(1.0 / L)
        for i in range(4):
            pooled_v[jj, pl.ds(16 * i, 16)] = (accs[i] + accs[4 + i]) * scale

    def group_body(g, carry):
        gbase = pl.multiple_of((seq0 + g * OUT_CHUNK) * L, 8)
        pltpu.sync_copy(ids_hbm.at[pl.ds(gbase, OUT_CHUNK * L)], ids_v)
        for b in range(NBUF - 1):
            fire(b, b)

        def ring_body(jj, carry2):
            for b in range(NBUF):
                nxt = jj + b + (NBUF - 1)

                @pl.when(nxt < OUT_CHUNK)
                def _fire_next():
                    fire(nxt, (b + NBUF - 1) % NBUF)

                drain(b)
                reduce_into(jj + b, b)
            return carry2

        lax.fori_loop(0, OUT_CHUNK // NBUF, lambda p, c: ring_body(NBUF * p, c), 0)
        obase = pl.multiple_of(seq0 + g * OUT_CHUNK, 8)
        pltpu.async_copy(pooled_v, out_hbm.at[pl.ds(obase, OUT_CHUNK)], osem).wait()
        return carry

    lax.fori_loop(0, SEQ_PER_W // OUT_CHUNK, group_body, 0)


BM = 1024
TR = 8192
IR = 2048


def _transpose_body(x_ref, o_ref):
    o_ref[...] = x_ref[...].T


def _table_t_body(x_ref, i_ref, o_ref):
    t = lax.dot_general(
        x_ref[...], i_ref[...],
        (((0,), (0,)), ((), ())),
        preferred_element_type=jnp.float32,
    )
    u = lax.bitcast_convert_type(t, jnp.uint32)
    r = (u + jnp.uint32(0x7FFF) + ((u >> 16) & jnp.uint32(1))) >> 16
    lo = r[:, :EMBED // 2]
    hi = r[:, EMBED // 2:]
    o_ref[...] = lax.bitcast_convert_type(lo | (hi << 16), jnp.int32)


def _tc_transpose_table(table_t, eye):
    return pl.pallas_call(
        _table_t_body,
        grid=(pl.cdiv(VOCAB, TR),),
        in_specs=[
            pl.BlockSpec((EMBED, TR), lambda i: (0, i)),
            pl.BlockSpec((EMBED, EMBED), lambda i: (0, 0)),
        ],
        out_specs=pl.BlockSpec((TR, EMBED // 2), lambda i: (i, 0)),
        out_shape=jax.ShapeDtypeStruct((VOCAB, EMBED // 2), jnp.int32),
    )(table_t, eye)


def _tc_transpose_ids(ids_t):
    return pl.pallas_call(
        _transpose_body,
        grid=(B // IR,),
        in_specs=[pl.BlockSpec((L, IR), lambda i: (0, i))],
        out_specs=pl.BlockSpec((IR, L), lambda i: (i, 0)),
        out_shape=jax.ShapeDtypeStruct((B, L), jnp.int32),
    )(ids_t)


def _fc_t_body(x_ref, w_ref, b_ref, o_ref):
    o_ref[...] = lax.dot_general(
        w_ref[...], x_ref[...],
        (((1,), (1,)), ((), ())),
        preferred_element_type=jnp.float32,
    ) + b_ref[...]


def _tc_fc_t(x, w, bcol):
    return pl.pallas_call(
        _fc_t_body,
        grid=(B // BM,),
        in_specs=[
            pl.BlockSpec((BM, EMBED), lambda i: (i, 0)),
            pl.BlockSpec((NUM_CLASSES, EMBED), lambda i: (0, 0)),
            pl.BlockSpec((NUM_CLASSES, 1), lambda i: (0, 0)),
        ],
        out_specs=pl.BlockSpec((NUM_CLASSES, BM), lambda i: (0, i)),
        out_shape=jax.ShapeDtypeStruct((NUM_CLASSES, B), jnp.float32),
    )(x, w, bcol)


def kernel(input_ids, emb_table, fc_w, fc_b):
    ids_rm = _tc_transpose_ids(input_ids.astype(jnp.int32).T).reshape(B * L)
    table_rm = _tc_transpose_table(emb_table.T, jnp.eye(EMBED, dtype=jnp.float32))
    pooled = _sc_pool(ids_rm, table_rm)
    logits_t = _tc_fc_t(pooled, fc_w, fc_b.reshape(NUM_CLASSES, 1))
    return logits_t.T

# --- scband reference (transcript-rebuilt; emitter-appended) ---
"""Pipeline reference for scband-fast-text-classifier-63840393888020 (READ-ONLY COPY).

The authoritative reference and input builder live on the scoring server;
editing this copy changes nothing except your own understanding.
"""

import jax, jax.numpy as jnp
import numpy as np

VOCAB = 1000000
EMBED = 64
NUM_CLASSES = 100
B = 16384
L = 200

def setup_inputs(seed: int = 0) -> dict:
    key = jax.random.key(seed)
    k_ids, k_emb, k_w, k_b = jax.random.split(key, 4)
    input_ids = jax.random.randint(k_ids, (B, L), 0, VOCAB, dtype=jnp.int64)
    emb_table = jax.random.normal(k_emb, (VOCAB, EMBED), dtype=jnp.float32)
    fc_w = jax.random.normal(k_w, (NUM_CLASSES, EMBED), dtype=jnp.float32) * (1.0 / np.sqrt(EMBED))
    fc_b = jax.random.normal(k_b, (NUM_CLASSES,), dtype=jnp.float32) * 0.01
    return {"input_ids": input_ids, "emb_table": emb_table, "fc_w": fc_w, "fc_b": fc_b}

def reference(input_ids, emb_table, fc_w, fc_b):
    # embedding lookup -> [B, L, EMBED]
    x = jnp.take(emb_table, input_ids, axis=0)
    # mean pool over sequence dim
    x = jnp.mean(x, axis=1)
    # dropout is identity at inference (eval mode)
    # linear: y = x @ W^T + b
    logits = x @ fc_w.T + fc_b
    return logits

if __name__ == "__main__":
    import jax
    _d = setup_inputs()
    print(jax.jit(kernel)(*tuple(_d.values())))

</pallas_src>

<mosaic_0001>
#map = affine_map<(d0, d1) -> (0)>
#map1 = affine_map<(d0, d1) -> (0, 0)>
module attributes {stable_mosaic.version = 14 : i64} {
  func.func @_sc_pool(%arg0: i32, %arg1: i32, %arg2: memref<3276800xi32, #tpu.memory_space<hbm>>, %arg3: memref<1000000x32xi32, #tpu.memory_space<hbm>>, %arg4: memref<16384x64xf32, #tpu.memory_space<hbm>>, %arg5: memref<12800xi32, #tpu.memory_space<vmem>>, %arg6: memref<4x200x32xi32, #tpu.memory_space<vmem>>, %arg7: memref<64x64xf32, #tpu.memory_space<vmem>>, %arg8: memref<!tpu.dma_semaphore, #tpu.memory_space<semaphore_mem>>, %arg9: memref<!tpu.dma_semaphore, #tpu.memory_space<semaphore_mem>>, %arg10: memref<!tpu.dma_semaphore, #tpu.memory_space<semaphore_mem>>, %arg11: memref<!tpu.dma_semaphore, #tpu.memory_space<semaphore_mem>>, %arg12: memref<!tpu.dma_semaphore, #tpu.memory_space<semaphore_mem>>) attributes {dimension_semantics = [#tpu.dimension_semantics<core_parallel>, #tpu.dimension_semantics<subcore_parallel>], iteration_bounds = array<i64: 2, 16>, scalar_prefetch = 0 : i64, scratch_operands = 8 : i64, tpu.core_type = #tpu.core_type<sc_vector_subcore>, window_params = [{transform_indices = #map}, {transform_indices = #map1}, {transform_indices = #map1}]} {
    %mul3A = arith.constant 2 : i32
    %mul3A_0 = arith.muli %arg1, %mul3A : i32
    %add3A = arith.addi %mul3A_0, %arg0 : i32
    %mul3A_1 = arith.constant 512 : i32
    %mul3A_2 = arith.muli %add3A, %mul3A_1 : i32
    %scan3A = arith.constant 0 : i32
    %scan3A_3 = arith.constant 0 : i32
    %scan3A_4 = arith.constant 8 : i32
    %scan3A_5 = arith.addi %scan3A_3, %scan3A_4 : i32
    %scan3A_6 = arith.constant 1 : i32
    scf.for %scan3A_8 = %scan3A_3 to %scan3A_5 step %scan3A_6  : i32 {
      %mul3A_9 = arith.constant 64 : i32
      %mul3A_10 = arith.muli %scan3A_8, %mul3A_9 : i32
      %add3A_11 = arith.addi %mul3A_2, %mul3A_10 : i32
      %mul3A_12 = arith.constant 200 : i32
      %mul3A_13 = arith.muli %add3A_11, %mul3A_12 : i32
      %multiple_of3A = tpu.assume_multiple %mul3A_13, 8 : i32
      "tpu.region"() ({
        %run_scoped3A = tpu.sem_alloc : memref<!tpu.dma_semaphore, #tpu.memory_space<semaphore_mem>>
        %dma_start3A_108 = tpu.memref_slice %arg2[%multiple_of3A] : memref<3276800xi32, #tpu.memory_space<hbm>> -> memref<12800xi32, #tpu.memory_space<hbm>>
        %dma_start3A_109 = tpu.memref_slice %arg2[%multiple_of3A] : memref<3276800xi32, #tpu.memory_space<hbm>> -> memref<12800xi32, #tpu.memory_space<hbm>>
        tpu.enqueue_dma source(%dma_start3A_109 : memref<12800xi32, #tpu.memory_space<hbm>>) target(%arg5 : memref<12800xi32, #tpu.memory_space<vmem>>) target_semaphore(%run_scoped3A : memref<!tpu.dma_semaphore, #tpu.memory_space<semaphore_mem>>)
        %dma_wait3A_110 = tpu.memref_slice %arg2[%multiple_of3A] : memref<3276800xi32, #tpu.memory_space<hbm>> -> memref<12800xi32, #tpu.memory_space<hbm>>
        %dma_wait3A_111 = tpu.memref_slice %arg2[%multiple_of3A] : memref<3276800xi32, #tpu.memory_space<hbm>> -> memref<12800xi32, #tpu.memory_space<hbm>>
        tpu.wait_dma2 semaphore(%run_scoped3A : memref<!tpu.dma_semaphore, #tpu.memory_space<semaphore_mem>>) src(%dma_wait3A_111 : memref<12800xi32, #tpu.memory_space<hbm>>) dst(%arg5 : memref<12800xi32, #tpu.memory_space<vmem>>)
        tpu.yield
      }) : () -> ()
      %dma_start3A = arith.constant 0 : i32
      %dma_start3A_14 = arith.constant 0 : i32
      %dma_start3A_15 = arith.constant 0 : i32
      %dma_start3A_16 = tpu.memref_slice %arg6[%dma_start3A, %dma_start3A_14, %dma_start3A_15] : memref<4x200x32xi32, #tpu.memory_space<vmem>> -> memref<1x200x32xi32, #tpu.memory_space<vmem>>
      %dma_start3A_17 = tpu.memref_squeeze %dma_start3A_16 : memref<1x200x32xi32, #tpu.memory_space<vmem>> -> memref<200x32xi32, #tpu.memory_space<vmem>>
      %dma_start3A_18 = arith.constant 0 : i32
      %dma_start3A_19 = arith.constant 0 : i32
      %dma_start3A_20 = tpu.memref_slice %dma_start3A_17[%dma_start3A_18, %dma_start3A_19] : memref<200x32xi32, #tpu.memory_space<vmem>> -> memref<128x32xi32, #tpu.memory_space<vmem>>
      %dma_start3A_21 = arith.constant 0 : i32
      %dma_start3A_22 = tpu.memref_slice %arg5[%dma_start3A_21] : memref<12800xi32, #tpu.memory_space<vmem>> -> memref<128xi32, #tpu.memory_space<vmem>>
      %dma_start3A_23 = arith.constant 0 : i32
      %dma_start3A_24 = arith.constant 0 : i32
      %dma_start3A_25 = tpu.memref_slice %arg3[%dma_start3A_23, %dma_start3A_24] : memref<1000000x32xi32, #tpu.memory_space<hbm>> -> memref<1000000x32xi32, #tpu.memory_space<hbm>>
      tpu.enqueue_indirect_dma source(%dma_start3A_25 : memref<1000000x32xi32, #tpu.memory_space<hbm>>) target(%dma_start3A_20 : memref<128x32xi32, #tpu.memory_space<vmem>>) offsets(%dma_start3A_22 : memref<128xi32, #tpu.memory_space<vmem>>) semaphore(%arg8 : memref<!tpu.dma_semaphore, #tpu.memory_space<semaphore_mem>>)
      %dma_start3A_26 = arith.constant 0 : i32
      %dma_start3A_27 = arith.constant 0 : i32
      %dma_start3A_28 = arith.constant 0 : i32
      %dma_start3A_29 = tpu.memref_slice %arg6[%dma_start3A_26, %dma_start3A_27, %dma_start3A_28] : memref<4x200x32xi32, #tpu.memory_space<vmem>> -> memref<1x200x32xi32, #tpu.memory_space<vmem>>
      %dma_start3A_30 = tpu.memref_squeeze %dma_start3A_29 : memref<1x200x32xi32, #tpu.memory_space<vmem>> -> memref<200x32xi32, #tpu.memory_space<vmem>>
      %dma_start3A_31 = arith.constant 128 : i32
      %dma_start3A_32 = arith.constant 0 : i32
      %dma_start3A_33 = tpu.memref_slice %dma_start3A_30[%dma_start3A_31, %dma_start3A_32] : memref<200x32xi32, #tpu.memory_space<vmem>> -> memref<72x32xi32, #tpu.memory_space<vmem>>
      %dma_start3A_34 = arith.constant 128 : i32
      %dma_start3A_35 = tpu.memref_slice %arg5[%dma_start3A_34] : memref<12800xi32, #tpu.memory_space<vmem>> -> memref<72xi32, #tpu.memory_space<vmem>>
      %dma_start3A_36 = arith.constant 0 : i32
      %dma_start3A_37 = arith.constant 0 : i32
      %dma_start3A_38 = tpu.memref_slice %arg3[%dma_start3A_36, %dma_start3A_37] : memref<1000000x32xi32, #tpu.memory_space<hbm>> -> memref<1000000x32xi32, #tpu.memory_space<hbm>>
      tpu.enqueue_indirect_dma source(%dma_start3A_38 : memref<1000000x32xi32, #tpu.memory_space<hbm>>) target(%dma_start3A_33 : memref<72x32xi32, #tpu.memory_space<vmem>>) offsets(%dma_start3A_35 : memref<72xi32, #tpu.memory_space<vmem>>) semaphore(%arg8 : memref<!tpu.dma_semaphore, #tpu.memory_space<semaphore_mem>>)
      %dma_start3A_39 = arith.constant 1 : i32
      %dma_start3A_40 = arith.constant 0 : i32
      %dma_start3A_41 = arith.constant 0 : i32
      %dma_start3A_42 = tpu.memref_slice %arg6[%dma_start3A_39, %dma_start3A_40, %dma_start3A_41] : memref<4x200x32xi32, #tpu.memory_space<vmem>> -> memref<1x200x32xi32, #tpu.memory_space<vmem>>
      %dma_start3A_43 = tpu.memref_squeeze %dma_start3A_42 : memref<1x200x32xi32, #tpu.memory_space<vmem>> -> memref<200x32xi32, #tpu.memory_space<vmem>>
      %dma_start3A_44 = arith.constant 0 : i32
      %dma_start3A_45 = arith.constant 0 : i32
      %dma_start3A_46 = tpu.memref_slice %dma_start3A_43[%dma_start3A_44, %dma_start3A_45] : memref<200x32xi32, #tpu.memory_space<vmem>> -> memref<128x32xi32, #tpu.memory_space<vmem>>
      %dma_start3A_47 = arith.constant 200 : i32
      %dma_start3A_48 = tpu.memref_slice %arg5[%dma_start3A_47] : memref<12800xi32, #tpu.memory_space<vmem>> -> memref<128xi32, #tpu.memory_space<vmem>>
      %dma_start3A_49 = arith.constant 0 : i32
      %dma_start3A_50 = arith.constant 0 : i32
      %dma_start3A_51 = tpu.memref_slice %arg3[%dma_start3A_49, %dma_start3A_50] : memref<1000000x32xi32, #tpu.memory_space<hbm>> -> memref<1000000x32xi32, #tpu.memory_space<hbm>>
      tpu.enqueue_indirect_dma source(%dma_start3A_51 : memref<1000000x32xi32, #tpu.memory_space<hbm>>) target(%dma_start3A_46 : memref<128x32xi32, #tpu.memory_space<vmem>>) offsets(%dma_start3A_48 : memref<128xi32, #tpu.memory_space<vmem>>) semaphore(%arg9 : memref<!tpu.dma_semaphore, #tpu.memory_space<semaphore_mem>>)
      %dma_start3A_52 = arith.constant 1 : i32
      %dma_start3A_53 = arith.constant 0 : i32
      %dma_start3A_54 = arith.constant 0 : i32
      %dma_start3A_55 = tpu.memref_slice %arg6[%dma_start3A_52, %dma_start3A_53, %dma_start3A_54] : memref<4x200x32xi32, #tpu.memory_space<vmem>> -> memref<1x200x32xi32, #tpu.memory_space<vmem>>
      %dma_start3A_56 = tpu.memref_squeeze %dma_start3A_55 : memref<1x200x32xi32, #tpu.memory_space<vmem>> -> memref<200x32xi32, #tpu.memory_space<vmem>>
      %dma_start3A_57 = arith.constant 128 : i32
      %dma_start3A_58 = arith.constant 0 : i32
      %dma_start3A_59 = tpu.memref_slice %dma_start3A_56[%dma_start3A_57, %dma_start3A_58] : memref<200x32xi32, #tpu.memory_space<vmem>> -> memref<72x32xi32, #tpu.memory_space<vmem>>
      %dma_start3A_60 = arith.constant 328 : i32
      %dma_start3A_61 = tpu.memref_slice %arg5[%dma_start3A_60] : memref<12800xi32, #tpu.memory_space<vmem>> -> memref<72xi32, #tpu.memory_space<vmem>>
      %dma_start3A_62 = arith.constant 0 : i32
      %dma_start3A_63 = arith.constant 0 : i32
      %dma_start3A_64 = tpu.memref_slice %arg3[%dma_start3A_62, %dma_start3A_63] : memref<1000000x32xi32, #tpu.memory_space<hbm>> -> memref<1000000x32xi32, #tpu.memory_space<hbm>>
      tpu.enqueue_indirect_dma source(%dma_start3A_64 : memref<1000000x32xi32, #tpu.memory_space<hbm>>) target(%dma_start3A_59 : memref<72x32xi32, #tpu.memory_space<vmem>>) offsets(%dma_start3A_61 : memref<72xi32, #tpu.memory_space<vmem>>) semaphore(%arg9 : memref<!tpu.dma_semaphore, #tpu.memory_space<semaphore_mem>>)
      %dma_start3A_65 = arith.constant 2 : i32
      %dma_start3A_66 = arith.constant 0 : i32
      %dma_start3A_67 = arith.constant 0 : i32
      %dma_start3A_68 = tpu.memref_slice %arg6[%dma_start3A_65, %dma_start3A_66, %dma_start3A_67] : memref<4x200x32xi32, #tpu.memory_space<vmem>> -> memref<1x200x32xi32, #tpu.memory_space<vmem>>
      %dma_start3A_69 = tpu.memref_squeeze %dma_start3A_68 : memref<1x200x32xi32, #tpu.memory_space<vmem>> -> memref<200x32xi32, #tpu.memory_space<vmem>>
      %dma_start3A_70 = arith.constant 0 : i32
      %dma_start3A_71 = arith.constant 0 : i32
      %dma_start3A_72 = tpu.memref_slice %dma_start3A_69[%dma_start3A_70, %dma_start3A_71] : memref<200x32xi32, #tpu.memory_space<vmem>> -> memref<128x32xi32, #tpu.memory_space<vmem>>
      %dma_start3A_73 = arith.constant 400 : i32
      %dma_start3A_74 = tpu.memref_slice %arg5[%dma_start3A_73] : memref<12800xi32, #tpu.memory_space<vmem>> -> memref<128xi32, #tpu.memory_space<vmem>>
      %dma_start3A_75 = arith.constant 0 : i32
      %dma_start3A_76 = arith.constant 0 : i32
      %dma_start3A_77 = tpu.memref_slice %arg3[%dma_start3A_75, %dma_start3A_76] : memref<1000000x32xi32, #tpu.memory_space<hbm>> -> memref<1000000x32xi32, #tpu.memory_space<hbm>>
      tpu.enqueue_indirect_dma source(%dma_start3A_77 : memref<1000000x32xi32, #tpu.memory_space<hbm>>) target(%dma_start3A_72 : memref<128x32xi32, #tpu.memory_space<vmem>>) offsets(%dma_start3A_74 : memref<128xi32, #tpu.memory_space<vmem>>) semaphore(%arg10 : memref<!tpu.dma_semaphore, #tpu.memory_space<semaphore_mem>>)
      %dma_start3A_78 = arith.constant 2 : i32
      %dma_start3A_79 = arith.constant 0 : i32
      %dma_start3A_80 = arith.constant 0 : i32
      %dma_start3A_81 = tpu.memref_slice %arg6[%dma_start3A_78, %dma_start3A_79, %dma_start3A_80] : memref<4x200x32xi32, #tpu.memory_space<vmem>> -> memref<1x200x32xi32, #tpu.memory_space<vmem>>
      %dma_start3A_82 = tpu.memref_squeeze %dma_start3A_81 : memref<1x200x32xi32, #tpu.memory_space<vmem>> -> memref<200x32xi32, #tpu.memory_space<vmem>>
      %dma_start3A_83 = arith.constant 128 : i32
      %dma_start3A_84 = arith.constant 0 : i32
      %dma_start3A_85 = tpu.memref_slice %dma_start3A_82[%dma_start3A_83, %dma_start3A_84] : memref<200x32xi32, #tpu.memory_space<vmem>> -> memref<72x32xi32, #tpu.memory_space<vmem>>
      %dma_start3A_86 = arith.constant 528 : i32
      %dma_start3A_87 = tpu.memref_slice %arg5[%dma_start3A_86] : memref<12800xi32, #tpu.memory_space<vmem>> -> memref<72xi32, #tpu.memory_space<vmem>>
      %dma_start3A_88 = arith.constant 0 : i32
      %dma_start3A_89 = arith.constant 0 : i32
      %dma_start3A_90 = tpu.memref_slice %arg3[%dma_start3A_88, %dma_start3A_89] : memref<1000000x32xi32, #tpu.memory_space<hbm>> -> memref<1000000x32xi32, #tpu.memory_space<hbm>>
      tpu.enqueue_indirect_dma source(%dma_start3A_90 : memref<1000000x32xi32, #tpu.memory_space<hbm>>) target(%dma_start3A_85 : memref<72x32xi32, #tpu.memory_space<vmem>>) offsets(%dma_start3A_87 : memref<72xi32, #tpu.memory_space<vmem>>) semaphore(%arg10 : memref<!tpu.dma_semaphore, #tpu.memory_space<semaphore_mem>>)
      %scan3A_91 = arith.constant 0 : i32
      %scan3A_92 = arith.constant 0 : i32
      %scan3A_93 = arith.constant 16 : i32
      %scan3A_94 = arith.addi %scan3A_92, %scan3A_93 : i32
      %scan3A_95 = arith.constant 1 : i32
      scf.for %scan3A_108 = %scan3A_92 to %scan3A_94 step %scan3A_95  : i32 {
        %mul3A_109 = arith.constant 4 : i32
        %mul3A_110 = arith.muli %mul3A_109, %scan3A_108 : i32
        %add3A_111 = arith.constant 0 : i32
        %add3A_112 = arith.addi %mul3A_110, %add3A_111 : i32
        %add3A_113 = arith.constant 3 : i32
        %add3A_114 = arith.addi %add3A_112, %add3A_113 : i32
        %lt3A = arith.constant 64 : i32
        %lt3A_115 = arith.cmpi slt, %add3A_114, %lt3A : i32
        %convert_element_type3A = arith.extui %lt3A_115 : i1 to i32
        %cond3A = arith.constant 0 : i32
        %cond3A_116 = arith.cmpi ne, %convert_element_type3A, %cond3A : i32
        scf.if %cond3A_116 {
          %mul3A_406 = arith.constant 200 : i32
          %mul3A_407 = arith.muli %mul3A_406, %add3A_114 : i32
          %dma_start3A_408 = arith.constant 3 : i32
          %dma_start3A_409 = arith.constant 0 : i32
          %dma_start3A_410 = arith.constant 0 : i32
          %dma_start3A_411 = tpu.memref_slice %arg6[%dma_start3A_408, %dma_start3A_409, %dma_start3A_410] : memref<4x200x32xi32, #tpu.memory_space<vmem>> -> memref<1x200x32xi32, #tpu.memory_space<vmem>>
          %dma_start3A_412 = tpu.memref_squeeze %dma_start3A_411 : memref<1x200x32xi32, #tpu.memory_space<vmem>> -> memref<200x32xi32, #tpu.memory_space<vmem>>
          %dma_start3A_413 = arith.constant 0 : i32
          %dma_start3A_414 = arith.constant 0 : i32
          %dma_start3A_415 = tpu.memref_slice %dma_start3A_412[%dma_start3A_413, %dma_start3A_414] : memref<200x32xi32, #tpu.memory_space<vmem>> -> memref<128x32xi32, #tpu.memory_space<vmem>>
          %dma_start3A_416 = tpu.memref_slice %arg5[%mul3A_407] : memref<12800xi32, #tpu.memory_space<vmem>> -> memref<128xi32, #tpu.memory_space<vmem>>
          %dma_start3A_417 = arith.constant 0 : i32
          %dma_start3A_418 = arith.constant 0 : i32
          %dma_start3A_419 = tpu.memref_slice %arg3[%dma_start3A_417, %dma_start3A_418] : memref<1000000x32xi32, #tpu.memory_space<hbm>> -> memref<1000000x32xi32, #tpu.memory_space<hbm>>
          tpu.enqueue_indirect_dma source(%dma_start3A_419 : memref<1000000x32xi32, #tpu.memory_space<hbm>>) target(%dma_start3A_415 : memref<128x32xi32, #tpu.memory_space<vmem>>) offsets(%dma_start3A_416 : memref<128xi32, #tpu.memory_space<vmem>>) semaphore(%arg11 : memref<!tpu.dma_semaphore, #tpu.memory_space<semaphore_mem>>)
          %add3A_420 = arith.constant 128 : i32
          %add3A_421 = arith.addi %mul3A_407, %add3A_420 : i32
          %dma_start3A_422 = arith.constant 3 : i32
          %dma_start3A_423 = arith.constant 0 : i32
          %dma_start3A_424 = arith.constant 0 : i32
          %dma_start3A_425 = tpu.memref_slice %arg6[%dma_start3A_422, %dma_start3A_423, %dma_start3A_424] : memref<4x200x32xi32, #tpu.memory_space<vmem>> -> memref<1x200x32xi32, #tpu.memory_space<vmem>>
          %dma_start3A_426 = tpu.memref_squeeze %dma_start3A_425 : memref<1x200x32xi32, #tpu.memory_space<vmem>> -> memref<200x32xi32, #tpu.memory_space<vmem>>
          %dma_start3A_427 = arith.constant 128 : i32
          %dma_start3A_428 = arith.constant 0 : i32
          %dma_start3A_429 = tpu.memref_slice %dma_start3A_426[%dma_start3A_427, %dma_start3A_428] : memref<200x32xi32, #tpu.memory_space<vmem>> -> memref<72x32xi32, #tpu.memory_space<vmem>>
          %dma_start3A_430 = tpu.memref_slice %arg5[%add3A_421] : memref<12800xi32, #tpu.memory_space<vmem>> -> memref<72xi32, #tpu.memory_space<vmem>>
          %dma_start3A_431 = arith.constant 0 : i32
          %dma_start3A_432 = arith.constant 0 : i32
          %dma_start3A_433 = tpu.memref_slice %arg3[%dma_start3A_431, %dma_start3A_432] : memref<1000000x32xi32, #tpu.memory_space<hbm>> -> memref<1000000x32xi32, #tpu.memory_space<hbm>>
          tpu.enqueue_indirect_dma source(%dma_start3A_433 : memref<1000000x32xi32, #tpu.memory_space<hbm>>) target(%dma_start3A_429 : memref<72x32xi32, #tpu.memory_space<vmem>>) offsets(%dma_start3A_430 : memref<72xi32, #tpu.memory_space<vmem>>) semaphore(%arg11 : memref<!tpu.dma_semaphore, #tpu.memory_space<semaphore_mem>>)
        } else {
        }
        %dma_wait3A_117 = arith.constant 0 : i32
        %dma_wait3A_118 = arith.constant 0 : i32
        %dma_wait3A_119 = arith.constant 0 : i32
        %dma_wait3A_120 = tpu.memref_slice %arg6[%dma_wait3A_117, %dma_wait3A_118, %dma_wait3A_119] : memref<4x200x32xi32, #tpu.memory_space<vmem>> -> memref<1x200x32xi32, #tpu.memory_space<vmem>>
        %dma_wait3A_121 = tpu.memref_squeeze %dma_wait3A_120 : memref<1x200x32xi32, #tpu.memory_space<vmem>> -> memref<200x32xi32, #tpu.memory_space<vmem>>
        %dma_wait3A_122 = arith.constant 0 : i32
        %dma_wait3A_123 = arith.constant 0 : i32
        %dma_wait3A_124 = tpu.memref_slice %arg3[%dma_wait3A_122, %dma_wait3A_123] : memref<1000000x32xi32, #tpu.memory_space<hbm>> -> memref<200x32xi32, #tpu.memory_space<hbm>>
        %dma_wait3A_125 = arith.constant 0 : i32
        %dma_wait3A_126 = arith.constant 0 : i32
        %dma_wait3A_127 = tpu.memref_slice %arg6[%dma_wait3A_117, %dma_wait3A_125, %dma_wait3A_126] : memref<4x200x32xi32, #tpu.memory_space<vmem>> -> memref<1x200x32xi32, #tpu.memory_space<vmem>>
        %dma_wait3A_128 = tpu.memref_squeeze %dma_wait3A_127 : memref<1x200x32xi32, #tpu.memory_space<vmem>> -> memref<200x32xi32, #tpu.memory_space<vmem>>
        %dma_wait3A_129 = arith.constant 0 : i32
        %dma_wait3A_130 = arith.constant 0 : i32
        %dma_wait3A_131 = tpu.memref_slice %arg3[%dma_wait3A_129, %dma_wait3A_130] : memref<1000000x32xi32, #tpu.memory_space<hbm>> -> memref<200x32xi32, #tpu.memory_space<hbm>>
        tpu.wait_dma2 semaphore(%arg8 : memref<!tpu.dma_semaphore, #tpu.memory_space<semaphore_mem>>) src(%dma_wait3A_131 : memref<200x32xi32, #tpu.memory_space<hbm>>) dst(%dma_wait3A_128 : memref<200x32xi32, #tpu.memory_space<vmem>>)
        %add3A_132 = arith.constant 0 : i32
        %add3A_133 = arith.addi %mul3A_110, %add3A_132 : i32
        %broadcast_in_dim3A = arith.constant -65536 : i32
        %broadcast_in_dim3A_134 = vector.broadcast %broadcast_in_dim3A : i32 to vector<16xi32>
        %broadcast_in_dim3A_135 = arith.constant 16 : i32
        %broadcast_in_dim3A_136 = vector.broadcast %broadcast_in_dim3A_135 : i32 to vector<16xi32>
        %broadcast_in_dim3A_137 = arith.constant 0.000000e+00 : f32
        %broadcast_in_dim3A_138 = vector.broadcast %broadcast_in_dim3A_137 : f32 to vector<16xf32>
        %scan3A_139 = arith.constant 0 : i32
        %scan3A_140 = arith.constant 0 : i32
        %scan3A_141 = arith.constant 8 : i32
        %scan3A_142 = arith.addi %scan3A_140, %scan3A_141 : i32
        %scan3A_143 = arith.constant 1 : i32
        %scan3A_144:8 = scf.for %scan3A_406 = %scan3A_140 to %scan3A_142 step %scan3A_143 iter_args(%scan3A_407 = %broadcast_in_dim3A_138, %scan3A_408 = %broadcast_in_dim3A_138, %scan3A_409 = %broadcast_in_dim3A_138, %scan3A_410 = %broadcast_in_dim3A_138, %scan3A_411 = %broadcast_in_dim3A_138, %scan3A_412 = %broadcast_in_dim3A_138, %scan3A_413 = %broadcast_in_dim3A_138, %scan3A_414 = %broadcast_in_dim3A_138) -> (vector<16xf32>, vector<16xf32>, vector<16xf32>, vector<16xf32>, vector<16xf32>, vector<16xf32>, vector<16xf32>, vector<16xf32>)  : i32 {
          %mul3A_415 = arith.constant 25 : i32
          %mul3A_416 = arith.muli %mul3A_415, %scan3A_406 : i32
          %add3A_417 = arith.constant 0 : i32
          %add3A_418 = arith.addi %mul3A_416, %add3A_417 : i32
          %get3A = arith.constant 0 : i32
          %get3A_419 = arith.constant 0 : i32
          %get3A_420 = tpu.memref_slice %arg6[%scan3A_139, %get3A, %get3A_419] : memref<4x200x32xi32, #tpu.memory_space<vmem>> -> memref<1x200x32xi32, #tpu.memory_space<vmem>>
          %get3A_421 = tpu.memref_squeeze %get3A_420 : memref<1x200x32xi32, #tpu.memory_space<vmem>> -> memref<200x32xi32, #tpu.memory_space<vmem>>
          %get3A_422 = arith.index_cast %add3A_418 : i32 to index
          %get3A_423 = arith.constant 0 : index
          %get3A_424 = tpu.vector_load %get3A_421[%get3A_422, %get3A_423] {strides = array<i32>} : memref<200x32xi32, #tpu.memory_space<vmem>>, vector<1x16xi32>,
          %get3A_425 = vector.shape_cast %get3A_424 : vector<1x16xi32> to vector<16xi32>
          %get3A_426 = arith.constant 0 : i32
          %get3A_427 = arith.constant 0 : i32
          %get3A_428 = tpu.memref_slice %arg6[%scan3A_139, %get3A_426, %get3A_427] : memref<4x200x32xi32, #tpu.memory_space<vmem>> -> memref<1x200x32xi32, #tpu.memory_space<vmem>>
          %get3A_429 = tpu.memref_squeeze %get3A_428 : memref<1x200x32xi32, #tpu.memory_space<vmem>> -> memref<200x32xi32, #tpu.memory_space<vmem>>
          %get3A_430 = arith.index_cast %add3A_418 : i32 to index
          %get3A_431 = arith.constant 16 : index
          %get3A_432 = tpu.vector_load %get3A_429[%get3A_430, %get3A_431] {strides = array<i32>} : memref<200x32xi32, #tpu.memory_space<vmem>>, vector<1x16xi32>,
          %get3A_433 = vector.shape_cast %get3A_432 : vector<1x16xi32> to vector<16xi32>
          %shift_left3A = arith.shli %get3A_425, %broadcast_in_dim3A_136 : vector<16xi32>
          %bitcast_convert_type3A = tpu.bitcast %shift_left3A : vector<16xi32> -> vector<16xf32>
          %add3A_434 = arith.addf %scan3A_407, %bitcast_convert_type3A : vector<16xf32>
          %shift_left3A_435 = arith.shli %get3A_433, %broadcast_in_dim3A_136 : vector<16xi32>
          %bitcast_convert_type3A_436 = tpu.bitcast %shift_left3A_435 : vector<16xi32> -> vector<16xf32>
          %add3A_437 = arith.addf %scan3A_408, %bitcast_convert_type3A_436 : vector<16xf32>
          %and3A = arith.andi %get3A_425, %broadcast_in_dim3A_134 : vector<16xi32>
          %bitcast_convert_type3A_438 = tpu.bitcast %and3A : vector<16xi32> -> vector<16xf32>
          %add3A_439 = arith.addf %scan3A_409, %bitcast_convert_type3A_438 : vector<16xf32>
          %and3A_440 = arith.andi %get3A_433, %broadcast_in_dim3A_134 : vector<16xi32>
          %bitcast_convert_type3A_441 = tpu.bitcast %and3A_440 : vector<16xi32> -> vector<16xf32>
          %add3A_442 = arith.addf %scan3A_410, %bitcast_convert_type3A_441 : vector<16xf32>
          %mul3A_443 = arith.constant 25 : i32
          %mul3A_444 = arith.muli %mul3A_443, %scan3A_406 : i32
          %add3A_445 = arith.constant 1 : i32
          %add3A_446 = arith.addi %mul3A_444, %add3A_445 : i32
          %get3A_447 = arith.constant 0 : i32
          %get3A_448 = arith.constant 0 : i32
          %get3A_449 = tpu.memref_slice %arg6[%scan3A_139, %get3A_447, %get3A_448] : memref<4x200x32xi32, #tpu.memory_space<vmem>> -> memref<1x200x32xi32, #tpu.memory_space<vmem>>
          %get3A_450 = tpu.memref_squeeze %get3A_449 : memref<1x200x32xi32, #tpu.memory_space<vmem>> -> memref<200x32xi32, #tpu.memory_space<vmem>>
          %get3A_451 = arith.index_cast %add3A_446 : i32 to index
          %get3A_452 = arith.constant 0 : index
          %get3A_453 = tpu.vector_load %get3A_450[%get3A_451, %get3A_452] {strides = array<i32>} : memref<200x32xi32, #tpu.memory_space<vmem>>, vector<1x16xi32>,
          %get3A_454 = vector.shape_cast %get3A_453 : vector<1x16xi32> to vector<16xi32>
          %get3A_455 = arith.constant 0 : i32
          %get3A_456 = arith.constant 0 : i32
          %get3A_457 = tpu.memref_slice %arg6[%scan3A_139, %get3A_455, %get3A_456] : memref<4x200x32xi32, #tpu.memory_space<vmem>> -> memref<1x200x32xi32, #tpu.memory_space<vmem>>
          %get3A_458 = tpu.memref_squeeze %get3A_457 : memref<1x200x32xi32, #tpu.memory_space<vmem>> -> memref<200x32xi32, #tpu.memory_space<vmem>>
          %get3A_459 = arith.index_cast %add3A_446 : i32 to index
          %get3A_460 = arith.constant 16 : index
          %get3A_461 = tpu.vector_load %get3A_458[%get3A_459, %get3A_460] {strides = array<i32>} : memref<200x32xi32, #tpu.memory_space<vmem>>, vector<1x16xi32>,
          %get3A_462 = vector.shape_cast %get3A_461 : vector<1x16xi32> to vector<16xi32>
          %shift_left3A_463 = arith.shli %get3A_454, %broadcast_in_dim3A_136 : vector<16xi32>
          %bitcast_convert_type3A_464 = tpu.bitcast %shift_left3A_463 : vector<16xi32> -> vector<16xf32>
          %add3A_465 = arith.addf %scan3A_411, %bitcast_convert_type3A_464 : vector<16xf32>
          %shift_left3A_466 = arith.shli %get3A_462, %broadcast_in_dim3A_136 : vector<16xi32>
          %bitcast_convert_type3A_467 = tpu.bitcast %shift_left3A_466 : vector<16xi32> -> vector<16xf32>
          %add3A_468 = arith.addf %scan3A_412, %bitcast_convert_type3A_467 : vector<16xf32>
          %and3A_469 = arith.andi %get3A_454, %broadcast_in_dim3A_134 : vector<16xi32>
          %bitcast_convert_type3A_470 = tpu.bitcast %and3A_469 : vector<16xi32> -> vector<16xf32>
          %add3A_471 = arith.addf %scan3A_413, %bitcast_convert_type3A_470 : vector<16xf32>
          %and3A_472 = arith.andi %get3A_462, %broadcast_in_dim3A_134 : vector<16xi32>
          %bitcast_convert_type3A_473 = tpu.bitcast %and3A_472 : vector<16xi32> -> vector<16xf32>
          %add3A_474 = arith.addf %scan3A_414, %bitcast_convert_type3A_473 : vector<16xf32>
          %mul3A_475 = arith.constant 25 : i32
          %mul3A_476 = arith.muli %mul3A_475, %scan3A_406 : i32
          %add3A_477 = arith.constant 2 : i32
          %add3A_478 = arith.addi %mul3A_476, %add3A_477 : i32
          %get3A_479 = arith.constant 0 : i32
          %get3A_480 = arith.constant 0 : i32
          %get3A_481 = tpu.memref_slice %arg6[%scan3A_139, %get3A_479, %get3A_480] : memref<4x200x32xi32, #tpu.memory_space<vmem>> -> memref<1x200x32xi32, #tpu.memory_space<vmem>>
          %get3A_482 = tpu.memref_squeeze %get3A_481 : memref<1x200x32xi32, #tpu.memory_space<vmem>> -> memref<200x32xi32, #tpu.memory_space<vmem>>
          %get3A_483 = arith.index_cast %add3A_478 : i32 to index
          %get3A_484 = arith.constant 0 : index
          %get3A_485 = tpu.vector_load %get3A_482[%get3A_483, %get3A_484] {strides = array<i32>} : memref<200x32xi32, #tpu.memory_space<vmem>>, vector<1x16xi32>,
          %get3A_486 = vector.shape_cast %get3A_485 : vector<1x16xi32> to vector<16xi32>
          %get3A_487 = arith.constant 0 : i32
          %get3A_488 = arith.constant 0 : i32
          %get3A_489 = tpu.memref_slice %arg6[%scan3A_139, %get3A_487, %get3A_488] : memref<4x200x32xi32, #tpu.memory_space<vmem>> -> memref<1x200x32xi32, #tpu.memory_space<vmem>>
          %get3A_490 = tpu.memref_squeeze %get3A_489 : memref<1x200x32xi32, #tpu.memory_space<vmem>> -> memref<200x32xi32, #tpu.memory_space<vmem>>
          %get3A_491 = arith.index_cast %add3A_478 : i32 to index
          %get3A_492 = arith.constant 16 : index
          %get3A_493 = tpu.vector_load %get3A_490[%get3A_491, %get3A_492] {strides = array<i32>} : memref<200x32xi32, #tpu.memory_space<vmem>>, vector<1x16xi32>,
          %get3A_494 = vector.shape_cast %get3A_493 : vector<1x16xi32> to vector<16xi32>
          %shift_left3A_495 = arith.shli %get3A_486, %broadcast_in_dim3A_136 : vector<16xi32>
          %bitcast_convert_type3A_496 = tpu.bitcast %shift_left3A_495 : vector<16xi32> -> vector<16xf32>
          %add3A_497 = arith.addf %add3A_434, %bitcast_convert_type3A_496 : vector<16xf32>
          %shift_left3A_498 = arith.shli %get3A_494, %broadcast_in_dim3A_136 : vector<16xi32>
          %bitcast_convert_type3A_499 = tpu.bitcast %shift_left3A_498 : vector<16xi32> -> vector<16xf32>
          %add3A_500 = arith.addf %add3A_437, %bitcast_convert_type3A_499 : vector<16xf32>
          %and3A_501 = arith.andi %get3A_486, %broadcast_in_dim3A_134 : vector<16xi32>
          %bitcast_convert_type3A_502 = tpu.bitcast %and3A_501 : vector<16xi32> -> vector<16xf32>
          %add3A_503 = arith.addf %add3A_439, %bitcast_convert_type3A_502 : vector<16xf32>
          %and3A_504 = arith.andi %get3A_494, %broadcast_in_dim3A_134 : vector<16xi32>
          %bitcast_convert_type3A_505 = tpu.bitcast %and3A_504 : vector<16xi32> -> vector<16xf32>
          %add3A_506 = arith.addf %add3A_442, %bitcast_convert_type3A_505 : vector<16xf32>
          %mul3A_507 = arith.constant 25 : i32
          %mul3A_508 = arith.muli %mul3A_507, %scan3A_406 : i32
          %add3A_509 = arith.constant 3 : i32
          %add3A_510 = arith.addi %mul3A_508, %add3A_509 : i32
          %get3A_511 = arith.constant 0 : i32
          %get3A_512 = arith.constant 0 : i32
          %get3A_513 = tpu.memref_slice %arg6[%scan3A_139, %get3A_511, %get3A_512] : memref<4x200x32xi32, #tpu.memory_space<vmem>> -> memref<1x200x32xi32, #tpu.memory_space<vmem>>
          %get3A_514 = tpu.memref_squeeze %get3A_513 : memref<1x200x32xi32, #tpu.memory_space<vmem>> -> memref<200x32xi32, #tpu.memory_space<vmem>>
          %get3A_515 = arith.index_cast %add3A_510 : i32 to index
          %get3A_516 = arith.constant 0 : index
          %get3A_517 = tpu.vector_load %get3A_514[%get3A_515, %get3A_516] {strides = array<i32>} : memref<200x32xi32, #tpu.memory_space<vmem>>, vector<1x16xi32>,
          %get3A_518 = vector.shape_cast %get3A_517 : vector<1x16xi32> to vector<16xi32>
          %get3A_519 = arith.constant 0 : i32
          %get3A_520 = arith.constant 0 : i32
          %get3A_521 = tpu.memref_slice %arg6[%scan3A_139, %get3A_519, %get3A_520] : memref<4x200x32xi32, #tpu.memory_space<vmem>> -> memref<1x200x32xi32, #tpu.memory_space<vmem>>
          %get3A_522 = tpu.memref_squeeze %get3A_521 : memref<1x200x32xi32, #tpu.memory_space<vmem>> -> memref<200x32xi32, #tpu.memory_space<vmem>>
          %get3A_523 = arith.index_cast %add3A_510 : i32 to index
          %get3A_524 = arith.constant 16 : index
          %get3A_525 = tpu.vector_load %get3A_522[%get3A_523, %get3A_524] {strides = array<i32>} : memref<200x32xi32, #tpu.memory_space<vmem>>, vector<1x16xi32>,
          %get3A_526 = vector.shape_cast %get3A_525 : vector<1x16xi32> to vector<16xi32>
          %shift_left3A_527 = arith.shli %get3A_518, %broadcast_in_dim3A_136 : vector<16xi32>
          %bitcast_convert_type3A_528 = tpu.bitcast %shift_left3A_527 : vector<16xi32> -> vector<16xf32>
          %add3A_529 = arith.addf %add3A_465, %bitcast_convert_type3A_528 : vector<16xf32>
          %shift_left3A_530 = arith.shli %get3A_526, %broadcast_in_dim3A_136 : vector<16xi32>
          %bitcast_convert_type3A_531 = tpu.bitcast %shift_left3A_530 : vector<16xi32> -> vector<16xf32>
          %add3A_532 = arith.addf %add3A_468, %bitcast_convert_type3A_531 : vector<16xf32>
          %and3A_533 = arith.andi %get3A_518, %broadcast_in_dim3A_134 : vector<16xi32>
          %bitcast_convert_type3A_534 = tpu.bitcast %and3A_533 : vector<16xi32> -> vector<16xf32>
          %add3A_535 = arith.addf %add3A_471, %bitcast_convert_type3A_534 : vector<16xf32>
          %and3A_536 = arith.andi %get3A_526, %broadcast_in_dim3A_134 : vector<16xi32>
          %bitcast_convert_type3A_537 = tpu.bitcast %and3A_536 : vector<16xi32> -> vector<16xf32>
          %add3A_538 = arith.addf %add3A_474, %bitcast_convert_type3A_537 : vector<16xf32>
          %mul3A_539 = arith.constant 25 : i32
          %mul3A_540 = arith.muli %mul3A_539, %scan3A_406 : i32
          %add3A_541 = arith.constant 4 : i32
          %add3A_542 = arith.addi %mul3A_540, %add3A_541 : i32
          %get3A_543 = arith.constant 0 : i32
          %get3A_544 = arith.constant 0 : i32
          %get3A_545 = tpu.memref_slice %arg6[%scan3A_139, %get3A_543, %get3A_544] : memref<4x200x32xi32, #tpu.memory_space<vmem>> -> memref<1x200x32xi32, #tpu.memory_space<vmem>>
          %get3A_546 = tpu.memref_squeeze %get3A_545 : memref<1x200x32xi32, #tpu.memory_space<vmem>> -> memref<200x32xi32, #tpu.memory_space<vmem>>
          %get3A_547 = arith.index_cast %add3A_542 : i32 to index
          %get3A_548 = arith.constant 0 : index
          %get3A_549 = tpu.vector_load %get3A_546[%get3A_547, %get3A_548] {strides = array<i32>} : memref<200x32xi32, #tpu.memory_space<vmem>>, vector<1x16xi32>,
          %get3A_550 = vector.shape_cast %get3A_549 : vector<1x16xi32> to vector<16xi32>
          %get3A_551 = arith.constant 0 : i32
          %get3A_552 = arith.constant 0 : i32
          %get3A_553 = tpu.memref_slice %arg6[%scan3A_139, %get3A_551, %get3A_552] : memref<4x200x32xi32, #tpu.memory_space<vmem>> -> memref<1x200x32xi32, #tpu.memory_space<vmem>>
          %get3A_554 = tpu.memref_squeeze %get3A_553 : memref<1x200x32xi32, #tpu.memory_space<vmem>> -> memref<200x32xi32, #tpu.memory_space<vmem>>
          %get3A_555 = arith.index_cast %add3A_542 : i32 to index
          %get3A_556 = arith.constant 16 : index
          %get3A_557 = tpu.vector_load %get3A_554[%get3A_555, %get3A_556] {strides = array<i32>} : memref<200x32xi32, #tpu.memory_space<vmem>>, vector<1x16xi32>,
          %get3A_558 = vector.shape_cast %get3A_557 : vector<1x16xi32> to vector<16xi32>
          %shift_left3A_559 = arith.shli %get3A_550, %broadcast_in_dim3A_136 : vector<16xi32>
          %bitcast_convert_type3A_560 = tpu.bitcast %shift_left3A_559 : vector<16xi32> -> vector<16xf32>
          %add3A_561 = arith.addf %add3A_497, %bitcast_convert_type3A_560 : vector<16xf32>
          %shift_left3A_562 = arith.shli %get3A_558, %broadcast_in_dim3A_136 : vector<16xi32>
          %bitcast_convert_type3A_563 = tpu.bitcast %shift_left3A_562 : vector<16xi32> -> vector<16xf32>
          %add3A_564 = arith.addf %add3A_500, %bitcast_convert_type3A_563 : vector<16xf32>
          %and3A_565 = arith.andi %get3A_550, %broadcast_in_dim3A_134 : vector<16xi32>
          %bitcast_convert_type3A_566 = tpu.bitcast %and3A_565 : vector<16xi32> -> vector<16xf32>
          %add3A_567 = arith.addf %add3A_503, %bitcast_convert_type3A_566 : vector<16xf32>
          %and3A_568 = arith.andi %get3A_558, %broadcast_in_dim3A_134 : vector<16xi32>
          %bitcast_convert_type3A_569 = tpu.bitcast %and3A_568 : vector<16xi32> -> vector<16xf32>
          %add3A_570 = arith.addf %add3A_506, %bitcast_convert_type3A_569 : vector<16xf32>
          %mul3A_571 = arith.constant 25 : i32
          %mul3A_572 = arith.muli %mul3A_571, %scan3A_406 : i32
          %add3A_573 = arith.constant 5 : i32
          %add3A_574 = arith.addi %mul3A_572, %add3A_573 : i32
          %get3A_575 = arith.constant 0 : i32
          %get3A_576 = arith.constant 0 : i32
          %get3A_577 = tpu.memref_slice %arg6[%scan3A_139, %get3A_575, %get3A_576] : memref<4x200x32xi32, #tpu.memory_space<vmem>> -> memref<1x200x32xi32, #tpu.memory_space<vmem>>
          %get3A_578 = tpu.memref_squeeze %get3A_577 : memref<1x200x32xi32, #tpu.memory_space<vmem>> -> memref<200x32xi32, #tpu.memory_space<vmem>>
          %get3A_579 = arith.index_cast %add3A_574 : i32 to index
          %get3A_580 = arith.constant 0 : index
          %get3A_581 = tpu.vector_load %get3A_578[%get3A_579, %get3A_580] {strides = array<i32>} : memref<200x32xi32, #tpu.memory_space<vmem>>, vector<1x16xi32>,
          %get3A_582 = vector.shape_cast %get3A_581 : vector<1x16xi32> to vector<16xi32>
          %get3A_583 = arith.constant 0 : i32
          %get3A_584 = arith.constant 0 : i32
          %get3A_585 = tpu.memref_slice %arg6[%scan3A_139, %get3A_583, %get3A_584] : memref<4x200x32xi32, #tpu.memory_space<vmem>> -> memref<1x200x32xi32, #tpu.memory_space<vmem>>
          %get3A_586 = tpu.memref_squeeze %get3A_585 : memref<1x200x32xi32, #tpu.memory_space<vmem>> -> memref<200x32xi32, #tpu.memory_space<vmem>>
          %get3A_587 = arith.index_cast %add3A_574 : i32 to index
          %get3A_588 = arith.constant 16 : index
          %get3A_589 = tpu.vector_load %get3A_586[%get3A_587, %get3A_588] {strides = array<i32>} : memref<200x32xi32, #tpu.memory_space<vmem>>, vector<1x16xi32>,
          %get3A_590 = vector.shape_cast %get3A_589 : vector<1x16xi32> to vector<16xi32>
          %shift_left3A_591 = arith.shli %get3A_582, %broadcast_in_dim3A_136 : vector<16xi32>
          %bitcast_convert_type3A_592 = tpu.bitcast %shift_left3A_591 : vector<16xi32> -> vector<16xf32>
          %add3A_593 = arith.addf %add3A_529, %bitcast_convert_type3A_592 : vector<16xf32>
          %shift_left3A_594 = arith.shli %get3A_590, %broadcast_in_dim3A_136 : vector<16xi32>
          %bitcast_convert_type3A_595 = tpu.bitcast %shift_left3A_594 : vector<16xi32> -> vector<16xf32>
          %add3A_596 = arith.addf %add3A_532, %bitcast_convert_type3A_595 : vector<16xf32>
          %and3A_597 = arith.andi %get3A_582, %broadcast_in_dim3A_134 : vector<16xi32>
          %bitcast_convert_type3A_598 = tpu.bitcast %and3A_597 : vector<16xi32> -> vector<16xf32>
          %add3A_599 = arith.addf %add3A_535, %bitcast_convert_type3A_598 : vector<16xf32>
          %and3A_600 = arith.andi %get3A_590, %broadcast_in_dim3A_134 : vector<16xi32>
          %bitcast_convert_type3A_601 = tpu.bitcast %and3A_600 : vector<16xi32> -> vector<16xf32>
          %add3A_602 = arith.addf %add3A_538, %bitcast_convert_type3A_601 : vector<16xf32>
          %mul3A_603 = arith.constant 25 : i32
          %mul3A_604 = arith.muli %mul3A_603, %scan3A_406 : i32
          %add3A_605 = arith.constant 6 : i32
          %add3A_606 = arith.addi %mul3A_604, %add3A_605 : i32
          %get3A_607 = arith.constant 0 : i32
          %get3A_608 = arith.constant 0 : i32
          %get3A_609 = tpu.memref_slice %arg6[%scan3A_139, %get3A_607, %get3A_608] : memref<4x200x32xi32, #tpu.memory_space<vmem>> -> memref<1x200x32xi32, #tpu.memory_space<vmem>>
          %get3A_610 = tpu.memref_squeeze %get3A_609 : memref<1x200x32xi32, #tpu.memory_space<vmem>> -> memref<200x32xi32, #tpu.memory_space<vmem>>
          %get3A_611 = arith.index_cast %add3A_606 : i32 to index
          %get3A_612 = arith.constant 0 : index
          %get3A_613 = tpu.vector_load %get3A_610[%get3A_611, %get3A_612] {strides = array<i32>} : memref<200x32xi32, #tpu.memory_space<vmem>>, vector<1x16xi32>,
          %get3A_614 = vector.shape_cast %get3A_613 : vector<1x16xi32> to vector<16xi32>
          %get3A_615 = arith.constant 0 : i32
          %get3A_616 = arith.constant 0 : i32
          %get3A_617 = tpu.memref_slice %arg6[%scan3A_139, %get3A_615, %get3A_616] : memref<4x200x32xi32, #tpu.memory_space<vmem>> -> memref<1x200x32xi32, #tpu.memory_space<vmem>>
          %get3A_618 = tpu.memref_squeeze %get3A_617 : memref<1x200x32xi32, #tpu.memory_space<vmem>> -> memref<200x32xi32, #tpu.memory_space<vmem>>
          %get3A_619 = arith.index_cast %add3A_606 : i32 to index
          %get3A_620 = arith.constant 16 : index
          %get3A_621 = tpu.vector_load %get3A_618[%get3A_619, %get3A_620] {strides = array<i32>} : memref<200x32xi32, #tpu.memory_space<vmem>>, vector<1x16xi32>,
          %get3A_622 = vector.shape_cast %get3A_621 : vector<1x16xi32> to vector<16xi32>
          %shift_left3A_623 = arith.shli %get3A_614, %broadcast_in_dim3A_136 : vector<16xi32>
          %bitcast_convert_type3A_624 = tpu.bitcast %shift_left3A_623 : vector<16xi32> -> vector<16xf32>
          %add3A_625 = arith.addf %add3A_561, %bitcast_convert_type3A_624 : vector<16xf32>
          %shift_left3A_626 = arith.shli %get3A_622, %broadcast_in_dim3A_136 : vector<16xi32>
          %bitcast_convert_type3A_627 = tpu.bitcast %shift_left3A_626 : vector<16xi32> -> vector<16xf32>
          %add3A_628 = arith.addf %add3A_564, %bitcast_convert_type3A_627 : vector<16xf32>
          %and3A_629 = arith.andi %get3A_614, %broadcast_in_dim3A_134 : vector<16xi32>
          %bitcast_convert_type3A_630 = tpu.bitcast %and3A_629 : vector<16xi32> -> vector<16xf32>
          %add3A_631 = arith.addf %add3A_567, %bitcast_convert_type3A_630 : vector<16xf32>
          %and3A_632 = arith.andi %get3A_622, %broadcast_in_dim3A_134 : vector<16xi32>
          %bitcast_convert_type3A_633 = tpu.bitcast %and3A_632 : vector<16xi32> -> vector<16xf32>
          %add3A_634 = arith.addf %add3A_570, %bitcast_convert_type3A_633 : vector<16xf32>
          %mul3A_635 = arith.constant 25 : i32
          %mul3A_636 = arith.muli %mul3A_635, %scan3A_406 : i32
          %add3A_637 = arith.constant 7 : i32
          %add3A_638 = arith.addi %mul3A_636, %add3A_637 : i32
          %get3A_639 = arith.constant 0 : i32
          %get3A_640 = arith.constant 0 : i32
          %get3A_641 = tpu.memref_slice %arg6[%scan3A_139, %get3A_639, %get3A_640] : memref<4x200x32xi32, #tpu.memory_space<vmem>> -> memref<1x200x32xi32, #tpu.memory_space<vmem>>
          %get3A_642 = tpu.memref_squeeze %get3A_641 : memref<1x200x32xi32, #tpu.memory_space<vmem>> -> memref<200x32xi32, #tpu.memory_space<vmem>>
          %get3A_643 = arith.index_cast %add3A_638 : i32 to index
          %get3A_644 = arith.constant 0 : index
          %get3A_645 = tpu.vector_load %get3A_642[%get3A_643, %get3A_644] {strides = array<i32>} : memref<200x32xi32, #tpu.memory_space<vmem>>, vector<1x16xi32>,
          %get3A_646 = vector.shape_cast %get3A_645 : vector<1x16xi32> to vector<16xi32>
          %get3A_647 = arith.constant 0 : i32
          %get3A_648 = arith.constant 0 : i32
          %get3A_649 = tpu.memref_slice %arg6[%scan3A_139, %get3A_647, %get3A_648] : memref<4x200x32xi32, #tpu.memory_space<vmem>> -> memref<1x200x32xi32, #tpu.memory_space<vmem>>
          %get3A_650 = tpu.memref_squeeze %get3A_649 : memref<1x200x32xi32, #tpu.memory_space<vmem>> -> memref<200x32xi32, #tpu.memory_space<vmem>>
          %get3A_651 = arith.index_cast %add3A_638 : i32 to index
          %get3A_652 = arith.constant 16 : index
          %get3A_653 = tpu.vector_load %get3A_650[%get3A_651, %get3A_652] {strides = array<i32>} : memref<200x32xi32, #tpu.memory_space<vmem>>, vector<1x16xi32>,
          %get3A_654 = vector.shape_cast %get3A_653 : vector<1x16xi32> to vector<16xi32>
          %shift_left3A_655 = arith.shli %get3A_646, %broadcast_in_dim3A_136 : vector<16xi32>
          %bitcast_convert_type3A_656 = tpu.bitcast %shift_left3A_655 : vector<16xi32> -> vector<16xf32>
          %add3A_657 = arith.addf %add3A_593, %bitcast_convert_type3A_656 : vector<16xf32>
          %shift_left3A_658 = arith.shli %get3A_654, %broadcast_in_dim3A_136 : vector<16xi32>
          %bitcast_convert_type3A_659 = tpu.bitcast %shift_left3A_658 : vector<16xi32> -> vector<16xf32>
          %add3A_660 = arith.addf %add3A_596, %bitcast_convert_type3A_659 : vector<16xf32>
          %and3A_661 = arith.andi %get3A_646, %broadcast_in_dim3A_134 : vector<16xi32>
          %bitcast_convert_type3A_662 = tpu.bitcast %and3A_661 : vector<16xi32> -> vector<16xf32>
          %add3A_663 = arith.addf %add3A_599, %bitcast_convert_type3A_662 : vector<16xf32>
          %and3A_664 = arith.andi %get3A_654, %broadcast_in_dim3A_134 : vector<16xi32>
          %bitcast_convert_type3A_665 = tpu.bitcast %and3A_664 : vector<16xi32> -> vector<16xf32>
          %add3A_666 = arith.addf %add3A_602, %bitcast_convert_type3A_665 : vector<16xf32>
          %mul3A_667 = arith.constant 25 : i32
          %mul3A_668 = arith.muli %mul3A_667, %scan3A_406 : i32
          %add3A_669 = arith.constant 8 : i32
          %add3A_670 = arith.addi %mul3A_668, %add3A_669 : i32
          %get3A_671 = arith.constant 0 : i32
          %get3A_672 = arith.constant 0 : i32
          %get3A_673 = tpu.memref_slice %arg6[%scan3A_139, %get3A_671, %get3A_672] : memref<4x200x32xi32, #tpu.memory_space<vmem>> -> memref<1x200x32xi32, #tpu.memory_space<vmem>>
          %get3A_674 = tpu.memref_squeeze %get3A_673 : memref<1x200x32xi32, #tpu.memory_space<vmem>> -> memref<200x32xi32, #tpu.memory_space<vmem>>
          %get3A_675 = arith.index_cast %add3A_670 : i32 to index
          %get3A_676 = arith.constant 0 : index
          %get3A_677 = tpu.vector_load %get3A_674[%get3A_675, %get3A_676] {strides = array<i32>} : memref<200x32xi32, #tpu.memory_space<vmem>>, vector<1x16xi32>,
          %get3A_678 = vector.shape_cast %get3A_677 : vector<1x16xi32> to vector<16xi32>
          %get3A_679 = arith.constant 0 : i32
          %get3A_680 = arith.constant 0 : i32
          %get3A_681 = tpu.memref_slice %arg6[%scan3A_139, %get3A_679, %get3A_680] : memref<4x200x32xi32, #tpu.memory_space<vmem>> -> memref<1x200x32xi32, #tpu.memory_space<vmem>>
          %get3A_682 = tpu.memref_squeeze %get3A_681 : memref<1x200x32xi32, #tpu.memory_space<vmem>> -> memref<200x32xi32, #tpu.memory_space<vmem>>
          %get3A_683 = arith.index_cast %add3A_670 : i32 to index
          %get3A_684 = arith.constant 16 : index
          %get3A_685 = tpu.vector_load %get3A_682[%get3A_683, %get3A_684] {strides = array<i32>} : memref<200x32xi32, #tpu.memory_space<vmem>>, vector<1x16xi32>,
          %get3A_686 = vector.shape_cast %get3A_685 : vector<1x16xi32> to vector<16xi32>
          %shift_left3A_687 = arith.shli %get3A_678, %broadcast_in_dim3A_136 : vector<16xi32>
          %bitcast_convert_type3A_688 = tpu.bitcast %shift_left3A_687 : vector<16xi32> -> vector<16xf32>
          %add3A_689 = arith.addf %add3A_625, %bitcast_convert_type3A_688 : vector<16xf32>
          %shift_left3A_690 = arith.shli %get3A_686, %broadcast_in_dim3A_136 : vector<16xi32>
          %bitcast_convert_type3A_691 = tpu.bitcast %shift_left3A_690 : vector<16xi32> -> vector<16xf32>
          %add3A_692 = arith.addf %add3A_628, %bitcast_convert_type3A_691 : vector<16xf32>
          %and3A_693 = arith.andi %get3A_678, %broadcast_in_dim3A_134 : vector<16xi32>
          %bitcast_convert_type3A_694 = tpu.bitcast %and3A_693 : vector<16xi32> -> vector<16xf32>
          %add3A_695 = arith.addf %add3A_631, %bitcast_convert_type3A_694 : vector<16xf32>
          %and3A_696 = arith.andi %get3A_686, %broadcast_in_dim3A_134 : vector<16xi32>
          %bitcast_convert_type3A_697 = tpu.bitcast %and3A_696 : vector<16xi32> -> vector<16xf32>
          %add3A_698 = arith.addf %add3A_634, %bitcast_convert_type3A_697 : vector<16xf32>
          %mul3A_699 = arith.constant 25 : i32
          %mul3A_700 = arith.muli %mul3A_699, %scan3A_406 : i32
          %add3A_701 = arith.constant 9 : i32
          %add3A_702 = arith.addi %mul3A_700, %add3A_701 : i32
          %get3A_703 = arith.constant 0 : i32
          %get3A_704 = arith.constant 0 : i32
          %get3A_705 = tpu.memref_slice %arg6[%scan3A_139, %get3A_703, %get3A_704] : memref<4x200x32xi32, #tpu.memory_space<vmem>> -> memref<1x200x32xi32, #tpu.memory_space<vmem>>
          %get3A_706 = tpu.memref_squeeze %get3A_705 : memref<1x200x32xi32, #tpu.memory_space<vmem>> -> memref<200x32xi32, #tpu.memory_space<vmem>>
          %get3A_707 = arith.index_cast %add3A_702 : i32 to index
          %get3A_708 = arith.constant 0 : index
          %get3A_709 = tpu.vector_load %get3A_706[%get3A_707, %get3A_708] {strides = array<i32>} : memref<200x32xi32, #tpu.memory_space<vmem>>, vector<1x16xi32>,
          %get3A_710 = vector.shape_cast %get3A_709 : vector<1x16xi32> to vector<16xi32>
          %get3A_711 = arith.constant 0 : i32
          %get3A_712 = arith.constant 0 : i32
          %get3A_713 = tpu.memref_slice %arg6[%scan3A_139, %get3A_711, %get3A_712] : memref<4x200x32xi32, #tpu.memory_space<vmem>> -> memref<1x200x32xi32, #tpu.memory_space<vmem>>
          %get3A_714 = tpu.memref_squeeze %get3A_713 : memref<1x200x32xi32, #tpu.memory_space<vmem>> -> memref<200x32xi32, #tpu.memory_space<vmem>>
          %get3A_715 = arith.index_cast %add3A_702 : i32 to index
          %get3A_716 = arith.constant 16 : index
          %get3A_717 = tpu.vector_load %get3A_714[%get3A_715, %get3A_716] {strides = array<i32>} : memref<200x32xi32, #tpu.memory_space<vmem>>, vector<1x16xi32>,
          %get3A_718 = vector.shape_cast %get3A_717 : vector<1x16xi32> to vector<16xi32>
          %shift_left3A_719 = arith.shli %get3A_710, %broadcast_in_dim3A_136 : vector<16xi32>
          %bitcast_convert_type3A_720 = tpu.bitcast %shift_left3A_719 : vector<16xi32> -> vector<16xf32>
          %add3A_721 = arith.addf %add3A_657, %bitcast_convert_type3A_720 : vector<16xf32>
          %shift_left3A_722 = arith.shli %get3A_718, %broadcast_in_dim3A_136 : vector<16xi32>
          %bitcast_convert_type3A_723 = tpu.bitcast %shift_left3A_722 : vector<16xi32> -> vector<16xf32>
          %add3A_724 = arith.addf %add3A_660, %bitcast_convert_type3A_723 : vector<16xf32>
          %and3A_725 = arith.andi %get3A_710, %broadcast_in_dim3A_134 : vector<16xi32>
          %bitcast_convert_type3A_726 = tpu.bitcast %and3A_725 : vector<16xi32> -> vector<16xf32>
          %add3A_727 = arith.addf %add3A_663, %bitcast_convert_type3A_726 : vector<16xf32>
          %and3A_728 = arith.andi %get3A_718, %broadcast_in_dim3A_134 : vector<16xi32>
          %bitcast_convert_type3A_729 = tpu.bitcast %and3A_728 : vector<16xi32> -> vector<16xf32>
          %add3A_730 = arith.addf %add3A_666, %bitcast_convert_type3A_729 : vector<16xf32>
          %mul3A_731 = arith.constant 25 : i32
          %mul3A_732 = arith.muli %mul3A_731, %scan3A_406 : i32
          %add3A_733 = arith.constant 10 : i32
          %add3A_734 = arith.addi %mul3A_732, %add3A_733 : i32
          %get3A_735 = arith.constant 0 : i32
          %get3A_736 = arith.constant 0 : i32
          %get3A_737 = tpu.memref_slice %arg6[%scan3A_139, %get3A_735, %get3A_736] : memref<4x200x32xi32, #tpu.memory_space<vmem>> -> memref<1x200x32xi32, #tpu.memory_space<vmem>>
          %get3A_738 = tpu.memref_squeeze %get3A_737 : memref<1x200x32xi32, #tpu.memory_space<vmem>> -> memref<200x32xi32, #tpu.memory_space<vmem>>
          %get3A_739 = arith.index_cast %add3A_734 : i32 to index
          %get3A_740 = arith.constant 0 : index
          %get3A_741 = tpu.vector_load %get3A_738[%get3A_739, %get3A_740] {strides = array<i32>} : memref<200x32xi32, #tpu.memory_space<vmem>>, vector<1x16xi32>,
          %get3A_742 = vector.shape_cast %get3A_741 : vector<1x16xi32> to vector<16xi32>
          %get3A_743 = arith.constant 0 : i32
          %get3A_744 = arith.constant 0 : i32
          %get3A_745 = tpu.memref_slice %arg6[%scan3A_139, %get3A_743, %get3A_744] : memref<4x200x32xi32, #tpu.memory_space<vmem>> -> memref<1x200x32xi32, #tpu.memory_space<vmem>>
          %get3A_746 = tpu.memref_squeeze %get3A_745 : memref<1x200x32xi32, #tpu.memory_space<vmem>> -> memref<200x32xi32, #tpu.memory_space<vmem>>
          %get3A_747 = arith.index_cast %add3A_734 : i32 to index
          %get3A_748 = arith.constant 16 : index
          %get3A_749 = tpu.vector_load %get3A_746[%get3A_747, %get3A_748] {strides = array<i32>} : memref<200x32xi32, #tpu.memory_space<vmem>>, vector<1x16xi32>,
          %get3A_750 = vector.shape_cast %get3A_749 : vector<1x16xi32> to vector<16xi32>
          %shift_left3A_751 = arith.shli %get3A_742, %broadcast_in_dim3A_136 : vector<16xi32>
          %bitcast_convert_type3A_752 = tpu.bitcast %shift_left3A_751 : vector<16xi32> -> vector<16xf32>
          %add3A_753 = arith.addf %add3A_689, %bitcast_convert_type3A_752 : vector<16xf32>
          %shift_left3A_754 = arith.shli %get3A_750, %broadcast_in_dim3A_136 : vector<16xi32>
          %bitcast_convert_type3A_755 = tpu.bitcast %shift_left3A_754 : vector<16xi32> -> vector<16xf32>
          %add3A_756 = arith.addf %add3A_692, %bitcast_convert_type3A_755 : vector<16xf32>
          %and3A_757 = arith.andi %get3A_742, %broadcast_in_dim3A_134 : vector<16xi32>
          %bitcast_convert_type3A_758 = tpu.bitcast %and3A_757 : vector<16xi32> -> vector<16xf32>
          %add3A_759 = arith.addf %add3A_695, %bitcast_convert_type3A_758 : vector<16xf32>
          %and3A_760 = arith.andi %get3A_750, %broadcast_in_dim3A_134 : vector<16xi32>
          %bitcast_convert_type3A_761 = tpu.bitcast %and3A_760 : vector<16xi32> -> vector<16xf32>
          %add3A_762 = arith.addf %add3A_698, %bitcast_convert_type3A_761 : vector<16xf32>
          %mul3A_763 = arith.constant 25 : i32
          %mul3A_764 = arith.muli %mul3A_763, %scan3A_406 : i32
          %add3A_765 = arith.constant 11 : i32
          %add3A_766 = arith.addi %mul3A_764, %add3A_765 : i32
          %get3A_767 = arith.constant 0 : i32
          %get3A_768 = arith.constant 0 : i32
          %get3A_769 = tpu.memref_slice %arg6[%scan3A_139, %get3A_767, %get3A_768] : memref<4x200x32xi32, #tpu.memory_space<vmem>> -> memref<1x200x32xi32, #tpu.memory_space<vmem>>
          %get3A_770 = tpu.memref_squeeze %get3A_769 : memref<1x200x32xi32, #tpu.memory_space<vmem>> -> memref<200x32xi32, #tpu.memory_space<vmem>>
          %get3A_771 = arith.index_cast %add3A_766 : i32 to index
          %get3A_772 = arith.constant 0 : index
          %get3A_773 = tpu.vector_load %get3A_770[%get3A_771, %get3A_772] {strides = array<i32>} : memref<200x32xi32, #tpu.memory_space<vmem>>, vector<1x16xi32>,
          %get3A_774 = vector.shape_cast %get3A_773 : vector<1x16xi32> to vector<16xi32>
          %get3A_775 = arith.constant 0 : i32
          %get3A_776 = arith.constant 0 : i32
          %get3A_777 = tpu.memref_slice %arg6[%scan3A_139, %get3A_775, %get3A_776] : memref<4x200x32xi32, #tpu.memory_space<vmem>> -> memref<1x200x32xi32, #tpu.memory_space<vmem>>
          %get3A_778 = tpu.memref_squeeze %get3A_777 : memref<1x200x32xi32, #tpu.memory_space<vmem>> -> memref<200x32xi32, #tpu.memory_space<vmem>>
          %get3A_779 = arith.index_cast %add3A_766 : i32 to index
          %get3A_780 = arith.constant 16 : index
          %get3A_781 = tpu.vector_load %get3A_778[%get3A_779, %get3A_780] {strides = array<i32>} : memref<200x32xi32, #tpu.memory_space<vmem>>, vector<1x16xi32>,
          %get3A_782 = vector.shape_cast %get3A_781 : vector<1x16xi32> to vector<16xi32>
          %shift_left3A_783 = arith.shli %get3A_774, %broadcast_in_dim3A_136 : vector<16xi32>
          %bitcast_convert_type3A_784 = tpu.bitcast %shift_left3A_783 : vector<16xi32> -> vector<16xf32>
          %add3A_785 = arith.addf %add3A_721, %bitcast_convert_type3A_784 : vector<16xf32>
          %shift_left3A_786 = arith.shli %get3A_782, %broadcast_in_dim3A_136 : vector<16xi32>
          %bitcast_convert_type3A_787 = tpu.bitcast %shift_left3A_786 : vector<16xi32> -> vector<16xf32>
          %add3A_788 = arith.addf %add3A_724, %bitcast_convert_type3A_787 : vector<16xf32>
          %and3A_789 = arith.andi %get3A_774, %broadcast_in_dim3A_134 : vector<16xi32>
          %bitcast_convert_type3A_790 = tpu.bitcast %and3A_789 : vector<16xi32> -> vector<16xf32>
          %add3A_791 = arith.addf %add3A_727, %bitcast_convert_type3A_790 : vector<16xf32>
          %and3A_792 = arith.andi %get3A_782, %broadcast_in_dim3A_134 : vector<16xi32>
          %bitcast_convert_type3A_793 = tpu.bitcast %and3A_792 : vector<16xi32> -> vector<16xf32>
          %add3A_794 = arith.addf %add3A_730, %bitcast_convert_type3A_793 : vector<16xf32>
          %mul3A_795 = arith.constant 25 : i32
          %mul3A_796 = arith.muli %mul3A_795, %scan3A_406 : i32
          %add3A_797 = arith.constant 12 : i32
          %add3A_798 = arith.addi %mul3A_796, %add3A_797 : i32
          %get3A_799 = arith.constant 0 : i32
          %get3A_800 = arith.constant 0 : i32
          %get3A_801 = tpu.memref_slice %arg6[%scan3A_139, %get3A_799, %get3A_800] : memref<4x200x32xi32, #tpu.memory_space<vmem>> -> memref<1x200x32xi32, #tpu.memory_space<vmem>>
          %get3A_802 = tpu.memref_squeeze %get3A_801 : memref<1x200x32xi32, #tpu.memory_space<vmem>> -> memref<200x32xi32, #tpu.memory_space<vmem>>
          %get3A_803 = arith.index_cast %add3A_798 : i32 to index
          %get3A_804 = arith.constant 0 : index
          %get3A_805 = tpu.vector_load %get3A_802[%get3A_803, %get3A_804] {strides = array<i32>} : memref<200x32xi32, #tpu.memory_space<vmem>>, vector<1x16xi32>,
          %get3A_806 = vector.shape_cast %get3A_805 : vector<1x16xi32> to vector<16xi32>
          %get3A_807 = arith.constant 0 : i32
          %get3A_808 = arith.constant 0 : i32
          %get3A_809 = tpu.memref_slice %arg6[%scan3A_139, %get3A_807, %get3A_808] : memref<4x200x32xi32, #tpu.memory_space<vmem>> -> memref<1x200x32xi32, #tpu.memory_space<vmem>>
          %get3A_810 = tpu.memref_squeeze %get3A_809 : memref<1x200x32xi32, #tpu.memory_space<vmem>> -> memref<200x32xi32, #tpu.memory_space<vmem>>
          %get3A_811 = arith.index_cast %add3A_798 : i32 to index
          %get3A_812 = arith.constant 16 : index
          %get3A_813 = tpu.vector_load %get3A_810[%get3A_811, %get3A_812] {strides = array<i32>} : memref<200x32xi32, #tpu.memory_space<vmem>>, vector<1x16xi32>,
          %get3A_814 = vector.shape_cast %get3A_813 : vector<1x16xi32> to vector<16xi32>
          %shift_left3A_815 = arith.shli %get3A_806, %broadcast_in_dim3A_136 : vector<16xi32>
          %bitcast_convert_type3A_816 = tpu.bitcast %shift_left3A_815 : vector<16xi32> -> vector<16xf32>
          %add3A_817 = arith.addf %add3A_753, %bitcast_convert_type3A_816 : vector<16xf32>
          %shift_left3A_818 = arith.shli %get3A_814, %broadcast_in_dim3A_136 : vector<16xi32>
          %bitcast_convert_type3A_819 = tpu.bitcast %shift_left3A_818 : vector<16xi32> -> vector<16xf32>
          %add3A_820 = arith.addf %add3A_756, %bitcast_convert_type3A_819 : vector<16xf32>
          %and3A_821 = arith.andi %get3A_806, %broadcast_in_dim3A_134 : vector<16xi32>
          %bitcast_convert_type3A_822 = tpu.bitcast %and3A_821 : vector<16xi32> -> vector<16xf32>
          %add3A_823 = arith.addf %add3A_759, %bitcast_convert_type3A_822 : vector<16xf32>
          %and3A_824 = arith.andi %get3A_814, %broadcast_in_dim3A_134 : vector<16xi32>
          %bitcast_convert_type3A_825 = tpu.bitcast %and3A_824 : vector<16xi32> -> vector<16xf32>
          %add3A_826 = arith.addf %add3A_762, %bitcast_convert_type3A_825 : vector<16xf32>
          %mul3A_827 = arith.constant 25 : i32
          %mul3A_828 = arith.muli %mul3A_827, %scan3A_406 : i32
          %add3A_829 = arith.constant 13 : i32
          %add3A_830 = arith.addi %mul3A_828, %add3A_829 : i32
          %get3A_831 = arith.constant 0 : i32
          %get3A_832 = arith.constant 0 : i32
          %get3A_833 = tpu.memref_slice %arg6[%scan3A_139, %get3A_831, %get3A_832] : memref<4x200x32xi32, #tpu.memory_space<vmem>> -> memref<1x200x32xi32, #tpu.memory_space<vmem>>
          %get3A_834 = tpu.memref_squeeze %get3A_833 : memref<1x200x32xi32, #tpu.memory_space<vmem>> -> memref<200x32xi32, #tpu.memory_space<vmem>>
          %get3A_835 = arith.index_cast %add3A_830 : i32 to index
          %get3A_836 = arith.constant 0 : index
          %get3A_837 = tpu.vector_load %get3A_834[%get3A_835, %get3A_836] {strides = array<i32>} : memref<200x32xi32, #tpu.memory_space<vmem>>, vector<1x16xi32>,
          %get3A_838 = vector.shape_cast %get3A_837 : vector<1x16xi32> to vector<16xi32>
          %get3A_839 = arith.constant 0 : i32
          %get3A_840 = arith.constant 0 : i32
          %get3A_841 = tpu.memref_slice %arg6[%scan3A_139, %get3A_839, %get3A_840] : memref<4x200x32xi32, #tpu.memory_space<vmem>> -> memref<1x200x32xi32, #tpu.memory_space<vmem>>
          %get3A_842 = tpu.memref_squeeze %get3A_841 : memref<1x200x32xi32, #tpu.memory_space<vmem>> -> memref<200x32xi32, #tpu.memory_space<vmem>>
          %get3A_843 = arith.index_cast %add3A_830 : i32 to index
          %get3A_844 = arith.constant 16 : index
          %get3A_845 = tpu.vector_load %get3A_842[%get3A_843, %get3A_844] {strides = array<i32>} : memref<200x32xi32, #tpu.memory_space<vmem>>, vector<1x16xi32>,
          %get3A_846 = vector.shape_cast %get3A_845 : vector<1x16xi32> to vector<16xi32>
          %shift_left3A_847 = arith.shli %get3A_838, %broadcast_in_dim3A_136 : vector<16xi32>
          %bitcast_convert_type3A_848 = tpu.bitcast %shift_left3A_847 : vector<16xi32> -> vector<16xf32>
          %add3A_849 = arith.addf %add3A_785, %bitcast_convert_type3A_848 : vector<16xf32>
          %shift_left3A_850 = arith.shli %get3A_846, %broadcast_in_dim3A_136 : vector<16xi32>
          %bitcast_convert_type3A_851 = tpu.bitcast %shift_left3A_850 : vector<16xi32> -> vector<16xf32>
          %add3A_852 = arith.addf %add3A_788, %bitcast_convert_type3A_851 : vector<16xf32>
          %and3A_853 = arith.andi %get3A_838, %broadcast_in_dim3A_134 : vector<16xi32>
          %bitcast_convert_type3A_854 = tpu.bitcast %and3A_853 : vector<16xi32> -> vector<16xf32>
          %add3A_855 = arith.addf %add3A_791, %bitcast_convert_type3A_854 : vector<16xf32>
          %and3A_856 = arith.andi %get3A_846, %broadcast_in_dim3A_134 : vector<16xi32>
          %bitcast_convert_type3A_857 = tpu.bitcast %and3A_856 : vector<16xi32> -> vector<16xf32>
          %add3A_858 = arith.addf %add3A_794, %bitcast_convert_type3A_857 : vector<16xf32>
          %mul3A_859 = arith.constant 25 : i32
          %mul3A_860 = arith.muli %mul3A_859, %scan3A_406 : i32
          %add3A_861 = arith.constant 14 : i32
          %add3A_862 = arith.addi %mul3A_860, %add3A_861 : i32
          %get3A_863 = arith.constant 0 : i32
          %get3A_864 = arith.constant 0 : i32
          %get3A_865 = tpu.memref_slice %arg6[%scan3A_139, %get3A_863, %get3A_864] : memref<4x200x32xi32, #tpu.memory_space<vmem>> -> memref<1x200x32xi32, #tpu.memory_space<vmem>>
          %get3A_866 = tpu.memref_squeeze %get3A_865 : memref<1x200x32xi32, #tpu.memory_space<vmem>> -> memref<200x32xi32, #tpu.memory_space<vmem>>
          %get3A_867 = arith.index_cast %add3A_862 : i32 to index
          %get3A_868 = arith.constant 0 : index
          %get3A_869 = tpu.vector_load %get3A_866[%get3A_867, %get3A_868] {strides = array<i32>} : memref<200x32xi32, #tpu.memory_space<vmem>>, vector<1x16xi32>,
          %get3A_870 = vector.shape_cast %get3A_869 : vector<1x16xi32> to vector<16xi32>
          %get3A_871 = arith.constant 0 : i32
          %get3A_872 = arith.constant 0 : i32
          %get3A_873 = tpu.memref_slice %arg6[%scan3A_139, %get3A_871, %get3A_872] : memref<4x200x32xi32, #tpu.memory_space<vmem>> -> memref<1x200x32xi32, #tpu.memory_space<vmem>>
          %get3A_874 = tpu.memref_squeeze %get3A_873 : memref<1x200x32xi32, #tpu.memory_space<vmem>> -> memref<200x32xi32, #tpu.memory_space<vmem>>
          %get3A_875 = arith.index_cast %add3A_862 : i32 to index
          %get3A_876 = arith.constant 16 : index
          %get3A_877 = tpu.vector_load %get3A_874[%get3A_875, %get3A_876] {strides = array<i32>} : memref<200x32xi32, #tpu.memory_space<vmem>>, vector<1x16xi32>,
          %get3A_878 = vector.shape_cast %get3A_877 : vector<1x16xi32> to vector<16xi32>
          %shift_left3A_879 = arith.shli %get3A_870, %broadcast_in_dim3A_136 : vector<16xi32>
          %bitcast_convert_type3A_880 = tpu.bitcast %shift_left3A_879 : vector<16xi32> -> vector<16xf32>
          %add3A_881 = arith.addf %add3A_817, %bitcast_convert_type3A_880 : vector<16xf32>
          %shift_left3A_882 = arith.shli %get3A_878, %broadcast_in_dim3A_136 : vector<16xi32>
          %bitcast_convert_type3A_883 = tpu.bitcast %shift_left3A_882 : vector<16xi32> -> vector<16xf32>
          %add3A_884 = arith.addf %add3A_820, %bitcast_convert_type3A_883 : vector<16xf32>
          %and3A_885 = arith.andi %get3A_870, %broadcast_in_dim3A_134 : vector<16xi32>
          %bitcast_convert_type3A_886 = tpu.bitcast %and3A_885 : vector<16xi32> -> vector<16xf32>
          %add3A_887 = arith.addf %add3A_823, %bitcast_convert_type3A_886 : vector<16xf32>
          %and3A_888 = arith.andi %get3A_878, %broadcast_in_dim3A_134 : vector<16xi32>
          %bitcast_convert_type3A_889 = tpu.bitcast %and3A_888 : vector<16xi32> -> vector<16xf32>
          %add3A_890 = arith.addf %add3A_826, %bitcast_convert_type3A_889 : vector<16xf32>
          %mul3A_891 = arith.constant 25 : i32
          %mul3A_892 = arith.muli %mul3A_891, %scan3A_406 : i32
          %add3A_893 = arith.constant 15 : i32
          %add3A_894 = arith.addi %mul3A_892, %add3A_893 : i32
          %get3A_895 = arith.constant 0 : i32
          %get3A_896 = arith.constant 0 : i32
          %get3A_897 = tpu.memref_slice %arg6[%scan3A_139, %get3A_895, %get3A_896] : memref<4x200x32xi32, #tpu.memory_space<vmem>> -> memref<1x200x32xi32, #tpu.memory_space<vmem>>
          %get3A_898 = tpu.memref_squeeze %get3A_897 : memref<1x200x32xi32, #tpu.memory_space<vmem>> -> memref<200x32xi32, #tpu.memory_space<vmem>>
          %get3A_899 = arith.index_cast %add3A_894 : i32 to index
          %get3A_900 = arith.constant 0 : index
          %get3A_901 = tpu.vector_load %get3A_898[%get3A_899, %get3A_900] {strides = array<i32>} : memref<200x32xi32, #tpu.memory_space<vmem>>, vector<1x16xi32>,
          %get3A_902 = vector.shape_cast %get3A_901 : vector<1x16xi32> to vector<16xi32>
          %get3A_903 = arith.constant 0 : i32
          %get3A_904 = arith.constant 0 : i32
          %get3A_905 = tpu.memref_slice %arg6[%scan3A_139, %get3A_903, %get3A_904] : memref<4x200x32xi32, #tpu.memory_space<vmem>> -> memref<1x200x32xi32, #tpu.memory_space<vmem>>
          %get3A_906 = tpu.memref_squeeze %get3A_905 : memref<1x200x32xi32, #tpu.memory_space<vmem>> -> memref<200x32xi32, #tpu.memory_space<vmem>>
          %get3A_907 = arith.index_cast %add3A_894 : i32 to index
          %get3A_908 = arith.constant 16 : index
          %get3A_909 = tpu.vector_load %get3A_906[%get3A_907, %get3A_908] {strides = array<i32>} : memref<200x32xi32, #tpu.memory_space<vmem>>, vector<1x16xi32>,
          %get3A_910 = vector.shape_cast %get3A_909 : vector<1x16xi32> to vector<16xi32>
          %shift_left3A_911 = arith.shli %get3A_902, %broadcast_in_dim3A_136 : vector<16xi32>
          %bitcast_convert_type3A_912 = tpu.bitcast %shift_left3A_911 : vector<16xi32> -> vector<16xf32>
          %add3A_913 = arith.addf %add3A_849, %bitcast_convert_type3A_912 : vector<16xf32>
          %shift_left3A_914 = arith.shli %get3A_910, %broadcast_in_dim3A_136 : vector<16xi32>
          %bitcast_convert_type3A_915 = tpu.bitcast %shift_left3A_914 : vector<16xi32> -> vector<16xf32>
          %add3A_916 = arith.addf %add3A_852, %bitcast_convert_type3A_915 : vector<16xf32>
          %and3A_917 = arith.andi %get3A_902, %broadcast_in_dim3A_134 : vector<16xi32>
          %bitcast_convert_type3A_918 = tpu.bitcast %and3A_917 : vector<16xi32> -> vector<16xf32>
          %add3A_919 = arith.addf %add3A_855, %bitcast_convert_type3A_918 : vector<16xf32>
          %and3A_920 = arith.andi %get3A_910, %broadcast_in_dim3A_134 : vector<16xi32>
          %bitcast_convert_type3A_921 = tpu.bitcast %and3A_920 : vector<16xi32> -> vector<16xf32>
          %add3A_922 = arith.addf %add3A_858, %bitcast_convert_type3A_921 : vector<16xf32>
          %mul3A_923 = arith.constant 25 : i32
          %mul3A_924 = arith.muli %mul3A_923, %scan3A_406 : i32
          %add3A_925 = arith.constant 16 : i32
          %add3A_926 = arith.addi %mul3A_924, %add3A_925 : i32
          %get3A_927 = arith.constant 0 : i32
          %get3A_928 = arith.constant 0 : i32
          %get3A_929 = tpu.memref_slice %arg6[%scan3A_139, %get3A_927, %get3A_928] : memref<4x200x32xi32, #tpu.memory_space<vmem>> -> memref<1x200x32xi32, #tpu.memory_space<vmem>>
          %get3A_930 = tpu.memref_squeeze %get3A_929 : memref<1x200x32xi32, #tpu.memory_space<vmem>> -> memref<200x32xi32, #tpu.memory_space<vmem>>
          %get3A_931 = arith.index_cast %add3A_926 : i32 to index
          %get3A_932 = arith.constant 0 : index
          %get3A_933 = tpu.vector_load %get3A_930[%get3A_931, %get3A_932] {strides = array<i32>} : memref<200x32xi32, #tpu.memory_space<vmem>>, vector<1x16xi32>,
          %get3A_934 = vector.shape_cast %get3A_933 : vector<1x16xi32> to vector<16xi32>
          %get3A_935 = arith.constant 0 : i32
          %get3A_936 = arith.constant 0 : i32
          %get3A_937 = tpu.memref_slice %arg6[%scan3A_139, %get3A_935, %get3A_936] : memref<4x200x32xi32, #tpu.memory_space<vmem>> -> memref<1x200x32xi32, #tpu.memory_space<vmem>>
          %get3A_938 = tpu.memref_squeeze %get3A_937 : memref<1x200x32xi32, #tpu.memory_space<vmem>> -> memref<200x32xi32, #tpu.memory_space<vmem>>
          %get3A_939 = arith.index_cast %add3A_926 : i32 to index
          %get3A_940 = arith.constant 16 : index
          %get3A_941 = tpu.vector_load %get3A_938[%get3A_939, %get3A_940] {strides = array<i32>} : memref<200x32xi32, #tpu.memory_space<vmem>>, vector<1x16xi32>,
          %get3A_942 = vector.shape_cast %get3A_941 : vector<1x16xi32> to vector<16xi32>
          %shift_left3A_943 = arith.shli %get3A_934, %broadcast_in_dim3A_136 : vector<16xi32>
          %bitcast_convert_type3A_944 = tpu.bitcast %shift_left3A_943 : vector<16xi32> -> vector<16xf32>
          %add3A_945 = arith.addf %add3A_881, %bitcast_convert_type3A_944 : vector<16xf32>
          %shift_left3A_946 = arith.shli %get3A_942, %broadcast_in_dim3A_136 : vector<16xi32>
          %bitcast_convert_type3A_947 = tpu.bitcast %shift_left3A_946 : vector<16xi32> -> vector<16xf32>
          %add3A_948 = arith.addf %add3A_884, %bitcast_convert_type3A_947 : vector<16xf32>
          %and3A_949 = arith.andi %get3A_934, %broadcast_in_dim3A_134 : vector<16xi32>
          %bitcast_convert_type3A_950 = tpu.bitcast %and3A_949 : vector<16xi32> -> vector<16xf32>
          %add3A_951 = arith.addf %add3A_887, %bitcast_convert_type3A_950 : vector<16xf32>
          %and3A_952 = arith.andi %get3A_942, %broadcast_in_dim3A_134 : vector<16xi32>
          %bitcast_convert_type3A_953 = tpu.bitcast %and3A_952 : vector<16xi32> -> vector<16xf32>
          %add3A_954 = arith.addf %add3A_890, %bitcast_convert_type3A_953 : vector<16xf32>
          %mul3A_955 = arith.constant 25 : i32
          %mul3A_956 = arith.muli %mul3A_955, %scan3A_406 : i32
          %add3A_957 = arith.constant 17 : i32
          %add3A_958 = arith.addi %mul3A_956, %add3A_957 : i32
          %get3A_959 = arith.constant 0 : i32
          %get3A_960 = arith.constant 0 : i32
          %get3A_961 = tpu.memref_slice %arg6[%scan3A_139, %get3A_959, %get3A_960] : memref<4x200x32xi32, #tpu.memory_space<vmem>> -> memref<1x200x32xi32, #tpu.memory_space<vmem>>
          %get3A_962 = tpu.memref_squeeze %get3A_961 : memref<1x200x32xi32, #tpu.memory_space<vmem>> -> memref<200x32xi32, #tpu.memory_space<vmem>>
          %get3A_963 = arith.index_cast %add3A_958 : i32 to index
          %get3A_964 = arith.constant 0 : index
          %get3A_965 = tpu.vector_load %get3A_962[%get3A_963, %get3A_964] {strides = array<i32>} : memref<200x32xi32, #tpu.memory_space<vmem>>, vector<1x16xi32>,
          %get3A_966 = vector.shape_cast %get3A_965 : vector<1x16xi32> to vector<16xi32>
          %get3A_967 = arith.constant 0 : i32
          %get3A_968 = arith.constant 0 : i32
          %get3A_969 = tpu.memref_slice %arg6[%scan3A_139, %get3A_967, %get3A_968] : memref<4x200x32xi32, #tpu.memory_space<vmem>> -> memref<1x200x32xi32, #tpu.memory_space<vmem>>
          %get3A_970 = tpu.memref_squeeze %get3A_969 : memref<1x200x32xi32, #tpu.memory_space<vmem>> -> memref<200x32xi32, #tpu.memory_space<vmem>>
          %get3A_971 = arith.index_cast %add3A_958 : i32 to index
          %get3A_972 = arith.constant 16 : index
          %get3A_973 = tpu.vector_load %get3A_970[%get3A_971, %get3A_972] {strides = array<i32>} : memref<200x32xi32, #tpu.memory_space<vmem>>, vector<1x16xi32>,
          %get3A_974 = vector.shape_cast %get3A_973 : vector<1x16xi32> to vector<16xi32>
          %shift_left3A_975 = arith.shli %get3A_966, %broadcast_in_dim3A_136 : vector<16xi32>
          %bitcast_convert_type3A_976 = tpu.bitcast %shift_left3A_975 : vector<16xi32> -> vector<16xf32>
          %add3A_977 = arith.addf %add3A_913, %bitcast_convert_type3A_976 : vector<16xf32>
          %shift_left3A_978 = arith.shli %get3A_974, %broadcast_in_dim3A_136 : vector<16xi32>
          %bitcast_convert_type3A_979 = tpu.bitcast %shift_left3A_978 : vector<16xi32> -> vector<16xf32>
          %add3A_980 = arith.addf %add3A_916, %bitcast_convert_type3A_979 : vector<16xf32>
          %and3A_981 = arith.andi %get3A_966, %broadcast_in_dim3A_134 : vector<16xi32>
          %bitcast_convert_type3A_982 = tpu.bitcast %and3A_981 : vector<16xi32> -> vector<16xf32>
          %add3A_983 = arith.addf %add3A_919, %bitcast_convert_type3A_982 : vector<16xf32>
          %and3A_984 = arith.andi %get3A_974, %broadcast_in_dim3A_134 : vector<16xi32>
          %bitcast_convert_type3A_985 = tpu.bitcast %and3A_984 : vector<16xi32> -> vector<16xf32>
          %add3A_986 = arith.addf %add3A_922, %bitcast_convert_type3A_985 : vector<16xf32>
          %mul3A_987 = arith.constant 25 : i32
          %mul3A_988 = arith.muli %mul3A_987, %scan3A_406 : i32
          %add3A_989 = arith.constant 18 : i32
          %add3A_990 = arith.addi %mul3A_988, %add3A_989 : i32
          %get3A_991 = arith.constant 0 : i32
          %get3A_992 = arith.constant 0 : i32
          %get3A_993 = tpu.memref_slice %arg6[%scan3A_139, %get3A_991, %get3A_992] : memref<4x200x32xi32, #tpu.memory_space<vmem>> -> memref<1x200x32xi32, #tpu.memory_space<vmem>>
          %get3A_994 = tpu.memref_squeeze %get3A_993 : memref<1x200x32xi32, #tpu.memory_space<vmem>> -> memref<200x32xi32, #tpu.memory_space<vmem>>
          %get3A_995 = arith.index_cast %add3A_990 : i32 to index
          %get3A_996 = arith.constant 0 : index
          %get3A_997 = tpu.vector_load %get3A_994[%get3A_995, %get3A_996] {strides = array<i32>} : memref<200x32xi32, #tpu.memory_space<vmem>>, vector<1x16xi32>,
          %get3A_998 = vector.shape_cast %get3A_997 : vector<1x16xi32> to vector<16xi32>
          %get3A_999 = arith.constant 0 : i32
          %get3A_1000 = arith.constant 0 : i32
          %get3A_1001 = tpu.memref_slice %arg6[%scan3A_139, %get3A_999, %get3A_1000] : memref<4x200x32xi32, #tpu.memory_space<vmem>> -> memref<1x200x32xi32, #tpu.memory_space<vmem>>
          %get3A_1002 = tpu.memref_squeeze %get3A_1001 : memref<1x200x32xi32, #tpu.memory_space<vmem>> -> memref<200x32xi32, #tpu.memory_space<vmem>>
          %get3A_1003 = arith.index_cast %add3A_990 : i32 to index
          %get3A_1004 = arith.constant 16 : index
          %get3A_1005 = tpu.vector_load %get3A_1002[%get3A_1003, %get3A_1004] {strides = array<i32>} : memref<200x32xi32, #tpu.memory_space<vmem>>, vector<1x16xi32>,
          %get3A_1006 = vector.shape_cast %get3A_1005 : vector<1x16xi32> to vector<16xi32>
          %shift_left3A_1007 = arith.shli %get3A_998, %broadcast_in_dim3A_136 : vector<16xi32>
          %bitcast_convert_type3A_1008 = tpu.bitcast %shift_left3A_1007 : vector<16xi32> -> vector<16xf32>
          %add3A_1009 = arith.addf %add3A_945, %bitcast_convert_type3A_1008 : vector<16xf32>
          %shift_left3A_1010 = arith.shli %get3A_1006, %broadcast_in_dim3A_136 : vector<16xi32>
          %bitcast_convert_type3A_1011 = tpu.bitcast %shift_left3A_1010 : vector<16xi32> -> vector<16xf32>
          %add3A_1012 = arith.addf %add3A_948, %bitcast_convert_type3A_1011 : vector<16xf32>
          %and3A_1013 = arith.andi %get3A_998, %broadcast_in_dim3A_134 : vector<16xi32>
          %bitcast_convert_type3A_1014 = tpu.bitcast %and3A_1013 : vector<16xi32> -> vector<16xf32>
          %add3A_1015 = arith.addf %add3A_951, %bitcast_convert_type3A_1014 : vector<16xf32>
          %and3A_1016 = arith.andi %get3A_1006, %broadcast_in_dim3A_134 : vector<16xi32>
          %bitcast_convert_type3A_1017 = tpu.bitcast %and3A_1016 : vector<16xi32> -> vector<16xf32>
          %add3A_1018 = arith.addf %add3A_954, %bitcast_convert_type3A_1017 : vector<16xf32>
          %mul3A_1019 = arith.constant 25 : i32
          %mul3A_1020 = arith.muli %mul3A_1019, %scan3A_406 : i32
          %add3A_1021 = arith.constant 19 : i32
          %add3A_1022 = arith.addi %mul3A_1020, %add3A_1021 : i32
          %get3A_1023 = arith.constant 0 : i32
          %get3A_1024 = arith.constant 0 : i32
          %get3A_1025 = tpu.memref_slice %arg6[%scan3A_139, %get3A_1023, %get3A_1024] : memref<4x200x32xi32, #tpu.memory_space<vmem>> -> memref<1x200x32xi32, #tpu.memory_space<vmem>>
          %get3A_1026 = tpu.memref_squeeze %get3A_1025 : memref<1x200x32xi32, #tpu.memory_space<vmem>> -> memref<200x32xi32, #tpu.memory_space<vmem>>
          %get3A_1027 = arith.index_cast %add3A_1022 : i32 to index
          %get3A_1028 = arith.constant 0 : index
          %get3A_1029 = tpu.vector_load %get3A_1026[%get3A_1027, %get3A_1028] {strides = array<i32>} : memref<200x32xi32, #tpu.memory_space<vmem>>, vector<1x16xi32>,
          %get3A_1030 = vector.shape_cast %get3A_1029 : vector<1x16xi32> to vector<16xi32>
          %get3A_1031 = arith.constant 0 : i32
          %get3A_1032 = arith.constant 0 : i32
          %get3A_1033 = tpu.memref_slice %arg6[%scan3A_139, %get3A_1031, %get3A_1032] : memref<4x200x32xi32, #tpu.memory_space<vmem>> -> memref<1x200x32xi32, #tpu.memory_space<vmem>>
          %get3A_1034 = tpu.memref_squeeze %get3A_1033 : memref<1x200x32xi32, #tpu.memory_space<vmem>> -> memref<200x32xi32, #tpu.memory_space<vmem>>
          %get3A_1035 = arith.index_cast %add3A_1022 : i32 to index
          %get3A_1036 = arith.constant 16 : index
          %get3A_1037 = tpu.vector_load %get3A_1034[%get3A_1035, %get3A_1036] {strides = array<i32>} : memref<200x32xi32, #tpu.memory_space<vmem>>, vector<1x16xi32>,
          %get3A_1038 = vector.shape_cast %get3A_1037 : vector<1x16xi32> to vector<16xi32>
          %shift_left3A_1039 = arith.shli %get3A_1030, %broadcast_in_dim3A_136 : vector<16xi32>
          %bitcast_convert_type3A_1040 = tpu.bitcast %shift_left3A_1039 : vector<16xi32> -> vector<16xf32>
          %add3A_1041 = arith.addf %add3A_977, %bitcast_convert_type3A_1040 : vector<16xf32>
          %shift_left3A_1042 = arith.shli %get3A_1038, %broadcast_in_dim3A_136 : vector<16xi32>
          %bitcast_convert_type3A_1043 = tpu.bitcast %shift_left3A_1042 : vector<16xi32> -> vector<16xf32>
          %add3A_1044 = arith.addf %add3A_980, %bitcast_convert_type3A_1043 : vector<16xf32>
          %and3A_1045 = arith.andi %get3A_1030, %broadcast_in_dim3A_134 : vector<16xi32>
          %bitcast_convert_type3A_1046 = tpu.bitcast %and3A_1045 : vector<16xi32> -> vector<16xf32>
          %add3A_1047 = arith.addf %add3A_983, %bitcast_convert_type3A_1046 : vector<16xf32>
          %and3A_1048 = arith.andi %get3A_1038, %broadcast_in_dim3A_134 : vector<16xi32>
          %bitcast_convert_type3A_1049 = tpu.bitcast %and3A_1048 : vector<16xi32> -> vector<16xf32>
          %add3A_1050 = arith.addf %add3A_986, %bitcast_convert_type3A_1049 : vector<16xf32>
          %mul3A_1051 = arith.constant 25 : i32
          %mul3A_1052 = arith.muli %mul3A_1051, %scan3A_406 : i32
          %add3A_1053 = arith.constant 20 : i32
          %add3A_1054 = arith.addi %mul3A_1052, %add3A_1053 : i32
          %get3A_1055 = arith.constant 0 : i32
          %get3A_1056 = arith.constant 0 : i32
          %get3A_1057 = tpu.memref_slice %arg6[%scan3A_139, %get3A_1055, %get3A_1056] : memref<4x200x32xi32, #tpu.memory_space<vmem>> -> memref<1x200x32xi32, #tpu.memory_space<vmem>>
          %get3A_1058 = tpu.memref_squeeze %get3A_1057 : memref<1x200x32xi32, #tpu.memory_space<vmem>> -> memref<200x32xi32, #tpu.memory_space<vmem>>
          %get3A_1059 = arith.index_cast %add3A_1054 : i32 to index
          %get3A_1060 = arith.constant 0 : index
          %get3A_1061 = tpu.vector_load %get3A_1058[%get3A_1059, %get3A_1060] {strides = array<i32>} : memref<200x32xi32, #tpu.memory_space<vmem>>, vector<1x16xi32>,
          %get3A_1062 = vector.shape_cast %get3A_1061 : vector<1x16xi32> to vector<16xi32>
          %get3A_1063 = arith.constant 0 : i32
          %get3A_1064 = arith.constant 0 : i32
          %get3A_1065 = tpu.memref_slice %arg6[%scan3A_139, %get3A_1063, %get3A_1064] : memref<4x200x32xi32, #tpu.memory_space<vmem>> -> memref<1x200x32xi32, #tpu.memory_space<vmem>>
          %get3A_1066 = tpu.memref_squeeze %get3A_1065 : memref<1x200x32xi32, #tpu.memory_space<vmem>> -> memref<200x32xi32, #tpu.memory_space<vmem>>
          %get3A_1067 = arith.index_cast %add3A_1054 : i32 to index
          %get3A_1068 = arith.constant 16 : index
          %get3A_1069 = tpu.vector_load %get3A_1066[%get3A_1067, %get3A_1068] {strides = array<i32>} : memref<200x32xi32, #tpu.memory_space<vmem>>, vector<1x16xi32>,
          %get3A_1070 = vector.shape_cast %get3A_1069 : vector<1x16xi32> to vector<16xi32>
          %shift_left3A_1071 = arith.shli %get3A_1062, %broadcast_in_dim3A_136 : vector<16xi32>
          %bitcast_convert_type3A_1072 = tpu.bitcast %shift_left3A_1071 : vector<16xi32> -> vector<16xf32>
          %add3A_1073 = arith.addf %add3A_1009, %bitcast_convert_type3A_1072 : vector<16xf32>
          %shift_left3A_1074 = arith.shli %get3A_1070, %broadcast_in_dim3A_136 : vector<16xi32>
          %bitcast_convert_type3A_1075 = tpu.bitcast %shift_left3A_1074 : vector<16xi32> -> vector<16xf32>
          %add3A_1076 = arith.addf %add3A_1012, %bitcast_convert_type3A_1075 : vector<16xf32>
          %and3A_1077 = arith.andi %get3A_1062, %broadcast_in_dim3A_134 : vector<16xi32>
          %bitcast_convert_type3A_1078 = tpu.bitcast %and3A_1077 : vector<16xi32> -> vector<16xf32>
          %add3A_1079 = arith.addf %add3A_1015, %bitcast_convert_type3A_1078 : vector<16xf32>
          %and3A_1080 = arith.andi %get3A_1070, %broadcast_in_dim3A_134 : vector<16xi32>
          %bitcast_convert_type3A_1081 = tpu.bitcast %and3A_1080 : vector<16xi32> -> vector<16xf32>
          %add3A_1082 = arith.addf %add3A_1018, %bitcast_convert_type3A_1081 : vector<16xf32>
          %mul3A_1083 = arith.constant 25 : i32
          %mul3A_1084 = arith.muli %mul3A_1083, %scan3A_406 : i32
          %add3A_1085 = arith.constant 21 : i32
          %add3A_1086 = arith.addi %mul3A_1084, %add3A_1085 : i32
          %get3A_1087 = arith.constant 0 : i32
          %get3A_1088 = arith.constant 0 : i32
          %get3A_1089 = tpu.memref_slice %arg6[%scan3A_139, %get3A_1087, %get3A_1088] : memref<4x200x32xi32, #tpu.memory_space<vmem>> -> memref<1x200x32xi32, #tpu.memory_space<vmem>>
          %get3A_1090 = tpu.memref_squeeze %get3A_1089 : memref<1x200x32xi32, #tpu.memory_space<vmem>> -> memref<200x32xi32, #tpu.memory_space<vmem>>
          %get3A_1091 = arith.index_cast %add3A_1086 : i32 to index
          %get3A_1092 = arith.constant 0 : index
          %get3A_1093 = tpu.vector_load %get3A_1090[%get3A_1091, %get3A_1092] {strides = array<i32>} : memref<200x32xi32, #tpu.memory_space<vmem>>, vector<1x16xi32>,
          %get3A_1094 = vector.shape_cast %get3A_1093 : vector<1x16xi32> to vector<16xi32>
          %get3A_1095 = arith.constant 0 : i32
          %get3A_1096 = arith.constant 0 : i32
          %get3A_1097 = tpu.memref_slice %arg6[%scan3A_139, %get3A_1095, %get3A_1096] : memref<4x200x32xi32, #tpu.memory_space<vmem>> -> memref<1x200x32xi32, #tpu.memory_space<vmem>>
          %get3A_1098 = tpu.memref_squeeze %get3A_1097 : memref<1x200x32xi32, #tpu.memory_space<vmem>> -> memref<200x32xi32, #tpu.memory_space<vmem>>
          %get3A_1099 = arith.index_cast %add3A_1086 : i32 to index
          %get3A_1100 = arith.constant 16 : index
          %get3A_1101 = tpu.vector_load %get3A_1098[%get3A_1099, %get3A_1100] {strides = array<i32>} : memref<200x32xi32, #tpu.memory_space<vmem>>, vector<1x16xi32>,
          %get3A_1102 = vector.shape_cast %get3A_1101 : vector<1x16xi32> to vector<16xi32>
          %shift_left3A_1103 = arith.shli %get3A_1094, %broadcast_in_dim3A_136 : vector<16xi32>
          %bitcast_convert_type3A_1104 = tpu.bitcast %shift_left3A_1103 : vector<16xi32> -> vector<16xf32>
          %add3A_1105 = arith.addf %add3A_1041, %bitcast_convert_type3A_1104 : vector<16xf32>
          %shift_left3A_1106 = arith.shli %get3A_1102, %broadcast_in_dim3A_136 : vector<16xi32>
          %bitcast_convert_type3A_1107 = tpu.bitcast %shift_left3A_1106 : vector<16xi32> -> vector<16xf32>
          %add3A_1108 = arith.addf %add3A_1044, %bitcast_convert_type3A_1107 : vector<16xf32>
          %and3A_1109 = arith.andi %get3A_1094, %broadcast_in_dim3A_134 : vector<16xi32>
          %bitcast_convert_type3A_1110 = tpu.bitcast %and3A_1109 : vector<16xi32> -> vector<16xf32>
          %add3A_1111 = arith.addf %add3A_1047, %bitcast_convert_type3A_1110 : vector<16xf32>
          %and3A_1112 = arith.andi %get3A_1102, %broadcast_in_dim3A_134 : vector<16xi32>
          %bitcast_convert_type3A_1113 = tpu.bitcast %and3A_1112 : vector<16xi32> -> vector<16xf32>
          %add3A_1114 = arith.addf %add3A_1050, %bitcast_convert_type3A_1113 : vector<16xf32>
          %mul3A_1115 = arith.constant 25 : i32
          %mul3A_1116 = arith.muli %mul3A_1115, %scan3A_406 : i32
          %add3A_1117 = arith.constant 22 : i32
          %add3A_1118 = arith.addi %mul3A_1116, %add3A_1117 : i32
          %get3A_1119 = arith.constant 0 : i32
          %get3A_1120 = arith.constant 0 : i32
          %get3A_1121 = tpu.memref_slice %arg6[%scan3A_139, %get3A_1119, %get3A_1120] : memref<4x200x32xi32, #tpu.memory_space<vmem>> -> memref<1x200x32xi32, #tpu.memory_space<vmem>>
          %get3A_1122 = tpu.memref_squeeze %get3A_1121 : memref<1x200x32xi32, #tpu.memory_space<vmem>> -> memref<200x32xi32, #tpu.memory_space<vmem>>
          %get3A_1123 = arith.index_cast %add3A_1118 : i32 to index
          %get3A_1124 = arith.constant 0 : index
          %get3A_1125 = tpu.vector_load %get3A_1122[%get3A_1123, %get3A_1124] {strides = array<i32>} : memref<200x32xi32, #tpu.memory_space<vmem>>, vector<1x16xi32>,
          %get3A_1126 = vector.shape_cast %get3A_1125 : vector<1x16xi32> to vector<16xi32>
          %get3A_1127 = arith.constant 0 : i32
          %get3A_1128 = arith.constant 0 : i32
          %get3A_1129 = tpu.memref_slice %arg6[%scan3A_139, %get3A_1127, %get3A_1128] : memref<4x200x32xi32, #tpu.memory_space<vmem>> -> memref<1x200x32xi32, #tpu.memory_space<vmem>>
          %get3A_1130 = tpu.memref_squeeze %get3A_1129 : memref<1x200x32xi32, #tpu.memory_space<vmem>> -> memref<200x32xi32, #tpu.memory_space<vmem>>
          %get3A_1131 = arith.index_cast %add3A_1118 : i32 to index
          %get3A_1132 = arith.constant 16 : index
          %get3A_1133 = tpu.vector_load %get3A_1130[%get3A_1131, %get3A_1132] {strides = array<i32>} : memref<200x32xi32, #tpu.memory_space<vmem>>, vector<1x16xi32>,
          %get3A_1134 = vector.shape_cast %get3A_1133 : vector<1x16xi32> to vector<16xi32>
          %shift_left3A_1135 = arith.shli %get3A_1126, %broadcast_in_dim3A_136 : vector<16xi32>
          %bitcast_convert_type3A_1136 = tpu.bitcast %shift_left3A_1135 : vector<16xi32> -> vector<16xf32>
          %add3A_1137 = arith.addf %add3A_1073, %bitcast_convert_type3A_1136 : vector<16xf32>
          %shift_left3A_1138 = arith.shli %get3A_1134, %broadcast_in_dim3A_136 : vector<16xi32>
          %bitcast_convert_type3A_1139 = tpu.bitcast %shift_left3A_1138 : vector<16xi32> -> vector<16xf32>
          %add3A_1140 = arith.addf %add3A_1076, %bitcast_convert_type3A_1139 : vector<16xf32>
          %and3A_1141 = arith.andi %get3A_1126, %broadcast_in_dim3A_134 : vector<16xi32>
          %bitcast_convert_type3A_1142 = tpu.bitcast %and3A_1141 : vector<16xi32> -> vector<16xf32>
          %add3A_1143 = arith.addf %add3A_1079, %bitcast_convert_type3A_1142 : vector<16xf32>
          %and3A_1144 = arith.andi %get3A_1134, %broadcast_in_dim3A_134 : vector<16xi32>
          %bitcast_convert_type3A_1145 = tpu.bitcast %and3A_1144 : vector<16xi32> -> vector<16xf32>
          %add3A_1146 = arith.addf %add3A_1082, %bitcast_convert_type3A_1145 : vector<16xf32>
          %mul3A_1147 = arith.constant 25 : i32
          %mul3A_1148 = arith.muli %mul3A_1147, %scan3A_406 : i32
          %add3A_1149 = arith.constant 23 : i32
          %add3A_1150 = arith.addi %mul3A_1148, %add3A_1149 : i32
          %get3A_1151 = arith.constant 0 : i32
          %get3A_1152 = arith.constant 0 : i32
          %get3A_1153 = tpu.memref_slice %arg6[%scan3A_139, %get3A_1151, %get3A_1152] : memref<4x200x32xi32, #tpu.memory_space<vmem>> -> memref<1x200x32xi32, #tpu.memory_space<vmem>>
          %get3A_1154 = tpu.memref_squeeze %get3A_1153 : memref<1x200x32xi32, #tpu.memory_space<vmem>> -> memref<200x32xi32, #tpu.memory_space<vmem>>
          %get3A_1155 = arith.index_cast %add3A_1150 : i32 to index
          %get3A_1156 = arith.constant 0 : index
          %get3A_1157 = tpu.vector_load %get3A_1154[%get3A_1155, %get3A_1156] {strides = array<i32>} : memref<200x32xi32, #tpu.memory_space<vmem>>, vector<1x16xi32>,
          %get3A_1158 = vector.shape_cast %get3A_1157 : vector<1x16xi32> to vector<16xi32>
          %get3A_1159 = arith.constant 0 : i32
          %get3A_1160 = arith.constant 0 : i32
          %get3A_1161 = tpu.memref_slice %arg6[%scan3A_139, %get3A_1159, %get3A_1160] : memref<4x200x32xi32, #tpu.memory_space<vmem>> -> memref<1x200x32xi32, #tpu.memory_space<vmem>>
          %get3A_1162 = tpu.memref_squeeze %get3A_1161 : memref<1x200x32xi32, #tpu.memory_space<vmem>> -> memref<200x32xi32, #tpu.memory_space<vmem>>
          %get3A_1163 = arith.index_cast %add3A_1150 : i32 to index
          %get3A_1164 = arith.constant 16 : index
          %get3A_1165 = tpu.vector_load %get3A_1162[%get3A_1163, %get3A_1164] {strides = array<i32>} : memref<200x32xi32, #tpu.memory_space<vmem>>, vector<1x16xi32>,
          %get3A_1166 = vector.shape_cast %get3A_1165 : vector<1x16xi32> to vector<16xi32>
          %shift_left3A_1167 = arith.shli %get3A_1158, %broadcast_in_dim3A_136 : vector<16xi32>
          %bitcast_convert_type3A_1168 = tpu.bitcast %shift_left3A_1167 : vector<16xi32> -> vector<16xf32>
          %add3A_1169 = arith.addf %add3A_1105, %bitcast_convert_type3A_1168 : vector<16xf32>
          %shift_left3A_1170 = arith.shli %get3A_1166, %broadcast_in_dim3A_136 : vector<16xi32>
          %bitcast_convert_type3A_1171 = tpu.bitcast %shift_left3A_1170 : vector<16xi32> -> vector<16xf32>
          %add3A_1172 = arith.addf %add3A_1108, %bitcast_convert_type3A_1171 : vector<16xf32>
          %and3A_1173 = arith.andi %get3A_1158, %broadcast_in_dim3A_134 : vector<16xi32>
          %bitcast_convert_type3A_1174 = tpu.bitcast %and3A_1173 : vector<16xi32> -> vector<16xf32>
          %add3A_1175 = arith.addf %add3A_1111, %bitcast_convert_type3A_1174 : vector<16xf32>
          %and3A_1176 = arith.andi %get3A_1166, %broadcast_in_dim3A_134 : vector<16xi32>
          %bitcast_convert_type3A_1177 = tpu.bitcast %and3A_1176 : vector<16xi32> -> vector<16xf32>
          %add3A_1178 = arith.addf %add3A_1114, %bitcast_convert_type3A_1177 : vector<16xf32>
          %mul3A_1179 = arith.constant 25 : i32
          %mul3A_1180 = arith.muli %mul3A_1179, %scan3A_406 : i32
          %add3A_1181 = arith.constant 24 : i32
          %add3A_1182 = arith.addi %mul3A_1180, %add3A_1181 : i32
          %get3A_1183 = arith.constant 0 : i32
          %get3A_1184 = arith.constant 0 : i32
          %get3A_1185 = tpu.memref_slice %arg6[%scan3A_139, %get3A_1183, %get3A_1184] : memref<4x200x32xi32, #tpu.memory_space<vmem>> -> memref<1x200x32xi32, #tpu.memory_space<vmem>>
          %get3A_1186 = tpu.memref_squeeze %get3A_1185 : memref<1x200x32xi32, #tpu.memory_space<vmem>> -> memref<200x32xi32, #tpu.memory_space<vmem>>
          %get3A_1187 = arith.index_cast %add3A_1182 : i32 to index
          %get3A_1188 = arith.constant 0 : index
          %get3A_1189 = tpu.vector_load %get3A_1186[%get3A_1187, %get3A_1188] {strides = array<i32>} : memref<200x32xi32, #tpu.memory_space<vmem>>, vector<1x16xi32>,
          %get3A_1190 = vector.shape_cast %get3A_1189 : vector<1x16xi32> to vector<16xi32>
          %get3A_1191 = arith.constant 0 : i32
          %get3A_1192 = arith.constant 0 : i32
          %get3A_1193 = tpu.memref_slice %arg6[%scan3A_139, %get3A_1191, %get3A_1192] : memref<4x200x32xi32, #tpu.memory_space<vmem>> -> memref<1x200x32xi32, #tpu.memory_space<vmem>>
          %get3A_1194 = tpu.memref_squeeze %get3A_1193 : memref<1x200x32xi32, #tpu.memory_space<vmem>> -> memref<200x32xi32, #tpu.memory_space<vmem>>
          %get3A_1195 = arith.index_cast %add3A_1182 : i32 to index
          %get3A_1196 = arith.constant 16 : index
          %get3A_1197 = tpu.vector_load %get3A_1194[%get3A_1195, %get3A_1196] {strides = array<i32>} : memref<200x32xi32, #tpu.memory_space<vmem>>, vector<1x16xi32>,
          %get3A_1198 = vector.shape_cast %get3A_1197 : vector<1x16xi32> to vector<16xi32>
          %shift_left3A_1199 = arith.shli %get3A_1190, %broadcast_in_dim3A_136 : vector<16xi32>
          %bitcast_convert_type3A_1200 = tpu.bitcast %shift_left3A_1199 : vector<16xi32> -> vector<16xf32>
          %add3A_1201 = arith.addf %add3A_1137, %bitcast_convert_type3A_1200 : vector<16xf32>
          %shift_left3A_1202 = arith.shli %get3A_1198, %broadcast_in_dim3A_136 : vector<16xi32>
          %bitcast_convert_type3A_1203 = tpu.bitcast %shift_left3A_1202 : vector<16xi32> -> vector<16xf32>
          %add3A_1204 = arith.addf %add3A_1140, %bitcast_convert_type3A_1203 : vector<16xf32>
          %and3A_1205 = arith.andi %get3A_1190, %broadcast_in_dim3A_134 : vector<16xi32>
          %bitcast_convert_type3A_1206 = tpu.bitcast %and3A_1205 : vector<16xi32> -> vector<16xf32>
          %add3A_1207 = arith.addf %add3A_1143, %bitcast_convert_type3A_1206 : vector<16xf32>
          %and3A_1208 = arith.andi %get3A_1198, %broadcast_in_dim3A_134 : vector<16xi32>
          %bitcast_convert_type3A_1209 = tpu.bitcast %and3A_1208 : vector<16xi32> -> vector<16xf32>
          %add3A_1210 = arith.addf %add3A_1146, %bitcast_convert_type3A_1209 : vector<16xf32>
          scf.yield %add3A_1201, %add3A_1204, %add3A_1207, %add3A_1210, %add3A_1169, %add3A_1172, %add3A_1175, %add3A_1178 : vector<16xf32>, vector<16xf32>, vector<16xf32>, vector<16xf32>, vector<16xf32>, vector<16xf32>, vector<16xf32>, vector<16xf32>
        }
        %scan3A_145 = arith.constant 8 : i32
        %add3A_146 = arith.addf %scan3A_144#0, %scan3A_144#4 : vector<16xf32>
        %mul3A_147 = arith.constant 5.000000e-03 : f32
        %mul3A_148 = vector.broadcast %mul3A_147 : f32 to vector<16xf32>
        %mul3A_149 = arith.mulf %add3A_146, %mul3A_148 : vector<16xf32>
        %swap3A = arith.index_cast %add3A_133 : i32 to index
        %swap3A_150 = arith.constant 0 : index
        %swap3A_151 = tpu.vector_load %arg7[%swap3A, %swap3A_150] {strides = array<i32>} : memref<64x64xf32, #tpu.memory_space<vmem>>, vector<1x16xf32>,
        %swap3A_152 = vector.shape_cast %swap3A_151 : vector<1x16xf32> to vector<16xf32>
        %swap3A_153 = vector.shape_cast %mul3A_149 : vector<16xf32> to vector<1x16xf32>
        tpu.vector_store %arg7[%swap3A, %swap3A_150], %swap3A_153 {strides = array<i32>} : memref<64x64xf32, #tpu.memory_space<vmem>>, vector<1x16xf32>,
        %add3A_154 = arith.addf %scan3A_144#1, %scan3A_144#5 : vector<16xf32>
        %mul3A_155 = arith.constant 5.000000e-03 : f32
        %mul3A_156 = vector.broadcast %mul3A_155 : f32 to vector<16xf32>
        %mul3A_157 = arith.mulf %add3A_154, %mul3A_156 : vector<16xf32>
        %swap3A_158 = arith.index_cast %add3A_133 : i32 to index
        %swap3A_159 = arith.constant 16 : index
        %swap3A_160 = tpu.vector_load %arg7[%swap3A_158, %swap3A_159] {strides = array<i32>} : memref<64x64xf32, #tpu.memory_space<vmem>>, vector<1x16xf32>,
        %swap3A_161 = vector.shape_cast %swap3A_160 : vector<1x16xf32> to vector<16xf32>
        %swap3A_162 = vector.shape_cast %mul3A_157 : vector<16xf32> to vector<1x16xf32>
        tpu.vector_store %arg7[%swap3A_158, %swap3A_159], %swap3A_162 {strides = array<i32>} : memref<64x64xf32, #tpu.memory_space<vmem>>, vector<1x16xf32>,
        %add3A_163 = arith.addf %scan3A_144#2, %scan3A_144#6 : vector<16xf32>
        %mul3A_164 = arith.constant 5.000000e-03 : f32
        %mul3A_165 = vector.broadcast %mul3A_164 : f32 to vector<16xf32>
        %mul3A_166 = arith.mulf %add3A_163, %mul3A_165 : vector<16xf32>
        %swap3A_167 = arith.index_cast %add3A_133 : i32 to index
        %swap3A_168 = arith.constant 32 : index
        %swap3A_169 = tpu.vector_load %arg7[%swap3A_167, %swap3A_168] {strides = array<i32>} : memref<64x64xf32, #tpu.memory_space<vmem>>, vector<1x16xf32>,
        %swap3A_170 = vector.shape_cast %swap3A_169 : vector<1x16xf32> to vector<16xf32>
        %swap3A_171 = vector.shape_cast %mul3A_166 : vector<16xf32> to vector<1x16xf32>
        tpu.vector_store %arg7[%swap3A_167, %swap3A_168], %swap3A_171 {strides = array<i32>} : memref<64x64xf32, #tpu.memory_space<vmem>>, vector<1x16xf32>,
        %add3A_172 = arith.addf %scan3A_144#3, %scan3A_144#7 : vector<16xf32>
        %mul3A_173 = arith.constant 5.000000e-03 : f32
        %mul3A_174 = vector.broadcast %mul3A_173 : f32 to vector<16xf32>
        %mul3A_175 = arith.mulf %add3A_172, %mul3A_174 : vector<16xf32>
        %swap3A_176 = arith.index_cast %add3A_133 : i32 to index
        %swap3A_177 = arith.constant 48 : index
        %swap3A_178 = tpu.vector_load %arg7[%swap3A_176, %swap3A_177] {strides = array<i32>} : memref<64x64xf32, #tpu.memory_space<vmem>>, vector<1x16xf32>,
        %swap3A_179 = vector.shape_cast %swap3A_178 : vector<1x16xf32> to vector<16xf32>
        %swap3A_180 = vector.shape_cast %mul3A_175 : vector<16xf32> to vector<1x16xf32>
        tpu.vector_store %arg7[%swap3A_176, %swap3A_177], %swap3A_180 {strides = array<i32>} : memref<64x64xf32, #tpu.memory_space<vmem>>, vector<1x16xf32>,
        %add3A_181 = arith.constant 1 : i32
        %add3A_182 = arith.addi %mul3A_110, %add3A_181 : i32
        %add3A_183 = arith.constant 3 : i32
        %add3A_184 = arith.addi %add3A_182, %add3A_183 : i32
        %lt3A_185 = arith.constant 64 : i32
        %lt3A_186 = arith.cmpi slt, %add3A_184, %lt3A_185 : i32
        %convert_element_type3A_187 = arith.extui %lt3A_186 : i1 to i32
        %cond3A_188 = arith.constant 0 : i32
        %cond3A_189 = arith.cmpi ne, %convert_element_type3A_187, %cond3A_188 : i32
        scf.if %cond3A_189 {
          %mul3A_406 = arith.constant 200 : i32
          %mul3A_407 = arith.muli %mul3A_406, %add3A_184 : i32
          %dma_start3A_408 = arith.constant 0 : i32
          %dma_start3A_409 = arith.constant 0 : i32
          %dma_start3A_410 = arith.constant 0 : i32
          %dma_start3A_411 = tpu.memref_slice %arg6[%dma_start3A_408, %dma_start3A_409, %dma_start3A_410] : memref<4x200x32xi32, #tpu.memory_space<vmem>> -> memref<1x200x32xi32, #tpu.memory_space<vmem>>
          %dma_start3A_412 = tpu.memref_squeeze %dma_start3A_411 : memref<1x200x32xi32, #tpu.memory_space<vmem>> -> memref<200x32xi32, #tpu.memory_space<vmem>>
          %dma_start3A_413 = arith.constant 0 : i32
          %dma_start3A_414 = arith.constant 0 : i32
          %dma_start3A_415 = tpu.memref_slice %dma_start3A_412[%dma_start3A_413, %dma_start3A_414] : memref<200x32xi32, #tpu.memory_space<vmem>> -> memref<128x32xi32, #tpu.memory_space<vmem>>
          %dma_start3A_416 = tpu.memref_slice %arg5[%mul3A_407] : memref<12800xi32, #tpu.memory_space<vmem>> -> memref<128xi32, #tpu.memory_space<vmem>>
          %dma_start3A_417 = arith.constant 0 : i32
          %dma_start3A_418 = arith.constant 0 : i32
          %dma_start3A_419 = tpu.memref_slice %arg3[%dma_start3A_417, %dma_start3A_418] : memref<1000000x32xi32, #tpu.memory_space<hbm>> -> memref<1000000x32xi32, #tpu.memory_space<hbm>>
          tpu.enqueue_indirect_dma source(%dma_start3A_419 : memref<1000000x32xi32, #tpu.memory_space<hbm>>) target(%dma_start3A_415 : memref<128x32xi32, #tpu.memory_space<vmem>>) offsets(%dma_start3A_416 : memref<128xi32, #tpu.memory_space<vmem>>) semaphore(%arg8 : memref<!tpu.dma_semaphore, #tpu.memory_space<semaphore_mem>>)
          %add3A_420 = arith.constant 128 : i32
          %add3A_421 = arith.addi %mul3A_407, %add3A_420 : i32
          %dma_start3A_422 = arith.constant 0 : i32
          %dma_start3A_423 = arith.constant 0 : i32
          %dma_start3A_424 = arith.constant 0 : i32
          %dma_start3A_425 = tpu.memref_slice %arg6[%dma_start3A_422, %dma_start3A_423, %dma_start3A_424] : memref<4x200x32xi32, #tpu.memory_space<vmem>> -> memref<1x200x32xi32, #tpu.memory_space<vmem>>
          %dma_start3A_426 = tpu.memref_squeeze %dma_start3A_425 : memref<1x200x32xi32, #tpu.memory_space<vmem>> -> memref<200x32xi32, #tpu.memory_space<vmem>>
          %dma_start3A_427 = arith.constant 128 : i32
          %dma_start3A_428 = arith.constant 0 : i32
          %dma_start3A_429 = tpu.memref_slice %dma_start3A_426[%dma_start3A_427, %dma_start3A_428] : memref<200x32xi32, #tpu.memory_space<vmem>> -> memref<72x32xi32, #tpu.memory_space<vmem>>
          %dma_start3A_430 = tpu.memref_slice %arg5[%add3A_421] : memref<12800xi32, #tpu.memory_space<vmem>> -> memref<72xi32, #tpu.memory_space<vmem>>
          %dma_start3A_431 = arith.constant 0 : i32
          %dma_start3A_432 = arith.constant 0 : i32
          %dma_start3A_433 = tpu.memref_slice %arg3[%dma_start3A_431, %dma_start3A_432] : memref<1000000x32xi32, #tpu.memory_space<hbm>> -> memref<1000000x32xi32, #tpu.memory_space<hbm>>
          tpu.enqueue_indirect_dma source(%dma_start3A_433 : memref<1000000x32xi32, #tpu.memory_space<hbm>>) target(%dma_start3A_429 : memref<72x32xi32, #tpu.memory_space<vmem>>) offsets(%dma_start3A_430 : memref<72xi32, #tpu.memory_space<vmem>>) semaphore(%arg8 : memref<!tpu.dma_semaphore, #tpu.memory_space<semaphore_mem>>)
        } else {
        }
        %dma_wait3A_190 = arith.constant 1 : i32
        %dma_wait3A_191 = arith.constant 0 : i32
        %dma_wait3A_192 = arith.constant 0 : i32
        %dma_wait3A_193 = tpu.memref_slice %arg6[%dma_wait3A_190, %dma_wait3A_191, %dma_wait3A_192] : memref<4x200x32xi32, #tpu.memory_space<vmem>> -> memref<1x200x32xi32, #tpu.memory_space<vmem>>
        %dma_wait3A_194 = tpu.memref_squeeze %dma_wait3A_193 : memref<1x200x32xi32, #tpu.memory_space<vmem>> -> memref<200x32xi32, #tpu.memory_space<vmem>>
        %dma_wait3A_195 = arith.constant 0 : i32
        %dma_wait3A_196 = arith.constant 0 : i32
        %dma_wait3A_197 = tpu.memref_slice %arg3[%dma_wait3A_195, %dma_wait3A_196] : memref<1000000x32xi32, #tpu.memory_space<hbm>> -> memref<200x32xi32, #tpu.memory_space<hbm>>
        %dma_wait3A_198 = arith.constant 0 : i32
        %dma_wait3A_199 = arith.constant 0 : i32
        %dma_wait3A_200 = tpu.memref_slice %arg6[%dma_wait3A_190, %dma_wait3A_198, %dma_wait3A_199] : memref<4x200x32xi32, #tpu.memory_space<vmem>> -> memref<1x200x32xi32, #tpu.memory_space<vmem>>
        %dma_wait3A_201 = tpu.memref_squeeze %dma_wait3A_200 : memref<1x200x32xi32, #tpu.memory_space<vmem>> -> memref<200x32xi32, #tpu.memory_space<vmem>>
        %dma_wait3A_202 = arith.constant 0 : i32
        %dma_wait3A_203 = arith.constant 0 : i32
        %dma_wait3A_204 = tpu.memref_slice %arg3[%dma_wait3A_202, %dma_wait3A_203] : memref<1000000x32xi32, #tpu.memory_space<hbm>> -> memref<200x32xi32, #tpu.memory_space<hbm>>
        tpu.wait_dma2 semaphore(%arg9 : memref<!tpu.dma_semaphore, #tpu.memory_space<semaphore_mem>>) src(%dma_wait3A_204 : memref<200x32xi32, #tpu.memory_space<hbm>>) dst(%dma_wait3A_201 : memref<200x32xi32, #tpu.memory_space<vmem>>)
        %add3A_205 = arith.constant 1 : i32
        %add3A_206 = arith.addi %mul3A_110, %add3A_205 : i32
        %broadcast_in_dim3A_207 = arith.constant -65536 : i32
        %broadcast_in_dim3A_208 = vector.broadcast %broadcast_in_dim3A_207 : i32 to vector<16xi32>
        %broadcast_in_dim3A_209 = arith.constant 16 : i32
        %broadcast_in_dim3A_210 = vector.broadcast %broadcast_in_dim3A_209 : i32 to vector<16xi32>
        %broadcast_in_dim3A_211 = arith.constant 0.000000e+00 : f32
        %broadcast_in_dim3A_212 = vector.broadcast %broadcast_in_dim3A_211 : f32 to vector<16xf32>
        %scan3A_213 = arith.constant 1 : i32
        %scan3A_214 = arith.constant 0 : i32
        %scan3A_215 = arith.constant 8 : i32
        %scan3A_216 = arith.addi %scan3A_214, %scan3A_215 : i32
        %scan3A_217 = arith.constant 1 : i32
        %scan3A_218:8 = scf.for %scan3A_406 = %scan3A_214 to %scan3A_216 step %scan3A_217 iter_args(%scan3A_407 = %broadcast_in_dim3A_212, %scan3A_408 = %broadcast_in_dim3A_212, %scan3A_409 = %broadcast_in_dim3A_212, %scan3A_410 = %broadcast_in_dim3A_212, %scan3A_411 = %broadcast_in_dim3A_212, %scan3A_412 = %broadcast_in_dim3A_212, %scan3A_413 = %broadcast_in_dim3A_212, %scan3A_414 = %broadcast_in_dim3A_212) -> (vector<16xf32>, vector<16xf32>, vector<16xf32>, vector<16xf32>, vector<16xf32>, vector<16xf32>, vector<16xf32>, vector<16xf32>)  : i32 {
          %mul3A_415 = arith.constant 25 : i32
          %mul3A_416 = arith.muli %mul3A_415, %scan3A_406 : i32
          %add3A_417 = arith.constant 0 : i32
          %add3A_418 = arith.addi %mul3A_416, %add3A_417 : i32
          %get3A = arith.constant 0 : i32
          %get3A_419 = arith.constant 0 : i32
          %get3A_420 = tpu.memref_slice %arg6[%scan3A_213, %get3A, %get3A_419] : memref<4x200x32xi32, #tpu.memory_space<vmem>> -> memref<1x200x32xi32, #tpu.memory_space<vmem>>
          %get3A_421 = tpu.memref_squeeze %get3A_420 : memref<1x200x32xi32, #tpu.memory_space<vmem>> -> memref<200x32xi32, #tpu.memory_space<vmem>>
          %get3A_422 = arith.index_cast %add3A_418 : i32 to index
          %get3A_423 = arith.constant 0 : index
          %get3A_424 = tpu.vector_load %get3A_421[%get3A_422, %get3A_423] {strides = array<i32>} : memref<200x32xi32, #tpu.memory_space<vmem>>, vector<1x16xi32>,
          %get3A_425 = vector.shape_cast %get3A_424 : vector<1x16xi32> to vector<16xi32>
          %get3A_426 = arith.constant 0 : i32
          %get3A_427 = arith.constant 0 : i32
          %get3A_428 = tpu.memref_slice %arg6[%scan3A_213, %get3A_426, %get3A_427] : memref<4x200x32xi32, #tpu.memory_space<vmem>> -> memref<1x200x32xi32, #tpu.memory_space<vmem>>
          %get3A_429 = tpu.memref_squeeze %get3A_428 : memref<1x200x32xi32, #tpu.memory_space<vmem>> -> memref<200x32xi32, #tpu.memory_space<vmem>>
          %get3A_430 = arith.index_cast %add3A_418 : i32 to index
          %get3A_431 = arith.constant 16 : index
          %get3A_432 = tpu.vector_load %get3A_429[%get3A_430, %get3A_431] {strides = array<i32>} : memref<200x32xi32, #tpu.memory_space<vmem>>, vector<1x16xi32>,
          %get3A_433 = vector.shape_cast %get3A_432 : vector<1x16xi32> to vector<16xi32>
          %shift_left3A = arith.shli %get3A_425, %broadcast_in_dim3A_210 : vector<16xi32>
          %bitcast_convert_type3A = tpu.bitcast %shift_left3A : vector<16xi32> -> vector<16xf32>
          %add3A_434 = arith.addf %scan3A_407, %bitcast_convert_type3A : vector<16xf32>
          %shift_left3A_435 = arith.shli %get3A_433, %broadcast_in_dim3A_210 : vector<16xi32>
          %bitcast_convert_type3A_436 = tpu.bitcast %shift_left3A_435 : vector<16xi32> -> vector<16xf32>
          %add3A_437 = arith.addf %scan3A_408, %bitcast_convert_type3A_436 : vector<16xf32>
          %and3A = arith.andi %get3A_425, %broadcast_in_dim3A_208 : vector<16xi32>
          %bitcast_convert_type3A_438 = tpu.bitcast %and3A : vector<16xi32> -> vector<16xf32>
          %add3A_439 = arith.addf %scan3A_409, %bitcast_convert_type3A_438 : vector<16xf32>
          %and3A_440 = arith.andi %get3A_433, %broadcast_in_dim3A_208 : vector<16xi32>
          %bitcast_convert_type3A_441 = tpu.bitcast %and3A_440 : vector<16xi32> -> vector<16xf32>
          %add3A_442 = arith.addf %scan3A_410, %bitcast_convert_type3A_441 : vector<16xf32>
          %mul3A_443 = arith.constant 25 : i32
          %mul3A_444 = arith.muli %mul3A_443, %scan3A_406 : i32
          %add3A_445 = arith.constant 1 : i32
          %add3A_446 = arith.addi %mul3A_444, %add3A_445 : i32
          %get3A_447 = arith.constant 0 : i32
          %get3A_448 = arith.constant 0 : i32
          %get3A_449 = tpu.memref_slice %arg6[%scan3A_213, %get3A_447, %get3A_448] : memref<4x200x32xi32, #tpu.memory_space<vmem>> -> memref<1x200x32xi32, #tpu.memory_space<vmem>>
          %get3A_450 = tpu.memref_squeeze %get3A_449 : memref<1x200x32xi32, #tpu.memory_space<vmem>> -> memref<200x32xi32, #tpu.memory_space<vmem>>
          %get3A_451 = arith.index_cast %add3A_446 : i32 to index
          %get3A_452 = arith.constant 0 : index
          %get3A_453 = tpu.vector_load %get3A_450[%get3A_451, %get3A_452] {strides = array<i32>} : memref<200x32xi32, #tpu.memory_space<vmem>>, vector<1x16xi32>,
          %get3A_454 = vector.shape_cast %get3A_453 : vector<1x16xi32> to vector<16xi32>
          %get3A_455 = arith.constant 0 : i32
          %get3A_456 = arith.constant 0 : i32
          %get3A_457 = tpu.memref_slice %arg6[%scan3A_213, %get3A_455, %get3A_456] : memref<4x200x32xi32, #tpu.memory_space<vmem>> -> memref<1x200x32xi32, #tpu.memory_space<vmem>>
          %get3A_458 = tpu.memref_squeeze %get3A_457 : memref<1x200x32xi32, #tpu.memory_space<vmem>> -> memref<200x32xi32, #tpu.memory_space<vmem>>
          %get3A_459 = arith.index_cast %add3A_446 : i32 to index
          %get3A_460 = arith.constant 16 : index
          %get3A_461 = tpu.vector_load %get3A_458[%get3A_459, %get3A_460] {strides = array<i32>} : memref<200x32xi32, #tpu.memory_space<vmem>>, vector<1x16xi32>,
          %get3A_462 = vector.shape_cast %get3A_461 : vector<1x16xi32> to vector<16xi32>
          %shift_left3A_463 = arith.shli %get3A_454, %broadcast_in_dim3A_210 : vector<16xi32>
          %bitcast_convert_type3A_464 = tpu.bitcast %shift_left3A_463 : vector<16xi32> -> vector<16xf32>
          %add3A_465 = arith.addf %scan3A_411, %bitcast_convert_type3A_464 : vector<16xf32>
          %shift_left3A_466 = arith.shli %get3A_462, %broadcast_in_dim3A_210 : vector<16xi32>
          %bitcast_convert_type3A_467 = tpu.bitcast %shift_left3A_466 : vector<16xi32> -> vector<16xf32>
          %add3A_468 = arith.addf %scan3A_412, %bitcast_convert_type3A_467 : vector<16xf32>
          %and3A_469 = arith.andi %get3A_454, %broadcast_in_dim3A_208 : vector<16xi32>
          %bitcast_convert_type3A_470 = tpu.bitcast %and3A_469 : vector<16xi32> -> vector<16xf32>
          %add3A_471 = arith.addf %scan3A_413, %bitcast_convert_type3A_470 : vector<16xf32>
          %and3A_472 = arith.andi %get3A_462, %broadcast_in_dim3A_208 : vector<16xi32>
          %bitcast_convert_type3A_473 = tpu.bitcast %and3A_472 : vector<16xi32> -> vector<16xf32>
          %add3A_474 = arith.addf %scan3A_414, %bitcast_convert_type3A_473 : vector<16xf32>
          %mul3A_475 = arith.constant 25 : i32
          %mul3A_476 = arith.muli %mul3A_475, %scan3A_406 : i32
          %add3A_477 = arith.constant 2 : i32
          %add3A_478 = arith.addi %mul3A_476, %add3A_477 : i32
          %get3A_479 = arith.constant 0 : i32
          %get3A_480 = arith.constant 0 : i32
          %get3A_481 = tpu.memref_slice %arg6[%scan3A_213, %get3A_479, %get3A_480] : memref<4x200x32xi32, #tpu.memory_space<vmem>> -> memref<1x200x32xi32, #tpu.memory_space<vmem>>
          %get3A_482 = tpu.memref_squeeze %get3A_481 : memref<1x200x32xi32, #tpu.memory_space<vmem>> -> memref<200x32xi32, #tpu.memory_space<vmem>>
          %get3A_483 = arith.index_cast %add3A_478 : i32 to index
          %get3A_484 = arith.constant 0 : index
          %get3A_485 = tpu.vector_load %get3A_482[%get3A_483, %get3A_484] {strides = array<i32>} : memref<200x32xi32, #tpu.memory_space<vmem>>, vector<1x16xi32>,
          %get3A_486 = vector.shape_cast %get3A_485 : vector<1x16xi32> to vector<16xi32>
          %get3A_487 = arith.constant 0 : i32
          %get3A_488 = arith.constant 0 : i32
          %get3A_489 = tpu.memref_slice %arg6[%scan3A_213, %get3A_487, %get3A_488] : memref<4x200x32xi32, #tpu.memory_space<vmem>> -> memref<1x200x32xi32, #tpu.memory_space<vmem>>
          %get3A_490 = tpu.memref_squeeze %get3A_489 : memref<1x200x32xi32, #tpu.memory_space<vmem>> -> memref<200x32xi32, #tpu.memory_space<vmem>>
          %get3A_491 = arith.index_cast %add3A_478 : i32 to index
          %get3A_492 = arith.constant 16 : index
          %get3A_493 = tpu.vector_load %get3A_490[%get3A_491, %get3A_492] {strides = array<i32>} : memref<200x32xi32, #tpu.memory_space<vmem>>, vector<1x16xi32>,
          %get3A_494 = vector.shape_cast %get3A_493 : vector<1x16xi32> to vector<16xi32>
          %shift_left3A_495 = arith.shli %get3A_486, %broadcast_in_dim3A_210 : vector<16xi32>
          %bitcast_convert_type3A_496 = tpu.bitcast %shift_left3A_495 : vector<16xi32> -> vector<16xf32>
          %add3A_497 = arith.addf %add3A_434, %bitcast_convert_type3A_496 : vector<16xf32>
          %shift_left3A_498 = arith.shli %get3A_494, %broadcast_in_dim3A_210 : vector<16xi32>
          %bitcast_convert_type3A_499 = tpu.bitcast %shift_left3A_498 : vector<16xi32> -> vector<16xf32>
          %add3A_500 = arith.addf %add3A_437, %bitcast_convert_type3A_499 : vector<16xf32>
          %and3A_501 = arith.andi %get3A_486, %broadcast_in_dim3A_208 : vector<16xi32>
          %bitcast_convert_type3A_502 = tpu.bitcast %and3A_501 : vector<16xi32> -> vector<16xf32>
          %add3A_503 = arith.addf %add3A_439, %bitcast_convert_type3A_502 : vector<16xf32>
          %and3A_504 = arith.andi %get3A_494, %broadcast_in_dim3A_208 : vector<16xi32>
          %bitcast_convert_type3A_505 = tpu.bitcast %and3A_504 : vector<16xi32> -> vector<16xf32>
          %add3A_506 = arith.addf %add3A_442, %bitcast_convert_type3A_505 : vector<16xf32>
          %mul3A_507 = arith.constant 25 : i32
          %mul3A_508 = arith.muli %mul3A_507, %scan3A_406 : i32
          %add3A_509 = arith.constant 3 : i32
          %add3A_510 = arith.addi %mul3A_508, %add3A_509 : i32
          %get3A_511 = arith.constant 0 : i32
          %get3A_512 = arith.constant 0 : i32
          %get3A_513 = tpu.memref_slice %arg6[%scan3A_213, %get3A_511, %get3A_512] : memref<4x200x32xi32, #tpu.memory_space<vmem>> -> memref<1x200x32xi32, #tpu.memory_space<vmem>>
          %get3A_514 = tpu.memref_squeeze %get3A_513 : memref<1x200x32xi32, #tpu.memory_space<vmem>> -> memref<200x32xi32, #tpu.memory_space<vmem>>
          %get3A_515 = arith.index_cast %add3A_510 : i32 to index
          %get3A_516 = arith.constant 0 : index
          %get3A_517 = tpu.vector_load %get3A_514[%get3A_515, %get3A_516] {strides = array<i32>} : memref<200x32xi32, #tpu.memory_space<vmem>>, vector<1x16xi32>,
          %get3A_518 = vector.shape_cast %get3A_517 : vector<1x16xi32> to vector<16xi32>
          %get3A_519 = arith.constant 0 : i32
          %get3A_520 = arith.constant 0 : i32
          %get3A_521 = tpu.memref_slice %arg6[%scan3A_213, %get3A_519, %get3A_520] : memref<4x200x32xi32, #tpu.memory_space<vmem>> -> memref<1x200x32xi32, #tpu.memory_space<vmem>>
          %get3A_522 = tpu.memref_squeeze %get3A_521 : memref<1x200x32xi32, #tpu.memory_space<vmem>> -> memref<200x32xi32, #tpu.memory_space<vmem>>
          %get3A_523 = arith.index_cast %add3A_510 : i32 to index
          %get3A_524 = arith.constant 16 : index
          %get3A_525 = tpu.vector_load %get3A_522[%get3A_523, %get3A_524] {strides = array<i32>} : memref<200x32xi32, #tpu.memory_space<vmem>>, vector<1x16xi32>,
          %get3A_526 = vector.shape_cast %get3A_525 : vector<1x16xi32> to vector<16xi32>
          %shift_left3A_527 = arith.shli %get3A_518, %broadcast_in_dim3A_210 : vector<16xi32>
          %bitcast_convert_type3A_528 = tpu.bitcast %shift_left3A_527 : vector<16xi32> -> vector<16xf32>
          %add3A_529 = arith.addf %add3A_465, %bitcast_convert_type3A_528 : vector<16xf32>
          %shift_left3A_530 = arith.shli %get3A_526, %broadcast_in_dim3A_210 : vector<16xi32>
          %bitcast_convert_type3A_531 = tpu.bitcast %shift_left3A_530 : vector<16xi32> -> vector<16xf32>
          %add3A_532 = arith.addf %add3A_468, %bitcast_convert_type3A_531 : vector<16xf32>
          %and3A_533 = arith.andi %get3A_518, %broadcast_in_dim3A_208 : vector<16xi32>
          %bitcast_convert_type3A_534 = tpu.bitcast %and3A_533 : vector<16xi32> -> vector<16xf32>
          %add3A_535 = arith.addf %add3A_471, %bitcast_convert_type3A_534 : vector<16xf32>
          %and3A_536 = arith.andi %get3A_526, %broadcast_in_dim3A_208 : vector<16xi32>
          %bitcast_convert_type3A_537 = tpu.bitcast %and3A_536 : vector<16xi32> -> vector<16xf32>
          %add3A_538 = arith.addf %add3A_474, %bitcast_convert_type3A_537 : vector<16xf32>
          %mul3A_539 = arith.constant 25 : i32
          %mul3A_540 = arith.muli %mul3A_539, %scan3A_406 : i32
          %add3A_541 = arith.constant 4 : i32
          %add3A_542 = arith.addi %mul3A_540, %add3A_541 : i32
          %get3A_543 = arith.constant 0 : i32
          %get3A_544 = arith.constant 0 : i32
          %get3A_545 = tpu.memref_slice %arg6[%scan3A_213, %get3A_543, %get3A_544] : memref<4x200x32xi32, #tpu.memory_space<vmem>> -> memref<1x200x32xi32, #tpu.memory_space<vmem>>
          %get3A_546 = tpu.memref_squeeze %get3A_545 : memref<1x200x32xi32, #tpu.memory_space<vmem>> -> memref<200x32xi32, #tpu.memory_space<vmem>>
          %get3A_547 = arith.index_cast %add3A_542 : i32 to index
          %get3A_548 = arith.constant 0 : index
          %get3A_549 = tpu.vector_load %get3A_546[%get3A_547, %get3A_548] {strides = array<i32>} : memref<200x32xi32, #tpu.memory_space<vmem>>, vector<1x16xi32>,
          %get3A_550 = vector.shape_cast %get3A_549 : vector<1x16xi32> to vector<16xi32>
          %get3A_551 = arith.constant 0 : i32
          %get3A_552 = arith.constant 0 : i32
          %get3A_553 = tpu.memref_slice %arg6[%scan3A_213, %get3A_551, %get3A_552] : memref<4x200x32xi32, #tpu.memory_space<vmem>> -> memref<1x200x32xi32, #tpu.memory_space<vmem>>
          %get3A_554 = tpu.memref_squeeze %get3A_553 : memref<1x200x32xi32, #tpu.memory_space<vmem>> -> memref<200x32xi32, #tpu.memory_space<vmem>>
          %get3A_555 = arith.index_cast %add3A_542 : i32 to index
          %get3A_556 = arith.constant 16 : index
          %get3A_557 = tpu.vector_load %get3A_554[%get3A_555, %get3A_556] {strides = array<i32>} : memref<200x32xi32, #tpu.memory_space<vmem>>, vector<1x16xi32>,
          %get3A_558 = vector.shape_cast %get3A_557 : vector<1x16xi32> to vector<16xi32>
          %shift_left3A_559 = arith.shli %get3A_550, %broadcast_in_dim3A_210 : vector<16xi32>
          %bitcast_convert_type3A_560 = tpu.bitcast %shift_left3A_559 : vector<16xi32> -> vector<16xf32>
          %add3A_561 = arith.addf %add3A_497, %bitcast_convert_type3A_560 : vector<16xf32>
          %shift_left3A_562 = arith.shli %get3A_558, %broadcast_in_dim3A_210 : vector<16xi32>
          %bitcast_convert_type3A_563 = tpu.bitcast %shift_left3A_562 : vector<16xi32> -> vector<16xf32>
          %add3A_564 = arith.addf %add3A_500, %bitcast_convert_type3A_563 : vector<16xf32>
          %and3A_565 = arith.andi %get3A_550, %broadcast_in_dim3A_208 : vector<16xi32>
          %bitcast_convert_type3A_566 = tpu.bitcast %and3A_565 : vector<16xi32> -> vector<16xf32>
          %add3A_567 = arith.addf %add3A_503, %bitcast_convert_type3A_566 : vector<16xf32>
          %and3A_568 = arith.andi %get3A_558, %broadcast_in_dim3A_208 : vector<16xi32>
          %bitcast_convert_type3A_569 = tpu.bitcast %and3A_568 : vector<16xi32> -> vector<16xf32>
          %add3A_570 = arith.addf %add3A_506, %bitcast_convert_type3A_569 : vector<16xf32>
          %mul3A_571 = arith.constant 25 : i32
          %mul3A_572 = arith.muli %mul3A_571, %scan3A_406 : i32
          %add3A_573 = arith.constant 5 : i32
          %add3A_574 = arith.addi %mul3A_572, %add3A_573 : i32
          %get3A_575 = arith.constant 0 : i32
          %get3A_576 = arith.constant 0 : i32
          %get3A_577 = tpu.memref_slice %arg6[%scan3A_213, %get3A_575, %get3A_576] : memref<4x200x32xi32, #tpu.memory_space<vmem>> -> memref<1x200x32xi32, #tpu.memory_space<vmem>>
          %get3A_578 = tpu.memref_squeeze %get3A_577 : memref<1x200x32xi32, #tpu.memory_space<vmem>> -> memref<200x32xi32, #tpu.memory_space<vmem>>
          %get3A_579 = arith.index_cast %add3A_574 : i32 to index
          %get3A_580 = arith.constant 0 : index
          %get3A_581 = tpu.vector_load %get3A_578[%get3A_579, %get3A_580] {strides = array<i32>} : memref<200x32xi32, #tpu.memory_space<vmem>>, vector<1x16xi32>,
          %get3A_582 = vector.shape_cast %get3A_581 : vector<1x16xi32> to vector<16xi32>
          %get3A_583 = arith.constant 0 : i32
          %get3A_584 = arith.constant 0 : i32
          %get3A_585 = tpu.memref_slice %arg6[%scan3A_213, %get3A_583, %get3A_584] : memref<4x200x32xi32, #tpu.memory_space<vmem>> -> memref<1x200x32xi32, #tpu.memory_space<vmem>>
          %get3A_586 = tpu.memref_squeeze %get3A_585 : memref<1x200x32xi32, #tpu.memory_space<vmem>> -> memref<200x32xi32, #tpu.memory_space<vmem>>
          %get3A_587 = arith.index_cast %add3A_574 : i32 to index
          %get3A_588 = arith.constant 16 : index
          %get3A_589 = tpu.vector_load %get3A_586[%get3A_587, %get3A_588] {strides = array<i32>} : memref<200x32xi32, #tpu.memory_space<vmem>>, vector<1x16xi32>,
          %get3A_590 = vector.shape_cast %get3A_589 : vector<1x16xi32> to vector<16xi32>
          %shift_left3A_591 = arith.shli %get3A_582, %broadcast_in_dim3A_210 : vector<16xi32>
          %bitcast_convert_type3A_592 = tpu.bitcast %shift_left3A_591 : vector<16xi32> -> vector<16xf32>
          %add3A_593 = arith.addf %add3A_529, %bitcast_convert_type3A_592 : vector<16xf32>
          %shift_left3A_594 = arith.shli %get3A_590, %broadcast_in_dim3A_210 : vector<16xi32>
          %bitcast_convert_type3A_595 = tpu.bitcast %shift_left3A_594 : vector<16xi32> -> vector<16xf32>
          %add3A_596 = arith.addf %add3A_532, %bitcast_convert_type3A_595 : vector<16xf32>
          %and3A_597 = arith.andi %get3A_582, %broadcast_in_dim3A_208 : vector<16xi32>
          %bitcast_convert_type3A_598 = tpu.bitcast %and3A_597 : vector<16xi32> -> vector<16xf32>
          %add3A_599 = arith.addf %add3A_535, %bitcast_convert_type3A_598 : vector<16xf32>
          %and3A_600 = arith.andi %get3A_590, %broadcast_in_dim3A_208 : vector<16xi32>
          %bitcast_convert_type3A_601 = tpu.bitcast %and3A_600 : vector<16xi32> -> vector<16xf32>
          %add3A_602 = arith.addf %add3A_538, %bitcast_convert_type3A_601 : vector<16xf32>
          %mul3A_603 = arith.constant 25 : i32
          %mul3A_604 = arith.muli %mul3A_603, %scan3A_406 : i32
          %add3A_605 = arith.constant 6 : i32
          %add3A_606 = arith.addi %mul3A_604, %add3A_605 : i32
          %get3A_607 = arith.constant 0 : i32
          %get3A_608 = arith.constant 0 : i32
          %get3A_609 = tpu.memref_slice %arg6[%scan3A_213, %get3A_607, %get3A_608] : memref<4x200x32xi32, #tpu.memory_space<vmem>> -> memref<1x200x32xi32, #tpu.memory_space<vmem>>
          %get3A_610 = tpu.memref_squeeze %get3A_609 : memref<1x200x32xi32, #tpu.memory_space<vmem>> -> memref<200x32xi32, #tpu.memory_space<vmem>>
          %get3A_611 = arith.index_cast %add3A_606 : i32 to index
          %get3A_612 = arith.constant 0 : index
          %get3A_613 = tpu.vector_load %get3A_610[%get3A_611, %get3A_612] {strides = array<i32>} : memref<200x32xi32, #tpu.memory_space<vmem>>, vector<1x16xi32>,
          %get3A_614 = vector.shape_cast %get3A_613 : vector<1x16xi32> to vector<16xi32>
          %get3A_615 = arith.constant 0 : i32
          %get3A_616 = arith.constant 0 : i32
          %get3A_617 = tpu.memref_slice %arg6[%scan3A_213, %get3A_615, %get3A_616] : memref<4x200x32xi32, #tpu.memory_space<vmem>> -> memref<1x200x32xi32, #tpu.memory_space<vmem>>
          %get3A_618 = tpu.memref_squeeze %get3A_617 : memref<1x200x32xi32, #tpu.memory_space<vmem>> -> memref<200x32xi32, #tpu.memory_space<vmem>>
          %get3A_619 = arith.index_cast %add3A_606 : i32 to index
          %get3A_620 = arith.constant 16 : index
          %get3A_621 = tpu.vector_load %get3A_618[%get3A_619, %get3A_620] {strides = array<i32>} : memref<200x32xi32, #tpu.memory_space<vmem>>, vector<1x16xi32>,
          %get3A_622 = vector.shape_cast %get3A_621 : vector<1x16xi32> to vector<16xi32>
          %shift_left3A_623 = arith.shli %get3A_614, %broadcast_in_dim3A_210 : vector<16xi32>
          %bitcast_convert_type3A_624 = tpu.bitcast %shift_left3A_623 : vector<16xi32> -> vector<16xf32>
          %add3A_625 = arith.addf %add3A_561, %bitcast_convert_type3A_624 : vector<16xf32>
          %shift_left3A_626 = arith.shli %get3A_622, %broadcast_in_dim3A_210 : vector<16xi32>
          %bitcast_convert_type3A_627 = tpu.bitcast %shift_left3A_626 : vector<16xi32> -> vector<16xf32>
          %add3A_628 = arith.addf %add3A_564, %bitcast_convert_type3A_627 : vector<16xf32>
          %and3A_629 = arith.andi %get3A_614, %broadcast_in_dim3A_208 : vector<16xi32>
          %bitcast_convert_type3A_630 = tpu.bitcast %and3A_629 : vector<16xi32> -> vector<16xf32>
          %add3A_631 = arith.addf %add3A_567, %bitcast_convert_type3A_630 : vector<16xf32>
          %and3A_632 = arith.andi %get3A_622, %broadcast_in_dim3A_208 : vector<16xi32>
          %bitcast_convert_type3A_633 = tpu.bitcast %and3A_632 : vector<16xi32> -> vector<16xf32>
          %add3A_634 = arith.addf %add3A_570, %bitcast_convert_type3A_633 : vector<16xf32>
          %mul3A_635 = arith.constant 25 : i32
          %mul3A_636 = arith.muli %mul3A_635, %scan3A_406 : i32
          %add3A_637 = arith.constant 7 : i32
          %add3A_638 = arith.addi %mul3A_636, %add3A_637 : i32
          %get3A_639 = arith.constant 0 : i32
          %get3A_640 = arith.constant 0 : i32
          %get3A_641 = tpu.memref_slice %arg6[%scan3A_213, %get3A_639, %get3A_640] : memref<4x200x32xi32, #tpu.memory_space<vmem>> -> memref<1x200x32xi32, #tpu.memory_space<vmem>>
          %get3A_642 = tpu.memref_squeeze %get3A_641 : memref<1x200x32xi32, #tpu.memory_space<vmem>> -> memref<200x32xi32, #tpu.memory_space<vmem>>
          %get3A_643 = arith.index_cast %add3A_638 : i32 to index
          %get3A_644 = arith.constant 0 : index
          %get3A_645 = tpu.vector_load %get3A_642[%get3A_643, %get3A_644] {strides = array<i32>} : memref<200x32xi32, #tpu.memory_space<vmem>>, vector<1x16xi32>,
          %get3A_646 = vector.shape_cast %get3A_645 : vector<1x16xi32> to vector<16xi32>
          %get3A_647 = arith.constant 0 : i32
          %get3A_648 = arith.constant 0 : i32
          %get3A_649 = tpu.memref_slice %arg6[%scan3A_213, %get3A_647, %get3A_648] : memref<4x200x32xi32, #tpu.memory_space<vmem>> -> memref<1x200x32xi32, #tpu.memory_space<vmem>>
          %get3A_650 = tpu.memref_squeeze %get3A_649 : memref<1x200x32xi32, #tpu.memory_space<vmem>> -> memref<200x32xi32, #tpu.memory_space<vmem>>
          %get3A_651 = arith.index_cast %add3A_638 : i32 to index
          %get3A_652 = arith.constant 16 : index
          %get3A_653 = tpu.vector_load %get3A_650[%get3A_651, %get3A_652] {strides = array<i32>} : memref<200x32xi32, #tpu.memory_space<vmem>>, vector<1x16xi32>,
          %get3A_654 = vector.shape_cast %get3A_653 : vector<1x16xi32> to vector<16xi32>
          %shift_left3A_655 = arith.shli %get3A_646, %broadcast_in_dim3A_210 : vector<16xi32>
          %bitcast_convert_type3A_656 = tpu.bitcast %shift_left3A_655 : vector<16xi32> -> vector<16xf32>
          %add3A_657 = arith.addf %add3A_593, %bitcast_convert_type3A_656 : vector<16xf32>
          %shift_left3A_658 = arith.shli %get3A_654, %broadcast_in_dim3A_210 : vector<16xi32>
          %bitcast_convert_type3A_659 = tpu.bitcast %shift_left3A_658 : vector<16xi32> -> vector<16xf32>
          %add3A_660 = arith.addf %add3A_596, %bitcast_convert_type3A_659 : vector<16xf32>
          %and3A_661 = arith.andi %get3A_646, %broadcast_in_dim3A_208 : vector<16xi32>
          %bitcast_convert_type3A_662 = tpu.bitcast %and3A_661 : vector<16xi32> -> vector<16xf32>
          %add3A_663 = arith.addf %add3A_599, %bitcast_convert_type3A_662 : vector<16xf32>
          %and3A_664 = arith.andi %get3A_654, %broadcast_in_dim3A_208 : vector<16xi32>
          %bitcast_convert_type3A_665 = tpu.bitcast %and3A_664 : vector<16xi32> -> vector<16xf32>
          %add3A_666 = arith.addf %add3A_602, %bitcast_convert_type3A_665 : vector<16xf32>
          %mul3A_667 = arith.constant 25 : i32
          %mul3A_668 = arith.muli %mul3A_667, %scan3A_406 : i32
          %add3A_669 = arith.constant 8 : i32
          %add3A_670 = arith.addi %mul3A_668, %add3A_669 : i32
          %get3A_671 = arith.constant 0 : i32
          %get3A_672 = arith.constant 0 : i32
          %get3A_673 = tpu.memref_slice %arg6[%scan3A_213, %get3A_671, %get3A_672] : memref<4x200x32xi32, #tpu.memory_space<vmem>> -> memref<1x200x32xi32, #tpu.memory_space<vmem>>
          %get3A_674 = tpu.memref_squeeze %get3A_673 : memref<1x200x32xi32, #tpu.memory_space<vmem>> -> memref<200x32xi32, #tpu.memory_space<vmem>>
          %get3A_675 = arith.index_cast %add3A_670 : i32 to index
          %get3A_676 = arith.constant 0 : index
          %get3A_677 = tpu.vector_load %get3A_674[%get3A_675, %get3A_676] {strides = array<i32>} : memref<200x32xi32, #tpu.memory_space<vmem>>, vector<1x16xi32>,
          %get3A_678 = vector.shape_cast %get3A_677 : vector<1x16xi32> to vector<16xi32>
          %get3A_679 = arith.constant 0 : i32
          %get3A_680 = arith.constant 0 : i32
          %get3A_681 = tpu.memref_slice %arg6[%scan3A_213, %get3A_679, %get3A_680] : memref<4x200x32xi32, #tpu.memory_space<vmem>> -> memref<1x200x32xi32, #tpu.memory_space<vmem>>
          %get3A_682 = tpu.memref_squeeze %get3A_681 : memref<1x200x32xi32, #tpu.memory_space<vmem>> -> memref<200x32xi32, #tpu.memory_space<vmem>>
          %get3A_683 = arith.index_cast %add3A_670 : i32 to index
          %get3A_684 = arith.constant 16 : index
          %get3A_685 = tpu.vector_load %get3A_682[%get3A_683, %get3A_684] {strides = array<i32>} : memref<200x32xi32, #tpu.memory_space<vmem>>, vector<1x16xi32>,
          %get3A_686 = vector.shape_cast %get3A_685 : vector<1x16xi32> to vector<16xi32>
          %shift_left3A_687 = arith.shli %get3A_678, %broadcast_in_dim3A_210 : vector<16xi32>
          %bitcast_convert_type3A_688 = tpu.bitcast %shift_left3A_687 : vector<16xi32> -> vector<16xf32>
          %add3A_689 = arith.addf %add3A_625, %bitcast_convert_type3A_688 : vector<16xf32>
          %shift_left3A_690 = arith.shli %get3A_686, %broadcast_in_dim3A_210 : vector<16xi32>
          %bitcast_convert_type3A_691 = tpu.bitcast %shift_left3A_690 : vector<16xi32> -> vector<16xf32>
          %add3A_692 = arith.addf %add3A_628, %bitcast_convert_type3A_691 : vector<16xf32>
          %and3A_693 = arith.andi %get3A_678, %broadcast_in_dim3A_208 : vector<16xi32>
          %bitcast_convert_type3A_694 = tpu.bitcast %and3A_693 : vector<16xi32> -> vector<16xf32>
          %add3A_695 = arith.addf %add3A_631, %bitcast_convert_type3A_694 : vector<16xf32>
          %and3A_696 = arith.andi %get3A_686, %broadcast_in_dim3A_208 : vector<16xi32>
          %bitcast_convert_type3A_697 = tpu.bitcast %and3A_696 : vector<16xi32> -> vector<16xf32>
          %add3A_698 = arith.addf %add3A_634, %bitcast_convert_type3A_697 : vector<16xf32>
          %mul3A_699 = arith.constant 25 : i32
          %mul3A_700 = arith.muli %mul3A_699, %scan3A_406 : i32
          %add3A_701 = arith.constant 9 : i32
          %add3A_702 = arith.addi %mul3A_700, %add3A_701 : i32
          %get3A_703 = arith.constant 0 : i32
          %get3A_704 = arith.constant 0 : i32
          %get3A_705 = tpu.memref_slice %arg6[%scan3A_213, %get3A_703, %get3A_704] : memref<4x200x32xi32, #tpu.memory_space<vmem>> -> memref<1x200x32xi32, #tpu.memory_space<vmem>>
          %get3A_706 = tpu.memref_squeeze %get3A_705 : memref<1x200x32xi32, #tpu.memory_space<vmem>> -> memref<200x32xi32, #tpu.memory_space<vmem>>
          %get3A_707 = arith.index_cast %add3A_702 : i32 to index
          %get3A_708 = arith.constant 0 : index
          %get3A_709 = tpu.vector_load %get3A_706[%get3A_707, %get3A_708] {strides = array<i32>} : memref<200x32xi32, #tpu.memory_space<vmem>>, vector<1x16xi32>,
          %get3A_710 = vector.shape_cast %get3A_709 : vector<1x16xi32> to vector<16xi32>
          %get3A_711 = arith.constant 0 : i32
          %get3A_712 = arith.constant 0 : i32
          %get3A_713 = tpu.memref_slice %arg6[%scan3A_213, %get3A_711, %get3A_712] : memref<4x200x32xi32, #tpu.memory_space<vmem>> -> memref<1x200x32xi32, #tpu.memory_space<vmem>>
          %get3A_714 = tpu.memref_squeeze %get3A_713 : memref<1x200x32xi32, #tpu.memory_space<vmem>> -> memref<200x32xi32, #tpu.memory_space<vmem>>
          %get3A_715 = arith.index_cast %add3A_702 : i32 to index
          %get3A_716 = arith.constant 16 : index
          %get3A_717 = tpu.vector_load %get3A_714[%get3A_715, %get3A_716] {strides = array<i32>} : memref<200x32xi32, #tpu.memory_space<vmem>>, vector<1x16xi32>,
          %get3A_718 = vector.shape_cast %get3A_717 : vector<1x16xi32> to vector<16xi32>
          %shift_left3A_719 = arith.shli %get3A_710, %broadcast_in_dim3A_210 : vector<16xi32>
          %bitcast_convert_type3A_720 = tpu.bitcast %shift_left3A_719 : vector<16xi32> -> vector<16xf32>
          %add3A_721 = arith.addf %add3A_657, %bitcast_convert_type3A_720 : vector<16xf32>
          %shift_left3A_722 = arith.shli %get3A_718, %broadcast_in_dim3A_210 : vector<16xi32>
          %bitcast_convert_type3A_723 = tpu.bitcast %shift_left3A_722 : vector<16xi32> -> vector<16xf32>
          %add3A_724 = arith.addf %add3A_660, %bitcast_convert_type3A_723 : vector<16xf32>
          %and3A_725 = arith.andi %get3A_710, %broadcast_in_dim3A_208 : vector<16xi32>
          %bitcast_convert_type3A_726 = tpu.bitcast %and3A_725 : vector<16xi32> -> vector<16xf32>
          %add3A_727 = arith.addf %add3A_663, %bitcast_convert_type3A_726 : vector<16xf32>
          %and3A_728 = arith.andi %get3A_718, %broadcast_in_dim3A_208 : vector<16xi32>
          %bitcast_convert_type3A_729 = tpu.bitcast %and3A_728 : vector<16xi32> -> vector<16xf32>
          %add3A_730 = arith.addf %add3A_666, %bitcast_convert_type3A_729 : vector<16xf32>
          %mul3A_731 = arith.constant 25 : i32
          %mul3A_732 = arith.muli %mul3A_731, %scan3A_406 : i32
          %add3A_733 = arith.constant 10 : i32
          %add3A_734 = arith.addi %mul3A_732, %add3A_733 : i32
          %get3A_735 = arith.constant 0 : i32
          %get3A_736 = arith.constant 0 : i32
          %get3A_737 = tpu.memref_slice %arg6[%scan3A_213, %get3A_735, %get3A_736] : memref<4x200x32xi32, #tpu.memory_space<vmem>> -> memref<1x200x32xi32, #tpu.memory_space<vmem>>
          %get3A_738 = tpu.memref_squeeze %get3A_737 : memref<1x200x32xi32, #tpu.memory_space<vmem>> -> memref<200x32xi32, #tpu.memory_space<vmem>>
          %get3A_739 = arith.index_cast %add3A_734 : i32 to index
          %get3A_740 = arith.constant 0 : index
          %get3A_741 = tpu.vector_load %get3A_738[%get3A_739, %get3A_740] {strides = array<i32>} : memref<200x32xi32, #tpu.memory_space<vmem>>, vector<1x16xi32>,
          %get3A_742 = vector.shape_cast %get3A_741 : vector<1x16xi32> to vector<16xi32>
          %get3A_743 = arith.constant 0 : i32
          %get3A_744 = arith.constant 0 : i32
          %get3A_745 = tpu.memref_slice %arg6[%scan3A_213, %get3A_743, %get3A_744] : memref<4x200x32xi32, #tpu.memory_space<vmem>> -> memref<1x200x32xi32, #tpu.memory_space<vmem>>
          %get3A_746 = tpu.memref_squeeze %get3A_745 : memref<1x200x32xi32, #tpu.memory_space<vmem>> -> memref<200x32xi32, #tpu.memory_space<vmem>>
          %get3A_747 = arith.index_cast %add3A_734 : i32 to index
          %get3A_748 = arith.constant 16 : index
          %get3A_749 = tpu.vector_load %get3A_746[%get3A_747, %get3A_748] {strides = array<i32>} : memref<200x32xi32, #tpu.memory_space<vmem>>, vector<1x16xi32>,
          %get3A_750 = vector.shape_cast %get3A_749 : vector<1x16xi32> to vector<16xi32>
          %shift_left3A_751 = arith.shli %get3A_742, %broadcast_in_dim3A_210 : vector<16xi32>
          %bitcast_convert_type3A_752 = tpu.bitcast %shift_left3A_751 : vector<16xi32> -> vector<16xf32>
          %add3A_753 = arith.addf %add3A_689, %bitcast_convert_type3A_752 : vector<16xf32>
          %shift_left3A_754 = arith.shli %get3A_750, %broadcast_in_dim3A_210 : vector<16xi32>
          %bitcast_convert_type3A_755 = tpu.bitcast %shift_left3A_754 : vector<16xi32> -> vector<16xf32>
          %add3A_756 = arith.addf %add3A_692, %bitcast_convert_type3A_755 : vector<16xf32>
          %and3A_757 = arith.andi %get3A_742, %broadcast_in_dim3A_208 : vector<16xi32>
          %bitcast_convert_type3A_758 = tpu.bitcast %and3A_757 : vector<16xi32> -> vector<16xf32>
          %add3A_759 = arith.addf %add3A_695, %bitcast_convert_type3A_758 : vector<16xf32>
          %and3A_760 = arith.andi %get3A_750, %broadcast_in_dim3A_208 : vector<16xi32>
          %bitcast_convert_type3A_761 = tpu.bitcast %and3A_760 : vector<16xi32> -> vector<16xf32>
          %add3A_762 = arith.addf %add3A_698, %bitcast_convert_type3A_761 : vector<16xf32>
          %mul3A_763 = arith.constant 25 : i32
          %mul3A_764 = arith.muli %mul3A_763, %scan3A_406 : i32
          %add3A_765 = arith.constant 11 : i32
          %add3A_766 = arith.addi %mul3A_764, %add3A_765 : i32
          %get3A_767 = arith.constant 0 : i32
          %get3A_768 = arith.constant 0 : i32
          %get3A_769 = tpu.memref_slice %arg6[%scan3A_213, %get3A_767, %get3A_768] : memref<4x200x32xi32, #tpu.memory_space<vmem>> -> memref<1x200x32xi32, #tpu.memory_space<vmem>>
          %get3A_770 = tpu.memref_squeeze %get3A_769 : memref<1x200x32xi32, #tpu.memory_space<vmem>> -> memref<200x32xi32, #tpu.memory_space<vmem>>
          %get3A_771 = arith.index_cast %add3A_766 : i32 to index
          %get3A_772 = arith.constant 0 : index
          %get3A_773 = tpu.vector_load %get3A_770[%get3A_771, %get3A_772] {strides = array<i32>} : memref<200x32xi32, #tpu.memory_space<vmem>>, vector<1x16xi32>,
          %get3A_774 = vector.shape_cast %get3A_773 : vector<1x16xi32> to vector<16xi32>
          %get3A_775 = arith.constant 0 : i32
          %get3A_776 = arith.constant 0 : i32
          %get3A_777 = tpu.memref_slice %arg6[%scan3A_213, %get3A_775, %get3A_776] : memref<4x200x32xi32, #tpu.memory_space<vmem>> -> memref<1x200x32xi32, #tpu.memory_space<vmem>>
          %get3A_778 = tpu.memref_squeeze %get3A_777 : memref<1x200x32xi32, #tpu.memory_space<vmem>> -> memref<200x32xi32, #tpu.memory_space<vmem>>
          %get3A_779 = arith.index_cast %add3A_766 : i32 to index
          %get3A_780 = arith.constant 16 : index
          %get3A_781 = tpu.vector_load %get3A_778[%get3A_779, %get3A_780] {strides = array<i32>} : memref<200x32xi32, #tpu.memory_space<vmem>>, vector<1x16xi32>,
          %get3A_782 = vector.shape_cast %get3A_781 : vector<1x16xi32> to vector<16xi32>
          %shift_left3A_783 = arith.shli %get3A_774, %broadcast_in_dim3A_210 : vector<16xi32>
          %bitcast_convert_type3A_784 = tpu.bitcast %shift_left3A_783 : vector<16xi32> -> vector<16xf32>
          %add3A_785 = arith.addf %add3A_721, %bitcast_convert_type3A_784 : vector<16xf32>
          %shift_left3A_786 = arith.shli %get3A_782, %broadcast_in_dim3A_210 : vector<16xi32>
          %bitcast_convert_type3A_787 = tpu.bitcast %shift_left3A_786 : vector<16xi32> -> vector<16xf32>
          %add3A_788 = arith.addf %add3A_724, %bitcast_convert_type3A_787 : vector<16xf32>
          %and3A_789 = arith.andi %get3A_774, %broadcast_in_dim3A_208 : vector<16xi32>
          %bitcast_convert_type3A_790 = tpu.bitcast %and3A_789 : vector<16xi32> -> vector<16xf32>
          %add3A_791 = arith.addf %add3A_727, %bitcast_convert_type3A_790 : vector<16xf32>
          %and3A_792 = arith.andi %get3A_782, %broadcast_in_dim3A_208 : vector<16xi32>
          %bitcast_convert_type3A_793 = tpu.bitcast %and3A_792 : vector<16xi32> -> vector<16xf32>
          %add3A_794 = arith.addf %add3A_730, %bitcast_convert_type3A_793 : vector<16xf32>
          %mul3A_795 = arith.constant 25 : i32
          %mul3A_796 = arith.muli %mul3A_795, %scan3A_406 : i32
          %add3A_797 = arith.constant 12 : i32
          %add3A_798 = arith.addi %mul3A_796, %add3A_797 : i32
          %get3A_799 = arith.constant 0 : i32
          %get3A_800 = arith.constant 0 : i32
          %get3A_801 = tpu.memref_slice %arg6[%scan3A_213, %get3A_799, %get3A_800] : memref<4x200x32xi32, #tpu.memory_space<vmem>> -> memref<1x200x32xi32, #tpu.memory_space<vmem>>
          %get3A_802 = tpu.memref_squeeze %get3A_801 : memref<1x200x32xi32, #tpu.memory_space<vmem>> -> memref<200x32xi32, #tpu.memory_space<vmem>>
          %get3A_803 = arith.index_cast %add3A_798 : i32 to index
          %get3A_804 = arith.constant 0 : index
          %get3A_805 = tpu.vector_load %get3A_802[%get3A_803, %get3A_804] {strides = array<i32>} : memref<200x32xi32, #tpu.memory_space<vmem>>, vector<1x16xi32>,
          %get3A_806 = vector.shape_cast %get3A_805 : vector<1x16xi32> to vector<16xi32>
          %get3A_807 = arith.constant 0 : i32
          %get3A_808 = arith.constant 0 : i32
          %get3A_809 = tpu.memref_slice %arg6[%scan3A_213, %get3A_807, %get3A_808] : memref<4x200x32xi32, #tpu.memory_space<vmem>> -> memref<1x200x32xi32, #tpu.memory_space<vmem>>
          %get3A_810 = tpu.memref_squeeze %get3A_809 : memref<1x200x32xi32, #tpu.memory_space<vmem>> -> memref<200x32xi32, #tpu.memory_space<vmem>>
          %get3A_811 = arith.index_cast %add3A_798 : i32 to index
          %get3A_812 = arith.constant 16 : index
          %get3A_813 = tpu.vector_load %get3A_810[%get3A_811, %get3A_812] {strides = array<i32>} : memref<200x32xi32, #tpu.memory_space<vmem>>, vector<1x16xi32>,
          %get3A_814 = vector.shape_cast %get3A_813 : vector<1x16xi32> to vector<16xi32>
          %shift_left3A_815 = arith.shli %get3A_806, %broadcast_in_dim3A_210 : vector<16xi32>
          %bitcast_convert_type3A_816 = tpu.bitcast %shift_left3A_815 : vector<16xi32> -> vector<16xf32>
          %add3A_817 = arith.addf %add3A_753, %bitcast_convert_type3A_816 : vector<16xf32>
          %shift_left3A_818 = arith.shli %get3A_814, %broadcast_in_dim3A_210 : vector<16xi32>
          %bitcast_convert_type3A_819 = tpu.bitcast %shift_left3A_818 : vector<16xi32> -> vector<16xf32>
          %add3A_820 = arith.addf %add3A_756, %bitcast_convert_type3A_819 : vector<16xf32>
          %and3A_821 = arith.andi %get3A_806, %broadcast_in_dim3A_208 : vector<16xi32>
          %bitcast_convert_type3A_822 = tpu.bitcast %and3A_821 : vector<16xi32> -> vector<16xf32>
          %add3A_823 = arith.addf %add3A_759, %bitcast_convert_type3A_822 : vector<16xf32>
          %and3A_824 = arith.andi %get3A_814, %broadcast_in_dim3A_208 : vector<16xi32>
          %bitcast_convert_type3A_825 = tpu.bitcast %and3A_824 : vector<16xi32> -> vector<16xf32>
          %add3A_826 = arith.addf %add3A_762, %bitcast_convert_type3A_825 : vector<16xf32>
          %mul3A_827 = arith.constant 25 : i32
          %mul3A_828 = arith.muli %mul3A_827, %scan3A_406 : i32
          %add3A_829 = arith.constant 13 : i32
          %add3A_830 = arith.addi %mul3A_828, %add3A_829 : i32
          %get3A_831 = arith.constant 0 : i32
          %get3A_832 = arith.constant 0 : i32
          %get3A_833 = tpu.memref_slice %arg6[%scan3A_213, %get3A_831, %get3A_832] : memref<4x200x32xi32, #tpu.memory_space<vmem>> -> memref<1x200x32xi32, #tpu.memory_space<vmem>>
          %get3A_834 = tpu.memref_squeeze %get3A_833 : memref<1x200x32xi32, #tpu.memory_space<vmem>> -> memref<200x32xi32, #tpu.memory_space<vmem>>
          %get3A_835 = arith.index_cast %add3A_830 : i32 to index
          %get3A_836 = arith.constant 0 : index
          %get3A_837 = tpu.vector_load %get3A_834[%get3A_835, %get3A_836] {strides = array<i32>} : memref<200x32xi32, #tpu.memory_space<vmem>>, vector<1x16xi32>,
          %get3A_838 = vector.shape_cast %get3A_837 : vector<1x16xi32> to vector<16xi32>
          %get3A_839 = arith.constant 0 : i32
          %get3A_840 = arith.constant 0 : i32
          %get3A_841 = tpu.memref_slice %arg6[%scan3A_213, %get3A_839, %get3A_840] : memref<4x200x32xi32, #tpu.memory_space<vmem>> -> memref<1x200x32xi32, #tpu.memory_space<vmem>>
          %get3A_842 = tpu.memref_squeeze %get3A_841 : memref<1x200x32xi32, #tpu.memory_space<vmem>> -> memref<200x32xi32, #tpu.memory_space<vmem>>
          %get3A_843 = arith.index_cast %add3A_830 : i32 to index
          %get3A_844 = arith.constant 16 : index
          %get3A_845 = tpu.vector_load %get3A_842[%get3A_843, %get3A_844] {strides = array<i32>} : memref<200x32xi32, #tpu.memory_space<vmem>>, vector<1x16xi32>,
          %get3A_846 = vector.shape_cast %get3A_845 : vector<1x16xi32> to vector<16xi32>
          %shift_left3A_847 = arith.shli %get3A_838, %broadcast_in_dim3A_210 : vector<16xi32>
          %bitcast_convert_type3A_848 = tpu.bitcast %shift_left3A_847 : vector<16xi32> -> vector<16xf32>
          %add3A_849 = arith.addf %add3A_785, %bitcast_convert_type3A_848 : vector<16xf32>
          %shift_left3A_850 = arith.shli %get3A_846, %broadcast_in_dim3A_210 : vector<16xi32>
          %bitcast_convert_type3A_851 = tpu.bitcast %shift_left3A_850 : vector<16xi32> -> vector<16xf32>
          %add3A_852 = arith.addf %add3A_788, %bitcast_convert_type3A_851 : vector<16xf32>
          %and3A_853 = arith.andi %get3A_838, %broadcast_in_dim3A_208 : vector<16xi32>
          %bitcast_convert_type3A_854 = tpu.bitcast %and3A_853 : vector<16xi32> -> vector<16xf32>
          %add3A_855 = arith.addf %add3A_791, %bitcast_convert_type3A_854 : vector<16xf32>
          %and3A_856 = arith.andi %get3A_846, %broadcast_in_dim3A_208 : vector<16xi32>
          %bitcast_convert_type3A_857 = tpu.bitcast %and3A_856 : vector<16xi32> -> vector<16xf32>
          %add3A_858 = arith.addf %add3A_794, %bitcast_convert_type3A_857 : vector<16xf32>
          %mul3A_859 = arith.constant 25 : i32
          %mul3A_860 = arith.muli %mul3A_859, %scan3A_406 : i32
          %add3A_861 = arith.constant 14 : i32
          %add3A_862 = arith.addi %mul3A_860, %add3A_861 : i32
          %get3A_863 = arith.constant 0 : i32
          %get3A_864 = arith.constant 0 : i32
          %get3A_865 = tpu.memref_slice %arg6[%scan3A_213, %get3A_863, %get3A_864] : memref<4x200x32xi32, #tpu.memory_space<vmem>> -> memref<1x200x32xi32, #tpu.memory_space<vmem>>
          %get3A_866 = tpu.memref_squeeze %get3A_865 : memref<1x200x32xi32, #tpu.memory_space<vmem>> -> memref<200x32xi32, #tpu.memory_space<vmem>>
          %get3A_867 = arith.index_cast %add3A_862 : i32 to index
          %get3A_868 = arith.constant 0 : index
          %get3A_869 = tpu.vector_load %get3A_866[%get3A_867, %get3A_868] {strides = array<i32>} : memref<200x32xi32, #tpu.memory_space<vmem>>, vector<1x16xi32>,
          %get3A_870 = vector.shape_cast %get3A_869 : vector<1x16xi32> to vector<16xi32>
          %get3A_871 = arith.constant 0 : i32
          %get3A_872 = arith.constant 0 : i32
          %get3A_873 = tpu.memref_slice %arg6[%scan3A_213, %get3A_871, %get3A_872] : memref<4x200x32xi32, #tpu.memory_space<vmem>> -> memref<1x200x32xi32, #tpu.memory_space<vmem>>
          %get3A_874 = tpu.memref_squeeze %get3A_873 : memref<1x200x32xi32, #tpu.memory_space<vmem>> -> memref<200x32xi32, #tpu.memory_space<vmem>>
          %get3A_875 = arith.index_cast %add3A_862 : i32 to index
          %get3A_876 = arith.constant 16 : index
          %get3A_877 = tpu.vector_load %get3A_874[%get3A_875, %get3A_876] {strides = array<i32>} : memref<200x32xi32, #tpu.memory_space<vmem>>, vector<1x16xi32>,
          %get3A_878 = vector.shape_cast %get3A_877 : vector<1x16xi32> to vector<16xi32>
          %shift_left3A_879 = arith.shli %get3A_870, %broadcast_in_dim3A_210 : vector<16xi32>
          %bitcast_convert_type3A_880 = tpu.bitcast %shift_left3A_879 : vector<16xi32> -> vector<16xf32>
          %add3A_881 = arith.addf %add3A_817, %bitcast_convert_type3A_880 : vector<16xf32>
          %shift_left3A_882 = arith.shli %get3A_878, %broadcast_in_dim3A_210 : vector<16xi32>
          %bitcast_convert_type3A_883 = tpu.bitcast %shift_left3A_882 : vector<16xi32> -> vector<16xf32>
          %add3A_884 = arith.addf %add3A_820, %bitcast_convert_type3A_883 : vector<16xf32>
          %and3A_885 = arith.andi %get3A_870, %broadcast_in_dim3A_208 : vector<16xi32>
          %bitcast_convert_type3A_886 = tpu.bitcast %and3A_885 : vector<16xi32> -> vector<16xf32>
          %add3A_887 = arith.addf %add3A_823, %bitcast_convert_type3A_886 : vector<16xf32>
          %and3A_888 = arith.andi %get3A_878, %broadcast_in_dim3A_208 : vector<16xi32>
          %bitcast_convert_type3A_889 = tpu.bitcast %and3A_888 : vector<16xi32> -> vector<16xf32>
          %add3A_890 = arith.addf %add3A_826, %bitcast_convert_type3A_889 : vector<16xf32>
          %mul3A_891 = arith.constant 25 : i32
          %mul3A_892 = arith.muli %mul3A_891, %scan3A_406 : i32
          %add3A_893 = arith.constant 15 : i32
          %add3A_894 = arith.addi %mul3A_892, %add3A_893 : i32
          %get3A_895 = arith.constant 0 : i32
          %get3A_896 = arith.constant 0 : i32
          %get3A_897 = tpu.memref_slice %arg6[%scan3A_213, %get3A_895, %get3A_896] : memref<4x200x32xi32, #tpu.memory_space<vmem>> -> memref<1x200x32xi32, #tpu.memory_space<vmem>>
          %get3A_898 = tpu.memref_squeeze %get3A_897 : memref<1x200x32xi32, #tpu.memory_space<vmem>> -> memref<200x32xi32, #tpu.memory_space<vmem>>
          %get3A_899 = arith.index_cast %add3A_894 : i32 to index
          %get3A_900 = arith.constant 0 : index
          %get3A_901 = tpu.vector_load %get3A_898[%get3A_899, %get3A_900] {strides = array<i32>} : memref<200x32xi32, #tpu.memory_space<vmem>>, vector<1x16xi32>,
          %get3A_902 = vector.shape_cast %get3A_901 : vector<1x16xi32> to vector<16xi32>
          %get3A_903 = arith.constant 0 : i32
          %get3A_904 = arith.constant 0 : i32
          %get3A_905 = tpu.memref_slice %arg6[%scan3A_213, %get3A_903, %get3A_904] : memref<4x200x32xi32, #tpu.memory_space<vmem>> -> memref<1x200x32xi32, #tpu.memory_space<vmem>>
          %get3A_906 = tpu.memref_squeeze %get3A_905 : memref<1x200x32xi32, #tpu.memory_space<vmem>> -> memref<200x32xi32, #tpu.memory_space<vmem>>
          %get3A_907 = arith.index_cast %add3A_894 : i32 to index
          %get3A_908 = arith.constant 16 : index
          %get3A_909 = tpu.vector_load %get3A_906[%get3A_907, %get3A_908] {strides = array<i32>} : memref<200x32xi32, #tpu.memory_space<vmem>>, vector<1x16xi32>,
          %get3A_910 = vector.shape_cast %get3A_909 : vector<1x16xi32> to vector<16xi32>
          %shift_left3A_911 = arith.shli %get3A_902, %broadcast_in_dim3A_210 : vector<16xi32>
          %bitcast_convert_type3A_912 = tpu.bitcast %shift_left3A_911 : vector<16xi32> -> vector<16xf32>
          %add3A_913 = arith.addf %add3A_849, %bitcast_convert_type3A_912 : vector<16xf32>
          %shift_left3A_914 = arith.shli %get3A_910, %broadcast_in_dim3A_210 : vector<16xi32>
          %bitcast_convert_type3A_915 = tpu.bitcast %shift_left3A_914 : vector<16xi32> -> vector<16xf32>
          %add3A_916 = arith.addf %add3A_852, %bitcast_convert_type3A_915 : vector<16xf32>
          %and3A_917 = arith.andi %get3A_902, %broadcast_in_dim3A_208 : vector<16xi32>
          %bitcast_convert_type3A_918 = tpu.bitcast %and3A_917 : vector<16xi32> -> vector<16xf32>
          %add3A_919 = arith.addf %add3A_855, %bitcast_convert_type3A_918 : vector<16xf32>
          %and3A_920 = arith.andi %get3A_910, %broadcast_in_dim3A_208 : vector<16xi32>
          %bitcast_convert_type3A_921 = tpu.bitcast %and3A_920 : vector<16xi32> -> vector<16xf32>
          %add3A_922 = arith.addf %add3A_858, %bitcast_convert_type3A_921 : vector<16xf32>
          %mul3A_923 = arith.constant 25 : i32
          %mul3A_924 = arith.muli %mul3A_923, %scan3A_406 : i32
          %add3A_925 = arith.constant 16 : i32
          %add3A_926 = arith.addi %mul3A_924, %add3A_925 : i32
          %get3A_927 = arith.constant 0 : i32
          %get3A_928 = arith.constant 0 : i32
          %get3A_929 = tpu.memref_slice %arg6[%scan3A_213, %get3A_927, %get3A_928] : memref<4x200x32xi32, #tpu.memory_space<vmem>> -> memref<1x200x32xi32, #tpu.memory_space<vmem>>
          %get3A_930 = tpu.memref_squeeze %get3A_929 : memref<1x200x32xi32, #tpu.memory_space<vmem>> -> memref<200x32xi32, #tpu.memory_space<vmem>>
          %get3A_931 = arith.index_cast %add3A_926 : i32 to index
          %get3A_932 = arith.constant 0 : index
          %get3A_933 = tpu.vector_load %get3A_930[%get3A_931, %get3A_932] {strides = array<i32>} : memref<200x32xi32, #tpu.memory_space<vmem>>, vector<1x16xi32>,
          %get3A_934 = vector.shape_cast %get3A_933 : vector<1x16xi32> to vector<16xi32>
          %get3A_935 = arith.constant 0 : i32
          %get3A_936 = arith.constant 0 : i32
          %get3A_937 = tpu.memref_slice %arg6[%scan3A_213, %get3A_935, %get3A_936] : memref<4x200x32xi32, #tpu.memory_space<vmem>> -> memref<1x200x32xi32, #tpu.memory_space<vmem>>
          %get3A_938 = tpu.memref_squeeze %get3A_937 : memref<1x200x32xi32, #tpu.memory_space<vmem>> -> memref<200x32xi32, #tpu.memory_space<vmem>>
          %get3A_939 = arith.index_cast %add3A_926 : i32 to index
          %get3A_940 = arith.constant 16 : index
          %get3A_941 = tpu.vector_load %get3A_938[%get3A_939, %get3A_940] {strides = array<i32>} : memref<200x32xi32, #tpu.memory_space<vmem>>, vector<1x16xi32>,
          %get3A_942 = vector.shape_cast %get3A_941 : vector<1x16xi32> to vector<16xi32>
          %shift_left3A_943 = arith.shli %get3A_934, %broadcast_in_dim3A_210 : vector<16xi32>
          %bitcast_convert_type3A_944 = tpu.bitcast %shift_left3A_943 : vector<16xi32> -> vector<16xf32>
          %add3A_945 = arith.addf %add3A_881, %bitcast_convert_type3A_944 : vector<16xf32>
          %shift_left3A_946 = arith.shli %get3A_942, %broadcast_in_dim3A_210 : vector<16xi32>
          %bitcast_convert_type3A_947 = tpu.bitcast %shift_left3A_946 : vector<16xi32> -> vector<16xf32>
          %add3A_948 = arith.addf %add3A_884, %bitcast_convert_type3A_947 : vector<16xf32>
          %and3A_949 = arith.andi %get3A_934, %broadcast_in_dim3A_208 : vector<16xi32>
          %bitcast_convert_type3A_950 = tpu.bitcast %and3A_949 : vector<16xi32> -> vector<16xf32>
          %add3A_951 = arith.addf %add3A_887, %bitcast_convert_type3A_950 : vector<16xf32>
          %and3A_952 = arith.andi %get3A_942, %broadcast_in_dim3A_208 : vector<16xi32>
          %bitcast_convert_type3A_953 = tpu.bitcast %and3A_952 : vector<16xi32> -> vector<16xf32>
          %add3A_954 = arith.addf %add3A_890, %bitcast_convert_type3A_953 : vector<16xf32>
          %mul3A_955 = arith.constant 25 : i32
          %mul3A_956 = arith.muli %mul3A_955, %scan3A_406 : i32
          %add3A_957 = arith.constant 17 : i32
          %add3A_958 = arith.addi %mul3A_956, %add3A_957 : i32
          %get3A_959 = arith.constant 0 : i32
          %get3A_960 = arith.constant 0 : i32
          %get3A_961 = tpu.memref_slice %arg6[%scan3A_213, %get3A_959, %get3A_960] : memref<4x200x32xi32, #tpu.memory_space<vmem>> -> memref<1x200x32xi32, #tpu.memory_space<vmem>>
          %get3A_962 = tpu.memref_squeeze %get3A_961 : memref<1x200x32xi32, #tpu.memory_space<vmem>> -> memref<200x32xi32, #tpu.memory_space<vmem>>
          %get3A_963 = arith.index_cast %add3A_958 : i32 to index
          %get3A_964 = arith.constant 0 : index
          %get3A_965 = tpu.vector_load %get3A_962[%get3A_963, %get3A_964] {strides = array<i32>} : memref<200x32xi32, #tpu.memory_space<vmem>>, vector<1x16xi32>,
          %get3A_966 = vector.shape_cast %get3A_965 : vector<1x16xi32> to vector<16xi32>
          %get3A_967 = arith.constant 0 : i32
          %get3A_968 = arith.constant 0 : i32
          %get3A_969 = tpu.memref_slice %arg6[%scan3A_213, %get3A_967, %get3A_968] : memref<4x200x32xi32, #tpu.memory_space<vmem>> -> memref<1x200x32xi32, #tpu.memory_space<vmem>>
          %get3A_970 = tpu.memref_squeeze %get3A_969 : memref<1x200x32xi32, #tpu.memory_space<vmem>> -> memref<200x32xi32, #tpu.memory_space<vmem>>
          %get3A_971 = arith.index_cast %add3A_958 : i32 to index
          %get3A_972 = arith.constant 16 : index
          %get3A_973 = tpu.vector_load %get3A_970[%get3A_971, %get3A_972] {strides = array<i32>} : memref<200x32xi32, #tpu.memory_space<vmem>>, vector<1x16xi32>,
          %get3A_974 = vector.shape_cast %get3A_973 : vector<1x16xi32> to vector<16xi32>
          %shift_left3A_975 = arith.shli %get3A_966, %broadcast_in_dim3A_210 : vector<16xi32>
          %bitcast_convert_type3A_976 = tpu.bitcast %shift_left3A_975 : vector<16xi32> -> vector<16xf32>
          %add3A_977 = arith.addf %add3A_913, %bitcast_convert_type3A_976 : vector<16xf32>
          %shift_left3A_978 = arith.shli %get3A_974, %broadcast_in_dim3A_210 : vector<16xi32>
          %bitcast_convert_type3A_979 = tpu.bitcast %shift_left3A_978 : vector<16xi32> -> vector<16xf32>
          %add3A_980 = arith.addf %add3A_916, %bitcast_convert_type3A_979 : vector<16xf32>
          %and3A_981 = arith.andi %get3A_966, %broadcast_in_dim3A_208 : vector<16xi32>
          %bitcast_convert_type3A_982 = tpu.bitcast %and3A_981 : vector<16xi32> -> vector<16xf32>
          %add3A_983 = arith.addf %add3A_919, %bitcast_convert_type3A_982 : vector<16xf32>
          %and3A_984 = arith.andi %get3A_974, %broadcast_in_dim3A_208 : vector<16xi32>
          %bitcast_convert_type3A_985 = tpu.bitcast %and3A_984 : vector<16xi32> -> vector<16xf32>
          %add3A_986 = arith.addf %add3A_922, %bitcast_convert_type3A_985 : vector<16xf32>
          %mul3A_987 = arith.constant 25 : i32
          %mul3A_988 = arith.muli %mul3A_987, %scan3A_406 : i32
          %add3A_989 = arith.constant 18 : i32
          %add3A_990 = arith.addi %mul3A_988, %add3A_989 : i32
          %get3A_991 = arith.constant 0 : i32
          %get3A_992 = arith.constant 0 : i32
          %get3A_993 = tpu.memref_slice %arg6[%scan3A_213, %get3A_991, %get3A_992] : memref<4x200x32xi32, #tpu.memory_space<vmem>> -> memref<1x200x32xi32, #tpu.memory_space<vmem>>
          %get3A_994 = tpu.memref_squeeze %get3A_993 : memref<1x200x32xi32, #tpu.memory_space<vmem>> -> memref<200x32xi32, #tpu.memory_space<vmem>>
          %get3A_995 = arith.index_cast %add3A_990 : i32 to index
          %get3A_996 = arith.constant 0 : index
          %get3A_997 = tpu.vector_load %get3A_994[%get3A_995, %get3A_996] {strides = array<i32>} : memref<200x32xi32, #tpu.memory_space<vmem>>, vector<1x16xi32>,
          %get3A_998 = vector.shape_cast %get3A_997 : vector<1x16xi32> to vector<16xi32>
          %get3A_999 = arith.constant 0 : i32
          %get3A_1000 = arith.constant 0 : i32
          %get3A_1001 = tpu.memref_slice %arg6[%scan3A_213, %get3A_999, %get3A_1000] : memref<4x200x32xi32, #tpu.memory_space<vmem>> -> memref<1x200x32xi32, #tpu.memory_space<vmem>>
          %get3A_1002 = tpu.memref_squeeze %get3A_1001 : memref<1x200x32xi32, #tpu.memory_space<vmem>> -> memref<200x32xi32, #tpu.memory_space<vmem>>
          %get3A_1003 = arith.index_cast %add3A_990 : i32 to index
          %get3A_1004 = arith.constant 16 : index
          %get3A_1005 = tpu.vector_load %get3A_1002[%get3A_1003, %get3A_1004] {strides = array<i32>} : memref<200x32xi32, #tpu.memory_space<vmem>>, vector<1x16xi32>,
          %get3A_1006 = vector.shape_cast %get3A_1005 : vector<1x16xi32> to vector<16xi32>
          %shift_left3A_1007 = arith.shli %get3A_998, %broadcast_in_dim3A_210 : vector<16xi32>
          %bitcast_convert_type3A_1008 = tpu.bitcast %shift_left3A_1007 : vector<16xi32> -> vector<16xf32>
          %add3A_1009 = arith.addf %add3A_945, %bitcast_convert_type3A_1008 : vector<16xf32>
          %shift_left3A_1010 = arith.shli %get3A_1006, %broadcast_in_dim3A_210 : vector<16xi32>
          %bitcast_convert_type3A_1011 = tpu.bitcast %shift_left3A_1010 : vector<16xi32> -> vector<16xf32>
          %add3A_1012 = arith.addf %add3A_948, %bitcast_convert_type3A_1011 : vector<16xf32>
          %and3A_1013 = arith.andi %get3A_998, %broadcast_in_dim3A_208 : vector<16xi32>
          %bitcast_convert_type3A_1014 = tpu.bitcast %and3A_1013 : vector<16xi32> -> vector<16xf32>
          %add3A_1015 = arith.addf %add3A_951, %bitcast_convert_type3A_1014 : vector<16xf32>
          %and3A_1016 = arith.andi %get3A_1006, %broadcast_in_dim3A_208 : vector<16xi32>
          %bitcast_convert_type3A_1017 = tpu.bitcast %and3A_1016 : vector<16xi32> -> vector<16xf32>
          %add3A_1018 = arith.addf %add3A_954, %bitcast_convert_type3A_1017 : vector<16xf32>
          %mul3A_1019 = arith.constant 25 : i32
          %mul3A_1020 = arith.muli %mul3A_1019, %scan3A_406 : i32
          %add3A_1021 = arith.constant 19 : i32
          %add3A_1022 = arith.addi %mul3A_1020, %add3A_1021 : i32
          %get3A_1023 = arith.constant 0 : i32
          %get3A_1024 = arith.constant 0 : i32
          %get3A_1025 = tpu.memref_slice %arg6[%scan3A_213, %get3A_1023, %get3A_1024] : memref<4x200x32xi32, #tpu.memory_space<vmem>> -> memref<1x200x32xi32, #tpu.memory_space<vmem>>
          %get3A_1026 = tpu.memref_squeeze %get3A_1025 : memref<1x200x32xi32, #tpu.memory_space<vmem>> -> memref<200x32xi32, #tpu.memory_space<vmem>>
          %get3A_1027 = arith.index_cast %add3A_1022 : i32 to index
          %get3A_1028 = arith.constant 0 : index
          %get3A_1029 = tpu.vector_load %get3A_1026[%get3A_1027, %get3A_1028] {strides = array<i32>} : memref<200x32xi32, #tpu.memory_space<vmem>>, vector<1x16xi32>,
          %get3A_1030 = vector.shape_cast %get3A_1029 : vector<1x16xi32> to vector<16xi32>
          %get3A_1031 = arith.constant 0 : i32
          %get3A_1032 = arith.constant 0 : i32
          %get3A_1033 = tpu.memref_slice %arg6[%scan3A_213, %get3A_1031, %get3A_1032] : memref<4x200x32xi32, #tpu.memory_space<vmem>> -> memref<1x200x32xi32, #tpu.memory_space<vmem>>
          %get3A_1034 = tpu.memref_squeeze %get3A_1033 : memref<1x200x32xi32, #tpu.memory_space<vmem>> -> memref<200x32xi32, #tpu.memory_space<vmem>>
          %get3A_1035 = arith.index_cast %add3A_1022 : i32 to index
          %get3A_1036 = arith.constant 16 : index
          %get3A_1037 = tpu.vector_load %get3A_1034[%get3A_1035, %get3A_1036] {strides = array<i32>} : memref<200x32xi32, #tpu.memory_space<vmem>>, vector<1x16xi32>,
          %get3A_1038 = vector.shape_cast %get3A_1037 : vector<1x16xi32> to vector<16xi32>
          %shift_left3A_1039 = arith.shli %get3A_1030, %broadcast_in_dim3A_210 : vector<16xi32>
          %bitcast_convert_type3A_1040 = tpu.bitcast %shift_left3A_1039 : vector<16xi32> -> vector<16xf32>
          %add3A_1041 = arith.addf %add3A_977, %bitcast_convert_type3A_1040 : vector<16xf32>
          %shift_left3A_1042 = arith.shli %get3A_1038, %broadcast_in_dim3A_210 : vector<16xi32>
          %bitcast_convert_type3A_1043 = tpu.bitcast %shift_left3A_1042 : vector<16xi32> -> vector<16xf32>
          %add3A_1044 = arith.addf %add3A_980, %bitcast_convert_type3A_1043 : vector<16xf32>
          %and3A_1045 = arith.andi %get3A_1030, %broadcast_in_dim3A_208 : vector<16xi32>
          %bitcast_convert_type3A_1046 = tpu.bitcast %and3A_1045 : vector<16xi32> -> vector<16xf32>
          %add3A_1047 = arith.addf %add3A_983, %bitcast_convert_type3A_1046 : vector<16xf32>
          %and3A_1048 = arith.andi %get3A_1038, %broadcast_in_dim3A_208 : vector<16xi32>
          %bitcast_convert_type3A_1049 = tpu.bitcast %and3A_1048 : vector<16xi32> -> vector<16xf32>
          %add3A_1050 = arith.addf %add3A_986, %bitcast_convert_type3A_1049 : vector<16xf32>
          %mul3A_1051 = arith.constant 25 : i32
          %mul3A_1052 = arith.muli %mul3A_1051, %scan3A_406 : i32
          %add3A_1053 = arith.constant 20 : i32
          %add3A_1054 = arith.addi %mul3A_1052, %add3A_1053 : i32
          %get3A_1055 = arith.constant 0 : i32
          %get3A_1056 = arith.constant 0 : i32
          %get3A_1057 = tpu.memref_slice %arg6[%scan3A_213, %get3A_1055, %get3A_1056] : memref<4x200x32xi32, #tpu.memory_space<vmem>> -> memref<1x200x32xi32, #tpu.memory_space<vmem>>
          %get3A_1058 = tpu.memref_squeeze %get3A_1057 : memref<1x200x32xi32, #tpu.memory_space<vmem>> -> memref<200x32xi32, #tpu.memory_space<vmem>>
          %get3A_1059 = arith.index_cast %add3A_1054 : i32 to index
          %get3A_1060 = arith.constant 0 : index
          %get3A_1061 = tpu.vector_load %get3A_1058[%get3A_1059, %get3A_1060] {strides = array<i32>} : memref<200x32xi32, #tpu.memory_space<vmem>>, vector<1x16xi32>,
          %get3A_1062 = vector.shape_cast %get3A_1061 : vector<1x16xi32> to vector<16xi32>
          %get3A_1063 = arith.constant 0 : i32
          %get3A_1064 = arith.constant 0 : i32
          %get3A_1065 = tpu.memref_slice %arg6[%scan3A_213, %get3A_1063, %get3A_1064] : memref<4x200x32xi32, #tpu.memory_space<vmem>> -> memref<1x200x32xi32, #tpu.memory_space<vmem>>
          %get3A_1066 = tpu.memref_squeeze %get3A_1065 : memref<1x200x32xi32, #tpu.memory_space<vmem>> -> memref<200x32xi32, #tpu.memory_space<vmem>>
          %get3A_1067 = arith.index_cast %add3A_1054 : i32 to index
          %get3A_1068 = arith.constant 16 : index
          %get3A_1069 = tpu.vector_load %get3A_1066[%get3A_1067, %get3A_1068] {strides = array<i32>} : memref<200x32xi32, #tpu.memory_space<vmem>>, vector<1x16xi32>,
          %get3A_1070 = vector.shape_cast %get3A_1069 : vector<1x16xi32> to vector<16xi32>
          %shift_left3A_1071 = arith.shli %get3A_1062, %broadcast_in_dim3A_210 : vector<16xi32>
          %bitcast_convert_type3A_1072 = tpu.bitcast %shift_left3A_1071 : vector<16xi32> -> vector<16xf32>
          %add3A_1073 = arith.addf %add3A_1009, %bitcast_convert_type3A_1072 : vector<16xf32>
          %shift_left3A_1074 = arith.shli %get3A_1070, %broadcast_in_dim3A_210 : vector<16xi32>
          %bitcast_convert_type3A_1075 = tpu.bitcast %shift_left3A_1074 : vector<16xi32> -> vector<16xf32>
          %add3A_1076 = arith.addf %add3A_1012, %bitcast_convert_type3A_1075 : vector<16xf32>
          %and3A_1077 = arith.andi %get3A_1062, %broadcast_in_dim3A_208 : vector<16xi32>
          %bitcast_convert_type3A_1078 = tpu.bitcast %and3A_1077 : vector<16xi32> -> vector<16xf32>
          %add3A_1079 = arith.addf %add3A_1015, %bitcast_convert_type3A_1078 : vector<16xf32>
          %and3A_1080 = arith.andi %get3A_1070, %broadcast_in_dim3A_208 : vector<16xi32>
          %bitcast_convert_type3A_1081 = tpu.bitcast %and3A_1080 : vector<16xi32> -> vector<16xf32>
          %add3A_1082 = arith.addf %add3A_1018, %bitcast_convert_type3A_1081 : vector<16xf32>
          %mul3A_1083 = arith.constant 25 : i32
          %mul3A_1084 = arith.muli %mul3A_1083, %scan3A_406 : i32
          %add3A_1085 = arith.constant 21 : i32
          %add3A_1086 = arith.addi %mul3A_1084, %add3A_1085 : i32
          %get3A_1087 = arith.constant 0 : i32
          %get3A_1088 = arith.constant 0 : i32
          %get3A_1089 = tpu.memref_slice %arg6[%scan3A_213, %get3A_1087, %get3A_1088] : memref<4x200x32xi32, #tpu.memory_space<vmem>> -> memref<1x200x32xi32, #tpu.memory_space<vmem>>
          %get3A_1090 = tpu.memref_squeeze %get3A_1089 : memref<1x200x32xi32, #tpu.memory_space<vmem>> -> memref<200x32xi32, #tpu.memory_space<vmem>>
          %get3A_1091 = arith.index_cast %add3A_1086 : i32 to index
          %get3A_1092 = arith.constant 0 : index
          %get3A_1093 = tpu.vector_load %get3A_1090[%get3A_1091, %get3A_1092] {strides = array<i32>} : memref<200x32xi32, #tpu.memory_space<vmem>>, vector<1x16xi32>,
          %get3A_1094 = vector.shape_cast %get3A_1093 : vector<1x16xi32> to vector<16xi32>
          %get3A_1095 = arith.constant 0 : i32
          %get3A_1096 = arith.constant 0 : i32
          %get3A_1097 = tpu.memref_slice %arg6[%scan3A_213, %get3A_1095, %get3A_1096] : memref<4x200x32xi32, #tpu.memory_space<vmem>> -> memref<1x200x32xi32, #tpu.memory_space<vmem>>
          %get3A_1098 = tpu.memref_squeeze %get3A_1097 : memref<1x200x32xi32, #tpu.memory_space<vmem>> -> memref<200x32xi32, #tpu.memory_space<vmem>>
          %get3A_1099 = arith.index_cast %add3A_1086 : i32 to index
          %get3A_1100 = arith.constant 16 : index
          %get3A_1101 = tpu.vector_load %get3A_1098[%get3A_1099, %get3A_1100] {strides = array<i32>} : memref<200x32xi32, #tpu.memory_space<vmem>>, vector<1x16xi32>,
          %get3A_1102 = vector.shape_cast %get3A_1101 : vector<1x16xi32> to vector<16xi32>
          %shift_left3A_1103 = arith.shli %get3A_1094, %broadcast_in_dim3A_210 : vector<16xi32>
          %bitcast_convert_type3A_1104 = tpu.bitcast %shift_left3A_1103 : vector<16xi32> -> vector<16xf32>
          %add3A_1105 = arith.addf %add3A_1041, %bitcast_convert_type3A_1104 : vector<16xf32>
          %shift_left3A_1106 = arith.shli %get3A_1102, %broadcast_in_dim3A_210 : vector<16xi32>
          %bitcast_convert_type3A_1107 = tpu.bitcast %shift_left3A_1106 : vector<16xi32> -> vector<16xf32>
          %add3A_1108 = arith.addf %add3A_1044, %bitcast_convert_type3A_1107 : vector<16xf32>
          %and3A_1109 = arith.andi %get3A_1094, %broadcast_in_dim3A_208 : vector<16xi32>
          %bitcast_convert_type3A_1110 = tpu.bitcast %and3A_1109 : vector<16xi32> -> vector<16xf32>
          %add3A_1111 = arith.addf %add3A_1047, %bitcast_convert_type3A_1110 : vector<16xf32>
          %and3A_1112 = arith.andi %get3A_1102, %broadcast_in_dim3A_208 : vector<16xi32>
          %bitcast_convert_type3A_1113 = tpu.bitcast %and3A_1112 : vector<16xi32> -> vector<16xf32>
          %add3A_1114 = arith.addf %add3A_1050, %bitcast_convert_type3A_1113 : vector<16xf32>
          %mul3A_1115 = arith.constant 25 : i32
          %mul3A_1116 = arith.muli %mul3A_1115, %scan3A_406 : i32
          %add3A_1117 = arith.constant 22 : i32
          %add3A_1118 = arith.addi %mul3A_1116, %add3A_1117 : i32
          %get3A_1119 = arith.constant 0 : i32
          %get3A_1120 = arith.constant 0 : i32
          %get3A_1121 = tpu.memref_slice %arg6[%scan3A_213, %get3A_1119, %get3A_1120] : memref<4x200x32xi32, #tpu.memory_space<vmem>> -> memref<1x200x32xi32, #tpu.memory_space<vmem>>
          %get3A_1122 = tpu.memref_squeeze %get3A_1121 : memref<1x200x32xi32, #tpu.memory_space<vmem>> -> memref<200x32xi32, #tpu.memory_space<vmem>>
          %get3A_1123 = arith.index_cast %add3A_1118 : i32 to index
          %get3A_1124 = arith.constant 0 : index
          %get3A_1125 = tpu.vector_load %get3A_1122[%get3A_1123, %get3A_1124] {strides = array<i32>} : memref<200x32xi32, #tpu.memory_space<vmem>>, vector<1x16xi32>,
          %get3A_1126 = vector.shape_cast %get3A_1125 : vector<1x16xi32> to vector<16xi32>
          %get3A_1127 = arith.constant 0 : i32
          %get3A_1128 = arith.constant 0 : i32
          %get3A_1129 = tpu.memref_slice %arg6[%scan3A_213, %get3A_1127, %get3A_1128] : memref<4x200x32xi32, #tpu.memory_space<vmem>> -> memref<1x200x32xi32, #tpu.memory_space<vmem>>
          %get3A_1130 = tpu.memref_squeeze %get3A_1129 : memref<1x200x32xi32, #tpu.memory_space<vmem>> -> memref<200x32xi32, #tpu.memory_space<vmem>>
          %get3A_1131 = arith.index_cast %add3A_1118 : i32 to index
          %get3A_1132 = arith.constant 16 : index
          %get3A_1133 = tpu.vector_load %get3A_1130[%get3A_1131, %get3A_1132] {strides = array<i32>} : memref<200x32xi32, #tpu.memory_space<vmem>>, vector<1x16xi32>,
          %get3A_1134 = vector.shape_cast %get3A_1133 : vector<1x16xi32> to vector<16xi32>
          %shift_left3A_1135 = arith.shli %get3A_1126, %broadcast_in_dim3A_210 : vector<16xi32>
          %bitcast_convert_type3A_1136 = tpu.bitcast %shift_left3A_1135 : vector<16xi32> -> vector<16xf32>
          %add3A_1137 = arith.addf %add3A_1073, %bitcast_convert_type3A_1136 : vector<16xf32>
          %shift_left3A_1138 = arith.shli %get3A_1134, %broadcast_in_dim3A_210 : vector<16xi32>
          %bitcast_convert_type3A_1139 = tpu.bitcast %shift_left3A_1138 : vector<16xi32> -> vector<16xf32>
          %add3A_1140 = arith.addf %add3A_1076, %bitcast_convert_type3A_1139 : vector<16xf32>
          %and3A_1141 = arith.andi %get3A_1126, %broadcast_in_dim3A_208 : vector<16xi32>
          %bitcast_convert_type3A_1142 = tpu.bitcast %and3A_1141 : vector<16xi32> -> vector<16xf32>
          %add3A_1143 = arith.addf %add3A_1079, %bitcast_convert_type3A_1142 : vector<16xf32>
          %and3A_1144 = arith.andi %get3A_1134, %broadcast_in_dim3A_208 : vector<16xi32>
          %bitcast_convert_type3A_1145 = tpu.bitcast %and3A_1144 : vector<16xi32> -> vector<16xf32>
          %add3A_1146 = arith.addf %add3A_1082, %bitcast_convert_type3A_1145 : vector<16xf32>
          %mul3A_1147 = arith.constant 25 : i32
          %mul3A_1148 = arith.muli %mul3A_1147, %scan3A_406 : i32
          %add3A_1149 = arith.constant 23 : i32
          %add3A_1150 = arith.addi %mul3A_1148, %add3A_1149 : i32
          %get3A_1151 = arith.constant 0 : i32
          %get3A_1152 = arith.constant 0 : i32
          %get3A_1153 = tpu.memref_slice %arg6[%scan3A_213, %get3A_1151, %get3A_1152] : memref<4x200x32xi32, #tpu.memory_space<vmem>> -> memref<1x200x32xi32, #tpu.memory_space<vmem>>
          %get3A_1154 = tpu.memref_squeeze %get3A_1153 : memref<1x200x32xi32, #tpu.memory_space<vmem>> -> memref<200x32xi32, #tpu.memory_space<vmem>>
          %get3A_1155 = arith.index_cast %add3A_1150 : i32 to index
          %get3A_1156 = arith.constant 0 : index
          %get3A_1157 = tpu.vector_load %get3A_1154[%get3A_1155, %get3A_1156] {strides = array<i32>} : memref<200x32xi32, #tpu.memory_space<vmem>>, vector<1x16xi32>,
          %get3A_1158 = vector.shape_cast %get3A_1157 : vector<1x16xi32> to vector<16xi32>
          %get3A_1159 = arith.constant 0 : i32
          %get3A_1160 = arith.constant 0 : i32
          %get3A_1161 = tpu.memref_slice %arg6[%scan3A_213, %get3A_1159, %get3A_1160] : memref<4x200x32xi32, #tpu.memory_space<vmem>> -> memref<1x200x32xi32, #tpu.memory_space<vmem>>
          %get3A_1162 = tpu.memref_squeeze %get3A_1161 : memref<1x200x32xi32, #tpu.memory_space<vmem>> -> memref<200x32xi32, #tpu.memory_space<vmem>>
          %get3A_1163 = arith.index_cast %add3A_1150 : i32 to index
          %get3A_1164 = arith.constant 16 : index
          %get3A_1165 = tpu.vector_load %get3A_1162[%get3A_1163, %get3A_1164] {strides = array<i32>} : memref<200x32xi32, #tpu.memory_space<vmem>>, vector<1x16xi32>,
          %get3A_1166 = vector.shape_cast %get3A_1165 : vector<1x16xi32> to vector<16xi32>
          %shift_left3A_1167 = arith.shli %get3A_1158, %broadcast_in_dim3A_210 : vector<16xi32>
          %bitcast_convert_type3A_1168 = tpu.bitcast %shift_left3A_1167 : vector<16xi32> -> vector<16xf32>
          %add3A_1169 = arith.addf %add3A_1105, %bitcast_convert_type3A_1168 : vector<16xf32>
          %shift_left3A_1170 = arith.shli %get3A_1166, %broadcast_in_dim3A_210 : vector<16xi32>
          %bitcast_convert_type3A_1171 = tpu.bitcast %shift_left3A_1170 : vector<16xi32> -> vector<16xf32>
          %add3A_1172 = arith.addf %add3A_1108, %bitcast_convert_type3A_1171 : vector<16xf32>
          %and3A_1173 = arith.andi %get3A_1158, %broadcast_in_dim3A_208 : vector<16xi32>
          %bitcast_convert_type3A_1174 = tpu.bitcast %and3A_1173 : vector<16xi32> -> vector<16xf32>
          %add3A_1175 = arith.addf %add3A_1111, %bitcast_convert_type3A_1174 : vector<16xf32>
          %and3A_1176 = arith.andi %get3A_1166, %broadcast_in_dim3A_208 : vector<16xi32>
          %bitcast_convert_type3A_1177 = tpu.bitcast %and3A_1176 : vector<16xi32> -> vector<16xf32>
          %add3A_1178 = arith.addf %add3A_1114, %bitcast_convert_type3A_1177 : vector<16xf32>
          %mul3A_1179 = arith.constant 25 : i32
          %mul3A_1180 = arith.muli %mul3A_1179, %scan3A_406 : i32
          %add3A_1181 = arith.constant 24 : i32
          %add3A_1182 = arith.addi %mul3A_1180, %add3A_1181 : i32
          %get3A_1183 = arith.constant 0 : i32
          %get3A_1184 = arith.constant 0 : i32
          %get3A_1185 = tpu.memref_slice %arg6[%scan3A_213, %get3A_1183, %get3A_1184] : memref<4x200x32xi32, #tpu.memory_space<vmem>> -> memref<1x200x32xi32, #tpu.memory_space<vmem>>
          %get3A_1186 = tpu.memref_squeeze %get3A_1185 : memref<1x200x32xi32, #tpu.memory_space<vmem>> -> memref<200x32xi32, #tpu.memory_space<vmem>>
          %get3A_1187 = arith.index_cast %add3A_1182 : i32 to index
          %get3A_1188 = arith.constant 0 : index
          %get3A_1189 = tpu.vector_load %get3A_1186[%get3A_1187, %get3A_1188] {strides = array<i32>} : memref<200x32xi32, #tpu.memory_space<vmem>>, vector<1x16xi32>,
          %get3A_1190 = vector.shape_cast %get3A_1189 : vector<1x16xi32> to vector<16xi32>
          %get3A_1191 = arith.constant 0 : i32
          %get3A_1192 = arith.constant 0 : i32
          %get3A_1193 = tpu.memref_slice %arg6[%scan3A_213, %get3A_1191, %get3A_1192] : memref<4x200x32xi32, #tpu.memory_space<vmem>> -> memref<1x200x32xi32, #tpu.memory_space<vmem>>
          %get3A_1194 = tpu.memref_squeeze %get3A_1193 : memref<1x200x32xi32, #tpu.memory_space<vmem>> -> memref<200x32xi32, #tpu.memory_space<vmem>>
          %get3A_1195 = arith.index_cast %add3A_1182 : i32 to index
          %get3A_1196 = arith.constant 16 : index
          %get3A_1197 = tpu.vector_load %get3A_1194[%get3A_1195, %get3A_1196] {strides = array<i32>} : memref<200x32xi32, #tpu.memory_space<vmem>>, vector<1x16xi32>,
          %get3A_1198 = vector.shape_cast %get3A_1197 : vector<1x16xi32> to vector<16xi32>
          %shift_left3A_1199 = arith.shli %get3A_1190, %broadcast_in_dim3A_210 : vector<16xi32>
          %bitcast_convert_type3A_1200 = tpu.bitcast %shift_left3A_1199 : vector<16xi32> -> vector<16xf32>
          %add3A_1201 = arith.addf %add3A_1137, %bitcast_convert_type3A_1200 : vector<16xf32>
          %shift_left3A_1202 = arith.shli %get3A_1198, %broadcast_in_dim3A_210 : vector<16xi32>
          %bitcast_convert_type3A_1203 = tpu.bitcast %shift_left3A_1202 : vector<16xi32> -> vector<16xf32>
          %add3A_1204 = arith.addf %add3A_1140, %bitcast_convert_type3A_1203 : vector<16xf32>
          %and3A_1205 = arith.andi %get3A_1190, %broadcast_in_dim3A_208 : vector<16xi32>
          %bitcast_convert_type3A_1206 = tpu.bitcast %and3A_1205 : vector<16xi32> -> vector<16xf32>
          %add3A_1207 = arith.addf %add3A_1143, %bitcast_convert_type3A_1206 : vector<16xf32>
          %and3A_1208 = arith.andi %get3A_1198, %broadcast_in_dim3A_208 : vector<16xi32>
          %bitcast_convert_type3A_1209 = tpu.bitcast %and3A_1208 : vector<16xi32> -> vector<16xf32>
          %add3A_1210 = arith.addf %add3A_1146, %bitcast_convert_type3A_1209 : vector<16xf32>
          scf.yield %add3A_1201, %add3A_1204, %add3A_1207, %add3A_1210, %add3A_1169, %add3A_1172, %add3A_1175, %add3A_1178 : vector<16xf32>, vector<16xf32>, vector<16xf32>, vector<16xf32>, vector<16xf32>, vector<16xf32>, vector<16xf32>, vector<16xf32>
        }
        %scan3A_219 = arith.constant 8 : i32
        %add3A_220 = arith.addf %scan3A_218#0, %scan3A_218#4 : vector<16xf32>
        %mul3A_221 = arith.constant 5.000000e-03 : f32
        %mul3A_222 = vector.broadcast %mul3A_221 : f32 to vector<16xf32>
        %mul3A_223 = arith.mulf %add3A_220, %mul3A_222 : vector<16xf32>
        %swap3A_224 = arith.index_cast %add3A_206 : i32 to index
        %swap3A_225 = arith.constant 0 : index
        %swap3A_226 = tpu.vector_load %arg7[%swap3A_224, %swap3A_225] {strides = array<i32>} : memref<64x64xf32, #tpu.memory_space<vmem>>, vector<1x16xf32>,
        %swap3A_227 = vector.shape_cast %swap3A_226 : vector<1x16xf32> to vector<16xf32>
        %swap3A_228 = vector.shape_cast %mul3A_223 : vector<16xf32> to vector<1x16xf32>
        tpu.vector_store %arg7[%swap3A_224, %swap3A_225], %swap3A_228 {strides = array<i32>} : memref<64x64xf32, #tpu.memory_space<vmem>>, vector<1x16xf32>,
        %add3A_229 = arith.addf %scan3A_218#1, %scan3A_218#5 : vector<16xf32>
        %mul3A_230 = arith.constant 5.000000e-03 : f32
        %mul3A_231 = vector.broadcast %mul3A_230 : f32 to vector<16xf32>
        %mul3A_232 = arith.mulf %add3A_229, %mul3A_231 : vector<16xf32>
        %swap3A_233 = arith.index_cast %add3A_206 : i32 to index
        %swap3A_234 = arith.constant 16 : index
        %swap3A_235 = tpu.vector_load %arg7[%swap3A_233, %swap3A_234] {strides = array<i32>} : memref<64x64xf32, #tpu.memory_space<vmem>>, vector<1x16xf32>,
        %swap3A_236 = vector.shape_cast %swap3A_235 : vector<1x16xf32> to vector<16xf32>
        %swap3A_237 = vector.shape_cast %mul3A_232 : vector<16xf32> to vector<1x16xf32>
        tpu.vector_store %arg7[%swap3A_233, %swap3A_234], %swap3A_237 {strides = array<i32>} : memref<64x64xf32, #tpu.memory_space<vmem>>, vector<1x16xf32>,
        %add3A_238 = arith.addf %scan3A_218#2, %scan3A_218#6 : vector<16xf32>
        %mul3A_239 = arith.constant 5.000000e-03 : f32
        %mul3A_240 = vector.broadcast %mul3A_239 : f32 to vector<16xf32>
        %mul3A_241 = arith.mulf %add3A_238, %mul3A_240 : vector<16xf32>
        %swap3A_242 = arith.index_cast %add3A_206 : i32 to index
        %swap3A_243 = arith.constant 32 : index
        %swap3A_244 = tpu.vector_load %arg7[%swap3A_242, %swap3A_243] {strides = array<i32>} : memref<64x64xf32, #tpu.memory_space<vmem>>, vector<1x16xf32>,
        %swap3A_245 = vector.shape_cast %swap3A_244 : vector<1x16xf32> to vector<16xf32>
        %swap3A_246 = vector.shape_cast %mul3A_241 : vector<16xf32> to vector<1x16xf32>
        tpu.vector_store %arg7[%swap3A_242, %swap3A_243], %swap3A_246 {strides = array<i32>} : memref<64x64xf32, #tpu.memory_space<vmem>>, vector<1x16xf32>,
        %add3A_247 = arith.addf %scan3A_218#3, %scan3A_218#7 : vector<16xf32>
        %mul3A_248 = arith.constant 5.000000e-03 : f32
        %mul3A_249 = vector.broadcast %mul3A_248 : f32 to vector<16xf32>
        %mul3A_250 = arith.mulf %add3A_247, %mul3A_249 : vector<16xf32>
        %swap3A_251 = arith.index_cast %add3A_206 : i32 to index
        %swap3A_252 = arith.constant 48 : index
        %swap3A_253 = tpu.vector_load %arg7[%swap3A_251, %swap3A_252] {strides = array<i32>} : memref<64x64xf32, #tpu.memory_space<vmem>>, vector<1x16xf32>,
        %swap3A_254 = vector.shape_cast %swap3A_253 : vector<1x16xf32> to vector<16xf32>
        %swap3A_255 = vector.shape_cast %mul3A_250 : vector<16xf32> to vector<1x16xf32>
        tpu.vector_store %arg7[%swap3A_251, %swap3A_252], %swap3A_255 {strides = array<i32>} : memref<64x64xf32, #tpu.memory_space<vmem>>, vector<1x16xf32>,
        %add3A_256 = arith.constant 2 : i32
        %add3A_257 = arith.addi %mul3A_110, %add3A_256 : i32
        %add3A_258 = arith.constant 3 : i32
        %add3A_259 = arith.addi %add3A_257, %add3A_258 : i32
        %lt3A_260 = arith.constant 64 : i32
        %lt3A_261 = arith.cmpi slt, %add3A_259, %lt3A_260 : i32
        %convert_element_type3A_262 = arith.extui %lt3A_261 : i1 to i32
        %cond3A_263 = arith.constant 0 : i32
        %cond3A_264 = arith.cmpi ne, %convert_element_type3A_262, %cond3A_263 : i32
        scf.if %cond3A_264 {
          %mul3A_406 = arith.constant 200 : i32
          %mul3A_407 = arith.muli %mul3A_406, %add3A_259 : i32
          %dma_start3A_408 = arith.constant 1 : i32
          %dma_start3A_409 = arith.constant 0 : i32
          %dma_start3A_410 = arith.constant 0 : i32
          %dma_start3A_411 = tpu.memref_slice %arg6[%dma_start3A_408, %dma_start3A_409, %dma_start3A_410] : memref<4x200x32xi32, #tpu.memory_space<vmem>> -> memref<1x200x32xi32, #tpu.memory_space<vmem>>
          %dma_start3A_412 = tpu.memref_squeeze %dma_start3A_411 : memref<1x200x32xi32, #tpu.memory_space<vmem>> -> memref<200x32xi32, #tpu.memory_space<vmem>>
          %dma_start3A_413 = arith.constant 0 : i32
          %dma_start3A_414 = arith.constant 0 : i32
          %dma_start3A_415 = tpu.memref_slice %dma_start3A_412[%dma_start3A_413, %dma_start3A_414] : memref<200x32xi32, #tpu.memory_space<vmem>> -> memref<128x32xi32, #tpu.memory_space<vmem>>
          %dma_start3A_416 = tpu.memref_slice %arg5[%mul3A_407] : memref<12800xi32, #tpu.memory_space<vmem>> -> memref<128xi32, #tpu.memory_space<vmem>>
          %dma_start3A_417 = arith.constant 0 : i32
          %dma_start3A_418 = arith.constant 0 : i32
          %dma_start3A_419 = tpu.memref_slice %arg3[%dma_start3A_417, %dma_start3A_418] : memref<1000000x32xi32, #tpu.memory_space<hbm>> -> memref<1000000x32xi32, #tpu.memory_space<hbm>>
          tpu.enqueue_indirect_dma source(%dma_start3A_419 : memref<1000000x32xi32, #tpu.memory_space<hbm>>) target(%dma_start3A_415 : memref<128x32xi32, #tpu.memory_space<vmem>>) offsets(%dma_start3A_416 : memref<128xi32, #tpu.memory_space<vmem>>) semaphore(%arg9 : memref<!tpu.dma_semaphore, #tpu.memory_space<semaphore_mem>>)
          %add3A_420 = arith.constant 128 : i32
          %add3A_421 = arith.addi %mul3A_407, %add3A_420 : i32
          %dma_start3A_422 = arith.constant 1 : i32
          %dma_start3A_423 = arith.constant 0 : i32
          %dma_start3A_424 = arith.constant 0 : i32
          %dma_start3A_425 = tpu.memref_slice %arg6[%dma_start3A_422, %dma_start3A_423, %dma_start3A_424] : memref<4x200x32xi32, #tpu.memory_space<vmem>> -> memref<1x200x32xi32, #tpu.memory_space<vmem>>
          %dma_start3A_426 = tpu.memref_squeeze %dma_start3A_425 : memref<1x200x32xi32, #tpu.memory_space<vmem>> -> memref<200x32xi32, #tpu.memory_space<vmem>>
          %dma_start3A_427 = arith.constant 128 : i32
          %dma_start3A_428 = arith.constant 0 : i32
          %dma_start3A_429 = tpu.memref_slice %dma_start3A_426[%dma_start3A_427, %dma_start3A_428] : memref<200x32xi32, #tpu.memory_space<vmem>> -> memref<72x32xi32, #tpu.memory_space<vmem>>
          %dma_start3A_430 = tpu.memref_slice %arg5[%add3A_421] : memref<12800xi32, #tpu.memory_space<vmem>> -> memref<72xi32, #tpu.memory_space<vmem>>
          %dma_start3A_431 = arith.constant 0 : i32
          %dma_start3A_432 = arith.constant 0 : i32
          %dma_start3A_433 = tpu.memref_slice %arg3[%dma_start3A_431, %dma_start3A_432] : memref<1000000x32xi32, #tpu.memory_space<hbm>> -> memref<1000000x32xi32, #tpu.memory_space<hbm>>
          tpu.enqueue_indirect_dma source(%dma_start3A_433 : memref<1000000x32xi32, #tpu.memory_space<hbm>>) target(%dma_start3A_429 : memref<72x32xi32, #tpu.memory_space<vmem>>) offsets(%dma_start3A_430 : memref<72xi32, #tpu.memory_space<vmem>>) semaphore(%arg9 : memref<!tpu.dma_semaphore, #tpu.memory_space<semaphore_mem>>)
        } else {
        }
        %dma_wait3A_265 = arith.constant 2 : i32
        %dma_wait3A_266 = arith.constant 0 : i32
        %dma_wait3A_267 = arith.constant 0 : i32
        %dma_wait3A_268 = tpu.memref_slice %arg6[%dma_wait3A_265, %dma_wait3A_266, %dma_wait3A_267] : memref<4x200x32xi32, #tpu.memory_space<vmem>> -> memref<1x200x32xi32, #tpu.memory_space<vmem>>
        %dma_wait3A_269 = tpu.memref_squeeze %dma_wait3A_268 : memref<1x200x32xi32, #tpu.memory_space<vmem>> -> memref<200x32xi32, #tpu.memory_space<vmem>>
        %dma_wait3A_270 = arith.constant 0 : i32
        %dma_wait3A_271 = arith.constant 0 : i32
        %dma_wait3A_272 = tpu.memref_slice %arg3[%dma_wait3A_270, %dma_wait3A_271] : memref<1000000x32xi32, #tpu.memory_space<hbm>> -> memref<200x32xi32, #tpu.memory_space<hbm>>
        %dma_wait3A_273 = arith.constant 0 : i32
        %dma_wait3A_274 = arith.constant 0 : i32
        %dma_wait3A_275 = tpu.memref_slice %arg6[%dma_wait3A_265, %dma_wait3A_273, %dma_wait3A_274] : memref<4x200x32xi32, #tpu.memory_space<vmem>> -> memref<1x200x32xi32, #tpu.memory_space<vmem>>
        %dma_wait3A_276 = tpu.memref_squeeze %dma_wait3A_275 : memref<1x200x32xi32, #tpu.memory_space<vmem>> -> memref<200x32xi32, #tpu.memory_space<vmem>>
        %dma_wait3A_277 = arith.constant 0 : i32
        %dma_wait3A_278 = arith.constant 0 : i32
        %dma_wait3A_279 = tpu.memref_slice %arg3[%dma_wait3A_277, %dma_wait3A_278] : memref<1000000x32xi32, #tpu.memory_space<hbm>> -> memref<200x32xi32, #tpu.memory_space<hbm>>
        tpu.wait_dma2 semaphore(%arg10 : memref<!tpu.dma_semaphore, #tpu.memory_space<semaphore_mem>>) src(%dma_wait3A_279 : memref<200x32xi32, #tpu.memory_space<hbm>>) dst(%dma_wait3A_276 : memref<200x32xi32, #tpu.memory_space<vmem>>)
        %add3A_280 = arith.constant 2 : i32
        %add3A_281 = arith.addi %mul3A_110, %add3A_280 : i32
        %broadcast_in_dim3A_282 = arith.constant -65536 : i32
        %broadcast_in_dim3A_283 = vector.broadcast %broadcast_in_dim3A_282 : i32 to vector<16xi32>
        %broadcast_in_dim3A_284 = arith.constant 16 : i32
        %broadcast_in_dim3A_285 = vector.broadcast %broadcast_in_dim3A_284 : i32 to vector<16xi32>
        %broadcast_in_dim3A_286 = arith.constant 0.000000e+00 : f32
        %broadcast_in_dim3A_287 = vector.broadcast %broadcast_in_dim3A_286 : f32 to vector<16xf32>
        %scan3A_288 = arith.constant 2 : i32
        %scan3A_289 = arith.constant 0 : i32
        %scan3A_290 = arith.constant 8 : i32
        %scan3A_291 = arith.addi %scan3A_289, %scan3A_290 : i32
        %scan3A_292 = arith.constant 1 : i32
        %scan3A_293:8 = scf.for %scan3A_406 = %scan3A_289 to %scan3A_291 step %scan3A_292 iter_args(%scan3A_407 = %broadcast_in_dim3A_287, %scan3A_408 = %broadcast_in_dim3A_287, %scan3A_409 = %broadcast_in_dim3A_287, %scan3A_410 = %broadcast_in_dim3A_287, %scan3A_411 = %broadcast_in_dim3A_287, %scan3A_412 = %broadcast_in_dim3A_287, %scan3A_413 = %broadcast_in_dim3A_287, %scan3A_414 = %broadcast_in_dim3A_287) -> (vector<16xf32>, vector<16xf32>, vector<16xf32>, vector<16xf32>, vector<16xf32>, vector<16xf32>, vector<16xf32>, vector<16xf32>)  : i32 {
          %mul3A_415 = arith.constant 25 : i32
          %mul3A_416 = arith.muli %mul3A_415, %scan3A_406 : i32
          %add3A_417 = arith.constant 0 : i32
          %add3A_418 = arith.addi %mul3A_416, %add3A_417 : i32
          %get3A = arith.constant 0 : i32
          %get3A_419 = arith.constant 0 : i32
          %get3A_420 = tpu.memref_slice %arg6[%scan3A_288, %get3A, %get3A_419] : memref<4x200x32xi32, #tpu.memory_space<vmem>> -> memref<1x200x32xi32, #tpu.memory_space<vmem>>
          %get3A_421 = tpu.memref_squeeze %get3A_420 : memref<1x200x32xi32, #tpu.memory_space<vmem>> -> memref<200x32xi32, #tpu.memory_space<vmem>>
          %get3A_422 = arith.index_cast %add3A_418 : i32 to index
          %get3A_423 = arith.constant 0 : index
          %get3A_424 = tpu.vector_load %get3A_421[%get3A_422, %get3A_423] {strides = array<i32>} : memref<200x32xi32, #tpu.memory_space<vmem>>, vector<1x16xi32>,
          %get3A_425 = vector.shape_cast %get3A_424 : vector<1x16xi32> to vector<16xi32>
          %get3A_426 = arith.constant 0 : i32
          %get3A_427 = arith.constant 0 : i32
          %get3A_428 = tpu.memref_slice %arg6[%scan3A_288, %get3A_426, %get3A_427] : memref<4x200x32xi32, #tpu.memory_space<vmem>> -> memref<1x200x32xi32, #tpu.memory_space<vmem>>
          %get3A_429 = tpu.memref_squeeze %get3A_428 : memref<1x200x32xi32, #tpu.memory_space<vmem>> -> memref<200x32xi32, #tpu.memory_space<vmem>>
          %get3A_430 = arith.index_cast %add3A_418 : i32 to index
          %get3A_431 = arith.constant 16 : index
          %get3A_432 = tpu.vector_load %get3A_429[%get3A_430, %get3A_431] {strides = array<i32>} : memref<200x32xi32, #tpu.memory_space<vmem>>, vector<1x16xi32>,
          %get3A_433 = vector.shape_cast %get3A_432 : vector<1x16xi32> to vector<16xi32>
          %shift_left3A = arith.shli %get3A_425, %broadcast_in_dim3A_285 : vector<16xi32>
          %bitcast_convert_type3A = tpu.bitcast %shift_left3A : vector<16xi32> -> vector<16xf32>
          %add3A_434 = arith.addf %scan3A_407, %bitcast_convert_type3A : vector<16xf32>
          %shift_left3A_435 = arith.shli %get3A_433, %broadcast_in_dim3A_285 : vector<16xi32>
          %bitcast_convert_type3A_436 = tpu.bitcast %shift_left3A_435 : vector<16xi32> -> vector<16xf32>
          %add3A_437 = arith.addf %scan3A_408, %bitcast_convert_type3A_436 : vector<16xf32>
          %and3A = arith.andi %get3A_425, %broadcast_in_dim3A_283 : vector<16xi32>
          %bitcast_convert_type3A_438 = tpu.bitcast %and3A : vector<16xi32> -> vector<16xf32>
          %add3A_439 = arith.addf %scan3A_409, %bitcast_convert_type3A_438 : vector<16xf32>
          %and3A_440 = arith.andi %get3A_433, %broadcast_in_dim3A_283 : vector<16xi32>
          %bitcast_convert_type3A_441 = tpu.bitcast %and3A_440 : vector<16xi32> -> vector<16xf32>
          %add3A_442 = arith.addf %scan3A_410, %bitcast_convert_type3A_441 : vector<16xf32>
          %mul3A_443 = arith.constant 25 : i32
          %mul3A_444 = arith.muli %mul3A_443, %scan3A_406 : i32
          %add3A_445 = arith.constant 1 : i32
          %add3A_446 = arith.addi %mul3A_444, %add3A_445 : i32
          %get3A_447 = arith.constant 0 : i32
          %get3A_448 = arith.constant 0 : i32
          %get3A_449 = tpu.memref_slice %arg6[%scan3A_288, %get3A_447, %get3A_448] : memref<4x200x32xi32, #tpu.memory_space<vmem>> -> memref<1x200x32xi32, #tpu.memory_space<vmem>>
          %get3A_450 = tpu.memref_squeeze %get3A_449 : memref<1x200x32xi32, #tpu.memory_space<vmem>> -> memref<200x32xi32, #tpu.memory_space<vmem>>
          %get3A_451 = arith.index_cast %add3A_446 : i32 to index
          %get3A_452 = arith.constant 0 : index
          %get3A_453 = tpu.vector_load %get3A_450[%get3A_451, %get3A_452] {strides = array<i32>} : memref<200x32xi32, #tpu.memory_space<vmem>>, vector<1x16xi32>,
          %get3A_454 = vector.shape_cast %get3A_453 : vector<1x16xi32> to vector<16xi32>
          %get3A_455 = arith.constant 0 : i32
          %get3A_456 = arith.constant 0 : i32
          %get3A_457 = tpu.memref_slice %arg6[%scan3A_288, %get3A_455, %get3A_456] : memref<4x200x32xi32, #tpu.memory_space<vmem>> -> memref<1x200x32xi32, #tpu.memory_space<vmem>>
          %get3A_458 = tpu.memref_squeeze %get3A_457 : memref<1x200x32xi32, #tpu.memory_space<vmem>> -> memref<200x32xi32, #tpu.memory_space<vmem>>
          %get3A_459 = arith.index_cast %add3A_446 : i32 to index
          %get3A_460 = arith.constant 16 : index
          %get3A_461 = tpu.vector_load %get3A_458[%get3A_459, %get3A_460] {strides = array<i32>} : memref<200x32xi32, #tpu.memory_space<vmem>>, vector<1x16xi32>,
          %get3A_462 = vector.shape_cast %get3A_461 : vector<1x16xi32> to vector<16xi32>
          %shift_left3A_463 = arith.shli %get3A_454, %broadcast_in_dim3A_285 : vector<16xi32>
          %bitcast_convert_type3A_464 = tpu.bitcast %shift_left3A_463 : vector<16xi32> -> vector<16xf32>
          %add3A_465 = arith.addf %scan3A_411, %bitcast_convert_type3A_464 : vector<16xf32>
          %shift_left3A_466 = arith.shli %get3A_462, %broadcast_in_dim3A_285 : vector<16xi32>
          %bitcast_convert_type3A_467 = tpu.bitcast %shift_left3A_466 : vector<16xi32> -> vector<16xf32>
          %add3A_468 = arith.addf %scan3A_412, %bitcast_convert_type3A_467 : vector<16xf32>
          %and3A_469 = arith.andi %get3A_454, %broadcast_in_dim3A_283 : vector<16xi32>
          %bitcast_convert_type3A_470 = tpu.bitcast %and3A_469 : vector<16xi32> -> vector<16xf32>
          %add3A_471 = arith.addf %scan3A_413, %bitcast_convert_type3A_470 : vector<16xf32>
          %and3A_472 = arith.andi %get3A_462, %broadcast_in_dim3A_283 : vector<16xi32>
          %bitcast_convert_type3A_473 = tpu.bitcast %and3A_472 : vector<16xi32> -> vector<16xf32>
          %add3A_474 = arith.addf %scan3A_414, %bitcast_convert_type3A_473 : vector<16xf32>
          %mul3A_475 = arith.constant 25 : i32
          %mul3A_476 = arith.muli %mul3A_475, %scan3A_406 : i32
          %add3A_477 = arith.constant 2 : i32
          %add3A_478 = arith.addi %mul3A_476, %add3A_477 : i32
          %get3A_479 = arith.constant 0 : i32
          %get3A_480 = arith.constant 0 : i32
          %get3A_481 = tpu.memref_slice %arg6[%scan3A_288, %get3A_479, %get3A_480] : memref<4x200x32xi32, #tpu.memory_space<vmem>> -> memref<1x200x32xi32, #tpu.memory_space<vmem>>
          %get3A_482 = tpu.memref_squeeze %get3A_481 : memref<1x200x32xi32, #tpu.memory_space<vmem>> -> memref<200x32xi32, #tpu.memory_space<vmem>>
          %get3A_483 = arith.index_cast %add3A_478 : i32 to index
          %get3A_484 = arith.constant 0 : index
          %get3A_485 = tpu.vector_load %get3A_482[%get3A_483, %get3A_484] {strides = array<i32>} : memref<200x32xi32, #tpu.memory_space<vmem>>, vector<1x16xi32>,
          %get3A_486 = vector.shape_cast %get3A_485 : vector<1x16xi32> to vector<16xi32>
          %get3A_487 = arith.constant 0 : i32
          %get3A_488 = arith.constant 0 : i32
          %get3A_489 = tpu.memref_slice %arg6[%scan3A_288, %get3A_487, %get3A_488] : memref<4x200x32xi32, #tpu.memory_space<vmem>> -> memref<1x200x32xi32, #tpu.memory_space<vmem>>
          %get3A_490 = tpu.memref_squeeze %get3A_489 : memref<1x200x32xi32, #tpu.memory_space<vmem>> -> memref<200x32xi32, #tpu.memory_space<vmem>>
          %get3A_491 = arith.index_cast %add3A_478 : i32 to index
          %get3A_492 = arith.constant 16 : index
          %get3A_493 = tpu.vector_load %get3A_490[%get3A_491, %get3A_492] {strides = array<i32>} : memref<200x32xi32, #tpu.memory_space<vmem>>, vector<1x16xi32>,
          %get3A_494 = vector.shape_cast %get3A_493 : vector<1x16xi32> to vector<16xi32>
          %shift_left3A_495 = arith.shli %get3A_486, %broadcast_in_dim3A_285 : vector<16xi32>
          %bitcast_convert_type3A_496 = tpu.bitcast %shift_left3A_495 : vector<16xi32> -> vector<16xf32>
          %add3A_497 = arith.addf %add3A_434, %bitcast_convert_type3A_496 : vector<16xf32>
          %shift_left3A_498 = arith.shli %get3A_494, %broadcast_in_dim3A_285 : vector<16xi32>
          %bitcast_convert_type3A_499 = tpu.bitcast %shift_left3A_498 : vector<16xi32> -> vector<16xf32>
          %add3A_500 = arith.addf %add3A_437, %bitcast_convert_type3A_499 : vector<16xf32>
          %and3A_501 = arith.andi %get3A_486, %broadcast_in_dim3A_283 : vector<16xi32>
          %bitcast_convert_type3A_502 = tpu.bitcast %and3A_501 : vector<16xi32> -> vector<16xf32>
          %add3A_503 = arith.addf %add3A_439, %bitcast_convert_type3A_502 : vector<16xf32>
          %and3A_504 = arith.andi %get3A_494, %broadcast_in_dim3A_283 : vector<16xi32>
          %bitcast_convert_type3A_505 = tpu.bitcast %and3A_504 : vector<16xi32> -> vector<16xf32>
          %add3A_506 = arith.addf %add3A_442, %bitcast_convert_type3A_505 : vector<16xf32>
          %mul3A_507 = arith.constant 25 : i32
          %mul3A_508 = arith.muli %mul3A_507, %scan3A_406 : i32
          %add3A_509 = arith.constant 3 : i32
          %add3A_510 = arith.addi %mul3A_508, %add3A_509 : i32
          %get3A_511 = arith.constant 0 : i32
          %get3A_512 = arith.constant 0 : i32
          %get3A_513 = tpu.memref_slice %arg6[%scan3A_288, %get3A_511, %get3A_512] : memref<4x200x32xi32, #tpu.memory_space<vmem>> -> memref<1x200x32xi32, #tpu.memory_space<vmem>>
          %get3A_514 = tpu.memref_squeeze %get3A_513 : memref<1x200x32xi32, #tpu.memory_space<vmem>> -> memref<200x32xi32, #tpu.memory_space<vmem>>
          %get3A_515 = arith.index_cast %add3A_510 : i32 to index
          %get3A_516 = arith.constant 0 : index
          %get3A_517 = tpu.vector_load %get3A_514[%get3A_515, %get3A_516] {strides = array<i32>} : memref<200x32xi32, #tpu.memory_space<vmem>>, vector<1x16xi32>,
          %get3A_518 = vector.shape_cast %get3A_517 : vector<1x16xi32> to vector<16xi32>
          %get3A_519 = arith.constant 0 : i32
          %get3A_520 = arith.constant 0 : i32
          %get3A_521 = tpu.memref_slice %arg6[%scan3A_288, %get3A_519, %get3A_520] : memref<4x200x32xi32, #tpu.memory_space<vmem>> -> memref<1x200x32xi32, #tpu.memory_space<vmem>>
          %get3A_522 = tpu.memref_squeeze %get3A_521 : memref<1x200x32xi32, #tpu.memory_space<vmem>> -> memref<200x32xi32, #tpu.memory_space<vmem>>
          %get3A_523 = arith.index_cast %add3A_510 : i32 to index
          %get3A_524 = arith.constant 16 : index
          %get3A_525 = tpu.vector_load %get3A_522[%get3A_523, %get3A_524] {strides = array<i32>} : memref<200x32xi32, #tpu.memory_space<vmem>>, vector<1x16xi32>,
          %get3A_526 = vector.shape_cast %get3A_525 : vector<1x16xi32> to vector<16xi32>
          %shift_left3A_527 = arith.shli %get3A_518, %broadcast_in_dim3A_285 : vector<16xi32>
          %bitcast_convert_type3A_528 = tpu.bitcast %shift_left3A_527 : vector<16xi32> -> vector<16xf32>
          %add3A_529 = arith.addf %add3A_465, %bitcast_convert_type3A_528 : vector<16xf32>
          %shift_left3A_530 = arith.shli %get3A_526, %broadcast_in_dim3A_285 : vector<16xi32>
          %bitcast_convert_type3A_531 = tpu.bitcast %shift_left3A_530 : vector<16xi32> -> vector<16xf32>
          %add3A_532 = arith.addf %add3A_468, %bitcast_convert_type3A_531 : vector<16xf32>
          %and3A_533 = arith.andi %get3A_518, %broadcast_in_dim3A_283 : vector<16xi32>
          %bitcast_convert_type3A_534 = tpu.bitcast %and3A_533 : vector<16xi32> -> vector<16xf32>
          %add3A_535 = arith.addf %add3A_471, %bitcast_convert_type3A_534 : vector<16xf32>
          %and3A_536 = arith.andi %get3A_526, %broadcast_in_dim3A_283 : vector<16xi32>
          %bitcast_convert_type3A_537 = tpu.bitcast %and3A_536 : vector<16xi32> -> vector<16xf32>
          %add3A_538 = arith.addf %add3A_474, %bitcast_convert_type3A_537 : vector<16xf32>
          %mul3A_539 = arith.constant 25 : i32
          %mul3A_540 = arith.muli %mul3A_539, %scan3A_406 : i32
          %add3A_541 = arith.constant 4 : i32
          %add3A_542 = arith.addi %mul3A_540, %add3A_541 : i32
          %get3A_543 = arith.constant 0 : i32
          %get3A_544 = arith.constant 0 : i32
          %get3A_545 = tpu.memref_slice %arg6[%scan3A_288, %get3A_543, %get3A_544] : memref<4x200x32xi32, #tpu.memory_space<vmem>> -> memref<1x200x32xi32, #tpu.memory_space<vmem>>
          %get3A_546 = tpu.memref_squeeze %get3A_545 : memref<1x200x32xi32, #tpu.memory_space<vmem>> -> memref<200x32xi32, #tpu.memory_space<vmem>>
          %get3A_547 = arith.index_cast %add3A_542 : i32 to index
          %get3A_548 = arith.constant 0 : index
          %get3A_549 = tpu.vector_load %get3A_546[%get3A_547, %get3A_548] {strides = array<i32>} : memref<200x32xi32, #tpu.memory_space<vmem>>, vector<1x16xi32>,
          %get3A_550 = vector.shape_cast %get3A_549 : vector<1x16xi32> to vector<16xi32>
          %get3A_551 = arith.constant 0 : i32
          %get3A_552 = arith.constant 0 : i32
          %get3A_553 = tpu.memref_slice %arg6[%scan3A_288, %get3A_551, %get3A_552] : memref<4x200x32xi32, #tpu.memory_space<vmem>> -> memref<1x200x32xi32, #tpu.memory_space<vmem>>
          %get3A_554 = tpu.memref_squeeze %get3A_553 : memref<1x200x32xi32, #tpu.memory_space<vmem>> -> memref<200x32xi32, #tpu.memory_space<vmem>>
          %get3A_555 = arith.index_cast %add3A_542 : i32 to index
          %get3A_556 = arith.constant 16 : index
          %get3A_557 = tpu.vector_load %get3A_554[%get3A_555, %get3A_556] {strides = array<i32>} : memref<200x32xi32, #tpu.memory_space<vmem>>, vector<1x16xi32>,
          %get3A_558 = vector.shape_cast %get3A_557 : vector<1x16xi32> to vector<16xi32>
          %shift_left3A_559 = arith.shli %get3A_550, %broadcast_in_dim3A_285 : vector<16xi32>
          %bitcast_convert_type3A_560 = tpu.bitcast %shift_left3A_559 : vector<16xi32> -> vector<16xf32>
          %add3A_561 = arith.addf %add3A_497, %bitcast_convert_type3A_560 : vector<16xf32>
          %shift_left3A_562 = arith.shli %get3A_558, %broadcast_in_dim3A_285 : vector<16xi32>
          %bitcast_convert_type3A_563 = tpu.bitcast %shift_left3A_562 : vector<16xi32> -> vector<16xf32>
          %add3A_564 = arith.addf %add3A_500, %bitcast_convert_type3A_563 : vector<16xf32>
          %and3A_565 = arith.andi %get3A_550, %broadcast_in_dim3A_283 : vector<16xi32>
          %bitcast_convert_type3A_566 = tpu.bitcast %and3A_565 : vector<16xi32> -> vector<16xf32>
          %add3A_567 = arith.addf %add3A_503, %bitcast_convert_type3A_566 : vector<16xf32>
          %and3A_568 = arith.andi %get3A_558, %broadcast_in_dim3A_283 : vector<16xi32>
          %bitcast_convert_type3A_569 = tpu.bitcast %and3A_568 : vector<16xi32> -> vector<16xf32>
          %add3A_570 = arith.addf %add3A_506, %bitcast_convert_type3A_569 : vector<16xf32>
          %mul3A_571 = arith.constant 25 : i32
          %mul3A_572 = arith.muli %mul3A_571, %scan3A_406 : i32
          %add3A_573 = arith.constant 5 : i32
          %add3A_574 = arith.addi %mul3A_572, %add3A_573 : i32
          %get3A_575 = arith.constant 0 : i32
          %get3A_576 = arith.constant 0 : i32
          %get3A_577 = tpu.memref_slice %arg6[%scan3A_288, %get3A_575, %get3A_576] : memref<4x200x32xi32, #tpu.memory_space<vmem>> -> memref<1x200x32xi32, #tpu.memory_space<vmem>>
          %get3A_578 = tpu.memref_squeeze %get3A_577 : memref<1x200x32xi32, #tpu.memory_space<vmem>> -> memref<200x32xi32, #tpu.memory_space<vmem>>
          %get3A_579 = arith.index_cast %add3A_574 : i32 to index
          %get3A_580 = arith.constant 0 : index
          %get3A_581 = tpu.vector_load %get3A_578[%get3A_579, %get3A_580] {strides = array<i32>} : memref<200x32xi32, #tpu.memory_space<vmem>>, vector<1x16xi32>,
          %get3A_582 = vector.shape_cast %get3A_581 : vector<1x16xi32> to vector<16xi32>
          %get3A_583 = arith.constant 0 : i32
          %get3A_584 = arith.constant 0 : i32
          %get3A_585 = tpu.memref_slice %arg6[%scan3A_288, %get3A_583, %get3A_584] : memref<4x200x32xi32, #tpu.memory_space<vmem>> -> memref<1x200x32xi32, #tpu.memory_space<vmem>>
          %get3A_586 = tpu.memref_squeeze %get3A_585 : memref<1x200x32xi32, #tpu.memory_space<vmem>> -> memref<200x32xi32, #tpu.memory_space<vmem>>
          %get3A_587 = arith.index_cast %add3A_574 : i32 to index
          %get3A_588 = arith.constant 16 : index
          %get3A_589 = tpu.vector_load %get3A_586[%get3A_587, %get3A_588] {strides = array<i32>} : memref<200x32xi32, #tpu.memory_space<vmem>>, vector<1x16xi32>,
          %get3A_590 = vector.shape_cast %get3A_589 : vector<1x16xi32> to vector<16xi32>
          %shift_left3A_591 = arith.shli %get3A_582, %broadcast_in_dim3A_285 : vector<16xi32>
          %bitcast_convert_type3A_592 = tpu.bitcast %shift_left3A_591 : vector<16xi32> -> vector<16xf32>
          %add3A_593 = arith.addf %add3A_529, %bitcast_convert_type3A_592 : vector<16xf32>
          %shift_left3A_594 = arith.shli %get3A_590, %broadcast_in_dim3A_285 : vector<16xi32>
          %bitcast_convert_type3A_595 = tpu.bitcast %shift_left3A_594 : vector<16xi32> -> vector<16xf32>
          %add3A_596 = arith.addf %add3A_532, %bitcast_convert_type3A_595 : vector<16xf32>
          %and3A_597 = arith.andi %get3A_582, %broadcast_in_dim3A_283 : vector<16xi32>
          %bitcast_convert_type3A_598 = tpu.bitcast %and3A_597 : vector<16xi32> -> vector<16xf32>
          %add3A_599 = arith.addf %add3A_535, %bitcast_convert_type3A_598 : vector<16xf32>
          %and3A_600 = arith.andi %get3A_590, %broadcast_in_dim3A_283 : vector<16xi32>
          %bitcast_convert_type3A_601 = tpu.bitcast %and3A_600 : vector<16xi32> -> vector<16xf32>
          %add3A_602 = arith.addf %add3A_538, %bitcast_convert_type3A_601 : vector<16xf32>
          %mul3A_603 = arith.constant 25 : i32
          %mul3A_604 = arith.muli %mul3A_603, %scan3A_406 : i32
          %add3A_605 = arith.constant 6 : i32
          %add3A_606 = arith.addi %mul3A_604, %add3A_605 : i32
          %get3A_607 = arith.constant 0 : i32
          %get3A_608 = arith.constant 0 : i32
          %get3A_609 = tpu.memref_slice %arg6[%scan3A_288, %get3A_607, %get3A_608] : memref<4x200x32xi32, #tpu.memory_space<vmem>> -> memref<1x200x32xi32, #tpu.memory_space<vmem>>
          %get3A_610 = tpu.memref_squeeze %get3A_609 : memref<1x200x32xi32, #tpu.memory_space<vmem>> -> memref<200x32xi32, #tpu.memory_space<vmem>>
          %get3A_611 = arith.index_cast %add3A_606 : i32 to index
          %get3A_612 = arith.constant 0 : index
          %get3A_613 = tpu.vector_load %get3A_610[%get3A_611, %get3A_612] {strides = array<i32>} : memref<200x32xi32, #tpu.memory_space<vmem>>, vector<1x16xi32>,
          %get3A_614 = vector.shape_cast %get3A_613 : vector<1x16xi32> to vector<16xi32>
          %get3A_615 = arith.constant 0 : i32
          %get3A_616 = arith.constant 0 : i32
          %get3A_617 = tpu.memref_slice %arg6[%scan3A_288, %get3A_615, %get3A_616] : memref<4x200x32xi32, #tpu.memory_space<vmem>> -> memref<1x200x32xi32, #tpu.memory_space<vmem>>
          %get3A_618 = tpu.memref_squeeze %get3A_617 : memref<1x200x32xi32, #tpu.memory_space<vmem>> -> memref<200x32xi32, #tpu.memory_space<vmem>>
          %get3A_619 = arith.index_cast %add3A_606 : i32 to index
          %get3A_620 = arith.constant 16 : index
          %get3A_621 = tpu.vector_load %get3A_618[%get3A_619, %get3A_620] {strides = array<i32>} : memref<200x32xi32, #tpu.memory_space<vmem>>, vector<1x16xi32>,
          %get3A_622 = vector.shape_cast %get3A_621 : vector<1x16xi32> to vector<16xi32>
          %shift_left3A_623 = arith.shli %get3A_614, %broadcast_in_dim3A_285 : vector<16xi32>
          %bitcast_convert_type3A_624 = tpu.bitcast %shift_left3A_623 : vector<16xi32> -> vector<16xf32>
          %add3A_625 = arith.addf %add3A_561, %bitcast_convert_type3A_624 : vector<16xf32>
          %shift_left3A_626 = arith.shli %get3A_622, %broadcast_in_dim3A_285 : vector<16xi32>
          %bitcast_convert_type3A_627 = tpu.bitcast %shift_left3A_626 : vector<16xi32> -> vector<16xf32>
          %add3A_628 = arith.addf %add3A_564, %bitcast_convert_type3A_627 : vector<16xf32>
          %and3A_629 = arith.andi %get3A_614, %broadcast_in_dim3A_283 : vector<16xi32>
          %bitcast_convert_type3A_630 = tpu.bitcast %and3A_629 : vector<16xi32> -> vector<16xf32>
          %add3A_631 = arith.addf %add3A_567, %bitcast_convert_type3A_630 : vector<16xf32>
          %and3A_632 = arith.andi %get3A_622, %broadcast_in_dim3A_283 : vector<16xi32>
          %bitcast_convert_type3A_633 = tpu.bitcast %and3A_632 : vector<16xi32> -> vector<16xf32>
          %add3A_634 = arith.addf %add3A_570, %bitcast_convert_type3A_633 : vector<16xf32>
          %mul3A_635 = arith.constant 25 : i32
          %mul3A_636 = arith.muli %mul3A_635, %scan3A_406 : i32
          %add3A_637 = arith.constant 7 : i32
          %add3A_638 = arith.addi %mul3A_636, %add3A_637 : i32
          %get3A_639 = arith.constant 0 : i32
          %get3A_640 = arith.constant 0 : i32
          %get3A_641 = tpu.memref_slice %arg6[%scan3A_288, %get3A_639, %get3A_640] : memref<4x200x32xi32, #tpu.memory_space<vmem>> -> memref<1x200x32xi32, #tpu.memory_space<vmem>>
          %get3A_642 = tpu.memref_squeeze %get3A_641 : memref<1x200x32xi32, #tpu.memory_space<vmem>> -> memref<200x32xi32, #tpu.memory_space<vmem>>
          %get3A_643 = arith.index_cast %add3A_638 : i32 to index
          %get3A_644 = arith.constant 0 : index
          %get3A_645 = tpu.vector_load %get3A_642[%get3A_643, %get3A_644] {strides = array<i32>} : memref<200x32xi32, #tpu.memory_space<vmem>>, vector<1x16xi32>,
          %get3A_646 = vector.shape_cast %get3A_645 : vector<1x16xi32> to vector<16xi32>
          %get3A_647 = arith.constant 0 : i32
          %get3A_648 = arith.constant 0 : i32
          %get3A_649 = tpu.memref_slice %arg6[%scan3A_288, %get3A_647, %get3A_648] : memref<4x200x32xi32, #tpu.memory_space<vmem>> -> memref<1x200x32xi32, #tpu.memory_space<vmem>>
          %get3A_650 = tpu.memref_squeeze %get3A_649 : memref<1x200x32xi32, #tpu.memory_space<vmem>> -> memref<200x32xi32, #tpu.memory_space<vmem>>
          %get3A_651 = arith.index_cast %add3A_638 : i32 to index
          %get3A_652 = arith.constant 16 : index
          %get3A_653 = tpu.vector_load %get3A_650[%get3A_651, %get3A_652] {strides = array<i32>} : memref<200x32xi32, #tpu.memory_space<vmem>>, vector<1x16xi32>,
          %get3A_654 = vector.shape_cast %get3A_653 : vector<1x16xi32> to vector<16xi32>
          %shift_left3A_655 = arith.shli %get3A_646, %broadcast_in_dim3A_285 : vector<16xi32>
          %bitcast_convert_type3A_656 = tpu.bitcast %shift_left3A_655 : vector<16xi32> -> vector<16xf32>
          %add3A_657 = arith.addf %add3A_593, %bitcast_convert_type3A_656 : vector<16xf32>
          %shift_left3A_658 = arith.shli %get3A_654, %broadcast_in_dim3A_285 : vector<16xi32>
          %bitcast_convert_type3A_659 = tpu.bitcast %shift_left3A_658 : vector<16xi32> -> vector<16xf32>
          %add3A_660 = arith.addf %add3A_596, %bitcast_convert_type3A_659 : vector<16xf32>
          %and3A_661 = arith.andi %get3A_646, %broadcast_in_dim3A_283 : vector<16xi32>
          %bitcast_convert_type3A_662 = tpu.bitcast %and3A_661 : vector<16xi32> -> vector<16xf32>
          %add3A_663 = arith.addf %add3A_599, %bitcast_convert_type3A_662 : vector<16xf32>
          %and3A_664 = arith.andi %get3A_654, %broadcast_in_dim3A_283 : vector<16xi32>
          %bitcast_convert_type3A_665 = tpu.bitcast %and3A_664 : vector<16xi32> -> vector<16xf32>
          %add3A_666 = arith.addf %add3A_602, %bitcast_convert_type3A_665 : vector<16xf32>
          %mul3A_667 = arith.constant 25 : i32
          %mul3A_668 = arith.muli %mul3A_667, %scan3A_406 : i32
          %add3A_669 = arith.constant 8 : i32
          %add3A_670 = arith.addi %mul3A_668, %add3A_669 : i32
          %get3A_671 = arith.constant 0 : i32
          %get3A_672 = arith.constant 0 : i32
          %get3A_673 = tpu.memref_slice %arg6[%scan3A_288, %get3A_671, %get3A_672] : memref<4x200x32xi32, #tpu.memory_space<vmem>> -> memref<1x200x32xi32, #tpu.memory_space<vmem>>
          %get3A_674 = tpu.memref_squeeze %get3A_673 : memref<1x200x32xi32, #tpu.memory_space<vmem>> -> memref<200x32xi32, #tpu.memory_space<vmem>>
          %get3A_675 = arith.index_cast %add3A_670 : i32 to index
          %get3A_676 = arith.constant 0 : index
          %get3A_677 = tpu.vector_load %get3A_674[%get3A_675, %get3A_676] {strides = array<i32>} : memref<200x32xi32, #tpu.memory_space<vmem>>, vector<1x16xi32>,
          %get3A_678 = vector.shape_cast %get3A_677 : vector<1x16xi32> to vector<16xi32>
          %get3A_679 = arith.constant 0 : i32
          %get3A_680 = arith.constant 0 : i32
          %get3A_681 = tpu.memref_slice %arg6[%scan3A_288, %get3A_679, %get3A_680] : memref<4x200x32xi32, #tpu.memory_space<vmem>> -> memref<1x200x32xi32, #tpu.memory_space<vmem>>
          %get3A_682 = tpu.memref_squeeze %get3A_681 : memref<1x200x32xi32, #tpu.memory_space<vmem>> -> memref<200x32xi32, #tpu.memory_space<vmem>>
          %get3A_683 = arith.index_cast %add3A_670 : i32 to index
          %get3A_684 = arith.constant 16 : index
          %get3A_685 = tpu.vector_load %get3A_682[%get3A_683, %get3A_684] {strides = array<i32>} : memref<200x32xi32, #tpu.memory_space<vmem>>, vector<1x16xi32>,
          %get3A_686 = vector.shape_cast %get3A_685 : vector<1x16xi32> to vector<16xi32>
          %shift_left3A_687 = arith.shli %get3A_678, %broadcast_in_dim3A_285 : vector<16xi32>
          %bitcast_convert_type3A_688 = tpu.bitcast %shift_left3A_687 : vector<16xi32> -> vector<16xf32>
          %add3A_689 = arith.addf %add3A_625, %bitcast_convert_type3A_688 : vector<16xf32>
          %shift_left3A_690 = arith.shli %get3A_686, %broadcast_in_dim3A_285 : vector<16xi32>
          %bitcast_convert_type3A_691 = tpu.bitcast %shift_left3A_690 : vector<16xi32> -> vector<16xf32>
          %add3A_692 = arith.addf %add3A_628, %bitcast_convert_type3A_691 : vector<16xf32>
          %and3A_693 = arith.andi %get3A_678, %broadcast_in_dim3A_283 : vector<16xi32>
          %bitcast_convert_type3A_694 = tpu.bitcast %and3A_693 : vector<16xi32> -> vector<16xf32>
          %add3A_695 = arith.addf %add3A_631, %bitcast_convert_type3A_694 : vector<16xf32>
          %and3A_696 = arith.andi %get3A_686, %broadcast_in_dim3A_283 : vector<16xi32>
          %bitcast_convert_type3A_697 = tpu.bitcast %and3A_696 : vector<16xi32> -> vector<16xf32>
          %add3A_698 = arith.addf %add3A_634, %bitcast_convert_type3A_697 : vector<16xf32>
          %mul3A_699 = arith.constant 25 : i32
          %mul3A_700 = arith.muli %mul3A_699, %scan3A_406 : i32
          %add3A_701 = arith.constant 9 : i32
          %add3A_702 = arith.addi %mul3A_700, %add3A_701 : i32
          %get3A_703 = arith.constant 0 : i32
          %get3A_704 = arith.constant 0 : i32
          %get3A_705 = tpu.memref_slice %arg6[%scan3A_288, %get3A_703, %get3A_704] : memref<4x200x32xi32, #tpu.memory_space<vmem>> -> memref<1x200x32xi32, #tpu.memory_space<vmem>>
          %get3A_706 = tpu.memref_squeeze %get3A_705 : memref<1x200x32xi32, #tpu.memory_space<vmem>> -> memref<200x32xi32, #tpu.memory_space<vmem>>
          %get3A_707 = arith.index_cast %add3A_702 : i32 to index
          %get3A_708 = arith.constant 0 : index
          %get3A_709 = tpu.vector_load %get3A_706[%get3A_707, %get3A_708] {strides = array<i32>} : memref<200x32xi32, #tpu.memory_space<vmem>>, vector<1x16xi32>,
          %get3A_710 = vector.shape_cast %get3A_709 : vector<1x16xi32> to vector<16xi32>
          %get3A_711 = arith.constant 0 : i32
          %get3A_712 = arith.constant 0 : i32
          %get3A_713 = tpu.memref_slice %arg6[%scan3A_288, %get3A_711, %get3A_712] : memref<4x200x32xi32, #tpu.memory_space<vmem>> -> memref<1x200x32xi32, #tpu.memory_space<vmem>>
          %get3A_714 = tpu.memref_squeeze %get3A_713 : memref<1x200x32xi32, #tpu.memory_space<vmem>> -> memref<200x32xi32, #tpu.memory_space<vmem>>
          %get3A_715 = arith.index_cast %add3A_702 : i32 to index
          %get3A_716 = arith.constant 16 : index
          %get3A_717 = tpu.vector_load %get3A_714[%get3A_715, %get3A_716] {strides = array<i32>} : memref<200x32xi32, #tpu.memory_space<vmem>>, vector<1x16xi32>,
          %get3A_718 = vector.shape_cast %get3A_717 : vector<1x16xi32> to vector<16xi32>
          %shift_left3A_719 = arith.shli %get3A_710, %broadcast_in_dim3A_285 : vector<16xi32>
          %bitcast_convert_type3A_720 = tpu.bitcast %shift_left3A_719 : vector<16xi32> -> vector<16xf32>
          %add3A_721 = arith.addf %add3A_657, %bitcast_convert_type3A_720 : vector<16xf32>
          %shift_left3A_722 = arith.shli %get3A_718, %broadcast_in_dim3A_285 : vector<16xi32>
          %bitcast_convert_type3A_723 = tpu.bitcast %shift_left3A_722 : vector<16xi32> -> vector<16xf32>
          %add3A_724 = arith.addf %add3A_660, %bitcast_convert_type3A_723 : vector<16xf32>
          %and3A_725 = arith.andi %get3A_710, %broadcast_in_dim3A_283 : vector<16xi32>
          %bitcast_convert_type3A_726 = tpu.bitcast %and3A_725 : vector<16xi32> -> vector<16xf32>
          %add3A_727 = arith.addf %add3A_663, %bitcast_convert_type3A_726 : vector<16xf32>
          %and3A_728 = arith.andi %get3A_718, %broadcast_in_dim3A_283 : vector<16xi32>
          %bitcast_convert_type3A_729 = tpu.bitcast %and3A_728 : vector<16xi32> -> vector<16xf32>
          %add3A_730 = arith.addf %add3A_666, %bitcast_convert_type3A_729 : vector<16xf32>
          %mul3A_731 = arith.constant 25 : i32
          %mul3A_732 = arith.muli %mul3A_731, %scan3A_406 : i32
          %add3A_733 = arith.constant 10 : i32
          %add3A_734 = arith.addi %mul3A_732, %add3A_733 : i32
          %get3A_735 = arith.constant 0 : i32
          %get3A_736 = arith.constant 0 : i32
          %get3A_737 = tpu.memref_slice %arg6[%scan3A_288, %get3A_735, %get3A_736] : memref<4x200x32xi32, #tpu.memory_space<vmem>> -> memref<1x200x32xi32, #tpu.memory_space<vmem>>
          %get3A_738 = tpu.memref_squeeze %get3A_737 : memref<1x200x32xi32, #tpu.memory_space<vmem>> -> memref<200x32xi32, #tpu.memory_space<vmem>>
          %get3A_739 = arith.index_cast %add3A_734 : i32 to index
          %get3A_740 = arith.constant 0 : index
          %get3A_741 = tpu.vector_load %get3A_738[%get3A_739, %get3A_740] {strides = array<i32>} : memref<200x32xi32, #tpu.memory_space<vmem>>, vector<1x16xi32>,
          %get3A_742 = vector.shape_cast %get3A_741 : vector<1x16xi32> to vector<16xi32>
          %get3A_743 = arith.constant 0 : i32
          %get3A_744 = arith.constant 0 : i32
          %get3A_745 = tpu.memref_slice %arg6[%scan3A_288, %get3A_743, %get3A_744] : memref<4x200x32xi32, #tpu.memory_space<vmem>> -> memref<1x200x32xi32, #tpu.memory_space<vmem>>
          %get3A_746 = tpu.memref_squeeze %get3A_745 : memref<1x200x32xi32, #tpu.memory_space<vmem>> -> memref<200x32xi32, #tpu.memory_space<vmem>>
          %get3A_747 = arith.index_cast %add3A_734 : i32 to index
          %get3A_748 = arith.constant 16 : index
          %get3A_749 = tpu.vector_load %get3A_746[%get3A_747, %get3A_748] {strides = array<i32>} : memref<200x32xi32, #tpu.memory_space<vmem>>, vector<1x16xi32>,
          %get3A_750 = vector.shape_cast %get3A_749 : vector<1x16xi32> to vector<16xi32>
          %shift_left3A_751 = arith.shli %get3A_742, %broadcast_in_dim3A_285 : vector<16xi32>
          %bitcast_convert_type3A_752 = tpu.bitcast %shift_left3A_751 : vector<16xi32> -> vector<16xf32>
          %add3A_753 = arith.addf %add3A_689, %bitcast_convert_type3A_752 : vector<16xf32>
          %shift_left3A_754 = arith.shli %get3A_750, %broadcast_in_dim3A_285 : vector<16xi32>
          %bitcast_convert_type3A_755 = tpu.bitcast %shift_left3A_754 : vector<16xi32> -> vector<16xf32>
          %add3A_756 = arith.addf %add3A_692, %bitcast_convert_type3A_755 : vector<16xf32>
          %and3A_757 = arith.andi %get3A_742, %broadcast_in_dim3A_283 : vector<16xi32>
          %bitcast_convert_type3A_758 = tpu.bitcast %and3A_757 : vector<16xi32> -> vector<16xf32>
          %add3A_759 = arith.addf %add3A_695, %bitcast_convert_type3A_758 : vector<16xf32>
          %and3A_760 = arith.andi %get3A_750, %broadcast_in_dim3A_283 : vector<16xi32>
          %bitcast_convert_type3A_761 = tpu.bitcast %and3A_760 : vector<16xi32> -> vector<16xf32>
          %add3A_762 = arith.addf %add3A_698, %bitcast_convert_type3A_761 : vector<16xf32>
          %mul3A_763 = arith.constant 25 : i32
          %mul3A_764 = arith.muli %mul3A_763, %scan3A_406 : i32
          %add3A_765 = arith.constant 11 : i32
          %add3A_766 = arith.addi %mul3A_764, %add3A_765 : i32
          %get3A_767 = arith.constant 0 : i32
          %get3A_768 = arith.constant 0 : i32
          %get3A_769 = tpu.memref_slice %arg6[%scan3A_288, %get3A_767, %get3A_768] : memref<4x200x32xi32, #tpu.memory_space<vmem>> -> memref<1x200x32xi32, #tpu.memory_space<vmem>>
          %get3A_770 = tpu.memref_squeeze %get3A_769 : memref<1x200x32xi32, #tpu.memory_space<vmem>> -> memref<200x32xi32, #tpu.memory_space<vmem>>
          %get3A_771 = arith.index_cast %add3A_766 : i32 to index
          %get3A_772 = arith.constant 0 : index
          %get3A_773 = tpu.vector_load %get3A_770[%get3A_771, %get3A_772] {strides = array<i32>} : memref<200x32xi32, #tpu.memory_space<vmem>>, vector<1x16xi32>,
          %get3A_774 = vector.shape_cast %get3A_773 : vector<1x16xi32> to vector<16xi32>
          %get3A_775 = arith.constant 0 : i32
          %get3A_776 = arith.constant 0 : i32
          %get3A_777 = tpu.memref_slice %arg6[%scan3A_288, %get3A_775, %get3A_776] : memref<4x200x32xi32, #tpu.memory_space<vmem>> -> memref<1x200x32xi32, #tpu.memory_space<vmem>>
          %get3A_778 = tpu.memref_squeeze %get3A_777 : memref<1x200x32xi32, #tpu.memory_space<vmem>> -> memref<200x32xi32, #tpu.memory_space<vmem>>
          %get3A_779 = arith.index_cast %add3A_766 : i32 to index
          %get3A_780 = arith.constant 16 : index
          %get3A_781 = tpu.vector_load %get3A_778[%get3A_779, %get3A_780] {strides = array<i32>} : memref<200x32xi32, #tpu.memory_space<vmem>>, vector<1x16xi32>,
          %get3A_782 = vector.shape_cast %get3A_781 : vector<1x16xi32> to vector<16xi32>
          %shift_left3A_783 = arith.shli %get3A_774, %broadcast_in_dim3A_285 : vector<16xi32>
          %bitcast_convert_type3A_784 = tpu.bitcast %shift_left3A_783 : vector<16xi32> -> vector<16xf32>
          %add3A_785 = arith.addf %add3A_721, %bitcast_convert_type3A_784 : vector<16xf32>
          %shift_left3A_786 = arith.shli %get3A_782, %broadcast_in_dim3A_285 : vector<16xi32>
          %bitcast_convert_type3A_787 = tpu.bitcast %shift_left3A_786 : vector<16xi32> -> vector<16xf32>
          %add3A_788 = arith.addf %add3A_724, %bitcast_convert_type3A_787 : vector<16xf32>
          %and3A_789 = arith.andi %get3A_774, %broadcast_in_dim3A_283 : vector<16xi32>
          %bitcast_convert_type3A_790 = tpu.bitcast %and3A_789 : vector<16xi32> -> vector<16xf32>
          %add3A_791 = arith.addf %add3A_727, %bitcast_convert_type3A_790 : vector<16xf32>
          %and3A_792 = arith.andi %get3A_782, %broadcast_in_dim3A_283 : vector<16xi32>
          %bitcast_convert_type3A_793 = tpu.bitcast %and3A_792 : vector<16xi32> -> vector<16xf32>
          %add3A_794 = arith.addf %add3A_730, %bitcast_convert_type3A_793 : vector<16xf32>
          %mul3A_795 = arith.constant 25 : i32
          %mul3A_796 = arith.muli %mul3A_795, %scan3A_406 : i32
          %add3A_797 = arith.constant 12 : i32
          %add3A_798 = arith.addi %mul3A_796, %add3A_797 : i32
          %get3A_799 = arith.constant 0 : i32
          %get3A_800 = arith.constant 0 : i32
          %get3A_801 = tpu.memref_slice %arg6[%scan3A_288, %get3A_799, %get3A_800] : memref<4x200x32xi32, #tpu.memory_space<vmem>> -> memref<1x200x32xi32, #tpu.memory_space<vmem>>
          %get3A_802 = tpu.memref_squeeze %get3A_801 : memref<1x200x32xi32, #tpu.memory_space<vmem>> -> memref<200x32xi32, #tpu.memory_space<vmem>>
          %get3A_803 = arith.index_cast %add3A_798 : i32 to index
          %get3A_804 = arith.constant 0 : index
          %get3A_805 = tpu.vector_load %get3A_802[%get3A_803, %get3A_804] {strides = array<i32>} : memref<200x32xi32, #tpu.memory_space<vmem>>, vector<1x16xi32>,
          %get3A_806 = vector.shape_cast %get3A_805 : vector<1x16xi32> to vector<16xi32>
          %get3A_807 = arith.constant 0 : i32
          %get3A_808 = arith.constant 0 : i32
          %get3A_809 = tpu.memref_slice %arg6[%scan3A_288, %get3A_807, %get3A_808] : memref<4x200x32xi32, #tpu.memory_space<vmem>> -> memref<1x200x32xi32, #tpu.memory_space<vmem>>
          %get3A_810 = tpu.memref_squeeze %get3A_809 : memref<1x200x32xi32, #tpu.memory_space<vmem>> -> memref<200x32xi32, #tpu.memory_space<vmem>>
          %get3A_811 = arith.index_cast %add3A_798 : i32 to index
          %get3A_812 = arith.constant 16 : index
          %get3A_813 = tpu.vector_load %get3A_810[%get3A_811, %get3A_812] {strides = array<i32>} : memref<200x32xi32, #tpu.memory_space<vmem>>, vector<1x16xi32>,
          %get3A_814 = vector.shape_cast %get3A_813 : vector<1x16xi32> to vector<16xi32>
          %shift_left3A_815 = arith.shli %get3A_806, %broadcast_in_dim3A_285 : vector<16xi32>
          %bitcast_convert_type3A_816 = tpu.bitcast %shift_left3A_815 : vector<16xi32> -> vector<16xf32>
          %add3A_817 = arith.addf %add3A_753, %bitcast_convert_type3A_816 : vector<16xf32>
          %shift_left3A_818 = arith.shli %get3A_814, %broadcast_in_dim3A_285 : vector<16xi32>
          %bitcast_convert_type3A_819 = tpu.bitcast %shift_left3A_818 : vector<16xi32> -> vector<16xf32>
          %add3A_820 = arith.addf %add3A_756, %bitcast_convert_type3A_819 : vector<16xf32>
          %and3A_821 = arith.andi %get3A_806, %broadcast_in_dim3A_283 : vector<16xi32>
          %bitcast_convert_type3A_822 = tpu.bitcast %and3A_821 : vector<16xi32> -> vector<16xf32>
          %add3A_823 = arith.addf %add3A_759, %bitcast_convert_type3A_822 : vector<16xf32>
          %and3A_824 = arith.andi %get3A_814, %broadcast_in_dim3A_283 : vector<16xi32>
          %bitcast_convert_type3A_825 = tpu.bitcast %and3A_824 : vector<16xi32> -> vector<16xf32>
          %add3A_826 = arith.addf %add3A_762, %bitcast_convert_type3A_825 : vector<16xf32>
          %mul3A_827 = arith.constant 25 : i32
          %mul3A_828 = arith.muli %mul3A_827, %scan3A_406 : i32
          %add3A_829 = arith.constant 13 : i32
          %add3A_830 = arith.addi %mul3A_828, %add3A_829 : i32
          %get3A_831 = arith.constant 0 : i32
          %get3A_832 = arith.constant 0 : i32
          %get3A_833 = tpu.memref_slice %arg6[%scan3A_288, %get3A_831, %get3A_832] : memref<4x200x32xi32, #tpu.memory_space<vmem>> -> memref<1x200x32xi32, #tpu.memory_space<vmem>>
          %get3A_834 = tpu.memref_squeeze %get3A_833 : memref<1x200x32xi32, #tpu.memory_space<vmem>> -> memref<200x32xi32, #tpu.memory_space<vmem>>
          %get3A_835 = arith.index_cast %add3A_830 : i32 to index
          %get3A_836 = arith.constant 0 : index
          %get3A_837 = tpu.vector_load %get3A_834[%get3A_835, %get3A_836] {strides = array<i32>} : memref<200x32xi32, #tpu.memory_space<vmem>>, vector<1x16xi32>,
          %get3A_838 = vector.shape_cast %get3A_837 : vector<1x16xi32> to vector<16xi32>
          %get3A_839 = arith.constant 0 : i32
          %get3A_840 = arith.constant 0 : i32
          %get3A_841 = tpu.memref_slice %arg6[%scan3A_288, %get3A_839, %get3A_840] : memref<4x200x32xi32, #tpu.memory_space<vmem>> -> memref<1x200x32xi32, #tpu.memory_space<vmem>>
          %get3A_842 = tpu.memref_squeeze %get3A_841 : memref<1x200x32xi32, #tpu.memory_space<vmem>> -> memref<200x32xi32, #tpu.memory_space<vmem>>
          %get3A_843 = arith.index_cast %add3A_830 : i32 to index
          %get3A_844 = arith.constant 16 : index
          %get3A_845 = tpu.vector_load %get3A_842[%get3A_843, %get3A_844] {strides = array<i32>} : memref<200x32xi32, #tpu.memory_space<vmem>>, vector<1x16xi32>,
          %get3A_846 = vector.shape_cast %get3A_845 : vector<1x16xi32> to vector<16xi32>
          %shift_left3A_847 = arith.shli %get3A_838, %broadcast_in_dim3A_285 : vector<16xi32>
          %bitcast_convert_type3A_848 = tpu.bitcast %shift_left3A_847 : vector<16xi32> -> vector<16xf32>
          %add3A_849 = arith.addf %add3A_785, %bitcast_convert_type3A_848 : vector<16xf32>
          %shift_left3A_850 = arith.shli %get3A_846, %broadcast_in_dim3A_285 : vector<16xi32>
          %bitcast_convert_type3A_851 = tpu.bitcast %shift_left3A_850 : vector<16xi32> -> vector<16xf32>
          %add3A_852 = arith.addf %add3A_788, %bitcast_convert_type3A_851 : vector<16xf32>
          %and3A_853 = arith.andi %get3A_838, %broadcast_in_dim3A_283 : vector<16xi32>
          %bitcast_convert_type3A_854 = tpu.bitcast %and3A_853 : vector<16xi32> -> vector<16xf32>
          %add3A_855 = arith.addf %add3A_791, %bitcast_convert_type3A_854 : vector<16xf32>
          %and3A_856 = arith.andi %get3A_846, %broadcast_in_dim3A_283 : vector<16xi32>
          %bitcast_convert_type3A_857 = tpu.bitcast %and3A_856 : vector<16xi32> -> vector<16xf32>
          %add3A_858 = arith.addf %add3A_794, %bitcast_convert_type3A_857 : vector<16xf32>
          %mul3A_859 = arith.constant 25 : i32
          %mul3A_860 = arith.muli %mul3A_859, %scan3A_406 : i32
          %add3A_861 = arith.constant 14 : i32
          %add3A_862 = arith.addi %mul3A_860, %add3A_861 : i32
          %get3A_863 = arith.constant 0 : i32
          %get3A_864 = arith.constant 0 : i32
          %get3A_865 = tpu.memref_slice %arg6[%scan3A_288, %get3A_863, %get3A_864] : memref<4x200x32xi32, #tpu.memory_space<vmem>> -> memref<1x200x32xi32, #tpu.memory_space<vmem>>
          %get3A_866 = tpu.memref_squeeze %get3A_865 : memref<1x200x32xi32, #tpu.memory_space<vmem>> -> memref<200x32xi32, #tpu.memory_space<vmem>>
          %get3A_867 = arith.index_cast %add3A_862 : i32 to index
          %get3A_868 = arith.constant 0 : index
          %get3A_869 = tpu.vector_load %get3A_866[%get3A_867, %get3A_868] {strides = array<i32>} : memref<200x32xi32, #tpu.memory_space<vmem>>, vector<1x16xi32>,
          %get3A_870 = vector.shape_cast %get3A_869 : vector<1x16xi32> to vector<16xi32>
          %get3A_871 = arith.constant 0 : i32
          %get3A_872 = arith.constant 0 : i32
          %get3A_873 = tpu.memref_slice %arg6[%scan3A_288, %get3A_871, %get3A_872] : memref<4x200x32xi32, #tpu.memory_space<vmem>> -> memref<1x200x32xi32, #tpu.memory_space<vmem>>
          %get3A_874 = tpu.memref_squeeze %get3A_873 : memref<1x200x32xi32, #tpu.memory_space<vmem>> -> memref<200x32xi32, #tpu.memory_space<vmem>>
          %get3A_875 = arith.index_cast %add3A_862 : i32 to index
          %get3A_876 = arith.constant 16 : index
          %get3A_877 = tpu.vector_load %get3A_874[%get3A_875, %get3A_876] {strides = array<i32>} : memref<200x32xi32, #tpu.memory_space<vmem>>, vector<1x16xi32>,
          %get3A_878 = vector.shape_cast %get3A_877 : vector<1x16xi32> to vector<16xi32>
          %shift_left3A_879 = arith.shli %get3A_870, %broadcast_in_dim3A_285 : vector<16xi32>
          %bitcast_convert_type3A_880 = tpu.bitcast %shift_left3A_879 : vector<16xi32> -> vector<16xf32>
          %add3A_881 = arith.addf %add3A_817, %bitcast_convert_type3A_880 : vector<16xf32>
          %shift_left3A_882 = arith.shli %get3A_878, %broadcast_in_dim3A_285 : vector<16xi32>
          %bitcast_convert_type3A_883 = tpu.bitcast %shift_left3A_882 : vector<16xi32> -> vector<16xf32>
          %add3A_884 = arith.addf %add3A_820, %bitcast_convert_type3A_883 : vector<16xf32>
          %and3A_885 = arith.andi %get3A_870, %broadcast_in_dim3A_283 : vector<16xi32>
          %bitcast_convert_type3A_886 = tpu.bitcast %and3A_885 : vector<16xi32> -> vector<16xf32>
          %add3A_887 = arith.addf %add3A_823, %bitcast_convert_type3A_886 : vector<16xf32>
          %and3A_888 = arith.andi %get3A_878, %broadcast_in_dim3A_283 : vector<16xi32>
          %bitcast_convert_type3A_889 = tpu.bitcast %and3A_888 : vector<16xi32> -> vector<16xf32>
          %add3A_890 = arith.addf %add3A_826, %bitcast_convert_type3A_889 : vector<16xf32>
          %mul3A_891 = arith.constant 25 : i32
          %mul3A_892 = arith.muli %mul3A_891, %scan3A_406 : i32
          %add3A_893 = arith.constant 15 : i32
          %add3A_894 = arith.addi %mul3A_892, %add3A_893 : i32
          %get3A_895 = arith.constant 0 : i32
          %get3A_896 = arith.constant 0 : i32
          %get3A_897 = tpu.memref_slice %arg6[%scan3A_288, %get3A_895, %get3A_896] : memref<4x200x32xi32, #tpu.memory_space<vmem>> -> memref<1x200x32xi32, #tpu.memory_space<vmem>>
          %get3A_898 = tpu.memref_squeeze %get3A_897 : memref<1x200x32xi32, #tpu.memory_space<vmem>> -> memref<200x32xi32, #tpu.memory_space<vmem>>
          %get3A_899 = arith.index_cast %add3A_894 : i32 to index
          %get3A_900 = arith.constant 0 : index
          %get3A_901 = tpu.vector_load %get3A_898[%get3A_899, %get3A_900] {strides = array<i32>} : memref<200x32xi32, #tpu.memory_space<vmem>>, vector<1x16xi32>,
          %get3A_902 = vector.shape_cast %get3A_901 : vector<1x16xi32> to vector<16xi32>
          %get3A_903 = arith.constant 0 : i32
          %get3A_904 = arith.constant 0 : i32
          %get3A_905 = tpu.memref_slice %arg6[%scan3A_288, %get3A_903, %get3A_904] : memref<4x200x32xi32, #tpu.memory_space<vmem>> -> memref<1x200x32xi32, #tpu.memory_space<vmem>>
          %get3A_906 = tpu.memref_squeeze %get3A_905 : memref<1x200x32xi32, #tpu.memory_space<vmem>> -> memref<200x32xi32, #tpu.memory_space<vmem>>
          %get3A_907 = arith.index_cast %add3A_894 : i32 to index
          %get3A_908 = arith.constant 16 : index
          %get3A_909 = tpu.vector_load %get3A_906[%get3A_907, %get3A_908] {strides = array<i32>} : memref<200x32xi32, #tpu.memory_space<vmem>>, vector<1x16xi32>,
          %get3A_910 = vector.shape_cast %get3A_909 : vector<1x16xi32> to vector<16xi32>
          %shift_left3A_911 = arith.shli %get3A_902, %broadcast_in_dim3A_285 : vector<16xi32>
          %bitcast_convert_type3A_912 = tpu.bitcast %shift_left3A_911 : vector<16xi32> -> vector<16xf32>
          %add3A_913 = arith.addf %add3A_849, %bitcast_convert_type3A_912 : vector<16xf32>
          %shift_left3A_914 = arith.shli %get3A_910, %broadcast_in_dim3A_285 : vector<16xi32>
          %bitcast_convert_type3A_915 = tpu.bitcast %shift_left3A_914 : vector<16xi32> -> vector<16xf32>
          %add3A_916 = arith.addf %add3A_852, %bitcast_convert_type3A_915 : vector<16xf32>
          %and3A_917 = arith.andi %get3A_902, %broadcast_in_dim3A_283 : vector<16xi32>
          %bitcast_convert_type3A_918 = tpu.bitcast %and3A_917 : vector<16xi32> -> vector<16xf32>
          %add3A_919 = arith.addf %add3A_855, %bitcast_convert_type3A_918 : vector<16xf32>
          %and3A_920 = arith.andi %get3A_910, %broadcast_in_dim3A_283 : vector<16xi32>
          %bitcast_convert_type3A_921 = tpu.bitcast %and3A_920 : vector<16xi32> -> vector<16xf32>
          %add3A_922 = arith.addf %add3A_858, %bitcast_convert_type3A_921 : vector<16xf32>
          %mul3A_923 = arith.constant 25 : i32
          %mul3A_924 = arith.muli %mul3A_923, %scan3A_406 : i32
          %add3A_925 = arith.constant 16 : i32
          %add3A_926 = arith.addi %mul3A_924, %add3A_925 : i32
          %get3A_927 = arith.constant 0 : i32
          %get3A_928 = arith.constant 0 : i32
          %get3A_929 = tpu.memref_slice %arg6[%scan3A_288, %get3A_927, %get3A_928] : memref<4x200x32xi32, #tpu.memory_space<vmem>> -> memref<1x200x32xi32, #tpu.memory_space<vmem>>
          %get3A_930 = tpu.memref_squeeze %get3A_929 : memref<1x200x32xi32, #tpu.memory_space<vmem>> -> memref<200x32xi32, #tpu.memory_space<vmem>>
          %get3A_931 = arith.index_cast %add3A_926 : i32 to index
          %get3A_932 = arith.constant 0 : index
          %get3A_933 = tpu.vector_load %get3A_930[%get3A_931, %get3A_932] {strides = array<i32>} : memref<200x32xi32, #tpu.memory_space<vmem>>, vector<1x16xi32>,
          %get3A_934 = vector.shape_cast %get3A_933 : vector<1x16xi32> to vector<16xi32>
          %get3A_935 = arith.constant 0 : i32
          %get3A_936 = arith.constant 0 : i32
          %get3A_937 = tpu.memref_slice %arg6[%scan3A_288, %get3A_935, %get3A_936] : memref<4x200x32xi32, #tpu.memory_space<vmem>> -> memref<1x200x32xi32, #tpu.memory_space<vmem>>
          %get3A_938 = tpu.memref_squeeze %get3A_937 : memref<1x200x32xi32, #tpu.memory_space<vmem>> -> memref<200x32xi32, #tpu.memory_space<vmem>>
          %get3A_939 = arith.index_cast %add3A_926 : i32 to index
          %get3A_940 = arith.constant 16 : index
          %get3A_941 = tpu.vector_load %get3A_938[%get3A_939, %get3A_940] {strides = array<i32>} : memref<200x32xi32, #tpu.memory_space<vmem>>, vector<1x16xi32>,
          %get3A_942 = vector.shape_cast %get3A_941 : vector<1x16xi32> to vector<16xi32>
          %shift_left3A_943 = arith.shli %get3A_934, %broadcast_in_dim3A_285 : vector<16xi32>
          %bitcast_convert_type3A_944 = tpu.bitcast %shift_left3A_943 : vector<16xi32> -> vector<16xf32>
          %add3A_945 = arith.addf %add3A_881, %bitcast_convert_type3A_944 : vector<16xf32>
          %shift_left3A_946 = arith.shli %get3A_942, %broadcast_in_dim3A_285 : vector<16xi32>
          %bitcast_convert_type3A_947 = tpu.bitcast %shift_left3A_946 : vector<16xi32> -> vector<16xf32>
          %add3A_948 = arith.addf %add3A_884, %bitcast_convert_type3A_947 : vector<16xf32>
          %and3A_949 = arith.andi %get3A_934, %broadcast_in_dim3A_283 : vector<16xi32>
          %bitcast_convert_type3A_950 = tpu.bitcast %and3A_949 : vector<16xi32> -> vector<16xf32>
          %add3A_951 = arith.addf %add3A_887, %bitcast_convert_type3A_950 : vector<16xf32>
          %and3A_952 = arith.andi %get3A_942, %broadcast_in_dim3A_283 : vector<16xi32>
          %bitcast_convert_type3A_953 = tpu.bitcast %and3A_952 : vector<16xi32> -> vector<16xf32>
          %add3A_954 = arith.addf %add3A_890, %bitcast_convert_type3A_953 : vector<16xf32>
          %mul3A_955 = arith.constant 25 : i32
          %mul3A_956 = arith.muli %mul3A_955, %scan3A_406 : i32
          %add3A_957 = arith.constant 17 : i32
          %add3A_958 = arith.addi %mul3A_956, %add3A_957 : i32
          %get3A_959 = arith.constant 0 : i32
          %get3A_960 = arith.constant 0 : i32
          %get3A_961 = tpu.memref_slice %arg6[%scan3A_288, %get3A_959, %get3A_960] : memref<4x200x32xi32, #tpu.memory_space<vmem>> -> memref<1x200x32xi32, #tpu.memory_space<vmem>>
          %get3A_962 = tpu.memref_squeeze %get3A_961 : memref<1x200x32xi32, #tpu.memory_space<vmem>> -> memref<200x32xi32, #tpu.memory_space<vmem>>
          %get3A_963 = arith.index_cast %add3A_958 : i32 to index
          %get3A_964 = arith.constant 0 : index
          %get3A_965 = tpu.vector_load %get3A_962[%get3A_963, %get3A_964] {strides = array<i32>} : memref<200x32xi32, #tpu.memory_space<vmem>>, vector<1x16xi32>,
          %get3A_966 = vector.shape_cast %get3A_965 : vector<1x16xi32> to vector<16xi32>
          %get3A_967 = arith.constant 0 : i32
          %get3A_968 = arith.constant 0 : i32
          %get3A_969 = tpu.memref_slice %arg6[%scan3A_288, %get3A_967, %get3A_968] : memref<4x200x32xi32, #tpu.memory_space<vmem>> -> memref<1x200x32xi32, #tpu.memory_space<vmem>>
          %get3A_970 = tpu.memref_squeeze %get3A_969 : memref<1x200x32xi32, #tpu.memory_space<vmem>> -> memref<200x32xi32, #tpu.memory_space<vmem>>
          %get3A_971 = arith.index_cast %add3A_958 : i32 to index
          %get3A_972 = arith.constant 16 : index
          %get3A_973 = tpu.vector_load %get3A_970[%get3A_971, %get3A_972] {strides = array<i32>} : memref<200x32xi32, #tpu.memory_space<vmem>>, vector<1x16xi32>,
          %get3A_974 = vector.shape_cast %get3A_973 : vector<1x16xi32> to vector<16xi32>
          %shift_left3A_975 = arith.shli %get3A_966, %broadcast_in_dim3A_285 : vector<16xi32>
          %bitcast_convert_type3A_976 = tpu.bitcast %shift_left3A_975 : vector<16xi32> -> vector<16xf32>
          %add3A_977 = arith.addf %add3A_913, %bitcast_convert_type3A_976 : vector<16xf32>
          %shift_left3A_978 = arith.shli %get3A_974, %broadcast_in_dim3A_285 : vector<16xi32>
          %bitcast_convert_type3A_979 = tpu.bitcast %shift_left3A_978 : vector<16xi32> -> vector<16xf32>
          %add3A_980 = arith.addf %add3A_916, %bitcast_convert_type3A_979 : vector<16xf32>
          %and3A_981 = arith.andi %get3A_966, %broadcast_in_dim3A_283 : vector<16xi32>
          %bitcast_convert_type3A_982 = tpu.bitcast %and3A_981 : vector<16xi32> -> vector<16xf32>
          %add3A_983 = arith.addf %add3A_919, %bitcast_convert_type3A_982 : vector<16xf32>
          %and3A_984 = arith.andi %get3A_974, %broadcast_in_dim3A_283 : vector<16xi32>
          %bitcast_convert_type3A_985 = tpu.bitcast %and3A_984 : vector<16xi32> -> vector<16xf32>
          %add3A_986 = arith.addf %add3A_922, %bitcast_convert_type3A_985 : vector<16xf32>
          %mul3A_987 = arith.constant 25 : i32
          %mul3A_988 = arith.muli %mul3A_987, %scan3A_406 : i32
          %add3A_989 = arith.constant 18 : i32
          %add3A_990 = arith.addi %mul3A_988, %add3A_989 : i32
          %get3A_991 = arith.constant 0 : i32
          %get3A_992 = arith.constant 0 : i32
          %get3A_993 = tpu.memref_slice %arg6[%scan3A_288, %get3A_991, %get3A_992] : memref<4x200x32xi32, #tpu.memory_space<vmem>> -> memref<1x200x32xi32, #tpu.memory_space<vmem>>
          %get3A_994 = tpu.memref_squeeze %get3A_993 : memref<1x200x32xi32, #tpu.memory_space<vmem>> -> memref<200x32xi32, #tpu.memory_space<vmem>>
          %get3A_995 = arith.index_cast %add3A_990 : i32 to index
          %get3A_996 = arith.constant 0 : index
          %get3A_997 = tpu.vector_load %get3A_994[%get3A_995, %get3A_996] {strides = array<i32>} : memref<200x32xi32, #tpu.memory_space<vmem>>, vector<1x16xi32>,
          %get3A_998 = vector.shape_cast %get3A_997 : vector<1x16xi32> to vector<16xi32>
          %get3A_999 = arith.constant 0 : i32
          %get3A_1000 = arith.constant 0 : i32
          %get3A_1001 = tpu.memref_slice %arg6[%scan3A_288, %get3A_999, %get3A_1000] : memref<4x200x32xi32, #tpu.memory_space<vmem>> -> memref<1x200x32xi32, #tpu.memory_space<vmem>>
          %get3A_1002 = tpu.memref_squeeze %get3A_1001 : memref<1x200x32xi32, #tpu.memory_space<vmem>> -> memref<200x32xi32, #tpu.memory_space<vmem>>
          %get3A_1003 = arith.index_cast %add3A_990 : i32 to index
          %get3A_1004 = arith.constant 16 : index
          %get3A_1005 = tpu.vector_load %get3A_1002[%get3A_1003, %get3A_1004] {strides = array<i32>} : memref<200x32xi32, #tpu.memory_space<vmem>>, vector<1x16xi32>,
          %get3A_1006 = vector.shape_cast %get3A_1005 : vector<1x16xi32> to vector<16xi32>
          %shift_left3A_1007 = arith.shli %get3A_998, %broadcast_in_dim3A_285 : vector<16xi32>
          %bitcast_convert_type3A_1008 = tpu.bitcast %shift_left3A_1007 : vector<16xi32> -> vector<16xf32>
          %add3A_1009 = arith.addf %add3A_945, %bitcast_convert_type3A_1008 : vector<16xf32>
          %shift_left3A_1010 = arith.shli %get3A_1006, %broadcast_in_dim3A_285 : vector<16xi32>
          %bitcast_convert_type3A_1011 = tpu.bitcast %shift_left3A_1010 : vector<16xi32> -> vector<16xf32>
          %add3A_1012 = arith.addf %add3A_948, %bitcast_convert_type3A_1011 : vector<16xf32>
          %and3A_1013 = arith.andi %get3A_998, %broadcast_in_dim3A_283 : vector<16xi32>
          %bitcast_convert_type3A_1014 = tpu.bitcast %and3A_1013 : vector<16xi32> -> vector<16xf32>
          %add3A_1015 = arith.addf %add3A_951, %bitcast_convert_type3A_1014 : vector<16xf32>
          %and3A_1016 = arith.andi %get3A_1006, %broadcast_in_dim3A_283 : vector<16xi32>
          %bitcast_convert_type3A_1017 = tpu.bitcast %and3A_1016 : vector<16xi32> -> vector<16xf32>
          %add3A_1018 = arith.addf %add3A_954, %bitcast_convert_type3A_1017 : vector<16xf32>
          %mul3A_1019 = arith.constant 25 : i32
          %mul3A_1020 = arith.muli %mul3A_1019, %scan3A_406 : i32
          %add3A_1021 = arith.constant 19 : i32
          %add3A_1022 = arith.addi %mul3A_1020, %add3A_1021 : i32
          %get3A_1023 = arith.constant 0 : i32
          %get3A_1024 = arith.constant 0 : i32
          %get3A_1025 = tpu.memref_slice %arg6[%scan3A_288, %get3A_1023, %get3A_1024] : memref<4x200x32xi32, #tpu.memory_space<vmem>> -> memref<1x200x32xi32, #tpu.memory_space<vmem>>
          %get3A_1026 = tpu.memref_squeeze %get3A_1025 : memref<1x200x32xi32, #tpu.memory_space<vmem>> -> memref<200x32xi32, #tpu.memory_space<vmem>>
          %get3A_1027 = arith.index_cast %add3A_1022 : i32 to index
          %get3A_1028 = arith.constant 0 : index
          %get3A_1029 = tpu.vector_load %get3A_1026[%get3A_1027, %get3A_1028] {strides = array<i32>} : memref<200x32xi32, #tpu.memory_space<vmem>>, vector<1x16xi32>,
          %get3A_1030 = vector.shape_cast %get3A_1029 : vector<1x16xi32> to vector<16xi32>
          %get3A_1031 = arith.constant 0 : i32
          %get3A_1032 = arith.constant 0 : i32
          %get3A_1033 = tpu.memref_slice %arg6[%scan3A_288, %get3A_1031, %get3A_1032] : memref<4x200x32xi32, #tpu.memory_space<vmem>> -> memref<1x200x32xi32, #tpu.memory_space<vmem>>
          %get3A_1034 = tpu.memref_squeeze %get3A_1033 : memref<1x200x32xi32, #tpu.memory_space<vmem>> -> memref<200x32xi32, #tpu.memory_space<vmem>>
          %get3A_1035 = arith.index_cast %add3A_1022 : i32 to index
          %get3A_1036 = arith.constant 16 : index
          %get3A_1037 = tpu.vector_load %get3A_1034[%get3A_1035, %get3A_1036] {strides = array<i32>} : memref<200x32xi32, #tpu.memory_space<vmem>>, vector<1x16xi32>,
          %get3A_1038 = vector.shape_cast %get3A_1037 : vector<1x16xi32> to vector<16xi32>
          %shift_left3A_1039 = arith.shli %get3A_1030, %broadcast_in_dim3A_285 : vector<16xi32>
          %bitcast_convert_type3A_1040 = tpu.bitcast %shift_left3A_1039 : vector<16xi32> -> vector<16xf32>
          %add3A_1041 = arith.addf %add3A_977, %bitcast_convert_type3A_1040 : vector<16xf32>
          %shift_left3A_1042 = arith.shli %get3A_1038, %broadcast_in_dim3A_285 : vector<16xi32>
          %bitcast_convert_type3A_1043 = tpu.bitcast %shift_left3A_1042 : vector<16xi32> -> vector<16xf32>
          %add3A_1044 = arith.addf %add3A_980, %bitcast_convert_type3A_1043 : vector<16xf32>
          %and3A_1045 = arith.andi %get3A_1030, %broadcast_in_dim3A_283 : vector<16xi32>
          %bitcast_convert_type3A_1046 = tpu.bitcast %and3A_1045 : vector<16xi32> -> vector<16xf32>
          %add3A_1047 = arith.addf %add3A_983, %bitcast_convert_type3A_1046 : vector<16xf32>
          %and3A_1048 = arith.andi %get3A_1038, %broadcast_in_dim3A_283 : vector<16xi32>
          %bitcast_convert_type3A_1049 = tpu.bitcast %and3A_1048 : vector<16xi32> -> vector<16xf32>
          %add3A_1050 = arith.addf %add3A_986, %bitcast_convert_type3A_1049 : vector<16xf32>
          %mul3A_1051 = arith.constant 25 : i32
          %mul3A_1052 = arith.muli %mul3A_1051, %scan3A_406 : i32
          %add3A_1053 = arith.constant 20 : i32
          %add3A_1054 = arith.addi %mul3A_1052, %add3A_1053 : i32
          %get3A_1055 = arith.constant 0 : i32
          %get3A_1056 = arith.constant 0 : i32
          %get3A_1057 = tpu.memref_slice %arg6[%scan3A_288, %get3A_1055, %get3A_1056] : memref<4x200x32xi32, #tpu.memory_space<vmem>> -> memref<1x200x32xi32, #tpu.memory_space<vmem>>
          %get3A_1058 = tpu.memref_squeeze %get3A_1057 : memref<1x200x32xi32, #tpu.memory_space<vmem>> -> memref<200x32xi32, #tpu.memory_space<vmem>>
          %get3A_1059 = arith.index_cast %add3A_1054 : i32 to index
          %get3A_1060 = arith.constant 0 : index
          %get3A_1061 = tpu.vector_load %get3A_1058[%get3A_1059, %get3A_1060] {strides = array<i32>} : memref<200x32xi32, #tpu.memory_space<vmem>>, vector<1x16xi32>,
          %get3A_1062 = vector.shape_cast %get3A_1061 : vector<1x16xi32> to vector<16xi32>
          %get3A_1063 = arith.constant 0 : i32
          %get3A_1064 = arith.constant 0 : i32
          %get3A_1065 = tpu.memref_slice %arg6[%scan3A_288, %get3A_1063, %get3A_1064] : memref<4x200x32xi32, #tpu.memory_space<vmem>> -> memref<1x200x32xi32, #tpu.memory_space<vmem>>
          %get3A_1066 = tpu.memref_squeeze %get3A_1065 : memref<1x200x32xi32, #tpu.memory_space<vmem>> -> memref<200x32xi32, #tpu.memory_space<vmem>>
          %get3A_1067 = arith.index_cast %add3A_1054 : i32 to index
          %get3A_1068 = arith.constant 16 : index
          %get3A_1069 = tpu.vector_load %get3A_1066[%get3A_1067, %get3A_1068] {strides = array<i32>} : memref<200x32xi32, #tpu.memory_space<vmem>>, vector<1x16xi32>,
          %get3A_1070 = vector.shape_cast %get3A_1069 : vector<1x16xi32> to vector<16xi32>
          %shift_left3A_1071 = arith.shli %get3A_1062, %broadcast_in_dim3A_285 : vector<16xi32>
          %bitcast_convert_type3A_1072 = tpu.bitcast %shift_left3A_1071 : vector<16xi32> -> vector<16xf32>
          %add3A_1073 = arith.addf %add3A_1009, %bitcast_convert_type3A_1072 : vector<16xf32>
          %shift_left3A_1074 = arith.shli %get3A_1070, %broadcast_in_dim3A_285 : vector<16xi32>
          %bitcast_convert_type3A_1075 = tpu.bitcast %shift_left3A_1074 : vector<16xi32> -> vector<16xf32>
          %add3A_1076 = arith.addf %add3A_1012, %bitcast_convert_type3A_1075 : vector<16xf32>
          %and3A_1077 = arith.andi %get3A_1062, %broadcast_in_dim3A_283 : vector<16xi32>
          %bitcast_convert_type3A_1078 = tpu.bitcast %and3A_1077 : vector<16xi32> -> vector<16xf32>
          %add3A_1079 = arith.addf %add3A_1015, %bitcast_convert_type3A_1078 : vector<16xf32>
          %and3A_1080 = arith.andi %get3A_1070, %broadcast_in_dim3A_283 : vector<16xi32>
          %bitcast_convert_type3A_1081 = tpu.bitcast %and3A_1080 : vector<16xi32> -> vector<16xf32>
          %add3A_1082 = arith.addf %add3A_1018, %bitcast_convert_type3A_1081 : vector<16xf32>
          %mul3A_1083 = arith.constant 25 : i32
          %mul3A_1084 = arith.muli %mul3A_1083, %scan3A_406 : i32
          %add3A_1085 = arith.constant 21 : i32
          %add3A_1086 = arith.addi %mul3A_1084, %add3A_1085 : i32
          %get3A_1087 = arith.constant 0 : i32
          %get3A_1088 = arith.constant 0 : i32
          %get3A_1089 = tpu.memref_slice %arg6[%scan3A_288, %get3A_1087, %get3A_1088] : memref<4x200x32xi32, #tpu.memory_space<vmem>> -> memref<1x200x32xi32, #tpu.memory_space<vmem>>
          %get3A_1090 = tpu.memref_squeeze %get3A_1089 : memref<1x200x32xi32, #tpu.memory_space<vmem>> -> memref<200x32xi32, #tpu.memory_space<vmem>>
          %get3A_1091 = arith.index_cast %add3A_1086 : i32 to index
          %get3A_1092 = arith.constant 0 : index
          %get3A_1093 = tpu.vector_load %get3A_1090[%get3A_1091, %get3A_1092] {strides = array<i32>} : memref<200x32xi32, #tpu.memory_space<vmem>>, vector<1x16xi32>,
          %get3A_1094 = vector.shape_cast %get3A_1093 : vector<1x16xi32> to vector<16xi32>
          %get3A_1095 = arith.constant 0 : i32
          %get3A_1096 = arith.constant 0 : i32
          %get3A_1097 = tpu.memref_slice %arg6[%scan3A_288, %get3A_1095, %get3A_1096] : memref<4x200x32xi32, #tpu.memory_space<vmem>> -> memref<1x200x32xi32, #tpu.memory_space<vmem>>
          %get3A_1098 = tpu.memref_squeeze %get3A_1097 : memref<1x200x32xi32, #tpu.memory_space<vmem>> -> memref<200x32xi32, #tpu.memory_space<vmem>>
          %get3A_1099 = arith.index_cast %add3A_1086 : i32 to index
          %get3A_1100 = arith.constant 16 : index
          %get3A_1101 = tpu.vector_load %get3A_1098[%get3A_1099, %get3A_1100] {strides = array<i32>} : memref<200x32xi32, #tpu.memory_space<vmem>>, vector<1x16xi32>,
          %get3A_1102 = vector.shape_cast %get3A_1101 : vector<1x16xi32> to vector<16xi32>
          %shift_left3A_1103 = arith.shli %get3A_1094, %broadcast_in_dim3A_285 : vector<16xi32>
          %bitcast_convert_type3A_1104 = tpu.bitcast %shift_left3A_1103 : vector<16xi32> -> vector<16xf32>
          %add3A_1105 = arith.addf %add3A_1041, %bitcast_convert_type3A_1104 : vector<16xf32>
          %shift_left3A_1106 = arith.shli %get3A_1102, %broadcast_in_dim3A_285 : vector<16xi32>
          %bitcast_convert_type3A_1107 = tpu.bitcast %shift_left3A_1106 : vector<16xi32> -> vector<16xf32>
          %add3A_1108 = arith.addf %add3A_1044, %bitcast_convert_type3A_1107 : vector<16xf32>
          %and3A_1109 = arith.andi %get3A_1094, %broadcast_in_dim3A_283 : vector<16xi32>
          %bitcast_convert_type3A_1110 = tpu.bitcast %and3A_1109 : vector<16xi32> -> vector<16xf32>
          %add3A_1111 = arith.addf %add3A_1047, %bitcast_convert_type3A_1110 : vector<16xf32>
          %and3A_1112 = arith.andi %get3A_1102, %broadcast_in_dim3A_283 : vector<16xi32>
          %bitcast_convert_type3A_1113 = tpu.bitcast %and3A_1112 : vector<16xi32> -> vector<16xf32>
          %add3A_1114 = arith.addf %add3A_1050, %bitcast_convert_type3A_1113 : vector<16xf32>
          %mul3A_1115 = arith.constant 25 : i32
          %mul3A_1116 = arith.muli %mul3A_1115, %scan3A_406 : i32
          %add3A_1117 = arith.constant 22 : i32
          %add3A_1118 = arith.addi %mul3A_1116, %add3A_1117 : i32
          %get3A_1119 = arith.constant 0 : i32
          %get3A_1120 = arith.constant 0 : i32
          %get3A_1121 = tpu.memref_slice %arg6[%scan3A_288, %get3A_1119, %get3A_1120] : memref<4x200x32xi32, #tpu.memory_space<vmem>> -> memref<1x200x32xi32, #tpu.memory_space<vmem>>
          %get3A_1122 = tpu.memref_squeeze %get3A_1121 : memref<1x200x32xi32, #tpu.memory_space<vmem>> -> memref<200x32xi32, #tpu.memory_space<vmem>>
          %get3A_1123 = arith.index_cast %add3A_1118 : i32 to index
          %get3A_1124 = arith.constant 0 : index
          %get3A_1125 = tpu.vector_load %get3A_1122[%get3A_1123, %get3A_1124] {strides = array<i32>} : memref<200x32xi32, #tpu.memory_space<vmem>>, vector<1x16xi32>,
          %get3A_1126 = vector.shape_cast %get3A_1125 : vector<1x16xi32> to vector<16xi32>
          %get3A_1127 = arith.constant 0 : i32
          %get3A_1128 = arith.constant 0 : i32
          %get3A_1129 = tpu.memref_slice %arg6[%scan3A_288, %get3A_1127, %get3A_1128] : memref<4x200x32xi32, #tpu.memory_space<vmem>> -> memref<1x200x32xi32, #tpu.memory_space<vmem>>
          %get3A_1130 = tpu.memref_squeeze %get3A_1129 : memref<1x200x32xi32, #tpu.memory_space<vmem>> -> memref<200x32xi32, #tpu.memory_space<vmem>>
          %get3A_1131 = arith.index_cast %add3A_1118 : i32 to index
          %get3A_1132 = arith.constant 16 : index
          %get3A_1133 = tpu.vector_load %get3A_1130[%get3A_1131, %get3A_1132] {strides = array<i32>} : memref<200x32xi32, #tpu.memory_space<vmem>>, vector<1x16xi32>,
          %get3A_1134 = vector.shape_cast %get3A_1133 : vector<1x16xi32> to vector<16xi32>
          %shift_left3A_1135 = arith.shli %get3A_1126, %broadcast_in_dim3A_285 : vector<16xi32>
          %bitcast_convert_type3A_1136 = tpu.bitcast %shift_left3A_1135 : vector<16xi32> -> vector<16xf32>
          %add3A_1137 = arith.addf %add3A_1073, %bitcast_convert_type3A_1136 : vector<16xf32>
          %shift_left3A_1138 = arith.shli %get3A_1134, %broadcast_in_dim3A_285 : vector<16xi32>
          %bitcast_convert_type3A_1139 = tpu.bitcast %shift_left3A_1138 : vector<16xi32> -> vector<16xf32>
          %add3A_1140 = arith.addf %add3A_1076, %bitcast_convert_type3A_1139 : vector<16xf32>
          %and3A_1141 = arith.andi %get3A_1126, %broadcast_in_dim3A_283 : vector<16xi32>
          %bitcast_convert_type3A_1142 = tpu.bitcast %and3A_1141 : vector<16xi32> -> vector<16xf32>
          %add3A_1143 = arith.addf %add3A_1079, %bitcast_convert_type3A_1142 : vector<16xf32>
          %and3A_1144 = arith.andi %get3A_1134, %broadcast_in_dim3A_283 : vector<16xi32>
          %bitcast_convert_type3A_1145 = tpu.bitcast %and3A_1144 : vector<16xi32> -> vector<16xf32>
          %add3A_1146 = arith.addf %add3A_1082, %bitcast_convert_type3A_1145 : vector<16xf32>
          %mul3A_1147 = arith.constant 25 : i32
          %mul3A_1148 = arith.muli %mul3A_1147, %scan3A_406 : i32
          %add3A_1149 = arith.constant 23 : i32
          %add3A_1150 = arith.addi %mul3A_1148, %add3A_1149 : i32
          %get3A_1151 = arith.constant 0 : i32
          %get3A_1152 = arith.constant 0 : i32
          %get3A_1153 = tpu.memref_slice %arg6[%scan3A_288, %get3A_1151, %get3A_1152] : memref<4x200x32xi32, #tpu.memory_space<vmem>> -> memref<1x200x32xi32, #tpu.memory_space<vmem>>
          %get3A_1154 = tpu.memref_squeeze %get3A_1153 : memref<1x200x32xi32, #tpu.memory_space<vmem>> -> memref<200x32xi32, #tpu.memory_space<vmem>>
          %get3A_1155 = arith.index_cast %add3A_1150 : i32 to index
          %get3A_1156 = arith.constant 0 : index
          %get3A_1157 = tpu.vector_load %get3A_1154[%get3A_1155, %get3A_1156] {strides = array<i32>} : memref<200x32xi32, #tpu.memory_space<vmem>>, vector<1x16xi32>,
          %get3A_1158 = vector.shape_cast %get3A_1157 : vector<1x16xi32> to vector<16xi32>
          %get3A_1159 = arith.constant 0 : i32
          %get3A_1160 = arith.constant 0 : i32
          %get3A_1161 = tpu.memref_slice %arg6[%scan3A_288, %get3A_1159, %get3A_1160] : memref<4x200x32xi32, #tpu.memory_space<vmem>> -> memref<1x200x32xi32, #tpu.memory_space<vmem>>
          %get3A_1162 = tpu.memref_squeeze %get3A_1161 : memref<1x200x32xi32, #tpu.memory_space<vmem>> -> memref<200x32xi32, #tpu.memory_space<vmem>>
          %get3A_1163 = arith.index_cast %add3A_1150 : i32 to index
          %get3A_1164 = arith.constant 16 : index
          %get3A_1165 = tpu.vector_load %get3A_1162[%get3A_1163, %get3A_1164] {strides = array<i32>} : memref<200x32xi32, #tpu.memory_space<vmem>>, vector<1x16xi32>,
          %get3A_1166 = vector.shape_cast %get3A_1165 : vector<1x16xi32> to vector<16xi32>
          %shift_left3A_1167 = arith.shli %get3A_1158, %broadcast_in_dim3A_285 : vector<16xi32>
          %bitcast_convert_type3A_1168 = tpu.bitcast %shift_left3A_1167 : vector<16xi32> -> vector<16xf32>
          %add3A_1169 = arith.addf %add3A_1105, %bitcast_convert_type3A_1168 : vector<16xf32>
          %shift_left3A_1170 = arith.shli %get3A_1166, %broadcast_in_dim3A_285 : vector<16xi32>
          %bitcast_convert_type3A_1171 = tpu.bitcast %shift_left3A_1170 : vector<16xi32> -> vector<16xf32>
          %add3A_1172 = arith.addf %add3A_1108, %bitcast_convert_type3A_1171 : vector<16xf32>
          %and3A_1173 = arith.andi %get3A_1158, %broadcast_in_dim3A_283 : vector<16xi32>
          %bitcast_convert_type3A_1174 = tpu.bitcast %and3A_1173 : vector<16xi32> -> vector<16xf32>
          %add3A_1175 = arith.addf %add3A_1111, %bitcast_convert_type3A_1174 : vector<16xf32>
          %and3A_1176 = arith.andi %get3A_1166, %broadcast_in_dim3A_283 : vector<16xi32>
          %bitcast_convert_type3A_1177 = tpu.bitcast %and3A_1176 : vector<16xi32> -> vector<16xf32>
          %add3A_1178 = arith.addf %add3A_1114, %bitcast_convert_type3A_1177 : vector<16xf32>
          %mul3A_1179 = arith.constant 25 : i32
          %mul3A_1180 = arith.muli %mul3A_1179, %scan3A_406 : i32
          %add3A_1181 = arith.constant 24 : i32
          %add3A_1182 = arith.addi %mul3A_1180, %add3A_1181 : i32
          %get3A_1183 = arith.constant 0 : i32
          %get3A_1184 = arith.constant 0 : i32
          %get3A_1185 = tpu.memref_slice %arg6[%scan3A_288, %get3A_1183, %get3A_1184] : memref<4x200x32xi32, #tpu.memory_space<vmem>> -> memref<1x200x32xi32, #tpu.memory_space<vmem>>
          %get3A_1186 = tpu.memref_squeeze %get3A_1185 : memref<1x200x32xi32, #tpu.memory_space<vmem>> -> memref<200x32xi32, #tpu.memory_space<vmem>>
          %get3A_1187 = arith.index_cast %add3A_1182 : i32 to index
          %get3A_1188 = arith.constant 0 : index
          %get3A_1189 = tpu.vector_load %get3A_1186[%get3A_1187, %get3A_1188] {strides = array<i32>} : memref<200x32xi32, #tpu.memory_space<vmem>>, vector<1x16xi32>,
          %get3A_1190 = vector.shape_cast %get3A_1189 : vector<1x16xi32> to vector<16xi32>
          %get3A_1191 = arith.constant 0 : i32
          %get3A_1192 = arith.constant 0 : i32
          %get3A_1193 = tpu.memref_slice %arg6[%scan3A_288, %get3A_1191, %get3A_1192] : memref<4x200x32xi32, #tpu.memory_space<vmem>> -> memref<1x200x32xi32, #tpu.memory_space<vmem>>
          %get3A_1194 = tpu.memref_squeeze %get3A_1193 : memref<1x200x32xi32, #tpu.memory_space<vmem>> -> memref<200x32xi32, #tpu.memory_space<vmem>>
          %get3A_1195 = arith.index_cast %add3A_1182 : i32 to index
          %get3A_1196 = arith.constant 16 : index
          %get3A_1197 = tpu.vector_load %get3A_1194[%get3A_1195, %get3A_1196] {strides = array<i32>} : memref<200x32xi32, #tpu.memory_space<vmem>>, vector<1x16xi32>,
          %get3A_1198 = vector.shape_cast %get3A_1197 : vector<1x16xi32> to vector<16xi32>
          %shift_left3A_1199 = arith.shli %get3A_1190, %broadcast_in_dim3A_285 : vector<16xi32>
          %bitcast_convert_type3A_1200 = tpu.bitcast %shift_left3A_1199 : vector<16xi32> -> vector<16xf32>
          %add3A_1201 = arith.addf %add3A_1137, %bitcast_convert_type3A_1200 : vector<16xf32>
          %shift_left3A_1202 = arith.shli %get3A_1198, %broadcast_in_dim3A_285 : vector<16xi32>
          %bitcast_convert_type3A_1203 = tpu.bitcast %shift_left3A_1202 : vector<16xi32> -> vector<16xf32>
          %add3A_1204 = arith.addf %add3A_1140, %bitcast_convert_type3A_1203 : vector<16xf32>
          %and3A_1205 = arith.andi %get3A_1190, %broadcast_in_dim3A_283 : vector<16xi32>
          %bitcast_convert_type3A_1206 = tpu.bitcast %and3A_1205 : vector<16xi32> -> vector<16xf32>
          %add3A_1207 = arith.addf %add3A_1143, %bitcast_convert_type3A_1206 : vector<16xf32>
          %and3A_1208 = arith.andi %get3A_1198, %broadcast_in_dim3A_283 : vector<16xi32>
          %bitcast_convert_type3A_1209 = tpu.bitcast %and3A_1208 : vector<16xi32> -> vector<16xf32>
          %add3A_1210 = arith.addf %add3A_1146, %bitcast_convert_type3A_1209 : vector<16xf32>
          scf.yield %add3A_1201, %add3A_1204, %add3A_1207, %add3A_1210, %add3A_1169, %add3A_1172, %add3A_1175, %add3A_1178 : vector<16xf32>, vector<16xf32>, vector<16xf32>, vector<16xf32>, vector<16xf32>, vector<16xf32>, vector<16xf32>, vector<16xf32>
        }
        %scan3A_294 = arith.constant 8 : i32
        %add3A_295 = arith.addf %scan3A_293#0, %scan3A_293#4 : vector<16xf32>
        %mul3A_296 = arith.constant 5.000000e-03 : f32
        %mul3A_297 = vector.broadcast %mul3A_296 : f32 to vector<16xf32>
        %mul3A_298 = arith.mulf %add3A_295, %mul3A_297 : vector<16xf32>
        %swap3A_299 = arith.index_cast %add3A_281 : i32 to index
        %swap3A_300 = arith.constant 0 : index
        %swap3A_301 = tpu.vector_load %arg7[%swap3A_299, %swap3A_300] {strides = array<i32>} : memref<64x64xf32, #tpu.memory_space<vmem>>, vector<1x16xf32>,
        %swap3A_302 = vector.shape_cast %swap3A_301 : vector<1x16xf32> to vector<16xf32>
        %swap3A_303 = vector.shape_cast %mul3A_298 : vector<16xf32> to vector<1x16xf32>
        tpu.vector_store %arg7[%swap3A_299, %swap3A_300], %swap3A_303 {strides = array<i32>} : memref<64x64xf32, #tpu.memory_space<vmem>>, vector<1x16xf32>,
        %add3A_304 = arith.addf %scan3A_293#1, %scan3A_293#5 : vector<16xf32>
        %mul3A_305 = arith.constant 5.000000e-03 : f32
        %mul3A_306 = vector.broadcast %mul3A_305 : f32 to vector<16xf32>
        %mul3A_307 = arith.mulf %add3A_304, %mul3A_306 : vector<16xf32>
        %swap3A_308 = arith.index_cast %add3A_281 : i32 to index
        %swap3A_309 = arith.constant 16 : index
        %swap3A_310 = tpu.vector_load %arg7[%swap3A_308, %swap3A_309] {strides = array<i32>} : memref<64x64xf32, #tpu.memory_space<vmem>>, vector<1x16xf32>,
        %swap3A_311 = vector.shape_cast %swap3A_310 : vector<1x16xf32> to vector<16xf32>
        %swap3A_312 = vector.shape_cast %mul3A_307 : vector<16xf32> to vector<1x16xf32>
        tpu.vector_store %arg7[%swap3A_308, %swap3A_309], %swap3A_312 {strides = array<i32>} : memref<64x64xf32, #tpu.memory_space<vmem>>, vector<1x16xf32>,
        %add3A_313 = arith.addf %scan3A_293#2, %scan3A_293#6 : vector<16xf32>
        %mul3A_314 = arith.constant 5.000000e-03 : f32
        %mul3A_315 = vector.broadcast %mul3A_314 : f32 to vector<16xf32>
        %mul3A_316 = arith.mulf %add3A_313, %mul3A_315 : vector<16xf32>
        %swap3A_317 = arith.index_cast %add3A_281 : i32 to index
        %swap3A_318 = arith.constant 32 : index
        %swap3A_319 = tpu.vector_load %arg7[%swap3A_317, %swap3A_318] {strides = array<i32>} : memref<64x64xf32, #tpu.memory_space<vmem>>, vector<1x16xf32>,
        %swap3A_320 = vector.shape_cast %swap3A_319 : vector<1x16xf32> to vector<16xf32>
        %swap3A_321 = vector.shape_cast %mul3A_316 : vector<16xf32> to vector<1x16xf32>
        tpu.vector_store %arg7[%swap3A_317, %swap3A_318], %swap3A_321 {strides = array<i32>} : memref<64x64xf32, #tpu.memory_space<vmem>>, vector<1x16xf32>,
        %add3A_322 = arith.addf %scan3A_293#3, %scan3A_293#7 : vector<16xf32>
        %mul3A_323 = arith.constant 5.000000e-03 : f32
        %mul3A_324 = vector.broadcast %mul3A_323 : f32 to vector<16xf32>
        %mul3A_325 = arith.mulf %add3A_322, %mul3A_324 : vector<16xf32>
        %swap3A_326 = arith.index_cast %add3A_281 : i32 to index
        %swap3A_327 = arith.constant 48 : index
        %swap3A_328 = tpu.vector_load %arg7[%swap3A_326, %swap3A_327] {strides = array<i32>} : memref<64x64xf32, #tpu.memory_space<vmem>>, vector<1x16xf32>,
        %swap3A_329 = vector.shape_cast %swap3A_328 : vector<1x16xf32> to vector<16xf32>
        %swap3A_330 = vector.shape_cast %mul3A_325 : vector<16xf32> to vector<1x16xf32>
        tpu.vector_store %arg7[%swap3A_326, %swap3A_327], %swap3A_330 {strides = array<i32>} : memref<64x64xf32, #tpu.memory_space<vmem>>, vector<1x16xf32>,
        %add3A_331 = arith.constant 3 : i32
        %add3A_332 = arith.addi %mul3A_110, %add3A_331 : i32
        %add3A_333 = arith.constant 3 : i32
        %add3A_334 = arith.addi %add3A_332, %add3A_333 : i32
        %lt3A_335 = arith.constant 64 : i32
        %lt3A_336 = arith.cmpi slt, %add3A_334, %lt3A_335 : i32
        %convert_element_type3A_337 = arith.extui %lt3A_336 : i1 to i32
        %cond3A_338 = arith.constant 0 : i32
        %cond3A_339 = arith.cmpi ne, %convert_element_type3A_337, %cond3A_338 : i32
        scf.if %cond3A_339 {
          %mul3A_406 = arith.constant 200 : i32
          %mul3A_407 = arith.muli %mul3A_406, %add3A_334 : i32
          %dma_start3A_408 = arith.constant 2 : i32
          %dma_start3A_409 = arith.constant 0 : i32
          %dma_start3A_410 = arith.constant 0 : i32
          %dma_start3A_411 = tpu.memref_slice %arg6[%dma_start3A_408, %dma_start3A_409, %dma_start3A_410] : memref<4x200x32xi32, #tpu.memory_space<vmem>> -> memref<1x200x32xi32, #tpu.memory_space<vmem>>
          %dma_start3A_412 = tpu.memref_squeeze %dma_start3A_411 : memref<1x200x32xi32, #tpu.memory_space<vmem>> -> memref<200x32xi32, #tpu.memory_space<vmem>>
          %dma_start3A_413 = arith.constant 0 : i32
          %dma_start3A_414 = arith.constant 0 : i32
          %dma_start3A_415 = tpu.memref_slice %dma_start3A_412[%dma_start3A_413, %dma_start3A_414] : memref<200x32xi32, #tpu.memory_space<vmem>> -> memref<128x32xi32, #tpu.memory_space<vmem>>
          %dma_start3A_416 = tpu.memref_slice %arg5[%mul3A_407] : memref<12800xi32, #tpu.memory_space<vmem>> -> memref<128xi32, #tpu.memory_space<vmem>>
          %dma_start3A_417 = arith.constant 0 : i32
          %dma_start3A_418 = arith.constant 0 : i32
          %dma_start3A_419 = tpu.memref_slice %arg3[%dma_start3A_417, %dma_start3A_418] : memref<1000000x32xi32, #tpu.memory_space<hbm>> -> memref<1000000x32xi32, #tpu.memory_space<hbm>>
          tpu.enqueue_indirect_dma source(%dma_start3A_419 : memref<1000000x32xi32, #tpu.memory_space<hbm>>) target(%dma_start3A_415 : memref<128x32xi32, #tpu.memory_space<vmem>>) offsets(%dma_start3A_416 : memref<128xi32, #tpu.memory_space<vmem>>) semaphore(%arg10 : memref<!tpu.dma_semaphore, #tpu.memory_space<semaphore_mem>>)
          %add3A_420 = arith.constant 128 : i32
          %add3A_421 = arith.addi %mul3A_407, %add3A_420 : i32
          %dma_start3A_422 = arith.constant 2 : i32
          %dma_start3A_423 = arith.constant 0 : i32
          %dma_start3A_424 = arith.constant 0 : i32
          %dma_start3A_425 = tpu.memref_slice %arg6[%dma_start3A_422, %dma_start3A_423, %dma_start3A_424] : memref<4x200x32xi32, #tpu.memory_space<vmem>> -> memref<1x200x32xi32, #tpu.memory_space<vmem>>
          %dma_start3A_426 = tpu.memref_squeeze %dma_start3A_425 : memref<1x200x32xi32, #tpu.memory_space<vmem>> -> memref<200x32xi32, #tpu.memory_space<vmem>>
          %dma_start3A_427 = arith.constant 128 : i32
          %dma_start3A_428 = arith.constant 0 : i32
          %dma_start3A_429 = tpu.memref_slice %dma_start3A_426[%dma_start3A_427, %dma_start3A_428] : memref<200x32xi32, #tpu.memory_space<vmem>> -> memref<72x32xi32, #tpu.memory_space<vmem>>
          %dma_start3A_430 = tpu.memref_slice %arg5[%add3A_421] : memref<12800xi32, #tpu.memory_space<vmem>> -> memref<72xi32, #tpu.memory_space<vmem>>
          %dma_start3A_431 = arith.constant 0 : i32
          %dma_start3A_432 = arith.constant 0 : i32
          %dma_start3A_433 = tpu.memref_slice %arg3[%dma_start3A_431, %dma_start3A_432] : memref<1000000x32xi32, #tpu.memory_space<hbm>> -> memref<1000000x32xi32, #tpu.memory_space<hbm>>
          tpu.enqueue_indirect_dma source(%dma_start3A_433 : memref<1000000x32xi32, #tpu.memory_space<hbm>>) target(%dma_start3A_429 : memref<72x32xi32, #tpu.memory_space<vmem>>) offsets(%dma_start3A_430 : memref<72xi32, #tpu.memory_space<vmem>>) semaphore(%arg10 : memref<!tpu.dma_semaphore, #tpu.memory_space<semaphore_mem>>)
        } else {
        }
        %dma_wait3A_340 = arith.constant 3 : i32
        %dma_wait3A_341 = arith.constant 0 : i32
        %dma_wait3A_342 = arith.constant 0 : i32
        %dma_wait3A_343 = tpu.memref_slice %arg6[%dma_wait3A_340, %dma_wait3A_341, %dma_wait3A_342] : memref<4x200x32xi32, #tpu.memory_space<vmem>> -> memref<1x200x32xi32, #tpu.memory_space<vmem>>
        %dma_wait3A_344 = tpu.memref_squeeze %dma_wait3A_343 : memref<1x200x32xi32, #tpu.memory_space<vmem>> -> memref<200x32xi32, #tpu.memory_space<vmem>>
        %dma_wait3A_345 = arith.constant 0 : i32
        %dma_wait3A_346 = arith.constant 0 : i32
        %dma_wait3A_347 = tpu.memref_slice %arg3[%dma_wait3A_345, %dma_wait3A_346] : memref<1000000x32xi32, #tpu.memory_space<hbm>> -> memref<200x32xi32, #tpu.memory_space<hbm>>
        %dma_wait3A_348 = arith.constant 0 : i32
        %dma_wait3A_349 = arith.constant 0 : i32
        %dma_wait3A_350 = tpu.memref_slice %arg6[%dma_wait3A_340, %dma_wait3A_348, %dma_wait3A_349] : memref<4x200x32xi32, #tpu.memory_space<vmem>> -> memref<1x200x32xi32, #tpu.memory_space<vmem>>
        %dma_wait3A_351 = tpu.memref_squeeze %dma_wait3A_350 : memref<1x200x32xi32, #tpu.memory_space<vmem>> -> memref<200x32xi32, #tpu.memory_space<vmem>>
        %dma_wait3A_352 = arith.constant 0 : i32
        %dma_wait3A_353 = arith.constant 0 : i32
        %dma_wait3A_354 = tpu.memref_slice %arg3[%dma_wait3A_352, %dma_wait3A_353] : memref<1000000x32xi32, #tpu.memory_space<hbm>> -> memref<200x32xi32, #tpu.memory_space<hbm>>
        tpu.wait_dma2 semaphore(%arg11 : memref<!tpu.dma_semaphore, #tpu.memory_space<semaphore_mem>>) src(%dma_wait3A_354 : memref<200x32xi32, #tpu.memory_space<hbm>>) dst(%dma_wait3A_351 : memref<200x32xi32, #tpu.memory_space<vmem>>)
        %add3A_355 = arith.constant 3 : i32
        %add3A_356 = arith.addi %mul3A_110, %add3A_355 : i32
        %broadcast_in_dim3A_357 = arith.constant -65536 : i32
        %broadcast_in_dim3A_358 = vector.broadcast %broadcast_in_dim3A_357 : i32 to vector<16xi32>
        %broadcast_in_dim3A_359 = arith.constant 16 : i32
        %broadcast_in_dim3A_360 = vector.broadcast %broadcast_in_dim3A_359 : i32 to vector<16xi32>
        %broadcast_in_dim3A_361 = arith.constant 0.000000e+00 : f32
        %broadcast_in_dim3A_362 = vector.broadcast %broadcast_in_dim3A_361 : f32 to vector<16xf32>
        %scan3A_363 = arith.constant 3 : i32
        %scan3A_364 = arith.constant 0 : i32
        %scan3A_365 = arith.constant 8 : i32
        %scan3A_366 = arith.addi %scan3A_364, %scan3A_365 : i32
        %scan3A_367 = arith.constant 1 : i32
        %scan3A_368:8 = scf.for %scan3A_406 = %scan3A_364 to %scan3A_366 step %scan3A_367 iter_args(%scan3A_407 = %broadcast_in_dim3A_362, %scan3A_408 = %broadcast_in_dim3A_362, %scan3A_409 = %broadcast_in_dim3A_362, %scan3A_410 = %broadcast_in_dim3A_362, %scan3A_411 = %broadcast_in_dim3A_362, %scan3A_412 = %broadcast_in_dim3A_362, %scan3A_413 = %broadcast_in_dim3A_362, %scan3A_414 = %broadcast_in_dim3A_362) -> (vector<16xf32>, vector<16xf32>, vector<16xf32>, vector<16xf32>, vector<16xf32>, vector<16xf32>, vector<16xf32>, vector<16xf32>)  : i32 {
          %mul3A_415 = arith.constant 25 : i32
          %mul3A_416 = arith.muli %mul3A_415, %scan3A_406 : i32
          %add3A_417 = arith.constant 0 : i32
          %add3A_418 = arith.addi %mul3A_416, %add3A_417 : i32
          %get3A = arith.constant 0 : i32
          %get3A_419 = arith.constant 0 : i32
          %get3A_420 = tpu.memref_slice %arg6[%scan3A_363, %get3A, %get3A_419] : memref<4x200x32xi32, #tpu.memory_space<vmem>> -> memref<1x200x32xi32, #tpu.memory_space<vmem>>
          %get3A_421 = tpu.memref_squeeze %get3A_420 : memref<1x200x32xi32, #tpu.memory_space<vmem>> -> memref<200x32xi32, #tpu.memory_space<vmem>>
          %get3A_422 = arith.index_cast %add3A_418 : i32 to index
          %get3A_423 = arith.constant 0 : index
          %get3A_424 = tpu.vector_load %get3A_421[%get3A_422, %get3A_423] {strides = array<i32>} : memref<200x32xi32, #tpu.memory_space<vmem>>, vector<1x16xi32>,
          %get3A_425 = vector.shape_cast %get3A_424 : vector<1x16xi32> to vector<16xi32>
          %get3A_426 = arith.constant 0 : i32
          %get3A_427 = arith.constant 0 : i32
          %get3A_428 = tpu.memref_slice %arg6[%scan3A_363, %get3A_426, %get3A_427] : memref<4x200x32xi32, #tpu.memory_space<vmem>> -> memref<1x200x32xi32, #tpu.memory_space<vmem>>
          %get3A_429 = tpu.memref_squeeze %get3A_428 : memref<1x200x32xi32, #tpu.memory_space<vmem>> -> memref<200x32xi32, #tpu.memory_space<vmem>>
          %get3A_430 = arith.index_cast %add3A_418 : i32 to index
          %get3A_431 = arith.constant 16 : index
          %get3A_432 = tpu.vector_load %get3A_429[%get3A_430, %get3A_431] {strides = array<i32>} : memref<200x32xi32, #tpu.memory_space<vmem>>, vector<1x16xi32>,
          %get3A_433 = vector.shape_cast %get3A_432 : vector<1x16xi32> to vector<16xi32>
          %shift_left3A = arith.shli %get3A_425, %broadcast_in_dim3A_360 : vector<16xi32>
          %bitcast_convert_type3A = tpu.bitcast %shift_left3A : vector<16xi32> -> vector<16xf32>
          %add3A_434 = arith.addf %scan3A_407, %bitcast_convert_type3A : vector<16xf32>
          %shift_left3A_435 = arith.shli %get3A_433, %broadcast_in_dim3A_360 : vector<16xi32>
          %bitcast_convert_type3A_436 = tpu.bitcast %shift_left3A_435 : vector<16xi32> -> vector<16xf32>
          %add3A_437 = arith.addf %scan3A_408, %bitcast_convert_type3A_436 : vector<16xf32>
          %and3A = arith.andi %get3A_425, %broadcast_in_dim3A_358 : vector<16xi32>
          %bitcast_convert_type3A_438 = tpu.bitcast %and3A : vector<16xi32> -> vector<16xf32>
          %add3A_439 = arith.addf %scan3A_409, %bitcast_convert_type3A_438 : vector<16xf32>
          %and3A_440 = arith.andi %get3A_433, %broadcast_in_dim3A_358 : vector<16xi32>
          %bitcast_convert_type3A_441 = tpu.bitcast %and3A_440 : vector<16xi32> -> vector<16xf32>
          %add3A_442 = arith.addf %scan3A_410, %bitcast_convert_type3A_441 : vector<16xf32>
          %mul3A_443 = arith.constant 25 : i32
          %mul3A_444 = arith.muli %mul3A_443, %scan3A_406 : i32
          %add3A_445 = arith.constant 1 : i32
          %add3A_446 = arith.addi %mul3A_444, %add3A_445 : i32
          %get3A_447 = arith.constant 0 : i32
          %get3A_448 = arith.constant 0 : i32
          %get3A_449 = tpu.memref_slice %arg6[%scan3A_363, %get3A_447, %get3A_448] : memref<4x200x32xi32, #tpu.memory_space<vmem>> -> memref<1x200x32xi32, #tpu.memory_space<vmem>>
          %get3A_450 = tpu.memref_squeeze %get3A_449 : memref<1x200x32xi32, #tpu.memory_space<vmem>> -> memref<200x32xi32, #tpu.memory_space<vmem>>
          %get3A_451 = arith.index_cast %add3A_446 : i32 to index
          %get3A_452 = arith.constant 0 : index
          %get3A_453 = tpu.vector_load %get3A_450[%get3A_451, %get3A_452] {strides = array<i32>} : memref<200x32xi32, #tpu.memory_space<vmem>>, vector<1x16xi32>,
          %get3A_454 = vector.shape_cast %get3A_453 : vector<1x16xi32> to vector<16xi32>
          %get3A_455 = arith.constant 0 : i32
          %get3A_456 = arith.constant 0 : i32
          %get3A_457 = tpu.memref_slice %arg6[%scan3A_363, %get3A_455, %get3A_456] : memref<4x200x32xi32, #tpu.memory_space<vmem>> -> memref<1x200x32xi32, #tpu.memory_space<vmem>>
          %get3A_458 = tpu.memref_squeeze %get3A_457 : memref<1x200x32xi32, #tpu.memory_space<vmem>> -> memref<200x32xi32, #tpu.memory_space<vmem>>
          %get3A_459 = arith.index_cast %add3A_446 : i32 to index
          %get3A_460 = arith.constant 16 : index
          %get3A_461 = tpu.vector_load %get3A_458[%get3A_459, %get3A_460] {strides = array<i32>} : memref<200x32xi32, #tpu.memory_space<vmem>>, vector<1x16xi32>,
          %get3A_462 = vector.shape_cast %get3A_461 : vector<1x16xi32> to vector<16xi32>
          %shift_left3A_463 = arith.shli %get3A_454, %broadcast_in_dim3A_360 : vector<16xi32>
          %bitcast_convert_type3A_464 = tpu.bitcast %shift_left3A_463 : vector<16xi32> -> vector<16xf32>
          %add3A_465 = arith.addf %scan3A_411, %bitcast_convert_type3A_464 : vector<16xf32>
          %shift_left3A_466 = arith.shli %get3A_462, %broadcast_in_dim3A_360 : vector<16xi32>
          %bitcast_convert_type3A_467 = tpu.bitcast %shift_left3A_466 : vector<16xi32> -> vector<16xf32>
          %add3A_468 = arith.addf %scan3A_412, %bitcast_convert_type3A_467 : vector<16xf32>
          %and3A_469 = arith.andi %get3A_454, %broadcast_in_dim3A_358 : vector<16xi32>
          %bitcast_convert_type3A_470 = tpu.bitcast %and3A_469 : vector<16xi32> -> vector<16xf32>
          %add3A_471 = arith.addf %scan3A_413, %bitcast_convert_type3A_470 : vector<16xf32>
          %and3A_472 = arith.andi %get3A_462, %broadcast_in_dim3A_358 : vector<16xi32>
          %bitcast_convert_type3A_473 = tpu.bitcast %and3A_472 : vector<16xi32> -> vector<16xf32>
          %add3A_474 = arith.addf %scan3A_414, %bitcast_convert_type3A_473 : vector<16xf32>
          %mul3A_475 = arith.constant 25 : i32
          %mul3A_476 = arith.muli %mul3A_475, %scan3A_406 : i32
          %add3A_477 = arith.constant 2 : i32
          %add3A_478 = arith.addi %mul3A_476, %add3A_477 : i32
          %get3A_479 = arith.constant 0 : i32
          %get3A_480 = arith.constant 0 : i32
          %get3A_481 = tpu.memref_slice %arg6[%scan3A_363, %get3A_479, %get3A_480] : memref<4x200x32xi32, #tpu.memory_space<vmem>> -> memref<1x200x32xi32, #tpu.memory_space<vmem>>
          %get3A_482 = tpu.memref_squeeze %get3A_481 : memref<1x200x32xi32, #tpu.memory_space<vmem>> -> memref<200x32xi32, #tpu.memory_space<vmem>>
          %get3A_483 = arith.index_cast %add3A_478 : i32 to index
          %get3A_484 = arith.constant 0 : index
          %get3A_485 = tpu.vector_load %get3A_482[%get3A_483, %get3A_484] {strides = array<i32>} : memref<200x32xi32, #tpu.memory_space<vmem>>, vector<1x16xi32>,
          %get3A_486 = vector.shape_cast %get3A_485 : vector<1x16xi32> to vector<16xi32>
          %get3A_487 = arith.constant 0 : i32
          %get3A_488 = arith.constant 0 : i32
          %get3A_489 = tpu.memref_slice %arg6[%scan3A_363, %get3A_487, %get3A_488] : memref<4x200x32xi32, #tpu.memory_space<vmem>> -> memref<1x200x32xi32, #tpu.memory_space<vmem>>
          %get3A_490 = tpu.memref_squeeze %get3A_489 : memref<1x200x32xi32, #tpu.memory_space<vmem>> -> memref<200x32xi32, #tpu.memory_space<vmem>>
          %get3A_491 = arith.index_cast %add3A_478 : i32 to index
          %get3A_492 = arith.constant 16 : index
          %get3A_493 = tpu.vector_load %get3A_490[%get3A_491, %get3A_492] {strides = array<i32>} : memref<200x32xi32, #tpu.memory_space<vmem>>, vector<1x16xi32>,
          %get3A_494 = vector.shape_cast %get3A_493 : vector<1x16xi32> to vector<16xi32>
          %shift_left3A_495 = arith.shli %get3A_486, %broadcast_in_dim3A_360 : vector<16xi32>
          %bitcast_convert_type3A_496 = tpu.bitcast %shift_left3A_495 : vector<16xi32> -> vector<16xf32>
          %add3A_497 = arith.addf %add3A_434, %bitcast_convert_type3A_496 : vector<16xf32>
          %shift_left3A_498 = arith.shli %get3A_494, %broadcast_in_dim3A_360 : vector<16xi32>
          %bitcast_convert_type3A_499 = tpu.bitcast %shift_left3A_498 : vector<16xi32> -> vector<16xf32>
          %add3A_500 = arith.addf %add3A_437, %bitcast_convert_type3A_499 : vector<16xf32>
          %and3A_501 = arith.andi %get3A_486, %broadcast_in_dim3A_358 : vector<16xi32>
          %bitcast_convert_type3A_502 = tpu.bitcast %and3A_501 : vector<16xi32> -> vector<16xf32>
          %add3A_503 = arith.addf %add3A_439, %bitcast_convert_type3A_502 : vector<16xf32>
          %and3A_504 = arith.andi %get3A_494, %broadcast_in_dim3A_358 : vector<16xi32>
          %bitcast_convert_type3A_505 = tpu.bitcast %and3A_504 : vector<16xi32> -> vector<16xf32>
          %add3A_506 = arith.addf %add3A_442, %bitcast_convert_type3A_505 : vector<16xf32>
          %mul3A_507 = arith.constant 25 : i32
          %mul3A_508 = arith.muli %mul3A_507, %scan3A_406 : i32
          %add3A_509 = arith.constant 3 : i32
          %add3A_510 = arith.addi %mul3A_508, %add3A_509 : i32
          %get3A_511 = arith.constant 0 : i32
          %get3A_512 = arith.constant 0 : i32
          %get3A_513 = tpu.memref_slice %arg6[%scan3A_363, %get3A_511, %get3A_512] : memref<4x200x32xi32, #tpu.memory_space<vmem>> -> memref<1x200x32xi32, #tpu.memory_space<vmem>>
          %get3A_514 = tpu.memref_squeeze %get3A_513 : memref<1x200x32xi32, #tpu.memory_space<vmem>> -> memref<200x32xi32, #tpu.memory_space<vmem>>
          %get3A_515 = arith.index_cast %add3A_510 : i32 to index
          %get3A_516 = arith.constant 0 : index
          %get3A_517 = tpu.vector_load %get3A_514[%get3A_515, %get3A_516] {strides = array<i32>} : memref<200x32xi32, #tpu.memory_space<vmem>>, vector<1x16xi32>,
          %get3A_518 = vector.shape_cast %get3A_517 : vector<1x16xi32> to vector<16xi32>
          %get3A_519 = arith.constant 0 : i32
          %get3A_520 = arith.constant 0 : i32
          %get3A_521 = tpu.memref_slice %arg6[%scan3A_363, %get3A_519, %get3A_520] : memref<4x200x32xi32, #tpu.memory_space<vmem>> -> memref<1x200x32xi32, #tpu.memory_space<vmem>>
          %get3A_522 = tpu.memref_squeeze %get3A_521 : memref<1x200x32xi32, #tpu.memory_space<vmem>> -> memref<200x32xi32, #tpu.memory_space<vmem>>
          %get3A_523 = arith.index_cast %add3A_510 : i32 to index
          %get3A_524 = arith.constant 16 : index
          %get3A_525 = tpu.vector_load %get3A_522[%get3A_523, %get3A_524] {strides = array<i32>} : memref<200x32xi32, #tpu.memory_space<vmem>>, vector<1x16xi32>,
          %get3A_526 = vector.shape_cast %get3A_525 : vector<1x16xi32> to vector<16xi32>
          %shift_left3A_527 = arith.shli %get3A_518, %broadcast_in_dim3A_360 : vector<16xi32>
          %bitcast_convert_type3A_528 = tpu.bitcast %shift_left3A_527 : vector<16xi32> -> vector<16xf32>
          %add3A_529 = arith.addf %add3A_465, %bitcast_convert_type3A_528 : vector<16xf32>
          %shift_left3A_530 = arith.shli %get3A_526, %broadcast_in_dim3A_360 : vector<16xi32>
          %bitcast_convert_type3A_531 = tpu.bitcast %shift_left3A_530 : vector<16xi32> -> vector<16xf32>
          %add3A_532 = arith.addf %add3A_468, %bitcast_convert_type3A_531 : vector<16xf32>
          %and3A_533 = arith.andi %get3A_518, %broadcast_in_dim3A_358 : vector<16xi32>
          %bitcast_convert_type3A_534 = tpu.bitcast %and3A_533 : vector<16xi32> -> vector<16xf32>
          %add3A_535 = arith.addf %add3A_471, %bitcast_convert_type3A_534 : vector<16xf32>
          %and3A_536 = arith.andi %get3A_526, %broadcast_in_dim3A_358 : vector<16xi32>
          %bitcast_convert_type3A_537 = tpu.bitcast %and3A_536 : vector<16xi32> -> vector<16xf32>
          %add3A_538 = arith.addf %add3A_474, %bitcast_convert_type3A_537 : vector<16xf32>
          %mul3A_539 = arith.constant 25 : i32
          %mul3A_540 = arith.muli %mul3A_539, %scan3A_406 : i32
          %add3A_541 = arith.constant 4 : i32
          %add3A_542 = arith.addi %mul3A_540, %add3A_541 : i32
          %get3A_543 = arith.constant 0 : i32
          %get3A_544 = arith.constant 0 : i32
          %get3A_545 = tpu.memref_slice %arg6[%scan3A_363, %get3A_543, %get3A_544] : memref<4x200x32xi32, #tpu.memory_space<vmem>> -> memref<1x200x32xi32, #tpu.memory_space<vmem>>
          %get3A_546 = tpu.memref_squeeze %get3A_545 : memref<1x200x32xi32, #tpu.memory_space<vmem>> -> memref<200x32xi32, #tpu.memory_space<vmem>>
          %get3A_547 = arith.index_cast %add3A_542 : i32 to index
          %get3A_548 = arith.constant 0 : index
          %get3A_549 = tpu.vector_load %get3A_546[%get3A_547, %get3A_548] {strides = array<i32>} : memref<200x32xi32, #tpu.memory_space<vmem>>, vector<1x16xi32>,
          %get3A_550 = vector.shape_cast %get3A_549 : vector<1x16xi32> to vector<16xi32>
          %get3A_551 = arith.constant 0 : i32
          %get3A_552 = arith.constant 0 : i32
          %get3A_553 = tpu.memref_slice %arg6[%scan3A_363, %get3A_551, %get3A_552] : memref<4x200x32xi32, #tpu.memory_space<vmem>> -> memref<1x200x32xi32, #tpu.memory_space<vmem>>
          %get3A_554 = tpu.memref_squeeze %get3A_553 : memref<1x200x32xi32, #tpu.memory_space<vmem>> -> memref<200x32xi32, #tpu.memory_space<vmem>>
          %get3A_555 = arith.index_cast %add3A_542 : i32 to index
          %get3A_556 = arith.constant 16 : index
          %get3A_557 = tpu.vector_load %get3A_554[%get3A_555, %get3A_556] {strides = array<i32>} : memref<200x32xi32, #tpu.memory_space<vmem>>, vector<1x16xi32>,
          %get3A_558 = vector.shape_cast %get3A_557 : vector<1x16xi32> to vector<16xi32>
          %shift_left3A_559 = arith.shli %get3A_550, %broadcast_in_dim3A_360 : vector<16xi32>
          %bitcast_convert_type3A_560 = tpu.bitcast %shift_left3A_559 : vector<16xi32> -> vector<16xf32>
          %add3A_561 = arith.addf %add3A_497, %bitcast_convert_type3A_560 : vector<16xf32>
          %shift_left3A_562 = arith.shli %get3A_558, %broadcast_in_dim3A_360 : vector<16xi32>
          %bitcast_convert_type3A_563 = tpu.bitcast %shift_left3A_562 : vector<16xi32> -> vector<16xf32>
          %add3A_564 = arith.addf %add3A_500, %bitcast_convert_type3A_563 : vector<16xf32>
          %and3A_565 = arith.andi %get3A_550, %broadcast_in_dim3A_358 : vector<16xi32>
          %bitcast_convert_type3A_566 = tpu.bitcast %and3A_565 : vector<16xi32> -> vector<16xf32>
          %add3A_567 = arith.addf %add3A_503, %bitcast_convert_type3A_566 : vector<16xf32>
          %and3A_568 = arith.andi %get3A_558, %broadcast_in_dim3A_358 : vector<16xi32>
          %bitcast_convert_type3A_569 = tpu.bitcast %and3A_568 : vector<16xi32> -> vector<16xf32>
          %add3A_570 = arith.addf %add3A_506, %bitcast_convert_type3A_569 : vector<16xf32>
          %mul3A_571 = arith.constant 25 : i32
          %mul3A_572 = arith.muli %mul3A_571, %scan3A_406 : i32
          %add3A_573 = arith.constant 5 : i32
          %add3A_574 = arith.addi %mul3A_572, %add3A_573 : i32
          %get3A_575 = arith.constant 0 : i32
          %get3A_576 = arith.constant 0 : i32
          %get3A_577 = tpu.memref_slice %arg6[%scan3A_363, %get3A_575, %get3A_576] : memref<4x200x32xi32, #tpu.memory_space<vmem>> -> memref<1x200x32xi32, #tpu.memory_space<vmem>>
          %get3A_578 = tpu.memref_squeeze %get3A_577 : memref<1x200x32xi32, #tpu.memory_space<vmem>> -> memref<200x32xi32, #tpu.memory_space<vmem>>
          %get3A_579 = arith.index_cast %add3A_574 : i32 to index
          %get3A_580 = arith.constant 0 : index
          %get3A_581 = tpu.vector_load %get3A_578[%get3A_579, %get3A_580] {strides = array<i32>} : memref<200x32xi32, #tpu.memory_space<vmem>>, vector<1x16xi32>,
          %get3A_582 = vector.shape_cast %get3A_581 : vector<1x16xi32> to vector<16xi32>
          %get3A_583 = arith.constant 0 : i32
          %get3A_584 = arith.constant 0 : i32
          %get3A_585 = tpu.memref_slice %arg6[%scan3A_363, %get3A_583, %get3A_584] : memref<4x200x32xi32, #tpu.memory_space<vmem>> -> memref<1x200x32xi32, #tpu.memory_space<vmem>>
          %get3A_586 = tpu.memref_squeeze %get3A_585 : memref<1x200x32xi32, #tpu.memory_space<vmem>> -> memref<200x32xi32, #tpu.memory_space<vmem>>
          %get3A_587 = arith.index_cast %add3A_574 : i32 to index
          %get3A_588 = arith.constant 16 : index
          %get3A_589 = tpu.vector_load %get3A_586[%get3A_587, %get3A_588] {strides = array<i32>} : memref<200x32xi32, #tpu.memory_space<vmem>>, vector<1x16xi32>,
          %get3A_590 = vector.shape_cast %get3A_589 : vector<1x16xi32> to vector<16xi32>
          %shift_left3A_591 = arith.shli %get3A_582, %broadcast_in_dim3A_360 : vector<16xi32>
          %bitcast_convert_type3A_592 = tpu.bitcast %shift_left3A_591 : vector<16xi32> -> vector<16xf32>
          %add3A_593 = arith.addf %add3A_529, %bitcast_convert_type3A_592 : vector<16xf32>
          %shift_left3A_594 = arith.shli %get3A_590, %broadcast_in_dim3A_360 : vector<16xi32>
          %bitcast_convert_type3A_595 = tpu.bitcast %shift_left3A_594 : vector<16xi32> -> vector<16xf32>
          %add3A_596 = arith.addf %add3A_532, %bitcast_convert_type3A_595 : vector<16xf32>
          %and3A_597 = arith.andi %get3A_582, %broadcast_in_dim3A_358 : vector<16xi32>
          %bitcast_convert_type3A_598 = tpu.bitcast %and3A_597 : vector<16xi32> -> vector<16xf32>
          %add3A_599 = arith.addf %add3A_535, %bitcast_convert_type3A_598 : vector<16xf32>
          %and3A_600 = arith.andi %get3A_590, %broadcast_in_dim3A_358 : vector<16xi32>
          %bitcast_convert_type3A_601 = tpu.bitcast %and3A_600 : vector<16xi32> -> vector<16xf32>
          %add3A_602 = arith.addf %add3A_538, %bitcast_convert_type3A_601 : vector<16xf32>
          %mul3A_603 = arith.constant 25 : i32
          %mul3A_604 = arith.muli %mul3A_603, %scan3A_406 : i32
          %add3A_605 = arith.constant 6 : i32
          %add3A_606 = arith.addi %mul3A_604, %add3A_605 : i32
          %get3A_607 = arith.constant 0 : i32
          %get3A_608 = arith.constant 0 : i32
          %get3A_609 = tpu.memref_slice %arg6[%scan3A_363, %get3A_607, %get3A_608] : memref<4x200x32xi32, #tpu.memory_space<vmem>> -> memref<1x200x32xi32, #tpu.memory_space<vmem>>
          %get3A_610 = tpu.memref_squeeze %get3A_609 : memref<1x200x32xi32, #tpu.memory_space<vmem>> -> memref<200x32xi32, #tpu.memory_space<vmem>>
          %get3A_611 = arith.index_cast %add3A_606 : i32 to index
          %get3A_612 = arith.constant 0 : index
          %get3A_613 = tpu.vector_load %get3A_610[%get3A_611, %get3A_612] {strides = array<i32>} : memref<200x32xi32, #tpu.memory_space<vmem>>, vector<1x16xi32>,
          %get3A_614 = vector.shape_cast %get3A_613 : vector<1x16xi32> to vector<16xi32>
          %get3A_615 = arith.constant 0 : i32
          %get3A_616 = arith.constant 0 : i32
          %get3A_617 = tpu.memref_slice %arg6[%scan3A_363, %get3A_615, %get3A_616] : memref<4x200x32xi32, #tpu.memory_space<vmem>> -> memref<1x200x32xi32, #tpu.memory_space<vmem>>
          %get3A_618 = tpu.memref_squeeze %get3A_617 : memref<1x200x32xi32, #tpu.memory_space<vmem>> -> memref<200x32xi32, #tpu.memory_space<vmem>>
          %get3A_619 = arith.index_cast %add3A_606 : i32 to index
          %get3A_620 = arith.constant 16 : index
          %get3A_621 = tpu.vector_load %get3A_618[%get3A_619, %get3A_620] {strides = array<i32>} : memref<200x32xi32, #tpu.memory_space<vmem>>, vector<1x16xi32>,
          %get3A_622 = vector.shape_cast %get3A_621 : vector<1x16xi32> to vector<16xi32>
          %shift_left3A_623 = arith.shli %get3A_614, %broadcast_in_dim3A_360 : vector<16xi32>
          %bitcast_convert_type3A_624 = tpu.bitcast %shift_left3A_623 : vector<16xi32> -> vector<16xf32>
          %add3A_625 = arith.addf %add3A_561, %bitcast_convert_type3A_624 : vector<16xf32>
          %shift_left3A_626 = arith.shli %get3A_622, %broadcast_in_dim3A_360 : vector<16xi32>
          %bitcast_convert_type3A_627 = tpu.bitcast %shift_left3A_626 : vector<16xi32> -> vector<16xf32>
          %add3A_628 = arith.addf %add3A_564, %bitcast_convert_type3A_627 : vector<16xf32>
          %and3A_629 = arith.andi %get3A_614, %broadcast_in_dim3A_358 : vector<16xi32>
          %bitcast_convert_type3A_630 = tpu.bitcast %and3A_629 : vector<16xi32> -> vector<16xf32>
          %add3A_631 = arith.addf %add3A_567, %bitcast_convert_type3A_630 : vector<16xf32>
          %and3A_632 = arith.andi %get3A_622, %broadcast_in_dim3A_358 : vector<16xi32>
          %bitcast_convert_type3A_633 = tpu.bitcast %and3A_632 : vector<16xi32> -> vector<16xf32>
          %add3A_634 = arith.addf %add3A_570, %bitcast_convert_type3A_633 : vector<16xf32>
          %mul3A_635 = arith.constant 25 : i32
          %mul3A_636 = arith.muli %mul3A_635, %scan3A_406 : i32
          %add3A_637 = arith.constant 7 : i32
          %add3A_638 = arith.addi %mul3A_636, %add3A_637 : i32
          %get3A_639 = arith.constant 0 : i32
          %get3A_640 = arith.constant 0 : i32
          %get3A_641 = tpu.memref_slice %arg6[%scan3A_363, %get3A_639, %get3A_640] : memref<4x200x32xi32, #tpu.memory_space<vmem>> -> memref<1x200x32xi32, #tpu.memory_space<vmem>>
          %get3A_642 = tpu.memref_squeeze %get3A_641 : memref<1x200x32xi32, #tpu.memory_space<vmem>> -> memref<200x32xi32, #tpu.memory_space<vmem>>
          %get3A_643 = arith.index_cast %add3A_638 : i32 to index
          %get3A_644 = arith.constant 0 : index
          %get3A_645 = tpu.vector_load %get3A_642[%get3A_643, %get3A_644] {strides = array<i32>} : memref<200x32xi32, #tpu.memory_space<vmem>>, vector<1x16xi32>,
          %get3A_646 = vector.shape_cast %get3A_645 : vector<1x16xi32> to vector<16xi32>
          %get3A_647 = arith.constant 0 : i32
          %get3A_648 = arith.constant 0 : i32
          %get3A_649 = tpu.memref_slice %arg6[%scan3A_363, %get3A_647, %get3A_648] : memref<4x200x32xi32, #tpu.memory_space<vmem>> -> memref<1x200x32xi32, #tpu.memory_space<vmem>>
          %get3A_650 = tpu.memref_squeeze %get3A_649 : memref<1x200x32xi32, #tpu.memory_space<vmem>> -> memref<200x32xi32, #tpu.memory_space<vmem>>
          %get3A_651 = arith.index_cast %add3A_638 : i32 to index
          %get3A_652 = arith.constant 16 : index
          %get3A_653 = tpu.vector_load %get3A_650[%get3A_651, %get3A_652] {strides = array<i32>} : memref<200x32xi32, #tpu.memory_space<vmem>>, vector<1x16xi32>,
          %get3A_654 = vector.shape_cast %get3A_653 : vector<1x16xi32> to vector<16xi32>
          %shift_left3A_655 = arith.shli %get3A_646, %broadcast_in_dim3A_360 : vector<16xi32>
          %bitcast_convert_type3A_656 = tpu.bitcast %shift_left3A_655 : vector<16xi32> -> vector<16xf32>
          %add3A_657 = arith.addf %add3A_593, %bitcast_convert_type3A_656 : vector<16xf32>
          %shift_left3A_658 = arith.shli %get3A_654, %broadcast_in_dim3A_360 : vector<16xi32>
          %bitcast_convert_type3A_659 = tpu.bitcast %shift_left3A_658 : vector<16xi32> -> vector<16xf32>
          %add3A_660 = arith.addf %add3A_596, %bitcast_convert_type3A_659 : vector<16xf32>
          %and3A_661 = arith.andi %get3A_646, %broadcast_in_dim3A_358 : vector<16xi32>
          %bitcast_convert_type3A_662 = tpu.bitcast %and3A_661 : vector<16xi32> -> vector<16xf32>
          %add3A_663 = arith.addf %add3A_599, %bitcast_convert_type3A_662 : vector<16xf32>
          %and3A_664 = arith.andi %get3A_654, %broadcast_in_dim3A_358 : vector<16xi32>
          %bitcast_convert_type3A_665 = tpu.bitcast %and3A_664 : vector<16xi32> -> vector<16xf32>
          %add3A_666 = arith.addf %add3A_602, %bitcast_convert_type3A_665 : vector<16xf32>
          %mul3A_667 = arith.constant 25 : i32
          %mul3A_668 = arith.muli %mul3A_667, %scan3A_406 : i32
          %add3A_669 = arith.constant 8 : i32
          %add3A_670 = arith.addi %mul3A_668, %add3A_669 : i32
          %get3A_671 = arith.constant 0 : i32
          %get3A_672 = arith.constant 0 : i32
          %get3A_673 = tpu.memref_slice %arg6[%scan3A_363, %get3A_671, %get3A_672] : memref<4x200x32xi32, #tpu.memory_space<vmem>> -> memref<1x200x32xi32, #tpu.memory_space<vmem>>
          %get3A_674 = tpu.memref_squeeze %get3A_673 : memref<1x200x32xi32, #tpu.memory_space<vmem>> -> memref<200x32xi32, #tpu.memory_space<vmem>>
          %get3A_675 = arith.index_cast %add3A_670 : i32 to index
          %get3A_676 = arith.constant 0 : index
          %get3A_677 = tpu.vector_load %get3A_674[%get3A_675, %get3A_676] {strides = array<i32>} : memref<200x32xi32, #tpu.memory_space<vmem>>, vector<1x16xi32>,
          %get3A_678 = vector.shape_cast %get3A_677 : vector<1x16xi32> to vector<16xi32>
          %get3A_679 = arith.constant 0 : i32
          %get3A_680 = arith.constant 0 : i32
          %get3A_681 = tpu.memref_slice %arg6[%scan3A_363, %get3A_679, %get3A_680] : memref<4x200x32xi32, #tpu.memory_space<vmem>> -> memref<1x200x32xi32, #tpu.memory_space<vmem>>
          %get3A_682 = tpu.memref_squeeze %get3A_681 : memref<1x200x32xi32, #tpu.memory_space<vmem>> -> memref<200x32xi32, #tpu.memory_space<vmem>>
          %get3A_683 = arith.index_cast %add3A_670 : i32 to index
          %get3A_684 = arith.constant 16 : index
          %get3A_685 = tpu.vector_load %get3A_682[%get3A_683, %get3A_684] {strides = array<i32>} : memref<200x32xi32, #tpu.memory_space<vmem>>, vector<1x16xi32>,
          %get3A_686 = vector.shape_cast %get3A_685 : vector<1x16xi32> to vector<16xi32>
          %shift_left3A_687 = arith.shli %get3A_678, %broadcast_in_dim3A_360 : vector<16xi32>
          %bitcast_convert_type3A_688 = tpu.bitcast %shift_left3A_687 : vector<16xi32> -> vector<16xf32>
          %add3A_689 = arith.addf %add3A_625, %bitcast_convert_type3A_688 : vector<16xf32>
          %shift_left3A_690 = arith.shli %get3A_686, %broadcast_in_dim3A_360 : vector<16xi32>
          %bitcast_convert_type3A_691 = tpu.bitcast %shift_left3A_690 : vector<16xi32> -> vector<16xf32>
          %add3A_692 = arith.addf %add3A_628, %bitcast_convert_type3A_691 : vector<16xf32>
          %and3A_693 = arith.andi %get3A_678, %broadcast_in_dim3A_358 : vector<16xi32>
          %bitcast_convert_type3A_694 = tpu.bitcast %and3A_693 : vector<16xi32> -> vector<16xf32>
          %add3A_695 = arith.addf %add3A_631, %bitcast_convert_type3A_694 : vector<16xf32>
          %and3A_696 = arith.andi %get3A_686, %broadcast_in_dim3A_358 : vector<16xi32>
          %bitcast_convert_type3A_697 = tpu.bitcast %and3A_696 : vector<16xi32> -> vector<16xf32>
          %add3A_698 = arith.addf %add3A_634, %bitcast_convert_type3A_697 : vector<16xf32>
          %mul3A_699 = arith.constant 25 : i32
          %mul3A_700 = arith.muli %mul3A_699, %scan3A_406 : i32
          %add3A_701 = arith.constant 9 : i32
          %add3A_702 = arith.addi %mul3A_700, %add3A_701 : i32
          %get3A_703 = arith.constant 0 : i32
          %get3A_704 = arith.constant 0 : i32
          %get3A_705 = tpu.memref_slice %arg6[%scan3A_363, %get3A_703, %get3A_704] : memref<4x200x32xi32, #tpu.memory_space<vmem>> -> memref<1x200x32xi32, #tpu.memory_space<vmem>>
          %get3A_706 = tpu.memref_squeeze %get3A_705 : memref<1x200x32xi32, #tpu.memory_space<vmem>> -> memref<200x32xi32, #tpu.memory_space<vmem>>
          %get3A_707 = arith.index_cast %add3A_702 : i32 to index
          %get3A_708 = arith.constant 0 : index
          %get3A_709 = tpu.vector_load %get3A_706[%get3A_707, %get3A_708] {strides = array<i32>} : memref<200x32xi32, #tpu.memory_space<vmem>>, vector<1x16xi32>,
          %get3A_710 = vector.shape_cast %get3A_709 : vector<1x16xi32> to vector<16xi32>
          %get3A_711 = arith.constant 0 : i32
          %get3A_712 = arith.constant 0 : i32
          %get3A_713 = tpu.memref_slice %arg6[%scan3A_363, %get3A_711, %get3A_712] : memref<4x200x32xi32, #tpu.memory_space<vmem>> -> memref<1x200x32xi32, #tpu.memory_space<vmem>>
          %get3A_714 = tpu.memref_squeeze %get3A_713 : memref<1x200x32xi32, #tpu.memory_space<vmem>> -> memref<200x32xi32, #tpu.memory_space<vmem>>
          %get3A_715 = arith.index_cast %add3A_702 : i32 to index
          %get3A_716 = arith.constant 16 : index
          %get3A_717 = tpu.vector_load %get3A_714[%get3A_715, %get3A_716] {strides = array<i32>} : memref<200x32xi32, #tpu.memory_space<vmem>>, vector<1x16xi32>,
          %get3A_718 = vector.shape_cast %get3A_717 : vector<1x16xi32> to vector<16xi32>
          %shift_left3A_719 = arith.shli %get3A_710, %broadcast_in_dim3A_360 : vector<16xi32>
          %bitcast_convert_type3A_720 = tpu.bitcast %shift_left3A_719 : vector<16xi32> -> vector<16xf32>
          %add3A_721 = arith.addf %add3A_657, %bitcast_convert_type3A_720 : vector<16xf32>
          %shift_left3A_722 = arith.shli %get3A_718, %broadcast_in_dim3A_360 : vector<16xi32>
          %bitcast_convert_type3A_723 = tpu.bitcast %shift_left3A_722 : vector<16xi32> -> vector<16xf32>
          %add3A_724 = arith.addf %add3A_660, %bitcast_convert_type3A_723 : vector<16xf32>
          %and3A_725 = arith.andi %get3A_710, %broadcast_in_dim3A_358 : vector<16xi32>
          %bitcast_convert_type3A_726 = tpu.bitcast %and3A_725 : vector<16xi32> -> vector<16xf32>
          %add3A_727 = arith.addf %add3A_663, %bitcast_convert_type3A_726 : vector<16xf32>
          %and3A_728 = arith.andi %get3A_718, %broadcast_in_dim3A_358 : vector<16xi32>
          %bitcast_convert_type3A_729 = tpu.bitcast %and3A_728 : vector<16xi32> -> vector<16xf32>
          %add3A_730 = arith.addf %add3A_666, %bitcast_convert_type3A_729 : vector<16xf32>
          %mul3A_731 = arith.constant 25 : i32
          %mul3A_732 = arith.muli %mul3A_731, %scan3A_406 : i32
          %add3A_733 = arith.constant 10 : i32
          %add3A_734 = arith.addi %mul3A_732, %add3A_733 : i32
          %get3A_735 = arith.constant 0 : i32
          %get3A_736 = arith.constant 0 : i32
          %get3A_737 = tpu.memref_slice %arg6[%scan3A_363, %get3A_735, %get3A_736] : memref<4x200x32xi32, #tpu.memory_space<vmem>> -> memref<1x200x32xi32, #tpu.memory_space<vmem>>
          %get3A_738 = tpu.memref_squeeze %get3A_737 : memref<1x200x32xi32, #tpu.memory_space<vmem>> -> memref<200x32xi32, #tpu.memory_space<vmem>>
          %get3A_739 = arith.index_cast %add3A_734 : i32 to index
          %get3A_740 = arith.constant 0 : index
          %get3A_741 = tpu.vector_load %get3A_738[%get3A_739, %get3A_740] {strides = array<i32>} : memref<200x32xi32, #tpu.memory_space<vmem>>, vector<1x16xi32>,
          %get3A_742 = vector.shape_cast %get3A_741 : vector<1x16xi32> to vector<16xi32>
          %get3A_743 = arith.constant 0 : i32
          %get3A_744 = arith.constant 0 : i32
          %get3A_745 = tpu.memref_slice %arg6[%scan3A_363, %get3A_743, %get3A_744] : memref<4x200x32xi32, #tpu.memory_space<vmem>> -> memref<1x200x32xi32, #tpu.memory_space<vmem>>
          %get3A_746 = tpu.memref_squeeze %get3A_745 : memref<1x200x32xi32, #tpu.memory_space<vmem>> -> memref<200x32xi32, #tpu.memory_space<vmem>>
          %get3A_747 = arith.index_cast %add3A_734 : i32 to index
          %get3A_748 = arith.constant 16 : index
          %get3A_749 = tpu.vector_load %get3A_746[%get3A_747, %get3A_748] {strides = array<i32>} : memref<200x32xi32, #tpu.memory_space<vmem>>, vector<1x16xi32>,
          %get3A_750 = vector.shape_cast %get3A_749 : vector<1x16xi32> to vector<16xi32>
          %shift_left3A_751 = arith.shli %get3A_742, %broadcast_in_dim3A_360 : vector<16xi32>
          %bitcast_convert_type3A_752 = tpu.bitcast %shift_left3A_751 : vector<16xi32> -> vector<16xf32>
          %add3A_753 = arith.addf %add3A_689, %bitcast_convert_type3A_752 : vector<16xf32>
          %shift_left3A_754 = arith.shli %get3A_750, %broadcast_in_dim3A_360 : vector<16xi32>
          %bitcast_convert_type3A_755 = tpu.bitcast %shift_left3A_754 : vector<16xi32> -> vector<16xf32>
          %add3A_756 = arith.addf %add3A_692, %bitcast_convert_type3A_755 : vector<16xf32>
          %and3A_757 = arith.andi %get3A_742, %broadcast_in_dim3A_358 : vector<16xi32>
          %bitcast_convert_type3A_758 = tpu.bitcast %and3A_757 : vector<16xi32> -> vector<16xf32>
          %add3A_759 = arith.addf %add3A_695, %bitcast_convert_type3A_758 : vector<16xf32>
          %and3A_760 = arith.andi %get3A_750, %broadcast_in_dim3A_358 : vector<16xi32>
          %bitcast_convert_type3A_761 = tpu.bitcast %and3A_760 : vector<16xi32> -> vector<16xf32>
          %add3A_762 = arith.addf %add3A_698, %bitcast_convert_type3A_761 : vector<16xf32>
          %mul3A_763 = arith.constant 25 : i32
          %mul3A_764 = arith.muli %mul3A_763, %scan3A_406 : i32
          %add3A_765 = arith.constant 11 : i32
          %add3A_766 = arith.addi %mul3A_764, %add3A_765 : i32
          %get3A_767 = arith.constant 0 : i32
          %get3A_768 = arith.constant 0 : i32
          %get3A_769 = tpu.memref_slice %arg6[%scan3A_363, %get3A_767, %get3A_768] : memref<4x200x32xi32, #tpu.memory_space<vmem>> -> memref<1x200x32xi32, #tpu.memory_space<vmem>>
          %get3A_770 = tpu.memref_squeeze %get3A_769 : memref<1x200x32xi32, #tpu.memory_space<vmem>> -> memref<200x32xi32, #tpu.memory_space<vmem>>
          %get3A_771 = arith.index_cast %add3A_766 : i32 to index
          %get3A_772 = arith.constant 0 : index
          %get3A_773 = tpu.vector_load %get3A_770[%get3A_771, %get3A_772] {strides = array<i32>} : memref<200x32xi32, #tpu.memory_space<vmem>>, vector<1x16xi32>,
          %get3A_774 = vector.shape_cast %get3A_773 : vector<1x16xi32> to vector<16xi32>
          %get3A_775 = arith.constant 0 : i32
          %get3A_776 = arith.constant 0 : i32
          %get3A_777 = tpu.memref_slice %arg6[%scan3A_363, %get3A_775, %get3A_776] : memref<4x200x32xi32, #tpu.memory_space<vmem>> -> memref<1x200x32xi32, #tpu.memory_space<vmem>>
          %get3A_778 = tpu.memref_squeeze %get3A_777 : memref<1x200x32xi32, #tpu.memory_space<vmem>> -> memref<200x32xi32, #tpu.memory_space<vmem>>
          %get3A_779 = arith.index_cast %add3A_766 : i32 to index
          %get3A_780 = arith.constant 16 : index
          %get3A_781 = tpu.vector_load %get3A_778[%get3A_779, %get3A_780] {strides = array<i32>} : memref<200x32xi32, #tpu.memory_space<vmem>>, vector<1x16xi32>,
          %get3A_782 = vector.shape_cast %get3A_781 : vector<1x16xi32> to vector<16xi32>
          %shift_left3A_783 = arith.shli %get3A_774, %broadcast_in_dim3A_360 : vector<16xi32>
          %bitcast_convert_type3A_784 = tpu.bitcast %shift_left3A_783 : vector<16xi32> -> vector<16xf32>
          %add3A_785 = arith.addf %add3A_721, %bitcast_convert_type3A_784 : vector<16xf32>
          %shift_left3A_786 = arith.shli %get3A_782, %broadcast_in_dim3A_360 : vector<16xi32>
          %bitcast_convert_type3A_787 = tpu.bitcast %shift_left3A_786 : vector<16xi32> -> vector<16xf32>
          %add3A_788 = arith.addf %add3A_724, %bitcast_convert_type3A_787 : vector<16xf32>
          %and3A_789 = arith.andi %get3A_774, %broadcast_in_dim3A_358 : vector<16xi32>
          %bitcast_convert_type3A_790 = tpu.bitcast %and3A_789 : vector<16xi32> -> vector<16xf32>
          %add3A_791 = arith.addf %add3A_727, %bitcast_convert_type3A_790 : vector<16xf32>
          %and3A_792 = arith.andi %get3A_782, %broadcast_in_dim3A_358 : vector<16xi32>
          %bitcast_convert_type3A_793 = tpu.bitcast %and3A_792 : vector<16xi32> -> vector<16xf32>
          %add3A_794 = arith.addf %add3A_730, %bitcast_convert_type3A_793 : vector<16xf32>
          %mul3A_795 = arith.constant 25 : i32
          %mul3A_796 = arith.muli %mul3A_795, %scan3A_406 : i32
          %add3A_797 = arith.constant 12 : i32
          %add3A_798 = arith.addi %mul3A_796, %add3A_797 : i32
          %get3A_799 = arith.constant 0 : i32
          %get3A_800 = arith.constant 0 : i32
          %get3A_801 = tpu.memref_slice %arg6[%scan3A_363, %get3A_799, %get3A_800] : memref<4x200x32xi32, #tpu.memory_space<vmem>> -> memref<1x200x32xi32, #tpu.memory_space<vmem>>
          %get3A_802 = tpu.memref_squeeze %get3A_801 : memref<1x200x32xi32, #tpu.memory_space<vmem>> -> memref<200x32xi32, #tpu.memory_space<vmem>>
          %get3A_803 = arith.index_cast %add3A_798 : i32 to index
          %get3A_804 = arith.constant 0 : index
          %get3A_805 = tpu.vector_load %get3A_802[%get3A_803, %get3A_804] {strides = array<i32>} : memref<200x32xi32, #tpu.memory_space<vmem>>, vector<1x16xi32>,
          %get3A_806 = vector.shape_cast %get3A_805 : vector<1x16xi32> to vector<16xi32>
          %get3A_807 = arith.constant 0 : i32
          %get3A_808 = arith.constant 0 : i32
          %get3A_809 = tpu.memref_slice %arg6[%scan3A_363, %get3A_807, %get3A_808] : memref<4x200x32xi32, #tpu.memory_space<vmem>> -> memref<1x200x32xi32, #tpu.memory_space<vmem>>
          %get3A_810 = tpu.memref_squeeze %get3A_809 : memref<1x200x32xi32, #tpu.memory_space<vmem>> -> memref<200x32xi32, #tpu.memory_space<vmem>>
          %get3A_811 = arith.index_cast %add3A_798 : i32 to index
          %get3A_812 = arith.constant 16 : index
          %get3A_813 = tpu.vector_load %get3A_810[%get3A_811, %get3A_812] {strides = array<i32>} : memref<200x32xi32, #tpu.memory_space<vmem>>, vector<1x16xi32>,
          %get3A_814 = vector.shape_cast %get3A_813 : vector<1x16xi32> to vector<16xi32>
          %shift_left3A_815 = arith.shli %get3A_806, %broadcast_in_dim3A_360 : vector<16xi32>
          %bitcast_convert_type3A_816 = tpu.bitcast %shift_left3A_815 : vector<16xi32> -> vector<16xf32>
          %add3A_817 = arith.addf %add3A_753, %bitcast_convert_type3A_816 : vector<16xf32>
          %shift_left3A_818 = arith.shli %get3A_814, %broadcast_in_dim3A_360 : vector<16xi32>
          %bitcast_convert_type3A_819 = tpu.bitcast %shift_left3A_818 : vector<16xi32> -> vector<16xf32>
          %add3A_820 = arith.addf %add3A_756, %bitcast_convert_type3A_819 : vector<16xf32>
          %and3A_821 = arith.andi %get3A_806, %broadcast_in_dim3A_358 : vector<16xi32>
          %bitcast_convert_type3A_822 = tpu.bitcast %and3A_821 : vector<16xi32> -> vector<16xf32>
          %add3A_823 = arith.addf %add3A_759, %bitcast_convert_type3A_822 : vector<16xf32>
          %and3A_824 = arith.andi %get3A_814, %broadcast_in_dim3A_358 : vector<16xi32>
          %bitcast_convert_type3A_825 = tpu.bitcast %and3A_824 : vector<16xi32> -> vector<16xf32>
          %add3A_826 = arith.addf %add3A_762, %bitcast_convert_type3A_825 : vector<16xf32>
          %mul3A_827 = arith.constant 25 : i32
          %mul3A_828 = arith.muli %mul3A_827, %scan3A_406 : i32
          %add3A_829 = arith.constant 13 : i32
          %add3A_830 = arith.addi %mul3A_828, %add3A_829 : i32
          %get3A_831 = arith.constant 0 : i32
          %get3A_832 = arith.constant 0 : i32
          %get3A_833 = tpu.memref_slice %arg6[%scan3A_363, %get3A_831, %get3A_832] : memref<4x200x32xi32, #tpu.memory_space<vmem>> -> memref<1x200x32xi32, #tpu.memory_space<vmem>>
          %get3A_834 = tpu.memref_squeeze %get3A_833 : memref<1x200x32xi32, #tpu.memory_space<vmem>> -> memref<200x32xi32, #tpu.memory_space<vmem>>
          %get3A_835 = arith.index_cast %add3A_830 : i32 to index
          %get3A_836 = arith.constant 0 : index
          %get3A_837 = tpu.vector_load %get3A_834[%get3A_835, %get3A_836] {strides = array<i32>} : memref<200x32xi32, #tpu.memory_space<vmem>>, vector<1x16xi32>,
          %get3A_838 = vector.shape_cast %get3A_837 : vector<1x16xi32> to vector<16xi32>
          %get3A_839 = arith.constant 0 : i32
          %get3A_840 = arith.constant 0 : i32
          %get3A_841 = tpu.memref_slice %arg6[%scan3A_363, %get3A_839, %get3A_840] : memref<4x200x32xi32, #tpu.memory_space<vmem>> -> memref<1x200x32xi32, #tpu.memory_space<vmem>>
          %get3A_842 = tpu.memref_squeeze %get3A_841 : memref<1x200x32xi32, #tpu.memory_space<vmem>> -> memref<200x32xi32, #tpu.memory_space<vmem>>
          %get3A_843 = arith.index_cast %add3A_830 : i32 to index
          %get3A_844 = arith.constant 16 : index
          %get3A_845 = tpu.vector_load %get3A_842[%get3A_843, %get3A_844] {strides = array<i32>} : memref<200x32xi32, #tpu.memory_space<vmem>>, vector<1x16xi32>,
          %get3A_846 = vector.shape_cast %get3A_845 : vector<1x16xi32> to vector<16xi32>
          %shift_left3A_847 = arith.shli %get3A_838, %broadcast_in_dim3A_360 : vector<16xi32>
          %bitcast_convert_type3A_848 = tpu.bitcast %shift_left3A_847 : vector<16xi32> -> vector<16xf32>
          %add3A_849 = arith.addf %add3A_785, %bitcast_convert_type3A_848 : vector<16xf32>
          %shift_left3A_850 = arith.shli %get3A_846, %broadcast_in_dim3A_360 : vector<16xi32>
          %bitcast_convert_type3A_851 = tpu.bitcast %shift_left3A_850 : vector<16xi32> -> vector<16xf32>
          %add3A_852 = arith.addf %add3A_788, %bitcast_convert_type3A_851 : vector<16xf32>
          %and3A_853 = arith.andi %get3A_838, %broadcast_in_dim3A_358 : vector<16xi32>
          %bitcast_convert_type3A_854 = tpu.bitcast %and3A_853 : vector<16xi32> -> vector<16xf32>
          %add3A_855 = arith.addf %add3A_791, %bitcast_convert_type3A_854 : vector<16xf32>
          %and3A_856 = arith.andi %get3A_846, %broadcast_in_dim3A_358 : vector<16xi32>
          %bitcast_convert_type3A_857 = tpu.bitcast %and3A_856 : vector<16xi32> -> vector<16xf32>
          %add3A_858 = arith.addf %add3A_794, %bitcast_convert_type3A_857 : vector<16xf32>
          %mul3A_859 = arith.constant 25 : i32
          %mul3A_860 = arith.muli %mul3A_859, %scan3A_406 : i32
          %add3A_861 = arith.constant 14 : i32
          %add3A_862 = arith.addi %mul3A_860, %add3A_861 : i32
          %get3A_863 = arith.constant 0 : i32
          %get3A_864 = arith.constant 0 : i32
          %get3A_865 = tpu.memref_slice %arg6[%scan3A_363, %get3A_863, %get3A_864] : memref<4x200x32xi32, #tpu.memory_space<vmem>> -> memref<1x200x32xi32, #tpu.memory_space<vmem>>
          %get3A_866 = tpu.memref_squeeze %get3A_865 : memref<1x200x32xi32, #tpu.memory_space<vmem>> -> memref<200x32xi32, #tpu.memory_space<vmem>>
          %get3A_867 = arith.index_cast %add3A_862 : i32 to index
          %get3A_868 = arith.constant 0 : index
          %get3A_869 = tpu.vector_load %get3A_866[%get3A_867, %get3A_868] {strides = array<i32>} : memref<200x32xi32, #tpu.memory_space<vmem>>, vector<1x16xi32>,
          %get3A_870 = vector.shape_cast %get3A_869 : vector<1x16xi32> to vector<16xi32>
          %get3A_871 = arith.constant 0 : i32
          %get3A_872 = arith.constant 0 : i32
          %get3A_873 = tpu.memref_slice %arg6[%scan3A_363, %get3A_871, %get3A_872] : memref<4x200x32xi32, #tpu.memory_space<vmem>> -> memref<1x200x32xi32, #tpu.memory_space<vmem>>
          %get3A_874 = tpu.memref_squeeze %get3A_873 : memref<1x200x32xi32, #tpu.memory_space<vmem>> -> memref<200x32xi32, #tpu.memory_space<vmem>>
          %get3A_875 = arith.index_cast %add3A_862 : i32 to index
          %get3A_876 = arith.constant 16 : index
          %get3A_877 = tpu.vector_load %get3A_874[%get3A_875, %get3A_876] {strides = array<i32>} : memref<200x32xi32, #tpu.memory_space<vmem>>, vector<1x16xi32>,
          %get3A_878 = vector.shape_cast %get3A_877 : vector<1x16xi32> to vector<16xi32>
          %shift_left3A_879 = arith.shli %get3A_870, %broadcast_in_dim3A_360 : vector<16xi32>
          %bitcast_convert_type3A_880 = tpu.bitcast %shift_left3A_879 : vector<16xi32> -> vector<16xf32>
          %add3A_881 = arith.addf %add3A_817, %bitcast_convert_type3A_880 : vector<16xf32>
          %shift_left3A_882 = arith.shli %get3A_878, %broadcast_in_dim3A_360 : vector<16xi32>
          %bitcast_convert_type3A_883 = tpu.bitcast %shift_left3A_882 : vector<16xi32> -> vector<16xf32>
          %add3A_884 = arith.addf %add3A_820, %bitcast_convert_type3A_883 : vector<16xf32>
          %and3A_885 = arith.andi %get3A_870, %broadcast_in_dim3A_358 : vector<16xi32>
          %bitcast_convert_type3A_886 = tpu.bitcast %and3A_885 : vector<16xi32> -> vector<16xf32>
          %add3A_887 = arith.addf %add3A_823, %bitcast_convert_type3A_886 : vector<16xf32>
          %and3A_888 = arith.andi %get3A_878, %broadcast_in_dim3A_358 : vector<16xi32>
          %bitcast_convert_type3A_889 = tpu.bitcast %and3A_888 : vector<16xi32> -> vector<16xf32>
          %add3A_890 = arith.addf %add3A_826, %bitcast_convert_type3A_889 : vector<16xf32>
          %mul3A_891 = arith.constant 25 : i32
          %mul3A_892 = arith.muli %mul3A_891, %scan3A_406 : i32
          %add3A_893 = arith.constant 15 : i32
          %add3A_894 = arith.addi %mul3A_892, %add3A_893 : i32
          %get3A_895 = arith.constant 0 : i32
          %get3A_896 = arith.constant 0 : i32
          %get3A_897 = tpu.memref_slice %arg6[%scan3A_363, %get3A_895, %get3A_896] : memref<4x200x32xi32, #tpu.memory_space<vmem>> -> memref<1x200x32xi32, #tpu.memory_space<vmem>>
          %get3A_898 = tpu.memref_squeeze %get3A_897 : memref<1x200x32xi32, #tpu.memory_space<vmem>> -> memref<200x32xi32, #tpu.memory_space<vmem>>
          %get3A_899 = arith.index_cast %add3A_894 : i32 to index
          %get3A_900 = arith.constant 0 : index
          %get3A_901 = tpu.vector_load %get3A_898[%get3A_899, %get3A_900] {strides = array<i32>} : memref<200x32xi32, #tpu.memory_space<vmem>>, vector<1x16xi32>,
          %get3A_902 = vector.shape_cast %get3A_901 : vector<1x16xi32> to vector<16xi32>
          %get3A_903 = arith.constant 0 : i32
          %get3A_904 = arith.constant 0 : i32
          %get3A_905 = tpu.memref_slice %arg6[%scan3A_363, %get3A_903, %get3A_904] : memref<4x200x32xi32, #tpu.memory_space<vmem>> -> memref<1x200x32xi32, #tpu.memory_space<vmem>>
          %get3A_906 = tpu.memref_squeeze %get3A_905 : memref<1x200x32xi32, #tpu.memory_space<vmem>> -> memref<200x32xi32, #tpu.memory_space<vmem>>
          %get3A_907 = arith.index_cast %add3A_894 : i32 to index
          %get3A_908 = arith.constant 16 : index
          %get3A_909 = tpu.vector_load %get3A_906[%get3A_907, %get3A_908] {strides = array<i32>} : memref<200x32xi32, #tpu.memory_space<vmem>>, vector<1x16xi32>,
          %get3A_910 = vector.shape_cast %get3A_909 : vector<1x16xi32> to vector<16xi32>
          %shift_left3A_911 = arith.shli %get3A_902, %broadcast_in_dim3A_360 : vector<16xi32>
          %bitcast_convert_type3A_912 = tpu.bitcast %shift_left3A_911 : vector<16xi32> -> vector<16xf32>
          %add3A_913 = arith.addf %add3A_849, %bitcast_convert_type3A_912 : vector<16xf32>
          %shift_left3A_914 = arith.shli %get3A_910, %broadcast_in_dim3A_360 : vector<16xi32>
          %bitcast_convert_type3A_915 = tpu.bitcast %shift_left3A_914 : vector<16xi32> -> vector<16xf32>
          %add3A_916 = arith.addf %add3A_852, %bitcast_convert_type3A_915 : vector<16xf32>
          %and3A_917 = arith.andi %get3A_902, %broadcast_in_dim3A_358 : vector<16xi32>
          %bitcast_convert_type3A_918 = tpu.bitcast %and3A_917 : vector<16xi32> -> vector<16xf32>
          %add3A_919 = arith.addf %add3A_855, %bitcast_convert_type3A_918 : vector<16xf32>
          %and3A_920 = arith.andi %get3A_910, %broadcast_in_dim3A_358 : vector<16xi32>
          %bitcast_convert_type3A_921 = tpu.bitcast %and3A_920 : vector<16xi32> -> vector<16xf32>
          %add3A_922 = arith.addf %add3A_858, %bitcast_convert_type3A_921 : vector<16xf32>
          %mul3A_923 = arith.constant 25 : i32
          %mul3A_924 = arith.muli %mul3A_923, %scan3A_406 : i32
          %add3A_925 = arith.constant 16 : i32
          %add3A_926 = arith.addi %mul3A_924, %add3A_925 : i32
          %get3A_927 = arith.constant 0 : i32
          %get3A_928 = arith.constant 0 : i32
          %get3A_929 = tpu.memref_slice %arg6[%scan3A_363, %get3A_927, %get3A_928] : memref<4x200x32xi32, #tpu.memory_space<vmem>> -> memref<1x200x32xi32, #tpu.memory_space<vmem>>
          %get3A_930 = tpu.memref_squeeze %get3A_929 : memref<1x200x32xi32, #tpu.memory_space<vmem>> -> memref<200x32xi32, #tpu.memory_space<vmem>>
          %get3A_931 = arith.index_cast %add3A_926 : i32 to index
          %get3A_932 = arith.constant 0 : index
          %get3A_933 = tpu.vector_load %get3A_930[%get3A_931, %get3A_932] {strides = array<i32>} : memref<200x32xi32, #tpu.memory_space<vmem>>, vector<1x16xi32>,
          %get3A_934 = vector.shape_cast %get3A_933 : vector<1x16xi32> to vector<16xi32>
          %get3A_935 = arith.constant 0 : i32
          %get3A_936 = arith.constant 0 : i32
          %get3A_937 = tpu.memref_slice %arg6[%scan3A_363, %get3A_935, %get3A_936] : memref<4x200x32xi32, #tpu.memory_space<vmem>> -> memref<1x200x32xi32, #tpu.memory_space<vmem>>
          %get3A_938 = tpu.memref_squeeze %get3A_937 : memref<1x200x32xi32, #tpu.memory_space<vmem>> -> memref<200x32xi32, #tpu.memory_space<vmem>>
          %get3A_939 = arith.index_cast %add3A_926 : i32 to index
          %get3A_940 = arith.constant 16 : index
          %get3A_941 = tpu.vector_load %get3A_938[%get3A_939, %get3A_940] {strides = array<i32>} : memref<200x32xi32, #tpu.memory_space<vmem>>, vector<1x16xi32>,
          %get3A_942 = vector.shape_cast %get3A_941 : vector<1x16xi32> to vector<16xi32>
          %shift_left3A_943 = arith.shli %get3A_934, %broadcast_in_dim3A_360 : vector<16xi32>
          %bitcast_convert_type3A_944 = tpu.bitcast %shift_left3A_943 : vector<16xi32> -> vector<16xf32>
          %add3A_945 = arith.addf %add3A_881, %bitcast_convert_type3A_944 : vector<16xf32>
          %shift_left3A_946 = arith.shli %get3A_942, %broadcast_in_dim3A_360 : vector<16xi32>
          %bitcast_convert_type3A_947 = tpu.bitcast %shift_left3A_946 : vector<16xi32> -> vector<16xf32>
          %add3A_948 = arith.addf %add3A_884, %bitcast_convert_type3A_947 : vector<16xf32>
          %and3A_949 = arith.andi %get3A_934, %broadcast_in_dim3A_358 : vector<16xi32>
          %bitcast_convert_type3A_950 = tpu.bitcast %and3A_949 : vector<16xi32> -> vector<16xf32>
          %add3A_951 = arith.addf %add3A_887, %bitcast_convert_type3A_950 : vector<16xf32>
          %and3A_952 = arith.andi %get3A_942, %broadcast_in_dim3A_358 : vector<16xi32>
          %bitcast_convert_type3A_953 = tpu.bitcast %and3A_952 : vector<16xi32> -> vector<16xf32>
          %add3A_954 = arith.addf %add3A_890, %bitcast_convert_type3A_953 : vector<16xf32>
          %mul3A_955 = arith.constant 25 : i32
          %mul3A_956 = arith.muli %mul3A_955, %scan3A_406 : i32
          %add3A_957 = arith.constant 17 : i32
          %add3A_958 = arith.addi %mul3A_956, %add3A_957 : i32
          %get3A_959 = arith.constant 0 : i32
          %get3A_960 = arith.constant 0 : i32
          %get3A_961 = tpu.memref_slice %arg6[%scan3A_363, %get3A_959, %get3A_960] : memref<4x200x32xi32, #tpu.memory_space<vmem>> -> memref<1x200x32xi32, #tpu.memory_space<vmem>>
          %get3A_962 = tpu.memref_squeeze %get3A_961 : memref<1x200x32xi32, #tpu.memory_space<vmem>> -> memref<200x32xi32, #tpu.memory_space<vmem>>
          %get3A_963 = arith.index_cast %add3A_958 : i32 to index
          %get3A_964 = arith.constant 0 : index
          %get3A_965 = tpu.vector_load %get3A_962[%get3A_963, %get3A_964] {strides = array<i32>} : memref<200x32xi32, #tpu.memory_space<vmem>>, vector<1x16xi32>,
          %get3A_966 = vector.shape_cast %get3A_965 : vector<1x16xi32> to vector<16xi32>
          %get3A_967 = arith.constant 0 : i32
          %get3A_968 = arith.constant 0 : i32
          %get3A_969 = tpu.memref_slice %arg6[%scan3A_363, %get3A_967, %get3A_968] : memref<4x200x32xi32, #tpu.memory_space<vmem>> -> memref<1x200x32xi32, #tpu.memory_space<vmem>>
          %get3A_970 = tpu.memref_squeeze %get3A_969 : memref<1x200x32xi32, #tpu.memory_space<vmem>> -> memref<200x32xi32, #tpu.memory_space<vmem>>
          %get3A_971 = arith.index_cast %add3A_958 : i32 to index
          %get3A_972 = arith.constant 16 : index
          %get3A_973 = tpu.vector_load %get3A_970[%get3A_971, %get3A_972] {strides = array<i32>} : memref<200x32xi32, #tpu.memory_space<vmem>>, vector<1x16xi32>,
          %get3A_974 = vector.shape_cast %get3A_973 : vector<1x16xi32> to vector<16xi32>
          %shift_left3A_975 = arith.shli %get3A_966, %broadcast_in_dim3A_360 : vector<16xi32>
          %bitcast_convert_type3A_976 = tpu.bitcast %shift_left3A_975 : vector<16xi32> -> vector<16xf32>
          %add3A_977 = arith.addf %add3A_913, %bitcast_convert_type3A_976 : vector<16xf32>
          %shift_left3A_978 = arith.shli %get3A_974, %broadcast_in_dim3A_360 : vector<16xi32>
          %bitcast_convert_type3A_979 = tpu.bitcast %shift_left3A_978 : vector<16xi32> -> vector<16xf32>
          %add3A_980 = arith.addf %add3A_916, %bitcast_convert_type3A_979 : vector<16xf32>
          %and3A_981 = arith.andi %get3A_966, %broadcast_in_dim3A_358 : vector<16xi32>
          %bitcast_convert_type3A_982 = tpu.bitcast %and3A_981 : vector<16xi32> -> vector<16xf32>
          %add3A_983 = arith.addf %add3A_919, %bitcast_convert_type3A_982 : vector<16xf32>
          %and3A_984 = arith.andi %get3A_974, %broadcast_in_dim3A_358 : vector<16xi32>
          %bitcast_convert_type3A_985 = tpu.bitcast %and3A_984 : vector<16xi32> -> vector<16xf32>
          %add3A_986 = arith.addf %add3A_922, %bitcast_convert_type3A_985 : vector<16xf32>
          %mul3A_987 = arith.constant 25 : i32
          %mul3A_988 = arith.muli %mul3A_987, %scan3A_406 : i32
          %add3A_989 = arith.constant 18 : i32
          %add3A_990 = arith.addi %mul3A_988, %add3A_989 : i32
          %get3A_991 = arith.constant 0 : i32
          %get3A_992 = arith.constant 0 : i32
          %get3A_993 = tpu.memref_slice %arg6[%scan3A_363, %get3A_991, %get3A_992] : memref<4x200x32xi32, #tpu.memory_space<vmem>> -> memref<1x200x32xi32, #tpu.memory_space<vmem>>
          %get3A_994 = tpu.memref_squeeze %get3A_993 : memref<1x200x32xi32, #tpu.memory_space<vmem>> -> memref<200x32xi32, #tpu.memory_space<vmem>>
          %get3A_995 = arith.index_cast %add3A_990 : i32 to index
          %get3A_996 = arith.constant 0 : index
          %get3A_997 = tpu.vector_load %get3A_994[%get3A_995, %get3A_996] {strides = array<i32>} : memref<200x32xi32, #tpu.memory_space<vmem>>, vector<1x16xi32>,
          %get3A_998 = vector.shape_cast %get3A_997 : vector<1x16xi32> to vector<16xi32>
          %get3A_999 = arith.constant 0 : i32
          %get3A_1000 = arith.constant 0 : i32
          %get3A_1001 = tpu.memref_slice %arg6[%scan3A_363, %get3A_999, %get3A_1000] : memref<4x200x32xi32, #tpu.memory_space<vmem>> -> memref<1x200x32xi32, #tpu.memory_space<vmem>>
          %get3A_1002 = tpu.memref_squeeze %get3A_1001 : memref<1x200x32xi32, #tpu.memory_space<vmem>> -> memref<200x32xi32, #tpu.memory_space<vmem>>
          %get3A_1003 = arith.index_cast %add3A_990 : i32 to index
          %get3A_1004 = arith.constant 16 : index
          %get3A_1005 = tpu.vector_load %get3A_1002[%get3A_1003, %get3A_1004] {strides = array<i32>} : memref<200x32xi32, #tpu.memory_space<vmem>>, vector<1x16xi32>,
          %get3A_1006 = vector.shape_cast %get3A_1005 : vector<1x16xi32> to vector<16xi32>
          %shift_left3A_1007 = arith.shli %get3A_998, %broadcast_in_dim3A_360 : vector<16xi32>
          %bitcast_convert_type3A_1008 = tpu.bitcast %shift_left3A_1007 : vector<16xi32> -> vector<16xf32>
          %add3A_1009 = arith.addf %add3A_945, %bitcast_convert_type3A_1008 : vector<16xf32>
          %shift_left3A_1010 = arith.shli %get3A_1006, %broadcast_in_dim3A_360 : vector<16xi32>
          %bitcast_convert_type3A_1011 = tpu.bitcast %shift_left3A_1010 : vector<16xi32> -> vector<16xf32>
          %add3A_1012 = arith.addf %add3A_948, %bitcast_convert_type3A_1011 : vector<16xf32>
          %and3A_1013 = arith.andi %get3A_998, %broadcast_in_dim3A_358 : vector<16xi32>
          %bitcast_convert_type3A_1014 = tpu.bitcast %and3A_1013 : vector<16xi32> -> vector<16xf32>
          %add3A_1015 = arith.addf %add3A_951, %bitcast_convert_type3A_1014 : vector<16xf32>
          %and3A_1016 = arith.andi %get3A_1006, %broadcast_in_dim3A_358 : vector<16xi32>
          %bitcast_convert_type3A_1017 = tpu.bitcast %and3A_1016 : vector<16xi32> -> vector<16xf32>
          %add3A_1018 = arith.addf %add3A_954, %bitcast_convert_type3A_1017 : vector<16xf32>
          %mul3A_1019 = arith.constant 25 : i32
          %mul3A_1020 = arith.muli %mul3A_1019, %scan3A_406 : i32
          %add3A_1021 = arith.constant 19 : i32
          %add3A_1022 = arith.addi %mul3A_1020, %add3A_1021 : i32
          %get3A_1023 = arith.constant 0 : i32
          %get3A_1024 = arith.constant 0 : i32
          %get3A_1025 = tpu.memref_slice %arg6[%scan3A_363, %get3A_1023, %get3A_1024] : memref<4x200x32xi32, #tpu.memory_space<vmem>> -> memref<1x200x32xi32, #tpu.memory_space<vmem>>
          %get3A_1026 = tpu.memref_squeeze %get3A_1025 : memref<1x200x32xi32, #tpu.memory_space<vmem>> -> memref<200x32xi32, #tpu.memory_space<vmem>>
          %get3A_1027 = arith.index_cast %add3A_1022 : i32 to index
          %get3A_1028 = arith.constant 0 : index
          %get3A_1029 = tpu.vector_load %get3A_1026[%get3A_1027, %get3A_1028] {strides = array<i32>} : memref<200x32xi32, #tpu.memory_space<vmem>>, vector<1x16xi32>,
          %get3A_1030 = vector.shape_cast %get3A_1029 : vector<1x16xi32> to vector<16xi32>
          %get3A_1031 = arith.constant 0 : i32
          %get3A_1032 = arith.constant 0 : i32
          %get3A_1033 = tpu.memref_slice %arg6[%scan3A_363, %get3A_1031, %get3A_1032] : memref<4x200x32xi32, #tpu.memory_space<vmem>> -> memref<1x200x32xi32, #tpu.memory_space<vmem>>
          %get3A_1034 = tpu.memref_squeeze %get3A_1033 : memref<1x200x32xi32, #tpu.memory_space<vmem>> -> memref<200x32xi32, #tpu.memory_space<vmem>>
          %get3A_1035 = arith.index_cast %add3A_1022 : i32 to index
          %get3A_1036 = arith.constant 16 : index
          %get3A_1037 = tpu.vector_load %get3A_1034[%get3A_1035, %get3A_1036] {strides = array<i32>} : memref<200x32xi32, #tpu.memory_space<vmem>>, vector<1x16xi32>,
          %get3A_1038 = vector.shape_cast %get3A_1037 : vector<1x16xi32> to vector<16xi32>
          %shift_left3A_1039 = arith.shli %get3A_1030, %broadcast_in_dim3A_360 : vector<16xi32>
          %bitcast_convert_type3A_1040 = tpu.bitcast %shift_left3A_1039 : vector<16xi32> -> vector<16xf32>
          %add3A_1041 = arith.addf %add3A_977, %bitcast_convert_type3A_1040 : vector<16xf32>
          %shift_left3A_1042 = arith.shli %get3A_1038, %broadcast_in_dim3A_360 : vector<16xi32>
          %bitcast_convert_type3A_1043 = tpu.bitcast %shift_left3A_1042 : vector<16xi32> -> vector<16xf32>
          %add3A_1044 = arith.addf %add3A_980, %bitcast_convert_type3A_1043 : vector<16xf32>
          %and3A_1045 = arith.andi %get3A_1030, %broadcast_in_dim3A_358 : vector<16xi32>
          %bitcast_convert_type3A_1046 = tpu.bitcast %and3A_1045 : vector<16xi32> -> vector<16xf32>
          %add3A_1047 = arith.addf %add3A_983, %bitcast_convert_type3A_1046 : vector<16xf32>
          %and3A_1048 = arith.andi %get3A_1038, %broadcast_in_dim3A_358 : vector<16xi32>
          %bitcast_convert_type3A_1049 = tpu.bitcast %and3A_1048 : vector<16xi32> -> vector<16xf32>
          %add3A_1050 = arith.addf %add3A_986, %bitcast_convert_type3A_1049 : vector<16xf32>
          %mul3A_1051 = arith.constant 25 : i32
          %mul3A_1052 = arith.muli %mul3A_1051, %scan3A_406 : i32
          %add3A_1053 = arith.constant 20 : i32
          %add3A_1054 = arith.addi %mul3A_1052, %add3A_1053 : i32
          %get3A_1055 = arith.constant 0 : i32
          %get3A_1056 = arith.constant 0 : i32
          %get3A_1057 = tpu.memref_slice %arg6[%scan3A_363, %get3A_1055, %get3A_1056] : memref<4x200x32xi32, #tpu.memory_space<vmem>> -> memref<1x200x32xi32, #tpu.memory_space<vmem>>
          %get3A_1058 = tpu.memref_squeeze %get3A_1057 : memref<1x200x32xi32, #tpu.memory_space<vmem>> -> memref<200x32xi32, #tpu.memory_space<vmem>>
          %get3A_1059 = arith.index_cast %add3A_1054 : i32 to index
          %get3A_1060 = arith.constant 0 : index
          %get3A_1061 = tpu.vector_load %get3A_1058[%get3A_1059, %get3A_1060] {strides = array<i32>} : memref<200x32xi32, #tpu.memory_space<vmem>>, vector<1x16xi32>,
          %get3A_1062 = vector.shape_cast %get3A_1061 : vector<1x16xi32> to vector<16xi32>
          %get3A_1063 = arith.constant 0 : i32
          %get3A_1064 = arith.constant 0 : i32
          %get3A_1065 = tpu.memref_slice %arg6[%scan3A_363, %get3A_1063, %get3A_1064] : memref<4x200x32xi32, #tpu.memory_space<vmem>> -> memref<1x200x32xi32, #tpu.memory_space<vmem>>
          %get3A_1066 = tpu.memref_squeeze %get3A_1065 : memref<1x200x32xi32, #tpu.memory_space<vmem>> -> memref<200x32xi32, #tpu.memory_space<vmem>>
          %get3A_1067 = arith.index_cast %add3A_1054 : i32 to index
          %get3A_1068 = arith.constant 16 : index
          %get3A_1069 = tpu.vector_load %get3A_1066[%get3A_1067, %get3A_1068] {strides = array<i32>} : memref<200x32xi32, #tpu.memory_space<vmem>>, vector<1x16xi32>,
          %get3A_1070 = vector.shape_cast %get3A_1069 : vector<1x16xi32> to vector<16xi32>
          %shift_left3A_1071 = arith.shli %get3A_1062, %broadcast_in_dim3A_360 : vector<16xi32>
          %bitcast_convert_type3A_1072 = tpu.bitcast %shift_left3A_1071 : vector<16xi32> -> vector<16xf32>
          %add3A_1073 = arith.addf %add3A_1009, %bitcast_convert_type3A_1072 : vector<16xf32>
          %shift_left3A_1074 = arith.shli %get3A_1070, %broadcast_in_dim3A_360 : vector<16xi32>
          %bitcast_convert_type3A_1075 = tpu.bitcast %shift_left3A_1074 : vector<16xi32> -> vector<16xf32>
          %add3A_1076 = arith.addf %add3A_1012, %bitcast_convert_type3A_1075 : vector<16xf32>
          %and3A_1077 = arith.andi %get3A_1062, %broadcast_in_dim3A_358 : vector<16xi32>
          %bitcast_convert_type3A_1078 = tpu.bitcast %and3A_1077 : vector<16xi32> -> vector<16xf32>
          %add3A_1079 = arith.addf %add3A_1015, %bitcast_convert_type3A_1078 : vector<16xf32>
          %and3A_1080 = arith.andi %get3A_1070, %broadcast_in_dim3A_358 : vector<16xi32>
          %bitcast_convert_type3A_1081 = tpu.bitcast %and3A_1080 : vector<16xi32> -> vector<16xf32>
          %add3A_1082 = arith.addf %add3A_1018, %bitcast_convert_type3A_1081 : vector<16xf32>
          %mul3A_1083 = arith.constant 25 : i32
          %mul3A_1084 = arith.muli %mul3A_1083, %scan3A_406 : i32
          %add3A_1085 = arith.constant 21 : i32
          %add3A_1086 = arith.addi %mul3A_1084, %add3A_1085 : i32
          %get3A_1087 = arith.constant 0 : i32
          %get3A_1088 = arith.constant 0 : i32
          %get3A_1089 = tpu.memref_slice %arg6[%scan3A_363, %get3A_1087, %get3A_1088] : memref<4x200x32xi32, #tpu.memory_space<vmem>> -> memref<1x200x32xi32, #tpu.memory_space<vmem>>
          %get3A_1090 = tpu.memref_squeeze %get3A_1089 : memref<1x200x32xi32, #tpu.memory_space<vmem>> -> memref<200x32xi32, #tpu.memory_space<vmem>>
          %get3A_1091 = arith.index_cast %add3A_1086 : i32 to index
          %get3A_1092 = arith.constant 0 : index
          %get3A_1093 = tpu.vector_load %get3A_1090[%get3A_1091, %get3A_1092] {strides = array<i32>} : memref<200x32xi32, #tpu.memory_space<vmem>>, vector<1x16xi32>,
          %get3A_1094 = vector.shape_cast %get3A_1093 : vector<1x16xi32> to vector<16xi32>
          %get3A_1095 = arith.constant 0 : i32
          %get3A_1096 = arith.constant 0 : i32
          %get3A_1097 = tpu.memref_slice %arg6[%scan3A_363, %get3A_1095, %get3A_1096] : memref<4x200x32xi32, #tpu.memory_space<vmem>> -> memref<1x200x32xi32, #tpu.memory_space<vmem>>
          %get3A_1098 = tpu.memref_squeeze %get3A_1097 : memref<1x200x32xi32, #tpu.memory_space<vmem>> -> memref<200x32xi32, #tpu.memory_space<vmem>>
          %get3A_1099 = arith.index_cast %add3A_1086 : i32 to index
          %get3A_1100 = arith.constant 16 : index
          %get3A_1101 = tpu.vector_load %get3A_1098[%get3A_1099, %get3A_1100] {strides = array<i32>} : memref<200x32xi32, #tpu.memory_space<vmem>>, vector<1x16xi32>,
          %get3A_1102 = vector.shape_cast %get3A_1101 : vector<1x16xi32> to vector<16xi32>
          %shift_left3A_1103 = arith.shli %get3A_1094, %broadcast_in_dim3A_360 : vector<16xi32>
          %bitcast_convert_type3A_1104 = tpu.bitcast %shift_left3A_1103 : vector<16xi32> -> vector<16xf32>
          %add3A_1105 = arith.addf %add3A_1041, %bitcast_convert_type3A_1104 : vector<16xf32>
          %shift_left3A_1106 = arith.shli %get3A_1102, %broadcast_in_dim3A_360 : vector<16xi32>
          %bitcast_convert_type3A_1107 = tpu.bitcast %shift_left3A_1106 : vector<16xi32> -> vector<16xf32>
          %add3A_1108 = arith.addf %add3A_1044, %bitcast_convert_type3A_1107 : vector<16xf32>
          %and3A_1109 = arith.andi %get3A_1094, %broadcast_in_dim3A_358 : vector<16xi32>
          %bitcast_convert_type3A_1110 = tpu.bitcast %and3A_1109 : vector<16xi32> -> vector<16xf32>
          %add3A_1111 = arith.addf %add3A_1047, %bitcast_convert_type3A_1110 : vector<16xf32>
          %and3A_1112 = arith.andi %get3A_1102, %broadcast_in_dim3A_358 : vector<16xi32>
          %bitcast_convert_type3A_1113 = tpu.bitcast %and3A_1112 : vector<16xi32> -> vector<16xf32>
          %add3A_1114 = arith.addf %add3A_1050, %bitcast_convert_type3A_1113 : vector<16xf32>
          %mul3A_1115 = arith.constant 25 : i32
          %mul3A_1116 = arith.muli %mul3A_1115, %scan3A_406 : i32
          %add3A_1117 = arith.constant 22 : i32
          %add3A_1118 = arith.addi %mul3A_1116, %add3A_1117 : i32
          %get3A_1119 = arith.constant 0 : i32
          %get3A_1120 = arith.constant 0 : i32
          %get3A_1121 = tpu.memref_slice %arg6[%scan3A_363, %get3A_1119, %get3A_1120] : memref<4x200x32xi32, #tpu.memory_space<vmem>> -> memref<1x200x32xi32, #tpu.memory_space<vmem>>
          %get3A_1122 = tpu.memref_squeeze %get3A_1121 : memref<1x200x32xi32, #tpu.memory_space<vmem>> -> memref<200x32xi32, #tpu.memory_space<vmem>>
          %get3A_1123 = arith.index_cast %add3A_1118 : i32 to index
          %get3A_1124 = arith.constant 0 : index
          %get3A_1125 = tpu.vector_load %get3A_1122[%get3A_1123, %get3A_1124] {strides = array<i32>} : memref<200x32xi32, #tpu.memory_space<vmem>>, vector<1x16xi32>,
          %get3A_1126 = vector.shape_cast %get3A_1125 : vector<1x16xi32> to vector<16xi32>
          %get3A_1127 = arith.constant 0 : i32
          %get3A_1128 = arith.constant 0 : i32
          %get3A_1129 = tpu.memref_slice %arg6[%scan3A_363, %get3A_1127, %get3A_1128] : memref<4x200x32xi32, #tpu.memory_space<vmem>> -> memref<1x200x32xi32, #tpu.memory_space<vmem>>
          %get3A_1130 = tpu.memref_squeeze %get3A_1129 : memref<1x200x32xi32, #tpu.memory_space<vmem>> -> memref<200x32xi32, #tpu.memory_space<vmem>>
          %get3A_1131 = arith.index_cast %add3A_1118 : i32 to index
          %get3A_1132 = arith.constant 16 : index
          %get3A_1133 = tpu.vector_load %get3A_1130[%get3A_1131, %get3A_1132] {strides = array<i32>} : memref<200x32xi32, #tpu.memory_space<vmem>>, vector<1x16xi32>,
          %get3A_1134 = vector.shape_cast %get3A_1133 : vector<1x16xi32> to vector<16xi32>
          %shift_left3A_1135 = arith.shli %get3A_1126, %broadcast_in_dim3A_360 : vector<16xi32>
          %bitcast_convert_type3A_1136 = tpu.bitcast %shift_left3A_1135 : vector<16xi32> -> vector<16xf32>
          %add3A_1137 = arith.addf %add3A_1073, %bitcast_convert_type3A_1136 : vector<16xf32>
          %shift_left3A_1138 = arith.shli %get3A_1134, %broadcast_in_dim3A_360 : vector<16xi32>
          %bitcast_convert_type3A_1139 = tpu.bitcast %shift_left3A_1138 : vector<16xi32> -> vector<16xf32>
          %add3A_1140 = arith.addf %add3A_1076, %bitcast_convert_type3A_1139 : vector<16xf32>
          %and3A_1141 = arith.andi %get3A_1126, %broadcast_in_dim3A_358 : vector<16xi32>
          %bitcast_convert_type3A_1142 = tpu.bitcast %and3A_1141 : vector<16xi32> -> vector<16xf32>
          %add3A_1143 = arith.addf %add3A_1079, %bitcast_convert_type3A_1142 : vector<16xf32>
          %and3A_1144 = arith.andi %get3A_1134, %broadcast_in_dim3A_358 : vector<16xi32>
          %bitcast_convert_type3A_1145 = tpu.bitcast %and3A_1144 : vector<16xi32> -> vector<16xf32>
          %add3A_1146 = arith.addf %add3A_1082, %bitcast_convert_type3A_1145 : vector<16xf32>
          %mul3A_1147 = arith.constant 25 : i32
          %mul3A_1148 = arith.muli %mul3A_1147, %scan3A_406 : i32
          %add3A_1149 = arith.constant 23 : i32
          %add3A_1150 = arith.addi %mul3A_1148, %add3A_1149 : i32
          %get3A_1151 = arith.constant 0 : i32
          %get3A_1152 = arith.constant 0 : i32
          %get3A_1153 = tpu.memref_slice %arg6[%scan3A_363, %get3A_1151, %get3A_1152] : memref<4x200x32xi32, #tpu.memory_space<vmem>> -> memref<1x200x32xi32, #tpu.memory_space<vmem>>
          %get3A_1154 = tpu.memref_squeeze %get3A_1153 : memref<1x200x32xi32, #tpu.memory_space<vmem>> -> memref<200x32xi32, #tpu.memory_space<vmem>>
          %get3A_1155 = arith.index_cast %add3A_1150 : i32 to index
          %get3A_1156 = arith.constant 0 : index
          %get3A_1157 = tpu.vector_load %get3A_1154[%get3A_1155, %get3A_1156] {strides = array<i32>} : memref<200x32xi32, #tpu.memory_space<vmem>>, vector<1x16xi32>,
          %get3A_1158 = vector.shape_cast %get3A_1157 : vector<1x16xi32> to vector<16xi32>
          %get3A_1159 = arith.constant 0 : i32
          %get3A_1160 = arith.constant 0 : i32
          %get3A_1161 = tpu.memref_slice %arg6[%scan3A_363, %get3A_1159, %get3A_1160] : memref<4x200x32xi32, #tpu.memory_space<vmem>> -> memref<1x200x32xi32, #tpu.memory_space<vmem>>
          %get3A_1162 = tpu.memref_squeeze %get3A_1161 : memref<1x200x32xi32, #tpu.memory_space<vmem>> -> memref<200x32xi32, #tpu.memory_space<vmem>>
          %get3A_1163 = arith.index_cast %add3A_1150 : i32 to index
          %get3A_1164 = arith.constant 16 : index
          %get3A_1165 = tpu.vector_load %get3A_1162[%get3A_1163, %get3A_1164] {strides = array<i32>} : memref<200x32xi32, #tpu.memory_space<vmem>>, vector<1x16xi32>,
          %get3A_1166 = vector.shape_cast %get3A_1165 : vector<1x16xi32> to vector<16xi32>
          %shift_left3A_1167 = arith.shli %get3A_1158, %broadcast_in_dim3A_360 : vector<16xi32>
          %bitcast_convert_type3A_1168 = tpu.bitcast %shift_left3A_1167 : vector<16xi32> -> vector<16xf32>
          %add3A_1169 = arith.addf %add3A_1105, %bitcast_convert_type3A_1168 : vector<16xf32>
          %shift_left3A_1170 = arith.shli %get3A_1166, %broadcast_in_dim3A_360 : vector<16xi32>
          %bitcast_convert_type3A_1171 = tpu.bitcast %shift_left3A_1170 : vector<16xi32> -> vector<16xf32>
          %add3A_1172 = arith.addf %add3A_1108, %bitcast_convert_type3A_1171 : vector<16xf32>
          %and3A_1173 = arith.andi %get3A_1158, %broadcast_in_dim3A_358 : vector<16xi32>
          %bitcast_convert_type3A_1174 = tpu.bitcast %and3A_1173 : vector<16xi32> -> vector<16xf32>
          %add3A_1175 = arith.addf %add3A_1111, %bitcast_convert_type3A_1174 : vector<16xf32>
          %and3A_1176 = arith.andi %get3A_1166, %broadcast_in_dim3A_358 : vector<16xi32>
          %bitcast_convert_type3A_1177 = tpu.bitcast %and3A_1176 : vector<16xi32> -> vector<16xf32>
          %add3A_1178 = arith.addf %add3A_1114, %bitcast_convert_type3A_1177 : vector<16xf32>
          %mul3A_1179 = arith.constant 25 : i32
          %mul3A_1180 = arith.muli %mul3A_1179, %scan3A_406 : i32
          %add3A_1181 = arith.constant 24 : i32
          %add3A_1182 = arith.addi %mul3A_1180, %add3A_1181 : i32
          %get3A_1183 = arith.constant 0 : i32
          %get3A_1184 = arith.constant 0 : i32
          %get3A_1185 = tpu.memref_slice %arg6[%scan3A_363, %get3A_1183, %get3A_1184] : memref<4x200x32xi32, #tpu.memory_space<vmem>> -> memref<1x200x32xi32, #tpu.memory_space<vmem>>
          %get3A_1186 = tpu.memref_squeeze %get3A_1185 : memref<1x200x32xi32, #tpu.memory_space<vmem>> -> memref<200x32xi32, #tpu.memory_space<vmem>>
          %get3A_1187 = arith.index_cast %add3A_1182 : i32 to index
          %get3A_1188 = arith.constant 0 : index
          %get3A_1189 = tpu.vector_load %get3A_1186[%get3A_1187, %get3A_1188] {strides = array<i32>} : memref<200x32xi32, #tpu.memory_space<vmem>>, vector<1x16xi32>,
          %get3A_1190 = vector.shape_cast %get3A_1189 : vector<1x16xi32> to vector<16xi32>
          %get3A_1191 = arith.constant 0 : i32
          %get3A_1192 = arith.constant 0 : i32
          %get3A_1193 = tpu.memref_slice %arg6[%scan3A_363, %get3A_1191, %get3A_1192] : memref<4x200x32xi32, #tpu.memory_space<vmem>> -> memref<1x200x32xi32, #tpu.memory_space<vmem>>
          %get3A_1194 = tpu.memref_squeeze %get3A_1193 : memref<1x200x32xi32, #tpu.memory_space<vmem>> -> memref<200x32xi32, #tpu.memory_space<vmem>>
          %get3A_1195 = arith.index_cast %add3A_1182 : i32 to index
          %get3A_1196 = arith.constant 16 : index
          %get3A_1197 = tpu.vector_load %get3A_1194[%get3A_1195, %get3A_1196] {strides = array<i32>} : memref<200x32xi32, #tpu.memory_space<vmem>>, vector<1x16xi32>,
          %get3A_1198 = vector.shape_cast %get3A_1197 : vector<1x16xi32> to vector<16xi32>
          %shift_left3A_1199 = arith.shli %get3A_1190, %broadcast_in_dim3A_360 : vector<16xi32>
          %bitcast_convert_type3A_1200 = tpu.bitcast %shift_left3A_1199 : vector<16xi32> -> vector<16xf32>
          %add3A_1201 = arith.addf %add3A_1137, %bitcast_convert_type3A_1200 : vector<16xf32>
          %shift_left3A_1202 = arith.shli %get3A_1198, %broadcast_in_dim3A_360 : vector<16xi32>
          %bitcast_convert_type3A_1203 = tpu.bitcast %shift_left3A_1202 : vector<16xi32> -> vector<16xf32>
          %add3A_1204 = arith.addf %add3A_1140, %bitcast_convert_type3A_1203 : vector<16xf32>
          %and3A_1205 = arith.andi %get3A_1190, %broadcast_in_dim3A_358 : vector<16xi32>
          %bitcast_convert_type3A_1206 = tpu.bitcast %and3A_1205 : vector<16xi32> -> vector<16xf32>
          %add3A_1207 = arith.addf %add3A_1143, %bitcast_convert_type3A_1206 : vector<16xf32>
          %and3A_1208 = arith.andi %get3A_1198, %broadcast_in_dim3A_358 : vector<16xi32>
          %bitcast_convert_type3A_1209 = tpu.bitcast %and3A_1208 : vector<16xi32> -> vector<16xf32>
          %add3A_1210 = arith.addf %add3A_1146, %bitcast_convert_type3A_1209 : vector<16xf32>
          scf.yield %add3A_1201, %add3A_1204, %add3A_1207, %add3A_1210, %add3A_1169, %add3A_1172, %add3A_1175, %add3A_1178 : vector<16xf32>, vector<16xf32>, vector<16xf32>, vector<16xf32>, vector<16xf32>, vector<16xf32>, vector<16xf32>, vector<16xf32>
        }
        %scan3A_369 = arith.constant 8 : i32
        %add3A_370 = arith.addf %scan3A_368#0, %scan3A_368#4 : vector<16xf32>
        %mul3A_371 = arith.constant 5.000000e-03 : f32
        %mul3A_372 = vector.broadcast %mul3A_371 : f32 to vector<16xf32>
        %mul3A_373 = arith.mulf %add3A_370, %mul3A_372 : vector<16xf32>
        %swap3A_374 = arith.index_cast %add3A_356 : i32 to index
        %swap3A_375 = arith.constant 0 : index
        %swap3A_376 = tpu.vector_load %arg7[%swap3A_374, %swap3A_375] {strides = array<i32>} : memref<64x64xf32, #tpu.memory_space<vmem>>, vector<1x16xf32>,
        %swap3A_377 = vector.shape_cast %swap3A_376 : vector<1x16xf32> to vector<16xf32>
        %swap3A_378 = vector.shape_cast %mul3A_373 : vector<16xf32> to vector<1x16xf32>
        tpu.vector_store %arg7[%swap3A_374, %swap3A_375], %swap3A_378 {strides = array<i32>} : memref<64x64xf32, #tpu.memory_space<vmem>>, vector<1x16xf32>,
        %add3A_379 = arith.addf %scan3A_368#1, %scan3A_368#5 : vector<16xf32>
        %mul3A_380 = arith.constant 5.000000e-03 : f32
        %mul3A_381 = vector.broadcast %mul3A_380 : f32 to vector<16xf32>
        %mul3A_382 = arith.mulf %add3A_379, %mul3A_381 : vector<16xf32>
        %swap3A_383 = arith.index_cast %add3A_356 : i32 to index
        %swap3A_384 = arith.constant 16 : index
        %swap3A_385 = tpu.vector_load %arg7[%swap3A_383, %swap3A_384] {strides = array<i32>} : memref<64x64xf32, #tpu.memory_space<vmem>>, vector<1x16xf32>,
        %swap3A_386 = vector.shape_cast %swap3A_385 : vector<1x16xf32> to vector<16xf32>
        %swap3A_387 = vector.shape_cast %mul3A_382 : vector<16xf32> to vector<1x16xf32>
        tpu.vector_store %arg7[%swap3A_383, %swap3A_384], %swap3A_387 {strides = array<i32>} : memref<64x64xf32, #tpu.memory_space<vmem>>, vector<1x16xf32>,
        %add3A_388 = arith.addf %scan3A_368#2, %scan3A_368#6 : vector<16xf32>
        %mul3A_389 = arith.constant 5.000000e-03 : f32
        %mul3A_390 = vector.broadcast %mul3A_389 : f32 to vector<16xf32>
        %mul3A_391 = arith.mulf %add3A_388, %mul3A_390 : vector<16xf32>
        %swap3A_392 = arith.index_cast %add3A_356 : i32 to index
        %swap3A_393 = arith.constant 32 : index
        %swap3A_394 = tpu.vector_load %arg7[%swap3A_392, %swap3A_393] {strides = array<i32>} : memref<64x64xf32, #tpu.memory_space<vmem>>, vector<1x16xf32>,
        %swap3A_395 = vector.shape_cast %swap3A_394 : vector<1x16xf32> to vector<16xf32>
        %swap3A_396 = vector.shape_cast %mul3A_391 : vector<16xf32> to vector<1x16xf32>
        tpu.vector_store %arg7[%swap3A_392, %swap3A_393], %swap3A_396 {strides = array<i32>} : memref<64x64xf32, #tpu.memory_space<vmem>>, vector<1x16xf32>,
        %add3A_397 = arith.addf %scan3A_368#3, %scan3A_368#7 : vector<16xf32>
        %mul3A_398 = arith.constant 5.000000e-03 : f32
        %mul3A_399 = vector.broadcast %mul3A_398 : f32 to vector<16xf32>
        %mul3A_400 = arith.mulf %add3A_397, %mul3A_399 : vector<16xf32>
        %swap3A_401 = arith.index_cast %add3A_356 : i32 to index
        %swap3A_402 = arith.constant 48 : index
        %swap3A_403 = tpu.vector_load %arg7[%swap3A_401, %swap3A_402] {strides = array<i32>} : memref<64x64xf32, #tpu.memory_space<vmem>>, vector<1x16xf32>,
        %swap3A_404 = vector.shape_cast %swap3A_403 : vector<1x16xf32> to vector<16xf32>
        %swap3A_405 = vector.shape_cast %mul3A_400 : vector<16xf32> to vector<1x16xf32>
        tpu.vector_store %arg7[%swap3A_401, %swap3A_402], %swap3A_405 {strides = array<i32>} : memref<64x64xf32, #tpu.memory_space<vmem>>, vector<1x16xf32>,
      }
      %scan3A_96 = arith.constant 16 : i32
      %mul3A_97 = arith.constant 64 : i32
      %mul3A_98 = arith.muli %scan3A_8, %mul3A_97 : i32
      %add3A_99 = arith.addi %mul3A_2, %mul3A_98 : i32
      %multiple_of3A_100 = tpu.assume_multiple %add3A_99, 8 : i32
      %dma_start3A_101 = arith.constant 0 : i32
      %dma_start3A_102 = tpu.memref_slice %arg4[%multiple_of3A_100, %dma_start3A_101] : memref<16384x64xf32, #tpu.memory_space<hbm>> -> memref<64x64xf32, #tpu.memory_space<hbm>>
      %dma_start3A_103 = arith.constant 0 : i32
      %dma_start3A_104 = tpu.memref_slice %arg4[%multiple_of3A_100, %dma_start3A_103] : memref<16384x64xf32, #tpu.memory_space<hbm>> -> memref<64x64xf32, #tpu.memory_space<hbm>>
      tpu.enqueue_dma source(%arg7 : memref<64x64xf32, #tpu.memory_space<vmem>>) target(%dma_start3A_104 : memref<64x64xf32, #tpu.memory_space<hbm>>) target_semaphore(%arg12 : memref<!tpu.dma_semaphore, #tpu.memory_space<semaphore_mem>>)
      %dma_wait3A = arith.constant 0 : i32
      %dma_wait3A_105 = tpu.memref_slice %arg4[%multiple_of3A_100, %dma_wait3A] : memref<16384x64xf32, #tpu.memory_space<hbm>> -> memref<64x64xf32, #tpu.memory_space<hbm>>
      %dma_wait3A_106 = arith.constant 0 : i32
      %dma_wait3A_107 = tpu.memref_slice %arg4[%multiple_of3A_100, %dma_wait3A_106] : memref<16384x64xf32, #tpu.memory_space<hbm>> -> memref<64x64xf32, #tpu.memory_space<hbm>>
      tpu.wait_dma2 semaphore(%arg12 : memref<!tpu.dma_semaphore, #tpu.memory_space<semaphore_mem>>) src(%arg7 : memref<64x64xf32, #tpu.memory_space<vmem>>) dst(%dma_wait3A_107 : memref<64x64xf32, #tpu.memory_space<hbm>>)
    }
    %scan3A_7 = arith.constant 8 : i32
    return
  }
}

module attributes {stable_mosaic.version = 14 : i64} {
  func.func @_transpose_body(%arg0: i32, %arg1: memref<200x2048xi32, #tpu.memory_space<vmem>>, %arg2: memref<2048x200xi32, #tpu.memory_space<vmem>>) attributes {dimension_semantics = [#tpu.dimension_semantics<arbitrary>], iteration_bounds = array<i64: 8>, scalar_prefetch = 0 : i64, scratch_operands = 0 : i64, tpu.core_type = #tpu.core_type<tc>, window_params = [{transform_indices = @transform_0, window_bounds = array<i64: 200, 2048>}, {transform_indices = @transform_1, window_bounds = array<i64: 2048, 200>}]} {
    %get3A = arith.constant 0 : index
    %get3A_0 = arith.constant 0 : index
    %get3A_1 = vector.load %arg1[%get3A, %get3A_0] : memref<200x2048xi32, #tpu.memory_space<vmem>>, vector<200x2048xi32>
    %transpose3A = tpu.transpose %get3A_1, [1, 0] : vector<200x2048xi32> -> vector<2048x200xi32>
    %swap3A = arith.constant 0 : index
    %swap3A_2 = arith.constant 0 : index
    %swap3A_3 = vector.load %arg2[%swap3A, %swap3A_2] : memref<2048x200xi32, #tpu.memory_space<vmem>>, vector<2048x200xi32>
    tpu.vector_store %arg2[%swap3A, %swap3A_2], %transpose3A {strides = array<i32>} : memref<2048x200xi32, #tpu.memory_space<vmem>>, vector<2048x200xi32>,
    return
  }
  func.func @transform_0(%arg0: i32) -> (i32, i32) {
    %c0_i32 = arith.constant 0 : i32
    %c0_i32_0 = arith.constant 0 : i32
    return %c0_i32, %arg0 : i32, i32
  }
  func.func @transform_1(%arg0: i32) -> (i32, i32) {
    %c0_i32 = arith.constant 0 : i32
    %c0_i32_0 = arith.constant 0 : i32
    return %arg0, %c0_i32 : i32, i32
  }
}

module attributes {stable_mosaic.version = 14 : i64} {
  func.func @_table_t_body(%arg0: i32, %arg1: memref<64x8192xf32, #tpu.memory_space<vmem>>, %arg2: memref<64x64xf32, #tpu.memory_space<vmem>>, %arg3: memref<8192x32xi32, #tpu.memory_space<vmem>>) attributes {dimension_semantics = [#tpu.dimension_semantics<arbitrary>], iteration_bounds = array<i64: 123>, scalar_prefetch = 0 : i64, scratch_operands = 0 : i64, tpu.core_type = #tpu.core_type<tc>, window_params = [{transform_indices = @transform_0, window_bounds = array<i64: 64, 8192>}, {pipeline_mode = #tpu.pipeline_mode<synchronous>, transform_indices = @transform_1, window_bounds = array<i64: 64, 64>}, {transform_indices = @transform_2, window_bounds = array<i64: 8192, 32>}]} {
    %get3A = arith.constant 0 : index
    %get3A_0 = arith.constant 0 : index
    %get3A_1 = vector.load %arg1[%get3A, %get3A_0] : memref<64x8192xf32, #tpu.memory_space<vmem>>, vector<64x8192xf32>
    %get3A_2 = arith.constant 0 : index
    %get3A_3 = arith.constant 0 : index
    %get3A_4 = vector.load %arg2[%get3A_2, %get3A_3] : memref<64x64xf32, #tpu.memory_space<vmem>>, vector<64x64xf32>
    %dot_general3A = arith.constant dense<0.000000e+00> : vector<8192x64xf32>
    %dot_general3A_5 = tpu.matmul %get3A_1, %get3A_4, %dot_general3A {dimension_numbers = #tpu.dot_dimension_numbers<[0], [0], [1], [1], [0, 1, 1, 1], [], []>, transpose_lhs_hint = false} : vector<64x8192xf32>, vector<64x64xf32>, vector<8192x64xf32> -> vector<8192x64xf32>
    %bitcast_convert_type3A = tpu.bitcast %dot_general3A_5 : vector<8192x64xf32> -> vector<8192x64xi32>
    %add3A = arith.constant 32767 : i32
    %add3A_6 = vector.broadcast %add3A : i32 to vector<8192x64xi32>
    %add3A_7 = arith.addi %bitcast_convert_type3A, %add3A_6 : vector<8192x64xi32>
    %shift_right_logical3A = arith.constant 16 : i32
    %shift_right_logical3A_8 = vector.broadcast %shift_right_logical3A : i32 to vector<8192x64xi32>
    %shift_right_logical3A_9 = arith.shrui %bitcast_convert_type3A, %shift_right_logical3A_8 : vector<8192x64xi32>
    %and3A = arith.constant 1 : i32
    %and3A_10 = vector.broadcast %and3A : i32 to vector<8192x64xi32>
    %and3A_11 = arith.andi %shift_right_logical3A_9, %and3A_10 : vector<8192x64xi32>
    %add3A_12 = arith.addi %add3A_7, %and3A_11 : vector<8192x64xi32>
    %shift_right_logical3A_13 = arith.constant 16 : i32
    %shift_right_logical3A_14 = vector.broadcast %shift_right_logical3A_13 : i32 to vector<8192x64xi32>
    %shift_right_logical3A_15 = arith.shrui %add3A_12, %shift_right_logical3A_14 : vector<8192x64xi32>
    %slice3A = vector.extract_strided_slice %shift_right_logical3A_15 {offsets = [0, 0], sizes = [8192, 32], strides = [1, 1]} : vector<8192x64xi32> to vector<8192x32xi32>
    %slice3A_16 = vector.extract_strided_slice %shift_right_logical3A_15 {offsets = [0, 32], sizes = [8192, 32], strides = [1, 1]} : vector<8192x64xi32> to vector<8192x32xi32>
    %shift_left3A = arith.constant 16 : i32
    %shift_left3A_17 = vector.broadcast %shift_left3A : i32 to vector<8192x32xi32>
    %shift_left3A_18 = arith.shli %slice3A_16, %shift_left3A_17 : vector<8192x32xi32>
    %or3A = arith.ori %slice3A, %shift_left3A_18 : vector<8192x32xi32>
    %bitcast_convert_type3A_19 = tpu.bitcast %or3A : vector<8192x32xi32> -> vector<8192x32xi32>
    %swap3A = arith.constant 0 : index
    %swap3A_20 = arith.constant 0 : index
    %swap3A_21 = vector.load %arg3[%swap3A, %swap3A_20] : memref<8192x32xi32, #tpu.memory_space<vmem>>, vector<8192x32xi32>
    tpu.vector_store %arg3[%swap3A, %swap3A_20], %bitcast_convert_type3A_19 {strides = array<i32>} : memref<8192x32xi32, #tpu.memory_space<vmem>>, vector<8192x32xi32>,
    return
  }
  func.func @transform_0(%arg0: i32) -> (i32, i32) {
    %c0_i32 = arith.constant 0 : i32
    %c0_i32_0 = arith.constant 0 : i32
    return %c0_i32, %arg0 : i32, i32
  }
  func.func @transform_1(%arg0: i32) -> (i32, i32) {
    %c0_i32 = arith.constant 0 : i32
    %c0_i32_0 = arith.constant 0 : i32
    %c0_i32_1 = arith.constant 0 : i32
    return %c0_i32, %c0_i32_0 : i32, i32
  }
  func.func @transform_2(%arg0: i32) -> (i32, i32) {
    %c0_i32 = arith.constant 0 : i32
    %c0_i32_0 = arith.constant 0 : i32
    return %arg0, %c0_i32 : i32, i32
  }
}

module attributes {stable_mosaic.version = 14 : i64} {
  func.func @_fc_t_body(%arg0: i32, %arg1: memref<1024x64xf32, #tpu.memory_space<vmem>>, %arg2: memref<100x64xf32, #tpu.memory_space<vmem>>, %arg3: memref<100x1xf32, #tpu.memory_space<vmem>>, %arg4: memref<100x1024xf32, #tpu.memory_space<vmem>>) attributes {dimension_semantics = [#tpu.dimension_semantics<arbitrary>], iteration_bounds = array<i64: 16>, scalar_prefetch = 0 : i64, scratch_operands = 0 : i64, tpu.core_type = #tpu.core_type<tc>, window_params = [{transform_indices = @transform_0, window_bounds = array<i64: 1024, 64>}, {pipeline_mode = #tpu.pipeline_mode<synchronous>, transform_indices = @transform_1, window_bounds = array<i64: 100, 64>}, {pipeline_mode = #tpu.pipeline_mode<synchronous>, transform_indices = @transform_2, window_bounds = array<i64: 100, 1>}, {transform_indices = @transform_3, window_bounds = array<i64: 100, 1024>}]} {
    %get3A = arith.constant 0 : index
    %get3A_0 = arith.constant 0 : index
    %get3A_1 = vector.load %arg2[%get3A, %get3A_0] : memref<100x64xf32, #tpu.memory_space<vmem>>, vector<100x64xf32>
    %get3A_2 = arith.constant 0 : index
    %get3A_3 = arith.constant 0 : index
    %get3A_4 = vector.load %arg1[%get3A_2, %get3A_3] : memref<1024x64xf32, #tpu.memory_space<vmem>>, vector<1024x64xf32>
    %dot_general3A = arith.constant dense<0.000000e+00> : vector<100x1024xf32>
    %dot_general3A_5 = tpu.matmul %get3A_1, %get3A_4, %dot_general3A {dimension_numbers = #tpu.dot_dimension_numbers<[1], [1], [0], [0], [0, 0, 1, 0], [], []>, transpose_lhs_hint = false} : vector<100x64xf32>, vector<1024x64xf32>, vector<100x1024xf32> -> vector<100x1024xf32>
    %get3A_6 = arith.constant 0 : index
    %get3A_7 = arith.constant 0 : index
    %get3A_8 = vector.load %arg3[%get3A_6, %get3A_7] : memref<100x1xf32, #tpu.memory_space<vmem>>, vector<100x1xf32>
    %add3A = vector.broadcast %get3A_8 : vector<100x1xf32> to vector<100x1024xf32>
    %add3A_9 = arith.addf %dot_general3A_5, %add3A : vector<100x1024xf32>
    %swap3A = arith.constant 0 : index
    %swap3A_10 = arith.constant 0 : index
    %swap3A_11 = vector.load %arg4[%swap3A, %swap3A_10] : memref<100x1024xf32, #tpu.memory_space<vmem>>, vector<100x1024xf32>
    tpu.vector_store %arg4[%swap3A, %swap3A_10], %add3A_9 {strides = array<i32>} : memref<100x1024xf32, #tpu.memory_space<vmem>>, vector<100x1024xf32>,
    return
  }
  func.func @transform_0(%arg0: i32) -> (i32, i32) {
    %c0_i32 = arith.constant 0 : i32
    %c0_i32_0 = arith.constant 0 : i32
    return %arg0, %c0_i32 : i32, i32
  }
  func.func @transform_1(%arg0: i32) -> (i32, i32) {
    %c0_i32 = arith.constant 0 : i32
    %c0_i32_0 = arith.constant 0 : i32
    %c0_i32_1 = arith.constant 0 : i32
    return %c0_i32, %c0_i32_0 : i32, i32
  }
  func.func @transform_2(%arg0: i32) -> (i32, i32) {
    %c0_i32 = arith.constant 0 : i32
    %c0_i32_0 = arith.constant 0 : i32
    %c0_i32_1 = arith.constant 0 : i32
    return %c0_i32, %c0_i32_0 : i32, i32
  }
  func.func @transform_3(%arg0: i32) -> (i32, i32) {
    %c0_i32 = arith.constant 0 : i32
    %c0_i32_0 = arith.constant 0 : i32
    return %c0_i32, %arg0 : i32, i32
  }
}

</mosaic_0001>

<sc_bundles>
// kernel: kernel.6.cloned.1.call-start
scs
__scs_entry_jumppad:
0x0: {  	(pc) =	sbr.rel $0x88, $3  }
0x1: {  	(tag) =	ssettag $0x0;
	lr =	simm.s32 $0x1  }
0x2: {  	[smem:$0x3F9D] =	sst lr;
	_ =	strace $0xD0000000  }
0x3: {  	_ = 	snop  }
0x4: {  	_ = 	snop  }
0x5: {  	_ = 	snop  }
0x6: {  	_ = 	snop  }
0x7: {  	_ = 	snop  }
__scs_overlays_trampoline_lowered:
0x8: {  	[smem:$0x3FAC] =	sst s0  }
0x9: {  	[smem:$0x3FAD] =	sst s1  }
0xa: {  	[smem:$0x3FAE] =	sst s2  }
0xb: {  	[smem:$0x3FAF] =	sst s3  }
0xc: {  	[smem:$0x3FB0] =	sst s4  }
0xd: {  	[smem:$0x3FB1] =	sst s5  }
0xe: {  	[smem:$0x3FB2] =	sst s6  }
0xf: {  	[smem:$0x3FB3] =	sst s7  }
0x10: {  	[smem:$0x3FB4] =	sst s8  }
0x11: {  	[smem:$0x3FB5] =	sst s9;
	s0 =	simm.s32 @!p0 $0x0  }
0x12: {  	s1 =	sld [smem:$0x3F9B];
	s0 =	simm.s32 @p0 $0x1  }
0x13: {  	[smem:$0x3FB6] =	sst s0;
	s0 =	simm.s32 @!p1 $0x0  }
0x14: {  	s2 =	sld [smem:$0x3F9A];
	s0 =	simm.s32 @p1 $0x1  }
0x15: {  	[smem:$0x3FB7] =	sst s0;
	s0 =	simm.s32 @!p2 $0x0  }
0x16: {  	s3 =	sld [smem:$0x3FDB];
	s0 =	simm.s32 @p2 $0x1  }
0x17: {  	s4 =	simm.s32 $0x1BF5;
	[smem:$0x3FB9] =	sst s0  }
0x18: {  	s0 =	sld [smem:$0x3F9C];
	_ =	swait.ge [sflag:s4], $0x0  }
0x19: {  	s7 =	sld [smem:$0x3F9D]  }
0x1a: {  	s8 =	sadd.s32 $0xFFFFE003, lr  }
0x1b: {  	s9 =	sadd.s32 $0xFFFFFEF7, lr;
	s5 =	simm.s32 $0xFFFFFFFF;
	p2 =	slt.u32 s8, $0xFFFFF086  }
0x1c: {  	p1 =	slt.u32 s9, $0xF7A;
	s5 =	simm.s32 @!p2 $0x0  }
0x1d: {  	s5 =	simm.s32 @p1 $0x1;
	p0 =	seq.s32 s7, s2  }
0x1e: {  	s7 =	smul.u32 @!p0 $0xF7A, s2;
	p2 =	seq.s32 @!p0 s5, $0x0  }
0x1f: {  	s9 =	smul.u32 $0xF7A, s1;
	s8 =	simm.s32 @!p0 $0x1BF5;
	p2 =	por !p2, p0  }
0x20: {  	[sflag:s8] =	ssyncset.s32 @!p0 $0xFFFFF086;
	s6 =	sadd.s32 @!p0 s3, s7;
	s7 =	simm.s32 @!p0 $0x108  }
0x21: {  	s3 =	sadd.s32 s3, s9;
	s6 =	sadd.s32 @!p0 $0x88, s6;
	s7 =	simm.s32 @p2 $0x1082  }
0x22: {  	[simem:s7], [sflag:s8] =	dma.local @!p0 [hbm:s6], $0xF7A  }
0x23: {  	s9 =	sor.u32 $0xD0000000, s2;
	s6 =	simm.s32 $0x108;
	_ =	swait.ge @!p0 [sflag:s8], $0x0  }
0x24: {  	s3 =	sadd.s32 $0x88, s3;
	s6 =	simm.s32 @!p1 $0x1082;
	[sflag:s4] =	ssyncset.s32 $0xFFFFF086  }
0x25: {  	[simem:s6], [sflag:s4] =	dma.local [hbm:s3], $0xF7A  }
0x26: {  	[smem:$0x3F9D] =	sst s1;
	(tag) =	ssettag s2;
	_ =	strace s9  }
0x27: {  	s1 =	sld [smem:$0x3FAD]  }
0x28: {  	s2 =	sld [smem:$0x3FAE]  }
0x29: {  	s4 =	sld [smem:$0x3FB0]  }
0x2a: {  	p0 =	seq.s32 s5, $0x0;
	s5 =	sld [smem:$0x3FB1]  }
0x2b: {  	s6 =	sld [smem:$0x3FB2]  }
0x2c: {  	s7 =	sld [smem:$0x3FB3]  }
0x2d: {  	s3 =	simm.s32 $0x108;
	s8 =	sld [smem:$0x3FB4]  }
0x2e: {  	s3 =	simm.s32 @!p0 $0x1082;
	s9 =	sld [smem:$0x3FB5]  }
0x2f: {  	lr =	sadd.s32 s0, s3;
	s0 =	sld [smem:$0x3FAC]  }
0x30: {  	s3 =	sld [smem:$0x3FAF]  }
0x31: {  	[smem:$0x3FB8] =	sst s10  }
0x32: {  	s10 =	sld [smem:$0x3FB6];
	_ =	sdelay $0x3  }
0x33: {  	p0 =	seq.s32 s10, $0x1;
	s10 =	sld [smem:$0x3FB8];
	_ =	sdelay $0x3  }
0x34: {  	[smem:$0x3FB8] =	sst s10  }
0x35: {  	s10 =	sld [smem:$0x3FB7];
	_ =	sdelay $0x3  }
0x36: {  	p1 =	seq.s32 s10, $0x1;
	s10 =	sld [smem:$0x3FB8];
	_ =	sdelay $0x3  }
0x37: {  	[smem:$0x3FB8] =	sst s10  }
0x38: {  	s10 =	sld [smem:$0x3FB9]  }
0x39: {  	_ = 	snop;
	(pc) =	sbr.ind lr, $3  }
0x3a: {  	_ = 	snop  }
0x3b: {  	_ = 	snop  }
0x3c: {  	p2 =	seq.s32 s10, $0x1;
	s10 =	sld [smem:$0x3FB8]  }
0x3d: {  	_ =	shalt  }
0x3e: {  	_ =	shalt  }
0x3f: {  	_ =	shalt  }
0x40: {  	_ =	shalt  }
0x41: {  	_ =	shalt  }
0x42: {  	_ =	shalt  }
0x43: {  	_ =	shalt  }
0x44: {  	_ =	shalt  }
0x45: {  	_ =	shalt  }
0x46: {  	_ =	shalt  }
0x47: {  	_ =	shalt  }
0x48: {  	_ =	shalt  }
0x49: {  	_ =	shalt  }
0x4a: {  	_ =	shalt  }
0x4b: {  	_ =	shalt  }
0x4c: {  	_ =	shalt  }
0x4d: {  	_ =	shalt  }
0x4e: {  	_ =	shalt  }
0x4f: {  	_ =	shalt  }
0x50: {  	_ =	shalt  }
0x51: {  	_ =	shalt  }
0x52: {  	_ =	shalt  }
0x53: {  	_ =	shalt  }
0x54: {  	_ =	shalt  }
0x55: {  	_ =	shalt  }
0x56: {  	_ =	shalt  }
0x57: {  	_ =	shalt  }
0x58: {  	_ =	shalt  }
0x59: {  	_ =	shalt  }
0x5a: {  	_ =	shalt  }
0x5b: {  	_ =	shalt  }
0x5c: {  	_ =	shalt  }
0x5d: {  	_ =	shalt  }
0x5e: {  	_ =	shalt  }
0x5f: {  	_ =	shalt  }
0x60: {  	_ =	shalt  }
0x61: {  	_ =	shalt  }
0x62: {  	_ =	shalt  }
0x63: {  	_ =	shalt  }
0x64: {  	_ =	shalt  }
0x65: {  	_ =	shalt  }
0x66: {  	_ =	shalt  }
0x67: {  	_ =	shalt  }
0x68: {  	_ =	shalt  }
0x69: {  	_ =	shalt  }
0x6a: {  	_ =	shalt  }
0x6b: {  	_ =	shalt  }
0x6c: {  	_ =	shalt  }
0x6d: {  	_ =	shalt  }
0x6e: {  	_ =	shalt  }
0x6f: {  	_ =	shalt  }
0x70: {  	_ =	shalt  }
0x71: {  	_ =	shalt  }
0x72: {  	_ =	shalt  }
0x73: {  	_ =	shalt  }
0x74: {  	_ =	shalt  }
0x75: {  	_ =	shalt  }
0x76: {  	_ =	shalt  }
0x77: {  	_ =	shalt  }
0x78: {  	_ =	shalt  }
0x79: {  	_ =	shalt  }
0x7a: {  	_ =	shalt  }
0x7b: {  	_ =	shalt  }
0x7c: {  	_ =	shalt  }
0x7d: {  	_ =	shalt  }
0x7e: {  	_ =	shalt  }
0x7f: {  	_ =	shalt  }
0x80: {  	_ =	shalt  }
0x81: {  	_ =	shalt  }
0x82: {  	_ =	shalt  }
0x83: {  	_ =	shalt  }
0x84: {  	_ =	shalt  }
0x85: {  	_ =	shalt  }
0x86: {  	_ =	shalt  }
0x87: {  	_ =	shalt  }
.Lfunc_end0:
.L_simem_size_0:
called_computation_lowered:
.L_overlay_start_0:
0x88: {  	s2 =	sld [smem:$0x3FD9]  }
0x89: {  	s3 =	sld [smem:$0x3FFE];
	_ =	sdelay $0x1  }
0x8a: {  	s1 =	srdreg.scid  }
0x8b: {  	s0 =	sand.u32 $0x1, s1  }
0x8c: {  	s17 =	sshll.u32 s0, $0xA;
	s2 =	sadd.s32 s3, s2  }
0x8d: {  	s2 =	sadd.s32 s2, s17  }
0x8e: {  	[smem:$0x3FC4] =	sst s2  }
0x8f: {  	_ = 	snop  }
0x90: {  	s2 =	sld [smem:$0x3FD0];
	(tm) =	ssettm $0x1  }
0x91: {  	s18 =	sld [smem:$0x3FFB];
	_ =	sdelay $0x3  }
0x92: {  	_ =	strace s18  }
0x93: {  	s3 =	sld [smem:$0x3FFC];
	_ =	sdelay $0x3  }
0x94: {  	_ =	strace s3  }
0x95: {  	s3 =	sld [smem:$0x3FFD];
	_ =	sdelay $0x3  }
0x96: {  	_ =	strace s3  }
0x97: {  	_ =	strace $0x8FFFFFFF  }
0x98: {  	s19 =	sld [smem:$0x3FDB];
	_ =	sdelay $0x1  }
0x99: {  	s4 =	simm.s32 $_scs_section_size  }
0x9a: {  	s5 =	simm.s32 $_size__tile_overlayer_lowered;
	s6 =	simm.s32 $_tile_overlayer_lowered  }
0x9b: {  	s22 =	simm.s32 $0x1BFF;
	s21 =	sshll.u32 s6, $0x1;
	s3 =	sadd.s32 s4, s19  }
0x9c: {  	s7 =	simm.s32 $0x0;
	s20 =	sshll.u32 s5, $0x1;
	s5 =	sadd.s32 s21, s3  }
0x9d: {  	[timem:s7], [sflag:s22] =	dma.local [hbm:s5], s20  }
0x9e: {  	_ =	swait.ge [sflag:s22], s20  }
0x9f: {  	s4 =	ssub.s32 $0x0, s20;
	[sflag:s22] =	ssyncset.done $0x0  }
0xa0: {  	[sflag:s22] =	ssyncadd.s32 s4;
	_ =	sdelay $0x1  }
0xa1: {  	s23 =	simm.s32 $0x1B8B  }
0xa2: {  	_ =	swait.ge [sflag:s23], $0x1  }
0xa3: {  	[sflag:s23] =	ssyncset.done $0x0  }
0xa4: {  	s25 =	simm.s32 $0x1B8E;
	s24 =	sld [smem:$0x3FFE];
	[sflag:s23] =	ssyncadd.s32 $0xFFFFFFFF  }
0xa5: {  	s26 =	simm.s32 $execute0_lowered;
	[smem:$0x3FD2] =	sst s25  }
0xa6: {  	s5 =	sshll.u32 s26, $0x1;
	_ =	strace $0x80000046;
	[dreg:$0x1] =	wrdreg $0xFFFFFFFF  }
0xa7: {  	s28 =	simm.s32 $_size_execute0_lowered;
	s3 =	sadd.s32 s3, s5;
	[dreg:$0x0] =	wrdreg $0x0  }
0xa8: {  	s5 =	sshll.u32 s28, $0x1;
	[dreg:$0x2] =	wrdreg s3  }
0xa9: {  	[dreg:$0x3] =	wrdreg s5  }
0xaa: {  	[dreg:$0x4] =	wrdreg $0xC0  }
0xab: {  	_ =	task [dreg:s7], $0x5FFFF  }
0xac: {  	[dreg:$0x1] =	wrdreg $0xFFFFFFFF  }
0xad: {  	[dreg:$0x0] =	wrdreg $0x60  }
0xae: {  	[dreg:$0x2] =	wrdreg s24  }
0xaf: {  	[dreg:$0x3] =	wrdreg s2  }
0xb0: {  	[dreg:$0x4] =	wrdreg $0x9  }
0xb1: {  	_ =	task.clear_ibuf [dreg:s7], $0x5FFFF;
	_ =	strace $0x90000046  }
0xb2: {  	s29 =	simm.s32 $0x9;
	_ =	strace $0x80000048  }
0xb3: {  	_ =	swait.ge [sflag:s29], $0x1  }
0xb4: {  	[sflag:s29] =	ssyncadd.s32 $0xFFFFFFFF  }
0xb5: {  	_ =	strace $0x90000048  }
0xb6: {  	_ =	sfence  }
0xb7: {  	s30 =	sld [smem:$0x0];
	_ =	sdelay $0x2  }
0xb8: {  	s31 =	sshll.u32 s1, $0xD;
	s1 =	sshrl.u32 s1, $0x2  }
0xb9: {  	s3 =	sand.u32 $0x4000, s31;
	s1 =	sadd.s32 s1, s30  }
0xba: {  	s0 =	sor.u32 s3, s0;
	s1 =	sshll.u32 s1, $0x11  }
0xbb: {  	s0 =	sor.u32 s1, s0  }
0xbc: {  	s0 =	sadd.s32 $0x8F2B, s0  }
0xbd: {  	[sflag:s0] =	ssyncadd.remote.s32 $0x1  }
0xbe: {  	_ =	sfence.sel $0xFFFF  }
0xbf: {  	[dreg:$0x0] =	wrdreg $0xFFFFFFFF;
	(pc) =	sbr.abs _section_cstart, $3  }
0xc0: {  	[dreg:$0x1] =	wrdreg $0xFFFFFFFF  }
0xc1: {  	_ =	task.clear_ibuf [dreg:s7], $0x2FFFF;
	_ =	strace $0x9FFFFFFF  }
0xc2: {  	(tm) =	ssettm $0x7FFFFFFF  }
0xc3: {  	_ =	shalt  }
tec
execute0_lowered:
.L_overlay_start_1:
0x0: {  	(tag) =	ssettag $0x1  }
0x1: {  	s0 =	rddreg [dreg:$0x0]  }
0x2: {  	s2 =	simm.s32 $0x0;
	s1 =	srdreg.scid;
	s3 =	stileid.u32  }
0x3: {  	s8 =	simm.s32 $0x6;
	s9 =	simm.s32 $0x80;
	s11 =	simm.s32 $0x48  }
0x4: {  	s13 =	simm.s32 $0xC8;
	s14 =	simm.s32 $0x4B00;
	s15 =	simm.s32 $0x148  }
0x5: {  	s16 =	simm.s32 $0x5B00;
	s17 =	simm.s32 $0x190;
	s18 =	simm.s32 $0x6400  }
0x6: {  	s19 =	simm.s32 $0x210;
	s20 =	simm.s32 $0x7400;
	s21 =	simm.s32 $0x7D00  }
0x7: {  	s22 =	simm.s32 $0x8D00;
	s23 =	simm.s32 $0x1;
	s24 =	simm.s32 $0x2  }
0x8: {  	s25 =	simm.s32 $0x3;
	s28 =	simm.s32 $0x9600;
	s1 =	sand.u32 $0x1, s1  }
0x9: {  	s29 =	simm.s32 $0x5;
	[smem:$0x7FF] =	sst s2;
	s26 =	ssub.s32 $0x2, s1  }
0xa: {  	s4 =	sadd.s32 $0x80A00, s0;
	s5 =	sadd.s32 $0xF42E00, s0;
	s30 =	sshrl.u32 s26, $0x1  }
0xb: {  	s31 =	sshll.u32 s3, $0xA;
	s1 =	sshll.u32 s1, $0x9;
	s0 =	ssub.s32 s26, s30  }
0xc: {  	_ =	strace $0x80000047;
	s6 =	sor.u32 s1, s31;
	s0 =	smax.u32 s0, $0x1  }
0xd: {  	s1 =	simm.s32 $0x0;
	s26 =	simm.s32 $0x4;
	[dreg:$0x3] =	wrdreg s0  }
.LBB2_1:
0xe: {  	[dreg:$0x4] =	wrdreg s1;
	s31 =	simm.s32 $0x0  }
.LBB2_2:
0xf: {  	s0 =	sshll.u32 s31, $0x6  }
0x10: {  	s0 =	sadd.s32 s6, s0  }
0x11: {  	s1 =	smul.u32 $0x19, s0;
	_ =	sdelay $0x1  }
0x12: {  	s3 =	simm.s32 $0x0;
	s1 =	sadd.s32 s4, s1  }
0x13: {  	[tilespmem:s3], [sflag:$0x6] =	stream.linear.gather [hbm4b:s1+s3], $0x3200, $0x38;
	[tilespmem:$0xA600] =	vst v63  }
0x14: {  	_ =	swait.ge [sflag:s8], $0x3200  }
0x15: {  	[sflag:s8] =	ssyncset.done $0x0  }
0x16: {  	s12 =	simm.s32 $0x3200;
	[sflag:s8] =	ssyncadd.s32 $0xFFFFCE00  }
0x17: {  	[tilespmem:s12], [sflag:$0x1] =	stream.indirect.gather [hbm4b:s5+s9], $0x20, s3, s9, $0xb8;
	[tilespmem:$0xA600] =	vst v63  }
0x18: {  	s30 =	simm.s32 $0x4200  }
0x19: {  	[tilespmem:s30], [sflag:$0x1] =	stream.indirect.gather [hbm4b:s5+s11], $0x20, s9, s11, $0xb8;
	[tilespmem:$0xA600] =	vst v63  }
0x1a: {  	_ = 	snop  }
0x1b: {  	[tilespmem:s14], [sflag:$0x2] =	stream.indirect.gather [hbm4b:s5+s9], $0x20, s13, s9, $0xb8;
	[tilespmem:$0xA600] =	vst v63  }
0x1c: {  	_ = 	snop  }
0x1d: {  	[tilespmem:s16], [sflag:$0x2] =	stream.indirect.gather [hbm4b:s5+s11], $0x20, s15, s11, $0xb8;
	[tilespmem:$0xA600] =	vst v63  }
0x1e: {  	_ = 	snop  }
0x1f: {  	[tilespmem:s18], [sflag:$0x3] =	stream.indirect.gather [hbm4b:s5+s9], $0x20, s17, s9, $0xb8;
	[tilespmem:$0xA600] =	vst v63  }
0x20: {  	_ = 	snop  }
0x21: {  	[tilespmem:s20], [sflag:$0x3] =	stream.indirect.gather [hbm4b:s5+s11], $0x20, s19, s11, $0xb8;
	[tilespmem:$0xA600] =	vst v63  }
.LBB2_3:
0x22: {  	s7 =	sshllo.u32 s3, $0x2  }
0x23: {  	s1 =	smul.u32 $0x320, s7;
	_ =	sdelay $0x1  }
0x24: {  	s1 =	sshra.s32 s1, $0x2  }
0x25: {  	[tilespmem:s21], [sflag:$0x4] =	stream.indirect.gather [hbm4b:s5+s9], $0x20, s1, s9, $0xb8;
	[tilespmem:$0xA600] =	vst v63  }
0x26: {  	s1 =	sadd.s32 $0x80, s1  }
0x27: {  	[tilespmem:s22], [sflag:$0x4] =	stream.indirect.gather [hbm4b:s5+s11], $0x20, s1, s11, $0xb8;
	[tilespmem:$0xA600] =	vst v63  }
0x28: {  	_ =	swait.ge [sflag:s23], $0x1900  }
0x29: {  	[sflag:s23] =	ssyncset.done $0x0  }
0x2a: {  	s30 =	simm.s32 $0x0;
	[sflag:s23] =	ssyncadd.s32 $0xFFFFE700  }
0x2b: {  	v6 =	vld [tilespmem:s30+$0x34E0]  }
0x2c: {  	v7 =	vld [tilespmem:s30+$0x34F0]  }
0x2d: {  	v1 =	vld [tilespmem:s30+$0x3500]  }
0x2e: {  	v0 =	vld [tilespmem:s30+$0x3510]  }
0x2f: {  	v12 =	vld [tilespmem:s30+$0x34A0]  }
0x30: {  	v13 =	vld [tilespmem:s30+$0x34B0]  }
0x31: {  	v3 =	vld [tilespmem:s30+$0x34C0]  }
0x32: {  	v2 =	vld [tilespmem:s30+$0x34D0]  }
0x33: {  	v14 =	vld [tilespmem:s30+$0x3460]  }
0x34: {  	v16 =	vld [tilespmem:s30+$0x3470]  }
0x35: {  	v5 =	vld [tilespmem:s30+$0x3480]  }
0x36: {  	v4 =	vld [tilespmem:s30+$0x3490]  }
0x37: {  	v18 =	vld [tilespmem:s30+$0x3420]  }
0x38: {  	v19 =	vld [tilespmem:s30+$0x3430]  }
0x39: {  	v8 =	vld [tilespmem:s30+$0x3440]  }
0x3a: {  	v9 =	vld [tilespmem:s30+$0x3450]  }
0x3b: {  	v20 =	vld [tilespmem:s30+$0x33E0]  }
0x3c: {  	v21 =	vld [tilespmem:s30+$0x33F0]  }
0x3d: {  	v10 =	vld [tilespmem:s30+$0x3400];
	v15 =	vshll.u32 v6, $0x10  }
0x3e: {  	v11 =	vld [tilespmem:s30+$0x3410];
	v28 =	vshll.u32 v7, $0x10;
	v25 =	vand.u32 $0xFFFF0000, v6;
	v26 =	vand.u32 $0xFFFF0000, v7;
	[tilespmem:$0x1FF20] =	vst v1  }
0x3f: {  	v22 =	vld [tilespmem:s30+$0x33A0];
	v1 =	vshll.u32 v1, $0x10;
	[tilespmem:$0x1FF40] =	vst v0;
	v0 =	vshll.u32 v0, $0x10;
	v32 =	vshll.u32 v12, $0x10  }
0x40: {  	v38 =	vld [tilespmem:s30+$0x3370];
	v17 =	vshll.u32 v13, $0x10;
	v29 =	vand.u32 $0xFFFF0000, v12;
	v31 =	vand.u32 $0xFFFF0000, v13  }
0x41: {  	v35 =	vld [tilespmem:s30+$0x3260];
	v56 =	vshll.u32 v3, $0x10;
	v57 =	vshll.u32 v2, $0x10;
	v12 =	vshll.u32 v14, $0x10  }
0x42: {  	v36 =	vld [tilespmem:s30+$0x3220];
	v39 =	vshll.u32 v16, $0x10;
	v33 =	vand.u32 $0xFFFF0000, v14;
	v34 =	vand.u32 $0xFFFF0000, v16  }
0x43: {  	v47 =	vld [tilespmem:s30+$0x32A0];
	v58 =	vshll.u32 v5, $0x10;
	v59 =	vshll.u32 v4, $0x10;
	v40 =	vshll.u32 v18, $0x10  }
0x44: {  	v49 =	vld [tilespmem:s30+$0x32B0];
	v41 =	vshll.u32 v19, $0x10;
	v42 =	vand.u32 $0xFFFF0000, v18;
	v43 =	vand.u32 $0xFFFF0000, v19  }
0x45: {  	v23 =	vld [tilespmem:s30+$0x33D0];
	v60 =	vshll.u32 v8, $0x10;
	v61 =	vshll.u32 v9, $0x10;
	v44 =	vshll.u32 v20, $0x10  }
0x46: {  	v37 =	vld [tilespmem:s30+$0x3230];
	[tilespmem:$0x1FF60] =	vst v3;
	v45 =	vshll.u32 v21, $0x10;
	v62 =	vshll.u32 v10, $0x10;
	v63 =	vshll.u32 v11, $0x10  }
0x47: {  	[tilespmem:$0x1FF80] =	vst v2;
	v51 =	vshll.u32 v22, $0x10;
	v55 =	vand.u32 $0xFFFF0000, v22;
	v53 =	vshll.u32 v38, $0x10  }
0x48: {  	v46 =	vld [tilespmem:s30+$0x3270];
	v48 =	vshll.u32 v36, $0x10;
	v52 =	vshll.u32 v35, $0x10;
	v36 =	vand.u32 $0xFFFF0000, v36;
	[tilespmem:$0x1FF30] =	vst v1  }
0x49: {  	v35 =	vand.u32 $0xFFFF0000, v35;
	v3 =	vshll.u32 v47, $0x10;
	v2 =	vshll.u32 v49, $0x10;
	[tilespmem:$0x1FF70] =	vst v56  }
0x4a: {  	v6 =	vld [tilespmem:s30+$0x33B0];
	v47 =	vand.u32 $0xFFFF0000, v47;
	v49 =	vand.u32 $0xFFFF0000, v49;
	[tilespmem:$0x1FF90] =	vst v57;
	v56 =	vand.u32 $0xFFFF0000, v20  }
0x4b: {  	v7 =	vld [tilespmem:s30+$0x3360];
	[tilespmem:$0x1FFA0] =	vst v58;
	v57 =	vand.u32 $0xFFFF0000, v21;
	v21 =	vmovc v23;
	v23 =	vimm.f32 $0.0e+00;
	v58 =	vshll.u32 v37, $0x10  }
0x4c: {  	v1 =	vld [tilespmem:s30+$0x33C0];
	[tilespmem:$0x1FFB0] =	vst v59;
	v37 =	vand.u32 $0xFFFF0000, v37;
	v48 =	vadd.f32 v48, v23;
	v58 =	vadd.f32 v58, v23  }
0x4d: {  	[tilespmem:$0x1FFC0] =	vst v60;
	v59 =	vshll.u32 v46, $0x10;
	v60 =	vld [tilespmem:s30+$0x32E0];
	v36 =	vadd.f32 v36, v23;
	v37 =	vadd.f32 v37, v23  }
0x4e: {  	[tilespmem:$0x1FFD0] =	vst v61;
	v46 =	vand.u32 $0xFFFF0000, v46;
	v61 =	vld [tilespmem:s30+$0x3320];
	v48 =	vadd.f32 v52, v48;
	v58 =	vadd.f32 v59, v58  }
0x4f: {  	[tilespmem:$0x1FFF0] =	vst v63;
	v22 =	vshll.u32 v21, $0x10;
	v52 =	vld [tilespmem:s30+$0x32F0];
	v35 =	vadd.f32 v35, v36;
	v63 =	vadd.f32 v46, v37  }
0x50: {  	v59 =	vld [tilespmem:s30+$0x3330];
	v54 =	vshll.u32 v6, $0x10;
	v6 =	vand.u32 $0xFFFF0000, v6;
	v50 =	vshll.u32 v7, $0x10  }
0x51: {  	v24 =	vshll.u32 v1, $0x10;
	v3 =	vadd.f32 v3, v48;
	v37 =	vadd.f32 v2, v58  }
0x52: {  	[tilespmem:$0x1FF50] =	vst v0;
	v36 =	vld [tilespmem:s30+$0x3390];
	v0 =	vshll.u32 v60, $0x10;
	v47 =	vadd.f32 v47, v35;
	v49 =	vadd.f32 v49, v63  }
0x53: {  	v35 =	vld [tilespmem:s30+$0x3380];
	v60 =	vand.u32 $0xFFFF0000, v60;
	v2 =	vshll.u32 v61, $0x10;
	v46 =	vadd.f32 v0, v3  }
0x54: {  	v20 =	vmovc v1;
	v47 =	vadd.f32 v60, v47;
	v0 =	vand.u32 $0xFFFF0000, v38;
	v38 =	vld [tilespmem:s30+$0x3350];
	v1 =	vshll.u32 v52, $0x10  }
0x55: {  	v52 =	vand.u32 $0xFFFF0000, v52;
	v3 =	vshll.u32 v59, $0x10;
	v48 =	vadd.f32 v1, v37;
	v37 =	vld [tilespmem:s30+$0x3340]  }
0x56: {  	v52 =	vadd.f32 v52, v49;
	v58 =	vadd.f32 v2, v46;
	v1 =	vand.u32 $0xFFFF0000, v61;
	v49 =	vld [tilespmem:s30+$0x3310]  }
0x57: {  	[tilespmem:$0x1FFE0] =	vst v62;
	v59 =	vand.u32 $0xFFFF0000, v59;
	v62 =	vadd.f32 v1, v47;
	v2 =	vadd.f32 v3, v48;
	v48 =	vld [tilespmem:s30+$0x3300]  }
0x58: {  	v7 =	vand.u32 $0xFFFF0000, v7;
	v59 =	vadd.f32 v59, v52;
	v58 =	vadd.f32 v50, v58;
	v52 =	vld [tilespmem:s30+$0x32C0]  }
0x59: {  	v46 =	vshll.u32 v35, $0x10;
	v7 =	vadd.f32 v7, v62;
	v61 =	vadd.f32 v53, v2;
	v53 =	vld [tilespmem:s30+$0x32D0]  }
0x5a: {  	v47 =	vshll.u32 v36, $0x10;
	v60 =	vadd.f32 v0, v59;
	v3 =	vadd.f32 v51, v58;
	v58 =	vld [tilespmem:s30+$0x3280]  }
0x5b: {  	v51 =	vshll.u32 v38, $0x10;
	v59 =	vld [tilespmem:s30+$0x3290];
	v50 =	vshll.u32 v37, $0x10;
	v7 =	vadd.f32 v55, v7  }
0x5c: {  	v55 =	vshll.u32 v49, $0x10;
	v61 =	vadd.f32 v54, v61;
	v6 =	vadd.f32 v6, v60  }
0x5d: {  	v44 =	vadd.f32 v44, v3;
	v54 =	vshll.u32 v48, $0x10;
	v56 =	vadd.f32 v56, v7  }
0x5e: {  	v45 =	vadd.f32 v45, v61;
	v61 =	vshll.u32 v52, $0x10;
	v57 =	vadd.f32 v57, v6  }
0x5f: {  	v63 =	vld [tilespmem:s30+$0x3240];
	v40 =	vadd.f32 v40, v44;
	v62 =	vshll.u32 v53, $0x10;
	v7 =	vshll.u32 v58, $0x10  }
0x60: {  	v6 =	vld [tilespmem:s30+$0x3250];
	v42 =	vadd.f32 v42, v56;
	v60 =	vshll.u32 v59, $0x10;
	v41 =	vadd.f32 v41, v45  }
0x61: {  	v14 =	vmovc v5;
	v16 =	vmovc v4;
	v44 =	vld [tilespmem:s30+$0x3200];
	v43 =	vadd.f32 v43, v57;
	v56 =	vadd.f32 v12, v40;
	v40 =	vimm.f32 $0.0e+00  }
0x62: {  	s1 =	simm.s32 $0xC80;
	v18 =	vmovc v8;
	v19 =	vmovc v9;
	v12 =	vld [tilespmem:s30+$0x3210];
	v45 =	vadd.f32 v39, v41;
	v41 =	vimm.f32 $0.0e+00;
	v39 =	vimm.f32 $0.0e+00  }
.LBB2_4:
0x63: {  	_ = 	snop  }
0x64: {  	s2 =	sshra.s32 s1, $0x2;
	v34 =	vadd.f32 v34, v43;
	v30 =	vadd.f32 v17, v45;
	v45 =	vld [tilespmem:$0x1FFD0]  }
0x65: {  	v33 =	vadd.f32 v33, v42;
	v17 =	vand.u32 $0xFFFF0000, v21;
	v21 =	vld [tilespmem:s2+$0x33D0]  }
0x66: {  	v31 =	vadd.f32 v31, v34;
	v34 =	vld [tilespmem:s2+$0x3460]  }
0x67: {  	v29 =	vadd.f32 v29, v33;
	v43 =	vadd.f32 v28, v30;
	v30 =	vand.u32 $0xFFFF0000, v49;
	v49 =	vld [tilespmem:$0x1FF70]  }
0x68: {  	v32 =	vadd.f32 v32, v56;
	v57 =	vshll.u32 v63, $0x10;
	v28 =	vand.u32 $0xFFFF0000, v63;
	v63 =	vld [tilespmem:s2+$0x3420]  }
0x69: {  	v56 =	vshll.u32 v44, $0x10;
	v27 =	vand.u32 $0xFFFF0000, v44;
	v44 =	vadd.f32 v25, v29;
	v25 =	vld [tilespmem:s2+$0x34E0]  }
0x6a: {  	v29 =	vld [tilespmem:s2+$0x3510]  }
0x6b: {  	v33 =	vshll.u32 v12, $0x10;
	v12 =	vand.u32 $0xFFFF0000, v12;
	v0 =	vadd.f32 v26, v31;
	v31 =	vld [tilespmem:s2+$0x34A0]  }
0x6c: {  	v12 =	vadd.f32 v12, v39;
	v39 =	vld [tilespmem:$0x1FFE0]  }
0x6d: {  	v26 =	vadd.f32 v33, v40;
	v40 =	vld [tilespmem:$0x1FFF0]  }
0x6e: {  	v13 =	vshll.u32 v6, $0x10;
	v23 =	vadd.f32 v56, v23;
	v27 =	vadd.f32 v27, v41;
	v41 =	vld [tilespmem:$0x1FFC0]  }
0x6f: {  	v13 =	vadd.f32 v13, v26;
	v26 =	vld [tilespmem:s2+$0x34F0]  }
0x70: {  	v6 =	vand.u32 $0xFFFF0000, v6;
	v23 =	vadd.f32 v57, v23;
	v27 =	vadd.f32 v28, v27;
	v28 =	vld [tilespmem:s2+$0x3500]  }
0x71: {  	v6 =	vadd.f32 v6, v12;
	v12 =	vand.u32 $0xFFFF0000, v58;
	v58 =	vld [tilespmem:s2+$0x34B0]  }
0x72: {  	v7 =	vadd.f32 v7, v23;
	v23 =	vand.u32 $0xFFFF0000, v59;
	v59 =	vld [tilespmem:s2+$0x34D0]  }
0x73: {  	v10 =	vand.u32 $0xFFFF0000, v10;
	v11 =	vand.u32 $0xFFFF0000, v11;
	v13 =	vadd.f32 v60, v13;
	v60 =	vld [tilespmem:s2+$0x3470]  }
0x74: {  	v8 =	vand.u32 $0xFFFF0000, v18;
	v12 =	vadd.f32 v12, v27;
	v27 =	vand.u32 $0xFFFF0000, v53;
	v53 =	vld [tilespmem:$0x1FF30]  }
0x75: {  	v9 =	vand.u32 $0xFFFF0000, v19;
	v6 =	vadd.f32 v23, v6;
	v23 =	vand.u32 $0xFFFF0000, v52;
	v52 =	vld [tilespmem:$0x1FF20]  }
0x76: {  	v16 =	vand.u32 $0xFFFF0000, v16;
	v42 =	vadd.f32 v15, v32;
	v13 =	vadd.f32 v62, v13;
	v62 =	vld [tilespmem:s2+$0x3490]  }
0x77: {  	v15 =	vand.u32 $0xFFFF0000, v20;
	v12 =	vadd.f32 v23, v12;
	v23 =	vand.u32 $0xFFFF0000, v48;
	v48 =	vld [tilespmem:$0x1FF60]  }
0x78: {  	v33 =	vand.u32 $0xFFFF0000, v34;
	v7 =	vadd.f32 v61, v7;
	v61 =	vand.u32 $0xFFFF0000, v36;
	v36 =	vld [tilespmem:s2+$0x33B0]  }
0x79: {  	v56 =	vmovc v29;
	v32 =	vshll.u32 v31, $0x10;
	v29 =	vand.u32 $0xFFFF0000, v31;
	v6 =	vadd.f32 v27, v6;
	v27 =	vld [tilespmem:s2+$0x34C0]  }
0x7a: {  	v1 =	vmovc v28;
	v28 =	vshll.u32 v26, $0x10;
	v7 =	vadd.f32 v54, v7;
	v13 =	vadd.f32 v55, v13;
	v54 =	vld [tilespmem:$0x1FF50]  }
0x7b: {  	v12 =	vadd.f32 v23, v12;
	v23 =	vand.u32 $0xFFFF0000, v37;
	v55 =	vld [tilespmem:$0x1FF40];
	v6 =	vadd.f32 v30, v6  }
0x7c: {  	v37 =	vld [tilespmem:s2+$0x32A0];
	v30 =	vand.u32 $0xFFFF0000, v38;
	v7 =	vadd.f32 v50, v7;
	v13 =	vadd.f32 v51, v13  }
0x7d: {  	v26 =	vand.u32 $0xFFFF0000, v26;
	v38 =	vld [tilespmem:s2+$0x3320];
	v12 =	vadd.f32 v23, v12;
	v6 =	vadd.f32 v30, v6  }
0x7e: {  	v23 =	vand.u32 $0xFFFF0000, v35;
	v35 =	vld [tilespmem:s2+$0x32B0];
	v7 =	vadd.f32 v46, v7;
	v13 =	vadd.f32 v47, v13  }
0x7f: {  	v31 =	vand.u32 $0xFFFF0000, v58;
	v30 =	vld [tilespmem:s2+$0x3480];
	v12 =	vadd.f32 v23, v12;
	v6 =	vadd.f32 v61, v6  }
0x80: {  	[tilespmem:$0x1FF20] =	vst v1;
	v1 =	vshll.u32 v1, $0x10;
	v46 =	vld [tilespmem:$0x1FFA0];
	v7 =	vadd.f32 v24, v7;
	v13 =	vadd.f32 v22, v13  }
0x81: {  	[tilespmem:$0x1FF30] =	vst v1;
	v1 =	vand.u32 $0xFFFF0000, v36;
	v47 =	vld [tilespmem:$0x1FFB0];
	v3 =	vmovc v27;
	v12 =	vadd.f32 v15, v12;
	v6 =	vadd.f32 v17, v6  }
0x82: {  	v57 =	vshll.u32 v3, $0x10;
	v17 =	vld [tilespmem:s2+$0x3450];
	v7 =	vadd.f32 v39, v7;
	v13 =	vadd.f32 v40, v13  }
0x83: {  	v50 =	vld [tilespmem:$0x1FF90];
	[tilespmem:$0x1FF70] =	vst v57;
	v57 =	vshll.u32 v60, $0x10;
	v10 =	vadd.f32 v10, v12;
	v6 =	vadd.f32 v11, v6  }
0x84: {  	v51 =	vld [tilespmem:$0x1FF80];
	v19 =	vshll.u32 v35, $0x10;
	v7 =	vadd.f32 v41, v7;
	v11 =	vadd.f32 v45, v13  }
0x85: {  	v15 =	vld [tilespmem:s2+$0x3440];
	v8 =	vadd.f32 v8, v10;
	v45 =	vmovc v30;
	v6 =	vadd.f32 v9, v6;
	v9 =	vand.u32 $0xFFFF0000, v14  }
0x86: {  	v2 =	vmovc v59;
	v23 =	vld [tilespmem:s2+$0x3400];
	v59 =	vshll.u32 v45, $0x10;
	v7 =	vadd.f32 v46, v7;
	v14 =	vadd.f32 v47, v11  }
0x87: {  	v13 =	vld [tilespmem:s2+$0x33F0];
	v18 =	vadd.f32 v9, v8;
	v27 =	vmovc v17;
	v17 =	vshll.u32 v58, $0x10;
	v58 =	vshll.u32 v2, $0x10  }
0x88: {  	v30 =	vld [tilespmem:s2+$0x3410];
	[tilespmem:$0x1FFA0] =	vst v59;
	v59 =	vshll.u32 v38, $0x10;
	v6 =	vadd.f32 v16, v6;
	v16 =	vand.u32 $0xFFFF0000, v48  }
0x89: {  	v22 =	vld [tilespmem:s2+$0x3430];
	v10 =	vmovc v62;
	v62 =	vshll.u32 v27, $0x10;
	v7 =	vadd.f32 v49, v7;
	v14 =	vadd.f32 v50, v14  }
0x8a: {  	v12 =	vld [tilespmem:s2+$0x33E0];
	v11 =	vmovc v15;
	v15 =	vand.u32 $0xFFFF0000, v51;
	v16 =	vadd.f32 v16, v18;
	v18 =	vand.u32 $0xFFFF0000, v52  }
0x8b: {  	[tilespmem:$0x1FF00] =	vst v0;
	v24 =	vld [tilespmem:s2+$0x33A0];
	v6 =	vadd.f32 v15, v6;
	v15 =	vshll.u32 v25, $0x10;
	v25 =	vand.u32 $0xFFFF0000, v25  }
0x8c: {  	v46 =	vld [tilespmem:s2+$0x3330];
	[tilespmem:$0x1FFD0] =	vst v62;
	v61 =	vshll.u32 v11, $0x10;
	v62 =	vshll.u32 v13, $0x10;
	v13 =	vand.u32 $0xFFFF0000, v13  }
0x8d: {  	[tilespmem:$0x1FF40] =	vst v56;
	v47 =	vld [tilespmem:s2+$0x32E0];
	v51 =	vshll.u32 v30, $0x10;
	v0 =	vadd.f32 v53, v7;
	v40 =	vadd.f32 v54, v14  }
0x8e: {  	[tilespmem:$0x1FF80] =	vst v2;
	v48 =	vld [tilespmem:s2+$0x32F0];
	v7 =	vand.u32 $0xFFFF0000, v55;
	v41 =	vadd.f32 v18, v16;
	v14 =	vshll.u32 v63, $0x10  }
0x8f: {  	v49 =	vld [tilespmem:s2+$0x3260];
	v16 =	vshll.u32 v22, $0x10;
	[tilespmem:$0x1FFC0] =	vst v61;
	v61 =	vshll.u32 v12, $0x10;
	v12 =	vand.u32 $0xFFFF0000, v12  }
0x90: {  	[tilespmem:$0x1FFF0] =	vst v51;
	v51 =	vld [tilespmem:s2+$0x3220];
	v54 =	vshll.u32 v24, $0x10;
	v55 =	vshll.u32 v36, $0x10;
	v36 =	vshll.u32 v37, $0x10  }
0x91: {  	[tilespmem:$0x1FF60] =	vst v3;
	v52 =	vld [tilespmem:s2+$0x3230];
	v37 =	vand.u32 $0xFFFF0000, v37;
	v39 =	vadd.f32 v7, v6;
	v2 =	vshll.u32 v46, $0x10  }
0x92: {  	v50 =	vld [tilespmem:s2+$0x3270];
	v3 =	vshll.u32 v47, $0x10;
	[tilespmem:$0x1FF10] =	vst v0;
	v0 =	vshll.u32 v56, $0x10;
	v56 =	vshll.u32 v34, $0x10  }
0x93: {  	v20 =	vld [tilespmem:s2+$0x33C0];
	v34 =	vand.u32 $0xFFFF0000, v60;
	v60 =	vshll.u32 v10, $0x10;
	v4 =	vshll.u32 v48, $0x10;
	[tilespmem:$0x1FF50] =	vst v0  }
0x94: {  	v6 =	vld [tilespmem:s2+$0x3360];
	[tilespmem:$0x1FFB0] =	vst v60;
	v60 =	vand.u32 $0xFFFF0000, v63;
	v0 =	vand.u32 $0xFFFF0000, v22;
	v63 =	vshll.u32 v23, $0x10  }
0x95: {  	v7 =	vld [tilespmem:s2+$0x3370];
	v22 =	vshll.u32 v21, $0x10;
	v5 =	vshll.u32 v49, $0x10;
	v8 =	vshll.u32 v51, $0x10  }
0x96: {  	v9 =	vshll.u32 v52, $0x10;
	v8 =	vadd.f32 v8, v42;
	v42 =	vand.u32 $0xFFFF0000, v52;
	v52 =	vld [tilespmem:$0x1FF00]  }
0x97: {  	v18 =	vshll.u32 v50, $0x10;
	v9 =	vadd.f32 v9, v43;
	v51 =	vand.u32 $0xFFFF0000, v51  }
0x98: {  	[tilespmem:$0x1FFE0] =	vst v63;
	v63 =	vand.u32 $0xFFFF0000, v24;
	v24 =	vshll.u32 v20, $0x10;
	v43 =	vadd.f32 v51, v44  }
0x99: {  	v51 =	vand.u32 $0xFFFF0000, v49;
	v5 =	vadd.f32 v5, v8;
	v8 =	vadd.f32 v18, v9  }
0x9a: {  	[tilespmem:$0x1FF90] =	vst v58;
	v53 =	vshll.u32 v6, $0x10;
	v58 =	vshll.u32 v7, $0x10;
	v18 =	vadd.f32 v51, v43  }
0x9b: {  	v8 =	vadd.f32 v19, v8;
	v19 =	vand.u32 $0xFFFF0000, v35;
	v35 =	vld [tilespmem:s2+$0x3380];
	v42 =	vadd.f32 v42, v52  }
0x9c: {  	v6 =	vand.u32 $0xFFFF0000, v6;
	v9 =	vand.u32 $0xFFFF0000, v50;
	v5 =	vadd.f32 v36, v5;
	v36 =	vld [tilespmem:s2+$0x3390]  }
0x9d: {  	v7 =	vand.u32 $0xFFFF0000, v7;
	v43 =	vadd.f32 v37, v18;
	v9 =	vadd.f32 v9, v42  }
0x9e: {  	v37 =	vld [tilespmem:s2+$0x3340];
	v52 =	vand.u32 $0xFFFF0000, v47;
	v3 =	vadd.f32 v3, v5;
	v4 =	vadd.f32 v4, v8  }
0x9f: {  	v5 =	vand.u32 $0xFFFF0000, v48;
	v8 =	vadd.f32 v52, v43;
	v48 =	vld [tilespmem:s2+$0x3300];
	v9 =	vadd.f32 v19, v9  }
0xa0: {  	v49 =	vld [tilespmem:s2+$0x3310];
	v3 =	vadd.f32 v59, v3;
	v2 =	vadd.f32 v2, v4;
	v4 =	vand.u32 $0xFFFF0000, v46  }
0xa1: {  	v52 =	vld [tilespmem:s2+$0x32C0];
	v46 =	vshll.u32 v35, $0x10;
	v47 =	vshll.u32 v36, $0x10;
	v5 =	vadd.f32 v5, v9  }
0xa2: {  	v3 =	vadd.f32 v53, v3;
	v2 =	vadd.f32 v58, v2;
	v53 =	vld [tilespmem:s2+$0x32D0];
	v9 =	vand.u32 $0xFFFF0000, v38  }
0xa3: {  	v50 =	vshll.u32 v37, $0x10;
	v58 =	vld [tilespmem:s2+$0x3280];
	v8 =	vadd.f32 v9, v8;
	v4 =	vadd.f32 v4, v5  }
0xa4: {  	v38 =	vld [tilespmem:s2+$0x3350];
	v3 =	vadd.f32 v54, v3;
	v2 =	vadd.f32 v55, v2;
	v54 =	vshll.u32 v48, $0x10  }
0xa5: {  	v55 =	vshll.u32 v49, $0x10;
	v5 =	vadd.f32 v6, v8;
	v4 =	vadd.f32 v7, v4  }
0xa6: {  	p0 =	sne.s32 s1, $0x5780;
	v59 =	vld [tilespmem:s2+$0x3290];
	v3 =	vadd.f32 v61, v3;
	v2 =	vadd.f32 v62, v2;
	v61 =	vshll.u32 v52, $0x10  }
.Ltmp0:
0xa7: {  	v44 =	vld [tilespmem:s2+$0x3200];
	v62 =	vshll.u32 v53, $0x10;
	v5 =	vadd.f32 v63, v5;
	v1 =	vadd.f32 v1, v4;
	(pc) =	sbr.rel @p0 .LBB2_4-.Ltmp0, $4  }
0xa8: {  	v6 =	vld [tilespmem:s2+$0x3250];
	v7 =	vshll.u32 v58, $0x10;
	v3 =	vadd.f32 v14, v3;
	v2 =	vadd.f32 v16, v2  }
0xa9: {  	v18 =	vmovc v11;
	v51 =	vshll.u32 v38, $0x10;
	v63 =	vld [tilespmem:s2+$0x3240];
	v4 =	vadd.f32 v12, v5;
	v1 =	vadd.f32 v13, v1  }
0xaa: {  	v14 =	vmovc v45;
	v16 =	vmovc v10;
	v10 =	vmov v23;
	v23 =	vld [tilespmem:$0x1FF10];
	v56 =	vadd.f32 v56, v3;
	v45 =	vadd.f32 v57, v2  }
0xab: {  	s1 =	sadd.s32 $0xC80, s1;
	v11 =	vmovc v30;
	v19 =	vmovc v27;
	v12 =	vld [tilespmem:s2+$0x3210];
	v42 =	vadd.f32 v60, v4;
	v60 =	vshll.u32 v59, $0x10;
	v43 =	vadd.f32 v0, v1  }
0xac: {  	_ =	sdelay $0x2  }
0xad: {  	v8 =	vshll.u32 v44, $0x10;
	v13 =	vand.u32 $0xFFFF0000, v44;
	v5 =	vshll.u32 v6, $0x10  }
0xae: {  	v13 =	vadd.f32 v13, v41;
	v8 =	vadd.f32 v8, v23;
	v9 =	vshll.u32 v12, $0x10  }
0xaf: {  	v3 =	vshll.u32 v63, $0x10;
	v12 =	vand.u32 $0xFFFF0000, v12;
	v9 =	vadd.f32 v9, v40  }
0xb0: {  	v3 =	vadd.f32 v3, v8;
	v8 =	vadd.f32 v12, v39;
	v12 =	vand.u32 $0xFFFF0000, v63  }
0xb1: {  	v6 =	vand.u32 $0xFFFF0000, v6;
	v5 =	vadd.f32 v5, v9;
	v9 =	vadd.f32 v12, v13  }
0xb2: {  	v3 =	vadd.f32 v7, v3;
	v6 =	vadd.f32 v6, v8;
	v7 =	vand.u32 $0xFFFF0000, v58  }
0xb3: {  	v8 =	vand.u32 $0xFFFF0000, v59;
	v7 =	vadd.f32 v7, v9  }
0xb4: {  	v6 =	vadd.f32 v8, v6;
	v8 =	vand.u32 $0xFFFF0000, v52  }
0xb5: {  	v9 =	vand.u32 $0xFFFF0000, v53;
	v7 =	vadd.f32 v8, v7  }
0xb6: {  	v6 =	vadd.f32 v9, v6;
	v8 =	vand.u32 $0xFFFF0000, v48  }
0xb7: {  	v5 =	vadd.f32 v60, v5;
	v9 =	vand.u32 $0xFFFF0000, v49;
	v7 =	vadd.f32 v8, v7  }
0xb8: {  	v3 =	vadd.f32 v61, v3;
	v6 =	vadd.f32 v9, v6;
	v8 =	vand.u32 $0xFFFF0000, v37  }
0xb9: {  	v5 =	vadd.f32 v62, v5;
	v9 =	vand.u32 $0xFFFF0000, v38;
	v7 =	vadd.f32 v8, v7  }
0xba: {  	v3 =	vadd.f32 v54, v3;
	v6 =	vadd.f32 v9, v6;
	v8 =	vand.u32 $0xFFFF0000, v35  }
0xbb: {  	v5 =	vadd.f32 v55, v5;
	v9 =	vand.u32 $0xFFFF0000, v36;
	v7 =	vadd.f32 v8, v7  }
0xbc: {  	v3 =	vadd.f32 v50, v3;
	v6 =	vadd.f32 v9, v6;
	v8 =	vand.u32 $0xFFFF0000, v20  }
0xbd: {  	v5 =	vadd.f32 v51, v5;
	v9 =	vand.u32 $0xFFFF0000, v21;
	v7 =	vadd.f32 v8, v7;
	v8 =	vld [tilespmem:$0x1FFE0]  }
0xbe: {  	v3 =	vadd.f32 v46, v3;
	v6 =	vadd.f32 v9, v6;
	v9 =	vld [tilespmem:$0x1FFF0]  }
0xbf: {  	v5 =	vadd.f32 v47, v5  }
0xc0: {  	v3 =	vadd.f32 v24, v3  }
0xc1: {  	v5 =	vadd.f32 v22, v5  }
0xc2: {  	v3 =	vadd.f32 v8, v3;
	v8 =	vand.u32 $0xFFFF0000, v10  }
0xc3: {  	v5 =	vadd.f32 v9, v5;
	v9 =	vand.u32 $0xFFFF0000, v11;
	v7 =	vadd.f32 v8, v7;
	v8 =	vld [tilespmem:$0x1FFC0]  }
0xc4: {  	v6 =	vadd.f32 v9, v6;
	v9 =	vld [tilespmem:$0x1FFD0];
	_ =	sdelay $0x3  }
0xc5: {  	v3 =	vadd.f32 v8, v3;
	v8 =	vand.u32 $0xFFFF0000, v18  }
0xc6: {  	v5 =	vadd.f32 v9, v5;
	v9 =	vand.u32 $0xFFFF0000, v19;
	v7 =	vadd.f32 v8, v7;
	v8 =	vld [tilespmem:$0x1FFA0]  }
0xc7: {  	v6 =	vadd.f32 v9, v6;
	v9 =	vld [tilespmem:$0x1FFB0];
	_ =	sdelay $0x3  }
0xc8: {  	v3 =	vadd.f32 v8, v3;
	v8 =	vand.u32 $0xFFFF0000, v14  }
0xc9: {  	v5 =	vadd.f32 v9, v5;
	v9 =	vand.u32 $0xFFFF0000, v16;
	v7 =	vadd.f32 v8, v7;
	v8 =	vld [tilespmem:$0x1FF70]  }
0xca: {  	v6 =	vadd.f32 v9, v6;
	v9 =	vld [tilespmem:$0x1FF90];
	_ =	sdelay $0x3  }
0xcb: {  	v3 =	vadd.f32 v8, v3;
	v8 =	vld [tilespmem:$0x1FF60]  }
0xcc: {  	v5 =	vadd.f32 v9, v5;
	v9 =	vld [tilespmem:$0x1FF80];
	_ =	sdelay $0x3  }
0xcd: {  	v8 =	vand.u32 $0xFFFF0000, v8  }
0xce: {  	v9 =	vand.u32 $0xFFFF0000, v9;
	v7 =	vadd.f32 v8, v7;
	v8 =	vld [tilespmem:$0x1FF30]  }
0xcf: {  	v6 =	vadd.f32 v9, v6;
	v9 =	vld [tilespmem:$0x1FF50];
	_ =	sdelay $0x3  }
0xd0: {  	v0 =	vadd.f32 v33, v42;
	v3 =	vadd.f32 v8, v3;
	v8 =	vld [tilespmem:$0x1FF20]  }
0xd1: {  	v1 =	vadd.f32 v34, v43;
	v5 =	vadd.f32 v9, v5;
	v9 =	vld [tilespmem:$0x1FF40]  }
0xd2: {  	v2 =	vadd.f32 v32, v56;
	v4 =	vadd.f32 v17, v45  }
0xd3: {  	v0 =	vadd.f32 v29, v0;
	v1 =	vadd.f32 v31, v1  }
0xd4: {  	v2 =	vadd.f32 v15, v2;
	v4 =	vadd.f32 v28, v4  }
0xd5: {  	v0 =	vadd.f32 v25, v0;
	v1 =	vadd.f32 v26, v1;
	v8 =	vand.u32 $0xFFFF0000, v8  }
0xd6: {  	v2 =	vadd.f32 v2, v3;
	v9 =	vand.u32 $0xFFFF0000, v9;
	v7 =	vadd.f32 v8, v7  }
0xd7: {  	v4 =	vadd.f32 v4, v5;
	v58 =	vadd.f32 v9, v6  }
0xd8: {  	s1 =	sshll.u32 s3, $0x8;
	v2 =	vmul.f32 $4.999999890e-03, v2;
	v0 =	vadd.f32 v0, v7  }
0xd9: {  	p0 =	seq.s32 s3, $0xF;
	s30 =	sand.u32 $0x3FFFFF00, s1;
	v4 =	vmul.f32 $4.999999890e-03, v4;
	v1 =	vadd.f32 v1, v58  }
0xda: {  	s1 =	smul.u32 @!p0 $0xC80, s3;
	[tilespmem:s30+$0x9600] =	vst v2;
	v0 =	vmul.f32 $4.999999890e-03, v0  }
0xdb: {  	[tilespmem:s30+$0x9610] =	vst v4;
	v1 =	vmul.f32 $4.999999890e-03, v1  }
0xdc: {  	s1 =	sshra.s32 @!p0 s1, $0x2;
	[tilespmem:s30+$0x9620] =	vst v0  }
0xdd: {  	s10 =	simm.s32 @!p0 $0x80;
	s12 =	simm.s32 @!p0 $0x3200;
	s2 =	sadd.s32 @!p0 $0x320, s1;
	[tilespmem:s30+$0x9630] =	vst v1  }
0xde: {  	[tilespmem:s12], [sflag:$0x1] =	stream.indirect.gather @!p0 [hbm4b:s5+s10], $0x20, s2, s10, $0xb8;
	[tilespmem:$0xA600] =	vst v63  }
0xdf: {  	s2 =	sadd.s32 @!p0 $0x3A0, s1;
	s10 =	simm.s32 @!p0 $0x48;
	s12 =	simm.s32 @!p0 $0x4200  }
0xe0: {  	[tilespmem:s12], [sflag:$0x1] =	stream.indirect.gather @!p0 [hbm4b:s5+s10], $0x20, s2, s10, $0xb8;
	[tilespmem:$0xA600] =	vst v63  }
0xe1: {  	_ =	swait.ge [sflag:s24], $0x1900  }
0xe2: {  	[sflag:s24] =	ssyncset.done $0x0  }
0xe3: {  	s12 =	simm.s32 $0x0;
	[sflag:s24] =	ssyncadd.s32 $0xFFFFE700  }
0xe4: {  	v6 =	vld [tilespmem:s12+$0x4DE0]  }
0xe5: {  	v7 =	vld [tilespmem:s12+$0x4DF0]  }
0xe6: {  	v59 =	vld [tilespmem:s12+$0x4E00]  }
0xe7: {  	v60 =	vld [tilespmem:s12+$0x4E10]  }
0xe8: {  	v12 =	vld [tilespmem:s12+$0x4DA0]  }
0xe9: {  	v13 =	vld [tilespmem:s12+$0x4DB0]  }
0xea: {  	v61 =	vld [tilespmem:s12+$0x4DC0]  }
0xeb: {  	v62 =	vld [tilespmem:s12+$0x4DD0]  }
0xec: {  	v14 =	vld [tilespmem:s12+$0x4D60]  }
0xed: {  	v16 =	vld [tilespmem:s12+$0x4D70]  }
0xee: {  	v5 =	vld [tilespmem:s12+$0x4D80]  }
0xef: {  	v4 =	vld [tilespmem:s12+$0x4D90]  }
0xf0: {  	v18 =	vld [tilespmem:s12+$0x4D20]  }
0xf1: {  	v19 =	vld [tilespmem:s12+$0x4D30]  }
0xf2: {  	v8 =	vld [tilespmem:s12+$0x4D40]  }
0xf3: {  	v9 =	vld [tilespmem:s12+$0x4D50]  }
0xf4: {  	v20 =	vld [tilespmem:s12+$0x4CE0]  }
0xf5: {  	v21 =	vld [tilespmem:s12+$0x4CF0]  }
0xf6: {  	v10 =	vld [tilespmem:s12+$0x4D00];
	v15 =	vshll.u32 v6, $0x10  }
0xf7: {  	v11 =	vld [tilespmem:s12+$0x4D10];
	v28 =	vshll.u32 v7, $0x10;
	v25 =	vand.u32 $0xFFFF0000, v6;
	v26 =	vand.u32 $0xFFFF0000, v7  }
0xf8: {  	v22 =	vld [tilespmem:s12+$0x4CA0];
	v1 =	vshll.u32 v59, $0x10;
	v0 =	vshll.u32 v60, $0x10;
	v32 =	vshll.u32 v12, $0x10  }
0xf9: {  	v63 =	vld [tilespmem:s12+$0x4CC0];
	v17 =	vshll.u32 v13, $0x10;
	v29 =	vand.u32 $0xFFFF0000, v12;
	v31 =	vand.u32 $0xFFFF0000, v13  }
0xfa: {  	v38 =	vld [tilespmem:s12+$0x4C70];
	v54 =	vshll.u32 v61, $0x10;
	v55 =	vshll.u32 v62, $0x10;
	v12 =	vshll.u32 v14, $0x10  }
0xfb: {  	v46 =	vld [tilespmem:s12+$0x4B70];
	[tilespmem:$0x1FE20] =	vst v59;
	v39 =	vshll.u32 v16, $0x10;
	v33 =	vand.u32 $0xFFFF0000, v14;
	v34 =	vand.u32 $0xFFFF0000, v16  }
0xfc: {  	v47 =	vld [tilespmem:s12+$0x4BA0];
	[tilespmem:$0x1FE40] =	vst v60;
	v56 =	vshll.u32 v5, $0x10;
	v57 =	vshll.u32 v4, $0x10;
	v40 =	vshll.u32 v18, $0x10  }
0xfd: {  	v23 =	vld [tilespmem:s12+$0x4CD0];
	[tilespmem:$0x1FE60] =	vst v61;
	v41 =	vshll.u32 v19, $0x10;
	v42 =	vand.u32 $0xFFFF0000, v18;
	v43 =	vand.u32 $0xFFFF0000, v19  }
0xfe: {  	v37 =	vld [tilespmem:s12+$0x4B30];
	[tilespmem:$0x1FE80] =	vst v62;
	v58 =	vshll.u32 v8, $0x10;
	v59 =	vshll.u32 v9, $0x10;
	v44 =	vshll.u32 v20, $0x10  }
0xff: {  	v35 =	vld [tilespmem:s12+$0x4B60];
	v45 =	vshll.u32 v21, $0x10;
	v61 =	vshll.u32 v10, $0x10;
	v62 =	vshll.u32 v11, $0x10;
	[tilespmem:$0x1FE30] =	vst v1  }
0x100: {  	v49 =	vld [tilespmem:s12+$0x4BB0];
	v51 =	vshll.u32 v22, $0x10;
	v24 =	vshll.u32 v63, $0x10;
	v53 =	vshll.u32 v38, $0x10;
	[tilespmem:$0x1FE50] =	vst v0  }
0x101: {  	v6 =	vld [tilespmem:s12+$0x4CB0];
	v2 =	vshll.u32 v46, $0x10;
	v3 =	vshll.u32 v47, $0x10;
	v46 =	vand.u32 $0xFFFF0000, v46;
	[tilespmem:$0x1FEA0] =	vst v56  }
0x102: {  	v60 =	vld [tilespmem:s12+$0x4B20];
	v47 =	vand.u32 $0xFFFF0000, v47;
	[tilespmem:$0x1FEB0] =	vst v57;
	v56 =	vand.u32 $0xFFFF0000, v20;
	v57 =	vand.u32 $0xFFFF0000, v21  }
0x103: {  	[tilespmem:$0x1FE90] =	vst v55;
	v21 =	vmovc v23;
	v23 =	vimm.f32 $0.0e+00;
	v55 =	vand.u32 $0xFFFF0000, v22;
	v1 =	vshll.u32 v37, $0x10  }
0x104: {  	v7 =	vld [tilespmem:s12+$0x4C60];
	[tilespmem:$0x1FEC0] =	vst v58;
	v0 =	vshll.u32 v35, $0x10;
	v37 =	vand.u32 $0xFFFF0000, v37;
	v58 =	vadd.f32 v1, v23  }
0x105: {  	[tilespmem:$0x1FEE0] =	vst v61;
	v35 =	vand.u32 $0xFFFF0000, v35;
	v61 =	vld [tilespmem:s12+$0x4C20];
	v22 =	vshll.u32 v21, $0x10;
	v37 =	vadd.f32 v37, v23  }
0x106: {  	v52 =	vld [tilespmem:s12+$0x4BF0];
	v1 =	vshll.u32 v49, $0x10;
	v49 =	vand.u32 $0xFFFF0000, v49;
	v58 =	vadd.f32 v2, v58  }
0x107: {  	[tilespmem:$0x1FE70] =	vst v54;
	v20 =	vmovc v63;
	v54 =	vshll.u32 v6, $0x10;
	v63 =	vshll.u32 v60, $0x10;
	v36 =	vand.u32 $0xFFFF0000, v60;
	v60 =	vld [tilespmem:s12+$0x4BE0]  }
0x108: {  	v6 =	vand.u32 $0xFFFF0000, v6;
	v48 =	vadd.f32 v63, v23;
	v36 =	vadd.f32 v36, v23  }
0x109: {  	[tilespmem:$0x1FED0] =	vst v59;
	v59 =	vld [tilespmem:s12+$0x4C30];
	v50 =	vshll.u32 v7, $0x10;
	v63 =	vadd.f32 v46, v37;
	v37 =	vadd.f32 v1, v58  }
0x10a: {  	v1 =	vshll.u32 v61, $0x10;
	v48 =	vadd.f32 v0, v48;
	v35 =	vadd.f32 v35, v36  }
0x10b: {  	v0 =	vshll.u32 v52, $0x10;
	v49 =	vadd.f32 v49, v63;
	v52 =	vand.u32 $0xFFFF0000, v52  }
0x10c: {  	v36 =	vld [tilespmem:s12+$0x4C90];
	v2 =	vadd.f32 v3, v48;
	v3 =	vshll.u32 v60, $0x10;
	v47 =	vadd.f32 v47, v35  }
0x10d: {  	v35 =	vld [tilespmem:s12+$0x4C80];
	v60 =	vand.u32 $0xFFFF0000, v60;
	v48 =	vadd.f32 v0, v37;
	v52 =	vadd.f32 v52, v49  }
0x10e: {  	v37 =	vld [tilespmem:s12+$0x4C40];
	v46 =	vadd.f32 v3, v2;
	v2 =	vshll.u32 v59, $0x10;
	v59 =	vand.u32 $0xFFFF0000, v59  }
0x10f: {  	v0 =	vand.u32 $0xFFFF0000, v61;
	v49 =	vld [tilespmem:s12+$0x4C10];
	v47 =	vadd.f32 v60, v47;
	v59 =	vadd.f32 v59, v52  }
0x110: {  	v3 =	vand.u32 $0xFFFF0000, v38;
	v38 =	vld [tilespmem:s12+$0x4C50];
	v58 =	vadd.f32 v1, v46;
	v1 =	vadd.f32 v2, v48  }
0x111: {  	v7 =	vand.u32 $0xFFFF0000, v7;
	v48 =	vld [tilespmem:s12+$0x4C00];
	v2 =	vadd.f32 v0, v47;
	v60 =	vadd.f32 v3, v59  }
0x112: {  	v52 =	vld [tilespmem:s12+$0x4BC0];
	v47 =	vshll.u32 v36, $0x10;
	v58 =	vadd.f32 v50, v58;
	v61 =	vadd.f32 v53, v1  }
0x113: {  	v46 =	vshll.u32 v35, $0x10;
	v59 =	vld [tilespmem:s12+$0x4B90];
	v7 =	vadd.f32 v7, v2;
	v6 =	vadd.f32 v6, v60  }
0x114: {  	v53 =	vld [tilespmem:s12+$0x4BD0];
	v50 =	vshll.u32 v37, $0x10;
	v3 =	vadd.f32 v51, v58;
	v61 =	vadd.f32 v54, v61  }
0x115: {  	v58 =	vld [tilespmem:s12+$0x4B80];
	v51 =	vshll.u32 v38, $0x10;
	v7 =	vadd.f32 v55, v7;
	v55 =	vshll.u32 v49, $0x10  }
0x116: {  	v54 =	vshll.u32 v48, $0x10;
	v44 =	vadd.f32 v44, v3;
	v45 =	vadd.f32 v45, v61  }
0x117: {  	v57 =	vadd.f32 v57, v6;
	v61 =	vshll.u32 v52, $0x10;
	v56 =	vadd.f32 v56, v7  }
0x118: {  	v63 =	vld [tilespmem:s12+$0x4B40];
	v60 =	vshll.u32 v59, $0x10;
	v40 =	vadd.f32 v40, v44;
	v41 =	vadd.f32 v41, v45  }
0x119: {  	[tilespmem:$0x1FEF0] =	vst v62;
	v6 =	vld [tilespmem:s12+$0x4B50];
	v62 =	vshll.u32 v53, $0x10;
	v43 =	vadd.f32 v43, v57;
	v42 =	vadd.f32 v42, v56  }
0x11a: {  	v14 =	vmovc v5;
	v16 =	vmovc v4;
	v44 =	vld [tilespmem:s12+$0x4B00];
	v7 =	vshll.u32 v58, $0x10;
	v56 =	vadd.f32 v12, v40;
	v45 =	vadd.f32 v39, v41  }
0x11b: {  	s2 =	simm.s32 $0xC80;
	v18 =	vmovc v8;
	v19 =	vmovc v9;
	v12 =	vld [tilespmem:s12+$0x4B10];
	v40 =	vimm.f32 $0.0e+00;
	v41 =	vimm.f32 $0.0e+00;
	v39 =	vimm.f32 $0.0e+00  }
.LBB2_6:
0x11c: {  	_ = 	snop  }
0x11d: {  	s10 =	sshra.s32 s2, $0x2;
	v34 =	vadd.f32 v34, v43;
	v30 =	vadd.f32 v17, v45;
	v45 =	vld [tilespmem:$0x1FED0]  }
0x11e: {  	v33 =	vadd.f32 v33, v42;
	v17 =	vand.u32 $0xFFFF0000, v21;
	v21 =	vld [tilespmem:s10+$0x4CD0]  }
0x11f: {  	v31 =	vadd.f32 v31, v34;
	v34 =	vld [tilespmem:s10+$0x4D60]  }
0x120: {  	v29 =	vadd.f32 v29, v33;
	v43 =	vadd.f32 v28, v30;
	v30 =	vand.u32 $0xFFFF0000, v49;
	v49 =	vld [tilespmem:$0x1FE70]  }
0x121: {  	v32 =	vadd.f32 v32, v56;
	v57 =	vshll.u32 v63, $0x10;
	v28 =	vand.u32 $0xFFFF0000, v63;
	v63 =	vld [tilespmem:s10+$0x4D20]  }
0x122: {  	v56 =	vshll.u32 v44, $0x10;
	v27 =	vand.u32 $0xFFFF0000, v44;
	v44 =	vadd.f32 v25, v29;
	v25 =	vld [tilespmem:s10+$0x4DE0]  }
0x123: {  	v29 =	vld [tilespmem:s10+$0x4E10]  }
0x124: {  	v33 =	vshll.u32 v12, $0x10;
	v12 =	vand.u32 $0xFFFF0000, v12;
	v0 =	vadd.f32 v26, v31;
	v31 =	vld [tilespmem:s10+$0x4DA0]  }
0x125: {  	v12 =	vadd.f32 v12, v39;
	v39 =	vld [tilespmem:$0x1FEE0]  }
0x126: {  	v26 =	vadd.f32 v33, v40;
	v40 =	vld [tilespmem:$0x1FEF0]  }
0x127: {  	v13 =	vshll.u32 v6, $0x10;
	v23 =	vadd.f32 v56, v23;
	v27 =	vadd.f32 v27, v41;
	v41 =	vld [tilespmem:$0x1FEC0]  }
0x128: {  	v13 =	vadd.f32 v13, v26;
	v26 =	vld [tilespmem:s10+$0x4DF0]  }
0x129: {  	v6 =	vand.u32 $0xFFFF0000, v6;
	v23 =	vadd.f32 v57, v23;
	v27 =	vadd.f32 v28, v27;
	v28 =	vld [tilespmem:s10+$0x4E00]  }
0x12a: {  	v6 =	vadd.f32 v6, v12;
	v12 =	vand.u32 $0xFFFF0000, v58;
	v58 =	vld [tilespmem:s10+$0x4DB0]  }
0x12b: {  	v7 =	vadd.f32 v7, v23;
	v23 =	vand.u32 $0xFFFF0000, v59;
	v59 =	vld [tilespmem:s10+$0x4DD0]  }
0x12c: {  	v10 =	vand.u32 $0xFFFF0000, v10;
	v11 =	vand.u32 $0xFFFF0000, v11;
	v13 =	vadd.f32 v60, v13;
	v60 =	vld [tilespmem:s10+$0x4D70]  }
0x12d: {  	v8 =	vand.u32 $0xFFFF0000, v18;
	v12 =	vadd.f32 v12, v27;
	v27 =	vand.u32 $0xFFFF0000, v53;
	v53 =	vld [tilespmem:$0x1FE30]  }
0x12e: {  	v9 =	vand.u32 $0xFFFF0000, v19;
	v6 =	vadd.f32 v23, v6;
	v23 =	vand.u32 $0xFFFF0000, v52;
	v52 =	vld [tilespmem:$0x1FE20]  }
0x12f: {  	v16 =	vand.u32 $0xFFFF0000, v16;
	v42 =	vadd.f32 v15, v32;
	v13 =	vadd.f32 v62, v13;
	v62 =	vld [tilespmem:s10+$0x4D90]  }
0x130: {  	v15 =	vand.u32 $0xFFFF0000, v20;
	v12 =	vadd.f32 v23, v12;
	v23 =	vand.u32 $0xFFFF0000, v48;
	v48 =	vld [tilespmem:$0x1FE60]  }
0x131: {  	v33 =	vand.u32 $0xFFFF0000, v34;
	v7 =	vadd.f32 v61, v7;
	v61 =	vand.u32 $0xFFFF0000, v36;
	v36 =	vld [tilespmem:s10+$0x4CB0]  }
0x132: {  	v56 =	vmovc v29;
	v32 =	vshll.u32 v31, $0x10;
	v29 =	vand.u32 $0xFFFF0000, v31;
	v6 =	vadd.f32 v27, v6;
	v27 =	vld [tilespmem:s10+$0x4DC0]  }
0x133: {  	v1 =	vmovc v28;
	v28 =	vshll.u32 v26, $0x10;
	v7 =	vadd.f32 v54, v7;
	v13 =	vadd.f32 v55, v13;
	v54 =	vld [tilespmem:$0x1FE50]  }
0x134: {  	v12 =	vadd.f32 v23, v12;
	v23 =	vand.u32 $0xFFFF0000, v37;
	v55 =	vld [tilespmem:$0x1FE40];
	v6 =	vadd.f32 v30, v6  }
0x135: {  	v37 =	vld [tilespmem:s10+$0x4BA0];
	v30 =	vand.u32 $0xFFFF0000, v38;
	v7 =	vadd.f32 v50, v7;
	v13 =	vadd.f32 v51, v13  }
0x136: {  	v26 =	vand.u32 $0xFFFF0000, v26;
	v38 =	vld [tilespmem:s10+$0x4C20];
	v12 =	vadd.f32 v23, v12;
	v6 =	vadd.f32 v30, v6  }
0x137: {  	v23 =	vand.u32 $0xFFFF0000, v35;
	v35 =	vld [tilespmem:s10+$0x4BB0];
	v7 =	vadd.f32 v46, v7;
	v13 =	vadd.f32 v47, v13  }
0x138: {  	v31 =	vand.u32 $0xFFFF0000, v58;
	v30 =	vld [tilespmem:s10+$0x4D80];
	v12 =	vadd.f32 v23, v12;
	v6 =	vadd.f32 v61, v6  }
0x139: {  	[tilespmem:$0x1FE20] =	vst v1;
	v1 =	vshll.u32 v1, $0x10;
	v46 =	vld [tilespmem:$0x1FEA0];
	v7 =	vadd.f32 v24, v7;
	v13 =	vadd.f32 v22, v13  }
0x13a: {  	[tilespmem:$0x1FE30] =	vst v1;
	v1 =	vand.u32 $0xFFFF0000, v36;
	v47 =	vld [tilespmem:$0x1FEB0];
	v3 =	vmovc v27;
	v12 =	vadd.f32 v15, v12;
	v6 =	vadd.f32 v17, v6  }
0x13b: {  	v57 =	vshll.u32 v3, $0x10;
	v17 =	vld [tilespmem:s10+$0x4D50];
	v7 =	vadd.f32 v39, v7;
	v13 =	vadd.f32 v40, v13  }
0x13c: {  	v50 =	vld [tilespmem:$0x1FE90];
	[tilespmem:$0x1FE70] =	vst v57;
	v57 =	vshll.u32 v60, $0x10;
	v10 =	vadd.f32 v10, v12;
	v6 =	vadd.f32 v11, v6  }
0x13d: {  	v51 =	vld [tilespmem:$0x1FE80];
	v19 =	vshll.u32 v35, $0x10;
	v7 =	vadd.f32 v41, v7;
	v11 =	vadd.f32 v45, v13  }
0x13e: {  	v15 =	vld [tilespmem:s10+$0x4D40];
	v8 =	vadd.f32 v8, v10;
	v45 =	vmovc v30;
	v6 =	vadd.f32 v9, v6;
	v9 =	vand.u32 $0xFFFF0000, v14  }
0x13f: {  	v2 =	vmovc v59;
	v23 =	vld [tilespmem:s10+$0x4D00];
	v59 =	vshll.u32 v45, $0x10;
	v7 =	vadd.f32 v46, v7;
	v14 =	vadd.f32 v47, v11  }
0x140: {  	v13 =	vld [tilespmem:s10+$0x4CF0];
	v18 =	vadd.f32 v9, v8;
	v27 =	vmovc v17;
	v17 =	vshll.u32 v58, $0x10;
	v58 =	vshll.u32 v2, $0x10  }
0x141: {  	v30 =	vld [tilespmem:s10+$0x4D10];
	[tilespmem:$0x1FEA0] =	vst v59;
	v59 =	vshll.u32 v38, $0x10;
	v6 =	vadd.f32 v16, v6;
	v16 =	vand.u32 $0xFFFF0000, v48  }
0x142: {  	v22 =	vld [tilespmem:s10+$0x4D30];
	v10 =	vmovc v62;
	v62 =	vshll.u32 v27, $0x10;
	v7 =	vadd.f32 v49, v7;
	v14 =	vadd.f32 v50, v14  }
0x143: {  	v12 =	vld [tilespmem:s10+$0x4CE0];
	v11 =	vmovc v15;
	v15 =	vand.u32 $0xFFFF0000, v51;
	v16 =	vadd.f32 v16, v18;
	v18 =	vand.u32 $0xFFFF0000, v52  }
0x144: {  	[tilespmem:$0x1FE00] =	vst v0;
	v24 =	vld [tilespmem:s10+$0x4CA0];
	v6 =	vadd.f32 v15, v6;
	v15 =	vshll.u32 v25, $0x10;
	v25 =	vand.u32 $0xFFFF0000, v25  }
0x145: {  	v46 =	vld [tilespmem:s10+$0x4C30];
	[tilespmem:$0x1FED0] =	vst v62;
	v61 =	vshll.u32 v11, $0x10;
	v62 =	vshll.u32 v13, $0x10;
	v13 =	vand.u32 $0xFFFF0000, v13  }
0x146: {  	[tilespmem:$0x1FE40] =	vst v56;
	v47 =	vld [tilespmem:s10+$0x4BE0];
	v51 =	vshll.u32 v30, $0x10;
	v0 =	vadd.f32 v53, v7;
	v40 =	vadd.f32 v54, v14  }
0x147: {  	[tilespmem:$0x1FE80] =	vst v2;
	v48 =	vld [tilespmem:s10+$0x4BF0];
	v7 =	vand.u32 $0xFFFF0000, v55;
	v41 =	vadd.f32 v18, v16;
	v14 =	vshll.u32 v63, $0x10  }
0x148: {  	v49 =	vld [tilespmem:s10+$0x4B60];
	v16 =	vshll.u32 v22, $0x10;
	[tilespmem:$0x1FEC0] =	vst v61;
	v61 =	vshll.u32 v12, $0x10;
	v12 =	vand.u32 $0xFFFF0000, v12  }
0x149: {  	[tilespmem:$0x1FEF0] =	vst v51;
	v51 =	vld [tilespmem:s10+$0x4B20];
	v54 =	vshll.u32 v24, $0x10;
	v55 =	vshll.u32 v36, $0x10;
	v36 =	vshll.u32 v37, $0x10  }
0x14a: {  	[tilespmem:$0x1FE60] =	vst v3;
	v52 =	vld [tilespmem:s10+$0x4B30];
	v37 =	vand.u32 $0xFFFF0000, v37;
	v39 =	vadd.f32 v7, v6;
	v2 =	vshll.u32 v46, $0x10  }
0x14b: {  	v50 =	vld [tilespmem:s10+$0x4B70];
	v3 =	vshll.u32 v47, $0x10;
	[tilespmem:$0x1FE10] =	vst v0;
	v0 =	vshll.u32 v56, $0x10;
	v56 =	vshll.u32 v34, $0x10  }
0x14c: {  	v20 =	vld [tilespmem:s10+$0x4CC0];
	v34 =	vand.u32 $0xFFFF0000, v60;
	v60 =	vshll.u32 v10, $0x10;
	v4 =	vshll.u32 v48, $0x10;
	[tilespmem:$0x1FE50] =	vst v0  }
0x14d: {  	v6 =	vld [tilespmem:s10+$0x4C60];
	[tilespmem:$0x1FEB0] =	vst v60;
	v60 =	vand.u32 $0xFFFF0000, v63;
	v0 =	vand.u32 $0xFFFF0000, v22;
	v63 =	vshll.u32 v23, $0x10  }
0x14e: {  	v7 =	vld [tilespmem:s10+$0x4C70];
	v22 =	vshll.u32 v21, $0x10;
	v5 =	vshll.u32 v49, $0x10;
	v8 =	vshll.u32 v51, $0x10  }
0x14f: {  	v9 =	vshll.u32 v52, $0x10;
	v8 =	vadd.f32 v8, v42;
	v42 =	vand.u32 $0xFFFF0000, v52;
	v52 =	vld [tilespmem:$0x1FE00]  }
0x150: {  	v18 =	vshll.u32 v50, $0x10;
	v9 =	vadd.f32 v9, v43;
	v51 =	vand.u32 $0xFFFF0000, v51  }
0x151: {  	[tilespmem:$0x1FEE0] =	vst v63;
	v63 =	vand.u32 $0xFFFF0000, v24;
	v24 =	vshll.u32 v20, $0x10;
	v43 =	vadd.f32 v51, v44  }
0x152: {  	v51 =	vand.u32 $0xFFFF0000, v49;
	v5 =	vadd.f32 v5, v8;
	v8 =	vadd.f32 v18, v9  }
0x153: {  	[tilespmem:$0x1FE90] =	vst v58;
	v53 =	vshll.u32 v6, $0x10;
	v58 =	vshll.u32 v7, $0x10;
	v18 =	vadd.f32 v51, v43  }
0x154: {  	v8 =	vadd.f32 v19, v8;
	v19 =	vand.u32 $0xFFFF0000, v35;
	v35 =	vld [tilespmem:s10+$0x4C80];
	v42 =	vadd.f32 v42, v52  }
0x155: {  	v6 =	vand.u32 $0xFFFF0000, v6;
	v9 =	vand.u32 $0xFFFF0000, v50;
	v5 =	vadd.f32 v36, v5;
	v36 =	vld [tilespmem:s10+$0x4C90]  }
0x156: {  	v7 =	vand.u32 $0xFFFF0000, v7;
	v43 =	vadd.f32 v37, v18;
	v9 =	vadd.f32 v9, v42  }
0x157: {  	v37 =	vld [tilespmem:s10+$0x4C40];
	v52 =	vand.u32 $0xFFFF0000, v47;
	v3 =	vadd.f32 v3, v5;
	v4 =	vadd.f32 v4, v8  }
0x158: {  	v5 =	vand.u32 $0xFFFF0000, v48;
	v8 =	vadd.f32 v52, v43;
	v48 =	vld [tilespmem:s10+$0x4C00];
	v9 =	vadd.f32 v19, v9  }
0x159: {  	v49 =	vld [tilespmem:s10+$0x4C10];
	v3 =	vadd.f32 v59, v3;
	v2 =	vadd.f32 v2, v4;
	v4 =	vand.u32 $0xFFFF0000, v46  }
0x15a: {  	v52 =	vld [tilespmem:s10+$0x4BC0];
	v46 =	vshll.u32 v35, $0x10;
	v47 =	vshll.u32 v36, $0x10;
	v5 =	vadd.f32 v5, v9  }
0x15b: {  	v3 =	vadd.f32 v53, v3;
	v2 =	vadd.f32 v58, v2;
	v53 =	vld [tilespmem:s10+$0x4BD0];
	v9 =	vand.u32 $0xFFFF0000, v38  }
0x15c: {  	v50 =	vshll.u32 v37, $0x10;
	v58 =	vld [tilespmem:s10+$0x4B80];
	v8 =	vadd.f32 v9, v8;
	v4 =	vadd.f32 v4, v5  }
0x15d: {  	v38 =	vld [tilespmem:s10+$0x4C50];
	v3 =	vadd.f32 v54, v3;
	v2 =	vadd.f32 v55, v2;
	v54 =	vshll.u32 v48, $0x10  }
0x15e: {  	v55 =	vshll.u32 v49, $0x10;
	v5 =	vadd.f32 v6, v8;
	v4 =	vadd.f32 v7, v4  }
0x15f: {  	p1 =	sne.s32 s2, $0x5780;
	v59 =	vld [tilespmem:s10+$0x4B90];
	v3 =	vadd.f32 v61, v3;
	v2 =	vadd.f32 v62, v2;
	v61 =	vshll.u32 v52, $0x10  }
.Ltmp1:
0x160: {  	v44 =	vld [tilespmem:s10+$0x4B00];
	v62 =	vshll.u32 v53, $0x10;
	v5 =	vadd.f32 v63, v5;
	v1 =	vadd.f32 v1, v4;
	(pc) =	sbr.rel @p1 .LBB2_6-.Ltmp1, $4  }
0x161: {  	v6 =	vld [tilespmem:s10+$0x4B50];
	v7 =	vshll.u32 v58, $0x10;
	v3 =	vadd.f32 v14, v3;
	v2 =	vadd.f32 v16, v2  }
0x162: {  	v18 =	vmovc v11;
	v51 =	vshll.u32 v38, $0x10;
	v63 =	vld [tilespmem:s10+$0x4B40];
	v4 =	vadd.f32 v12, v5;
	v1 =	vadd.f32 v13, v1  }
0x163: {  	v14 =	vmovc v45;
	v16 =	vmovc v10;
	v10 =	vmov v23;
	v23 =	vld [tilespmem:$0x1FE10];
	v56 =	vadd.f32 v56, v3;
	v45 =	vadd.f32 v57, v2  }
0x164: {  	s2 =	sadd.s32 $0xC80, s2;
	v11 =	vmovc v30;
	v19 =	vmovc v27;
	v12 =	vld [tilespmem:s10+$0x4B10];
	v42 =	vadd.f32 v60, v4;
	v60 =	vshll.u32 v59, $0x10;
	v43 =	vadd.f32 v0, v1  }
0x165: {  	_ =	sdelay $0x2  }
0x166: {  	v8 =	vshll.u32 v44, $0x10;
	v13 =	vand.u32 $0xFFFF0000, v44;
	v5 =	vshll.u32 v6, $0x10  }
0x167: {  	v13 =	vadd.f32 v13, v41;
	v8 =	vadd.f32 v8, v23;
	v9 =	vshll.u32 v12, $0x10  }
0x168: {  	v3 =	vshll.u32 v63, $0x10;
	v12 =	vand.u32 $0xFFFF0000, v12;
	v9 =	vadd.f32 v9, v40  }
0x169: {  	v3 =	vadd.f32 v3, v8;
	v8 =	vadd.f32 v12, v39;
	v12 =	vand.u32 $0xFFFF0000, v63  }
0x16a: {  	v6 =	vand.u32 $0xFFFF0000, v6;
	v5 =	vadd.f32 v5, v9;
	v9 =	vadd.f32 v12, v13  }
0x16b: {  	v3 =	vadd.f32 v7, v3;
	v6 =	vadd.f32 v6, v8;
	v7 =	vand.u32 $0xFFFF0000, v58  }
0x16c: {  	v8 =	vand.u32 $0xFFFF0000, v59;
	v7 =	vadd.f32 v7, v9  }
0x16d: {  	v6 =	vadd.f32 v8, v6;
	v8 =	vand.u32 $0xFFFF0000, v52  }
0x16e: {  	v9 =	vand.u32 $0xFFFF0000, v53;
	v7 =	vadd.f32 v8, v7  }
0x16f: {  	v6 =	vadd.f32 v9, v6;
	v8 =	vand.u32 $0xFFFF0000, v48  }
0x170: {  	v5 =	vadd.f32 v60, v5;
	v9 =	vand.u32 $0xFFFF0000, v49;
	v7 =	vadd.f32 v8, v7  }
0x171: {  	v3 =	vadd.f32 v61, v3;
	v6 =	vadd.f32 v9, v6;
	v8 =	vand.u32 $0xFFFF0000, v37  }
0x172: {  	v5 =	vadd.f32 v62, v5;
	v9 =	vand.u32 $0xFFFF0000, v38;
	v7 =	vadd.f32 v8, v7  }
0x173: {  	v3 =	vadd.f32 v54, v3;
	v6 =	vadd.f32 v9, v6;
	v8 =	vand.u32 $0xFFFF0000, v35  }
0x174: {  	v5 =	vadd.f32 v55, v5;
	v9 =	vand.u32 $0xFFFF0000, v36;
	v7 =	vadd.f32 v8, v7  }
0x175: {  	v3 =	vadd.f32 v50, v3;
	v6 =	vadd.f32 v9, v6;
	v8 =	vand.u32 $0xFFFF0000, v20  }
0x176: {  	v5 =	vadd.f32 v51, v5;
	v9 =	vand.u32 $0xFFFF0000, v21;
	v7 =	vadd.f32 v8, v7;
	v8 =	vld [tilespmem:$0x1FEE0]  }
0x177: {  	v3 =	vadd.f32 v46, v3;
	v6 =	vadd.f32 v9, v6;
	v9 =	vld [tilespmem:$0x1FEF0]  }
0x178: {  	v5 =	vadd.f32 v47, v5  }
0x179: {  	v3 =	vadd.f32 v24, v3  }
0x17a: {  	v5 =	vadd.f32 v22, v5  }
0x17b: {  	v3 =	vadd.f32 v8, v3;
	v8 =	vand.u32 $0xFFFF0000, v10  }
0x17c: {  	v5 =	vadd.f32 v9, v5;
	v9 =	vand.u32 $0xFFFF0000, v11;
	v7 =	vadd.f32 v8, v7;
	v8 =	vld [tilespmem:$0x1FEC0]  }
0x17d: {  	v6 =	vadd.f32 v9, v6;
	v9 =	vld [tilespmem:$0x1FED0];
	_ =	sdelay $0x3  }
0x17e: {  	v3 =	vadd.f32 v8, v3;
	v8 =	vand.u32 $0xFFFF0000, v18  }
0x17f: {  	v5 =	vadd.f32 v9, v5;
	v9 =	vand.u32 $0xFFFF0000, v19;
	v7 =	vadd.f32 v8, v7;
	v8 =	vld [tilespmem:$0x1FEA0]  }
0x180: {  	v6 =	vadd.f32 v9, v6;
	v9 =	vld [tilespmem:$0x1FEB0];
	_ =	sdelay $0x3  }
0x181: {  	v3 =	vadd.f32 v8, v3;
	v8 =	vand.u32 $0xFFFF0000, v14  }
0x182: {  	v5 =	vadd.f32 v9, v5;
	v9 =	vand.u32 $0xFFFF0000, v16;
	v7 =	vadd.f32 v8, v7;
	v8 =	vld [tilespmem:$0x1FE70]  }
0x183: {  	v6 =	vadd.f32 v9, v6;
	v9 =	vld [tilespmem:$0x1FE90];
	_ =	sdelay $0x3  }
0x184: {  	v3 =	vadd.f32 v8, v3;
	v8 =	vld [tilespmem:$0x1FE60]  }
0x185: {  	v5 =	vadd.f32 v9, v5;
	v9 =	vld [tilespmem:$0x1FE80];
	_ =	sdelay $0x3  }
0x186: {  	v8 =	vand.u32 $0xFFFF0000, v8  }
0x187: {  	v9 =	vand.u32 $0xFFFF0000, v9;
	v7 =	vadd.f32 v8, v7;
	v8 =	vld [tilespmem:$0x1FE30]  }
0x188: {  	v6 =	vadd.f32 v9, v6;
	v9 =	vld [tilespmem:$0x1FE50];
	_ =	sdelay $0x3  }
0x189: {  	v0 =	vadd.f32 v33, v42;
	v3 =	vadd.f32 v8, v3;
	v8 =	vld [tilespmem:$0x1FE20]  }
0x18a: {  	v1 =	vadd.f32 v34, v43;
	v5 =	vadd.f32 v9, v5;
	v9 =	vld [tilespmem:$0x1FE40]  }
0x18b: {  	v2 =	vadd.f32 v32, v56;
	v4 =	vadd.f32 v17, v45  }
0x18c: {  	v0 =	vadd.f32 v29, v0;
	v1 =	vadd.f32 v31, v1  }
0x18d: {  	v2 =	vadd.f32 v15, v2;
	v4 =	vadd.f32 v28, v4  }
0x18e: {  	v0 =	vadd.f32 v25, v0;
	v1 =	vadd.f32 v26, v1;
	v8 =	vand.u32 $0xFFFF0000, v8  }
0x18f: {  	v2 =	vadd.f32 v2, v3;
	v9 =	vand.u32 $0xFFFF0000, v9;
	v7 =	vadd.f32 v8, v7  }
0x190: {  	v4 =	vadd.f32 v4, v5;
	v58 =	vadd.f32 v9, v6  }
0x191: {  	v2 =	vmul.f32 $4.999999890e-03, v2;
	v0 =	vadd.f32 v0, v7  }
0x192: {  	v4 =	vmul.f32 $4.999999890e-03, v4;
	v1 =	vadd.f32 v1, v58  }
0x193: {  	[tilespmem:s30+$0x9640] =	vst v2;
	v0 =	vmul.f32 $4.999999890e-03, v0  }
0x194: {  	[tilespmem:s30+$0x9650] =	vst v4;
	v1 =	vmul.f32 $4.999999890e-03, v1  }
0x195: {  	[tilespmem:s30+$0x9660] =	vst v0  }
0x196: {  	s2 =	sadd.s32 @!p0 $0x3E8, s1;
	s10 =	simm.s32 @!p0 $0x80;
	s12 =	simm.s32 @!p0 $0x4B00;
	[tilespmem:s30+$0x9670] =	vst v1  }
0x197: {  	[tilespmem:s12], [sflag:$0x2] =	stream.indirect.gather @!p0 [hbm4b:s5+s10], $0x20, s2, s10, $0xb8;
	[tilespmem:$0xA600] =	vst v63  }
0x198: {  	s2 =	sadd.s32 @!p0 $0x468, s1;
	s10 =	simm.s32 @!p0 $0x48;
	s12 =	simm.s32 @!p0 $0x5B00  }
0x199: {  	[tilespmem:s12], [sflag:$0x2] =	stream.indirect.gather @!p0 [hbm4b:s5+s10], $0x20, s2, s10, $0xb8;
	[tilespmem:$0xA600] =	vst v63  }
0x19a: {  	_ =	swait.ge [sflag:s25], $0x1900  }
0x19b: {  	[sflag:s25] =	ssyncset.done $0x0  }
0x19c: {  	s12 =	simm.s32 $0x0;
	[sflag:s25] =	ssyncadd.s32 $0xFFFFE700  }
0x19d: {  	v6 =	vld [tilespmem:s12+$0x66E0]  }
0x19e: {  	v7 =	vld [tilespmem:s12+$0x66F0]  }
0x19f: {  	v59 =	vld [tilespmem:s12+$0x6700]  }
0x1a0: {  	v60 =	vld [tilespmem:s12+$0x6710]  }
0x1a1: {  	v12 =	vld [tilespmem:s12+$0x66A0]  }
0x1a2: {  	v13 =	vld [tilespmem:s12+$0x66B0]  }
0x1a3: {  	v61 =	vld [tilespmem:s12+$0x66C0]  }
0x1a4: {  	v62 =	vld [tilespmem:s12+$0x66D0]  }
0x1a5: {  	v14 =	vld [tilespmem:s12+$0x6660]  }
0x1a6: {  	v16 =	vld [tilespmem:s12+$0x6670]  }
0x1a7: {  	v5 =	vld [tilespmem:s12+$0x6680]  }
0x1a8: {  	v4 =	vld [tilespmem:s12+$0x6690]  }
0x1a9: {  	v18 =	vld [tilespmem:s12+$0x6620]  }
0x1aa: {  	v19 =	vld [tilespmem:s12+$0x6630]  }
0x1ab: {  	v8 =	vld [tilespmem:s12+$0x6640]  }
0x1ac: {  	v9 =	vld [tilespmem:s12+$0x6650]  }
0x1ad: {  	v20 =	vld [tilespmem:s12+$0x65E0]  }
0x1ae: {  	v21 =	vld [tilespmem:s12+$0x65F0]  }
0x1af: {  	v10 =	vld [tilespmem:s12+$0x6600];
	v15 =	vshll.u32 v6, $0x10  }
0x1b0: {  	v11 =	vld [tilespmem:s12+$0x6610];
	v28 =	vshll.u32 v7, $0x10;
	v25 =	vand.u32 $0xFFFF0000, v6;
	v26 =	vand.u32 $0xFFFF0000, v7  }
0x1b1: {  	v22 =	vld [tilespmem:s12+$0x65A0];
	v1 =	vshll.u32 v59, $0x10;
	v0 =	vshll.u32 v60, $0x10;
	v32 =	vshll.u32 v12, $0x10  }
0x1b2: {  	v63 =	vld [tilespmem:s12+$0x65C0];
	v17 =	vshll.u32 v13, $0x10;
	v29 =	vand.u32 $0xFFFF0000, v12;
	v31 =	vand.u32 $0xFFFF0000, v13  }
0x1b3: {  	v38 =	vld [tilespmem:s12+$0x6570];
	v54 =	vshll.u32 v61, $0x10;
	v55 =	vshll.u32 v62, $0x10;
	v12 =	vshll.u32 v14, $0x10  }
0x1b4: {  	v46 =	vld [tilespmem:s12+$0x6470];
	[tilespmem:$0x1FD20] =	vst v59;
	v39 =	vshll.u32 v16, $0x10;
	v33 =	vand.u32 $0xFFFF0000, v14;
	v34 =	vand.u32 $0xFFFF0000, v16  }
0x1b5: {  	v47 =	vld [tilespmem:s12+$0x64A0];
	[tilespmem:$0x1FD40] =	vst v60;
	v56 =	vshll.u32 v5, $0x10;
	v57 =	vshll.u32 v4, $0x10;
	v40 =	vshll.u32 v18, $0x10  }
0x1b6: {  	v23 =	vld [tilespmem:s12+$0x65D0];
	[tilespmem:$0x1FD60] =	vst v61;
	v41 =	vshll.u32 v19, $0x10;
	v42 =	vand.u32 $0xFFFF0000, v18;
	v43 =	vand.u32 $0xFFFF0000, v19  }
0x1b7: {  	v37 =	vld [tilespmem:s12+$0x6430];
	[tilespmem:$0x1FD80] =	vst v62;
	v58 =	vshll.u32 v8, $0x10;
	v59 =	vshll.u32 v9, $0x10;
	v44 =	vshll.u32 v20, $0x10  }
0x1b8: {  	v35 =	vld [tilespmem:s12+$0x6460];
	v45 =	vshll.u32 v21, $0x10;
	v61 =	vshll.u32 v10, $0x10;
	v62 =	vshll.u32 v11, $0x10;
	[tilespmem:$0x1FD30] =	vst v1  }
0x1b9: {  	v49 =	vld [tilespmem:s12+$0x64B0];
	v51 =	vshll.u32 v22, $0x10;
	v24 =	vshll.u32 v63, $0x10;
	v53 =	vshll.u32 v38, $0x10;
	[tilespmem:$0x1FD50] =	vst v0  }
0x1ba: {  	v6 =	vld [tilespmem:s12+$0x65B0];
	v2 =	vshll.u32 v46, $0x10;
	v3 =	vshll.u32 v47, $0x10;
	v46 =	vand.u32 $0xFFFF0000, v46;
	[tilespmem:$0x1FDA0] =	vst v56  }
0x1bb: {  	v60 =	vld [tilespmem:s12+$0x6420];
	v47 =	vand.u32 $0xFFFF0000, v47;
	[tilespmem:$0x1FDB0] =	vst v57;
	v56 =	vand.u32 $0xFFFF0000, v20;
	v57 =	vand.u32 $0xFFFF0000, v21  }
0x1bc: {  	[tilespmem:$0x1FD90] =	vst v55;
	v21 =	vmovc v23;
	v23 =	vimm.f32 $0.0e+00;
	v55 =	vand.u32 $0xFFFF0000, v22;
	v1 =	vshll.u32 v37, $0x10  }
0x1bd: {  	v7 =	vld [tilespmem:s12+$0x6560];
	[tilespmem:$0x1FDC0] =	vst v58;
	v0 =	vshll.u32 v35, $0x10;
	v37 =	vand.u32 $0xFFFF0000, v37;
	v58 =	vadd.f32 v1, v23  }
0x1be: {  	[tilespmem:$0x1FDE0] =	vst v61;
	v35 =	vand.u32 $0xFFFF0000, v35;
	v61 =	vld [tilespmem:s12+$0x6520];
	v22 =	vshll.u32 v21, $0x10;
	v37 =	vadd.f32 v37, v23  }
0x1bf: {  	v52 =	vld [tilespmem:s12+$0x64F0];
	v1 =	vshll.u32 v49, $0x10;
	v49 =	vand.u32 $0xFFFF0000, v49;
	v58 =	vadd.f32 v2, v58  }
0x1c0: {  	[tilespmem:$0x1FD70] =	vst v54;
	v20 =	vmovc v63;
	v54 =	vshll.u32 v6, $0x10;
	v63 =	vshll.u32 v60, $0x10;
	v36 =	vand.u32 $0xFFFF0000, v60;
	v60 =	vld [tilespmem:s12+$0x64E0]  }
0x1c1: {  	v6 =	vand.u32 $0xFFFF0000, v6;
	v48 =	vadd.f32 v63, v23;
	v36 =	vadd.f32 v36, v23  }
0x1c2: {  	[tilespmem:$0x1FDD0] =	vst v59;
	v59 =	vld [tilespmem:s12+$0x6530];
	v50 =	vshll.u32 v7, $0x10;
	v63 =	vadd.f32 v46, v37;
	v37 =	vadd.f32 v1, v58  }
0x1c3: {  	v1 =	vshll.u32 v61, $0x10;
	v48 =	vadd.f32 v0, v48;
	v35 =	vadd.f32 v35, v36  }
0x1c4: {  	v0 =	vshll.u32 v52, $0x10;
	v49 =	vadd.f32 v49, v63;
	v52 =	vand.u32 $0xFFFF0000, v52  }
0x1c5: {  	v36 =	vld [tilespmem:s12+$0x6590];
	v2 =	vadd.f32 v3, v48;
	v3 =	vshll.u32 v60, $0x10;
	v47 =	vadd.f32 v47, v35  }
0x1c6: {  	v35 =	vld [tilespmem:s12+$0x6580];
	v60 =	vand.u32 $0xFFFF0000, v60;
	v48 =	vadd.f32 v0, v37;
	v52 =	vadd.f32 v52, v49  }
0x1c7: {  	v37 =	vld [tilespmem:s12+$0x6540];
	v46 =	vadd.f32 v3, v2;
	v2 =	vshll.u32 v59, $0x10;
	v59 =	vand.u32 $0xFFFF0000, v59  }
0x1c8: {  	v0 =	vand.u32 $0xFFFF0000, v61;
	v49 =	vld [tilespmem:s12+$0x6510];
	v47 =	vadd.f32 v60, v47;
	v59 =	vadd.f32 v59, v52  }
0x1c9: {  	v3 =	vand.u32 $0xFFFF0000, v38;
	v38 =	vld [tilespmem:s12+$0x6550];
	v58 =	vadd.f32 v1, v46;
	v1 =	vadd.f32 v2, v48  }
0x1ca: {  	v7 =	vand.u32 $0xFFFF0000, v7;
	v48 =	vld [tilespmem:s12+$0x6500];
	v2 =	vadd.f32 v0, v47;
	v60 =	vadd.f32 v3, v59  }
0x1cb: {  	v52 =	vld [tilespmem:s12+$0x64C0];
	v47 =	vshll.u32 v36, $0x10;
	v58 =	vadd.f32 v50, v58;
	v61 =	vadd.f32 v53, v1  }
0x1cc: {  	v46 =	vshll.u32 v35, $0x10;
	v59 =	vld [tilespmem:s12+$0x6490];
	v7 =	vadd.f32 v7, v2;
	v6 =	vadd.f32 v6, v60  }
0x1cd: {  	v53 =	vld [tilespmem:s12+$0x64D0];
	v50 =	vshll.u32 v37, $0x10;
	v3 =	vadd.f32 v51, v58;
	v61 =	vadd.f32 v54, v61  }
0x1ce: {  	v58 =	vld [tilespmem:s12+$0x6480];
	v51 =	vshll.u32 v38, $0x10;
	v7 =	vadd.f32 v55, v7;
	v55 =	vshll.u32 v49, $0x10  }
0x1cf: {  	v54 =	vshll.u32 v48, $0x10;
	v44 =	vadd.f32 v44, v3;
	v45 =	vadd.f32 v45, v61  }
0x1d0: {  	v57 =	vadd.f32 v57, v6;
	v61 =	vshll.u32 v52, $0x10;
	v56 =	vadd.f32 v56, v7  }
0x1d1: {  	v63 =	vld [tilespmem:s12+$0x6440];
	v60 =	vshll.u32 v59, $0x10;
	v40 =	vadd.f32 v40, v44;
	v41 =	vadd.f32 v41, v45  }
0x1d2: {  	[tilespmem:$0x1FDF0] =	vst v62;
	v6 =	vld [tilespmem:s12+$0x6450];
	v62 =	vshll.u32 v53, $0x10;
	v43 =	vadd.f32 v43, v57;
	v42 =	vadd.f32 v42, v56  }
0x1d3: {  	v14 =	vmovc v5;
	v16 =	vmovc v4;
	v44 =	vld [tilespmem:s12+$0x6400];
	v7 =	vshll.u32 v58, $0x10;
	v56 =	vadd.f32 v12, v40;
	v45 =	vadd.f32 v39, v41  }
0x1d4: {  	s2 =	simm.s32 $0xC80;
	v18 =	vmovc v8;
	v19 =	vmovc v9;
	v12 =	vld [tilespmem:s12+$0x6410];
	v40 =	vimm.f32 $0.0e+00;
	v41 =	vimm.f32 $0.0e+00;
	v39 =	vimm.f32 $0.0e+00  }
.LBB2_8:
0x1d5: {  	_ = 	snop  }
0x1d6: {  	s10 =	sshra.s32 s2, $0x2;
	v34 =	vadd.f32 v34, v43;
	v30 =	vadd.f32 v17, v45;
	v45 =	vld [tilespmem:$0x1FDD0]  }
0x1d7: {  	v33 =	vadd.f32 v33, v42;
	v17 =	vand.u32 $0xFFFF0000, v21;
	v21 =	vld [tilespmem:s10+$0x65D0]  }
0x1d8: {  	v31 =	vadd.f32 v31, v34;
	v34 =	vld [tilespmem:s10+$0x6660]  }
0x1d9: {  	v29 =	vadd.f32 v29, v33;
	v43 =	vadd.f32 v28, v30;
	v30 =	vand.u32 $0xFFFF0000, v49;
	v49 =	vld [tilespmem:$0x1FD70]  }
0x1da: {  	v32 =	vadd.f32 v32, v56;
	v57 =	vshll.u32 v63, $0x10;
	v28 =	vand.u32 $0xFFFF0000, v63;
	v63 =	vld [tilespmem:s10+$0x6620]  }
0x1db: {  	v56 =	vshll.u32 v44, $0x10;
	v27 =	vand.u32 $0xFFFF0000, v44;
	v44 =	vadd.f32 v25, v29;
	v25 =	vld [tilespmem:s10+$0x66E0]  }
0x1dc: {  	v29 =	vld [tilespmem:s10+$0x6710]  }
0x1dd: {  	v33 =	vshll.u32 v12, $0x10;
	v12 =	vand.u32 $0xFFFF0000, v12;
	v0 =	vadd.f32 v26, v31;
	v31 =	vld [tilespmem:s10+$0x66A0]  }
0x1de: {  	v12 =	vadd.f32 v12, v39;
	v39 =	vld [tilespmem:$0x1FDE0]  }
0x1df: {  	v26 =	vadd.f32 v33, v40;
	v40 =	vld [tilespmem:$0x1FDF0]  }
0x1e0: {  	v13 =	vshll.u32 v6, $0x10;
	v23 =	vadd.f32 v56, v23;
	v27 =	vadd.f32 v27, v41;
	v41 =	vld [tilespmem:$0x1FDC0]  }
0x1e1: {  	v13 =	vadd.f32 v13, v26;
	v26 =	vld [tilespmem:s10+$0x66F0]  }
0x1e2: {  	v6 =	vand.u32 $0xFFFF0000, v6;
	v23 =	vadd.f32 v57, v23;
	v27 =	vadd.f32 v28, v27;
	v28 =	vld [tilespmem:s10+$0x6700]  }
0x1e3: {  	v6 =	vadd.f32 v6, v12;
	v12 =	vand.u32 $0xFFFF0000, v58;
	v58 =	vld [tilespmem:s10+$0x66B0]  }
0x1e4: {  	v7 =	vadd.f32 v7, v23;
	v23 =	vand.u32 $0xFFFF0000, v59;
	v59 =	vld [tilespmem:s10+$0x66D0]  }
0x1e5: {  	v10 =	vand.u32 $0xFFFF0000, v10;
	v11 =	vand.u32 $0xFFFF0000, v11;
	v13 =	vadd.f32 v60, v13;
	v60 =	vld [tilespmem:s10+$0x6670]  }
0x1e6: {  	v8 =	vand.u32 $0xFFFF0000, v18;
	v12 =	vadd.f32 v12, v27;
	v27 =	vand.u32 $0xFFFF0000, v53;
	v53 =	vld [tilespmem:$0x1FD30]  }
0x1e7: {  	v9 =	vand.u32 $0xFFFF0000, v19;
	v6 =	vadd.f32 v23, v6;
	v23 =	vand.u32 $0xFFFF0000, v52;
	v52 =	vld [tilespmem:$0x1FD20]  }
0x1e8: {  	v16 =	vand.u32 $0xFFFF0000, v16;
	v42 =	vadd.f32 v15, v32;
	v13 =	vadd.f32 v62, v13;
	v62 =	vld [tilespmem:s10+$0x6690]  }
0x1e9: {  	v15 =	vand.u32 $0xFFFF0000, v20;
	v12 =	vadd.f32 v23, v12;
	v23 =	vand.u32 $0xFFFF0000, v48;
	v48 =	vld [tilespmem:$0x1FD60]  }
0x1ea: {  	v33 =	vand.u32 $0xFFFF0000, v34;
	v7 =	vadd.f32 v61, v7;
	v61 =	vand.u32 $0xFFFF0000, v36;
	v36 =	vld [tilespmem:s10+$0x65B0]  }
0x1eb: {  	v56 =	vmovc v29;
	v32 =	vshll.u32 v31, $0x10;
	v29 =	vand.u32 $0xFFFF0000, v31;
	v6 =	vadd.f32 v27, v6;
	v27 =	vld [tilespmem:s10+$0x66C0]  }
0x1ec: {  	v1 =	vmovc v28;
	v28 =	vshll.u32 v26, $0x10;
	v7 =	vadd.f32 v54, v7;
	v13 =	vadd.f32 v55, v13;
	v54 =	vld [tilespmem:$0x1FD50]  }
0x1ed: {  	v12 =	vadd.f32 v23, v12;
	v23 =	vand.u32 $0xFFFF0000, v37;
	v55 =	vld [tilespmem:$0x1FD40];
	v6 =	vadd.f32 v30, v6  }
0x1ee: {  	v37 =	vld [tilespmem:s10+$0x64A0];
	v30 =	vand.u32 $0xFFFF0000, v38;
	v7 =	vadd.f32 v50, v7;
	v13 =	vadd.f32 v51, v13  }
0x1ef: {  	v26 =	vand.u32 $0xFFFF0000, v26;
	v38 =	vld [tilespmem:s10+$0x6520];
	v12 =	vadd.f32 v23, v12;
	v6 =	vadd.f32 v30, v6  }
0x1f0: {  	v23 =	vand.u32 $0xFFFF0000, v35;
	v35 =	vld [tilespmem:s10+$0x64B0];
	v7 =	vadd.f32 v46, v7;
	v13 =	vadd.f32 v47, v13  }
0x1f1: {  	v31 =	vand.u32 $0xFFFF0000, v58;
	v30 =	vld [tilespmem:s10+$0x6680];
	v12 =	vadd.f32 v23, v12;
	v6 =	vadd.f32 v61, v6  }
0x1f2: {  	[tilespmem:$0x1FD20] =	vst v1;
	v1 =	vshll.u32 v1, $0x10;
	v46 =	vld [tilespmem:$0x1FDA0];
	v7 =	vadd.f32 v24, v7;
	v13 =	vadd.f32 v22, v13  }
0x1f3: {  	[tilespmem:$0x1FD30] =	vst v1;
	v1 =	vand.u32 $0xFFFF0000, v36;
	v47 =	vld [tilespmem:$0x1FDB0];
	v3 =	vmovc v27;
	v12 =	vadd.f32 v15, v12;
	v6 =	vadd.f32 v17, v6  }
0x1f4: {  	v57 =	vshll.u32 v3, $0x10;
	v17 =	vld [tilespmem:s10+$0x6650];
	v7 =	vadd.f32 v39, v7;
	v13 =	vadd.f32 v40, v13  }
0x1f5: {  	v50 =	vld [tilespmem:$0x1FD90];
	[tilespmem:$0x1FD70] =	vst v57;
	v57 =	vshll.u32 v60, $0x10;
	v10 =	vadd.f32 v10, v12;
	v6 =	vadd.f32 v11, v6  }
0x1f6: {  	v51 =	vld [tilespmem:$0x1FD80];
	v19 =	vshll.u32 v35, $0x10;
	v7 =	vadd.f32 v41, v7;
	v11 =	vadd.f32 v45, v13  }
0x1f7: {  	v15 =	vld [tilespmem:s10+$0x6640];
	v8 =	vadd.f32 v8, v10;
	v45 =	vmovc v30;
	v6 =	vadd.f32 v9, v6;
	v9 =	vand.u32 $0xFFFF0000, v14  }
0x1f8: {  	v2 =	vmovc v59;
	v23 =	vld [tilespmem:s10+$0x6600];
	v59 =	vshll.u32 v45, $0x10;
	v7 =	vadd.f32 v46, v7;
	v14 =	vadd.f32 v47, v11  }
0x1f9: {  	v13 =	vld [tilespmem:s10+$0x65F0];
	v18 =	vadd.f32 v9, v8;
	v27 =	vmovc v17;
	v17 =	vshll.u32 v58, $0x10;
	v58 =	vshll.u32 v2, $0x10  }
0x1fa: {  	v30 =	vld [tilespmem:s10+$0x6610];
	[tilespmem:$0x1FDA0] =	vst v59;
	v59 =	vshll.u32 v38, $0x10;
	v6 =	vadd.f32 v16, v6;
	v16 =	vand.u32 $0xFFFF0000, v48  }
0x1fb: {  	v22 =	vld [tilespmem:s10+$0x6630];
	v10 =	vmovc v62;
	v62 =	vshll.u32 v27, $0x10;
	v7 =	vadd.f32 v49, v7;
	v14 =	vadd.f32 v50, v14  }
0x1fc: {  	v12 =	vld [tilespmem:s10+$0x65E0];
	v11 =	vmovc v15;
	v15 =	vand.u32 $0xFFFF0000, v51;
	v16 =	vadd.f32 v16, v18;
	v18 =	vand.u32 $0xFFFF0000, v52  }
0x1fd: {  	[tilespmem:$0x1FD00] =	vst v0;
	v24 =	vld [tilespmem:s10+$0x65A0];
	v6 =	vadd.f32 v15, v6;
	v15 =	vshll.u32 v25, $0x10;
	v25 =	vand.u32 $0xFFFF0000, v25  }
0x1fe: {  	v46 =	vld [tilespmem:s10+$0x6530];
	[tilespmem:$0x1FDD0] =	vst v62;
	v61 =	vshll.u32 v11, $0x10;
	v62 =	vshll.u32 v13, $0x10;
	v13 =	vand.u32 $0xFFFF0000, v13  }
0x1ff: {  	[tilespmem:$0x1FD40] =	vst v56;
	v47 =	vld [tilespmem:s10+$0x64E0];
	v51 =	vshll.u32 v30, $0x10;
	v0 =	vadd.f32 v53, v7;
	v40 =	vadd.f32 v54, v14  }
0x200: {  	[tilespmem:$0x1FD80] =	vst v2;
	v48 =	vld [tilespmem:s10+$0x64F0];
	v7 =	vand.u32 $0xFFFF0000, v55;
	v41 =	vadd.f32 v18, v16;
	v14 =	vshll.u32 v63, $0x10  }
0x201: {  	v49 =	vld [tilespmem:s10+$0x6460];
	v16 =	vshll.u32 v22, $0x10;
	[tilespmem:$0x1FDC0] =	vst v61;
	v61 =	vshll.u32 v12, $0x10;
	v12 =	vand.u32 $0xFFFF0000, v12  }
0x202: {  	[tilespmem:$0x1FDF0] =	vst v51;
	v51 =	vld [tilespmem:s10+$0x6420];
	v54 =	vshll.u32 v24, $0x10;
	v55 =	vshll.u32 v36, $0x10;
	v36 =	vshll.u32 v37, $0x10  }
0x203: {  	[tilespmem:$0x1FD60] =	vst v3;
	v52 =	vld [tilespmem:s10+$0x6430];
	v37 =	vand.u32 $0xFFFF0000, v37;
	v39 =	vadd.f32 v7, v6;
	v2 =	vshll.u32 v46, $0x10  }
0x204: {  	v50 =	vld [tilespmem:s10+$0x6470];
	v3 =	vshll.u32 v47, $0x10;
	[tilespmem:$0x1FD10] =	vst v0;
	v0 =	vshll.u32 v56, $0x10;
	v56 =	vshll.u32 v34, $0x10  }
0x205: {  	v20 =	vld [tilespmem:s10+$0x65C0];
	v34 =	vand.u32 $0xFFFF0000, v60;
	v60 =	vshll.u32 v10, $0x10;
	v4 =	vshll.u32 v48, $0x10;
	[tilespmem:$0x1FD50] =	vst v0  }
0x206: {  	v6 =	vld [tilespmem:s10+$0x6560];
	[tilespmem:$0x1FDB0] =	vst v60;
	v60 =	vand.u32 $0xFFFF0000, v63;
	v0 =	vand.u32 $0xFFFF0000, v22;
	v63 =	vshll.u32 v23, $0x10  }
0x207: {  	v7 =	vld [tilespmem:s10+$0x6570];
	v22 =	vshll.u32 v21, $0x10;
	v5 =	vshll.u32 v49, $0x10;
	v8 =	vshll.u32 v51, $0x10  }
0x208: {  	v9 =	vshll.u32 v52, $0x10;
	v8 =	vadd.f32 v8, v42;
	v42 =	vand.u32 $0xFFFF0000, v52;
	v52 =	vld [tilespmem:$0x1FD00]  }
0x209: {  	v18 =	vshll.u32 v50, $0x10;
	v9 =	vadd.f32 v9, v43;
	v51 =	vand.u32 $0xFFFF0000, v51  }
0x20a: {  	[tilespmem:$0x1FDE0] =	vst v63;
	v63 =	vand.u32 $0xFFFF0000, v24;
	v24 =	vshll.u32 v20, $0x10;
	v43 =	vadd.f32 v51, v44  }
0x20b: {  	v51 =	vand.u32 $0xFFFF0000, v49;
	v5 =	vadd.f32 v5, v8;
	v8 =	vadd.f32 v18, v9  }
0x20c: {  	[tilespmem:$0x1FD90] =	vst v58;
	v53 =	vshll.u32 v6, $0x10;
	v58 =	vshll.u32 v7, $0x10;
	v18 =	vadd.f32 v51, v43  }
0x20d: {  	v8 =	vadd.f32 v19, v8;
	v19 =	vand.u32 $0xFFFF0000, v35;
	v35 =	vld [tilespmem:s10+$0x6580];
	v42 =	vadd.f32 v42, v52  }
0x20e: {  	v6 =	vand.u32 $0xFFFF0000, v6;
	v9 =	vand.u32 $0xFFFF0000, v50;
	v5 =	vadd.f32 v36, v5;
	v36 =	vld [tilespmem:s10+$0x6590]  }
0x20f: {  	v7 =	vand.u32 $0xFFFF0000, v7;
	v43 =	vadd.f32 v37, v18;
	v9 =	vadd.f32 v9, v42  }
0x210: {  	v37 =	vld [tilespmem:s10+$0x6540];
	v52 =	vand.u32 $0xFFFF0000, v47;
	v3 =	vadd.f32 v3, v5;
	v4 =	vadd.f32 v4, v8  }
0x211: {  	v5 =	vand.u32 $0xFFFF0000, v48;
	v8 =	vadd.f32 v52, v43;
	v48 =	vld [tilespmem:s10+$0x6500];
	v9 =	vadd.f32 v19, v9  }
0x212: {  	v49 =	vld [tilespmem:s10+$0x6510];
	v3 =	vadd.f32 v59, v3;
	v2 =	vadd.f32 v2, v4;
	v4 =	vand.u32 $0xFFFF0000, v46  }
0x213: {  	v52 =	vld [tilespmem:s10+$0x64C0];
	v46 =	vshll.u32 v35, $0x10;
	v47 =	vshll.u32 v36, $0x10;
	v5 =	vadd.f32 v5, v9  }
0x214: {  	v3 =	vadd.f32 v53, v3;
	v2 =	vadd.f32 v58, v2;
	v53 =	vld [tilespmem:s10+$0x64D0];
	v9 =	vand.u32 $0xFFFF0000, v38  }
0x215: {  	v50 =	vshll.u32 v37, $0x10;
	v58 =	vld [tilespmem:s10+$0x6480];
	v8 =	vadd.f32 v9, v8;
	v4 =	vadd.f32 v4, v5  }
0x216: {  	v38 =	vld [tilespmem:s10+$0x6550];
	v3 =	vadd.f32 v54, v3;
	v2 =	vadd.f32 v55, v2;
	v54 =	vshll.u32 v48, $0x10  }
0x217: {  	v55 =	vshll.u32 v49, $0x10;
	v5 =	vadd.f32 v6, v8;
	v4 =	vadd.f32 v7, v4  }
0x218: {  	p1 =	sne.s32 s2, $0x5780;
	v59 =	vld [tilespmem:s10+$0x6490];
	v3 =	vadd.f32 v61, v3;
	v2 =	vadd.f32 v62, v2;
	v61 =	vshll.u32 v52, $0x10  }
.Ltmp2:
0x219: {  	v44 =	vld [tilespmem:s10+$0x6400];
	v62 =	vshll.u32 v53, $0x10;
	v5 =	vadd.f32 v63, v5;
	v1 =	vadd.f32 v1, v4;
	(pc) =	sbr.rel @p1 .LBB2_8-.Ltmp2, $4  }
0x21a: {  	v6 =	vld [tilespmem:s10+$0x6450];
	v7 =	vshll.u32 v58, $0x10;
	v3 =	vadd.f32 v14, v3;
	v2 =	vadd.f32 v16, v2  }
0x21b: {  	v18 =	vmovc v11;
	v51 =	vshll.u32 v38, $0x10;
	v63 =	vld [tilespmem:s10+$0x6440];
	v4 =	vadd.f32 v12, v5;
	v1 =	vadd.f32 v13, v1  }
0x21c: {  	v14 =	vmovc v45;
	v16 =	vmovc v10;
	v10 =	vmov v23;
	v23 =	vld [tilespmem:$0x1FD10];
	v56 =	vadd.f32 v56, v3;
	v45 =	vadd.f32 v57, v2  }
0x21d: {  	s2 =	sadd.s32 $0xC80, s2;
	v11 =	vmovc v30;
	v19 =	vmovc v27;
	v12 =	vld [tilespmem:s10+$0x6410];
	v42 =	vadd.f32 v60, v4;
	v60 =	vshll.u32 v59, $0x10;
	v43 =	vadd.f32 v0, v1  }
0x21e: {  	_ =	sdelay $0x2  }
0x21f: {  	v8 =	vshll.u32 v44, $0x10;
	v13 =	vand.u32 $0xFFFF0000, v44;
	v5 =	vshll.u32 v6, $0x10  }
0x220: {  	v13 =	vadd.f32 v13, v41;
	v8 =	vadd.f32 v8, v23;
	v9 =	vshll.u32 v12, $0x10  }
0x221: {  	v3 =	vshll.u32 v63, $0x10;
	v12 =	vand.u32 $0xFFFF0000, v12;
	v9 =	vadd.f32 v9, v40  }
0x222: {  	v3 =	vadd.f32 v3, v8;
	v8 =	vadd.f32 v12, v39;
	v12 =	vand.u32 $0xFFFF0000, v63  }
0x223: {  	v6 =	vand.u32 $0xFFFF0000, v6;
	v5 =	vadd.f32 v5, v9;
	v9 =	vadd.f32 v12, v13  }
0x224: {  	v3 =	vadd.f32 v7, v3;
	v6 =	vadd.f32 v6, v8;
	v7 =	vand.u32 $0xFFFF0000, v58  }
0x225: {  	v8 =	vand.u32 $0xFFFF0000, v59;
	v7 =	vadd.f32 v7, v9  }
0x226: {  	v6 =	vadd.f32 v8, v6;
	v8 =	vand.u32 $0xFFFF0000, v52  }
0x227: {  	v9 =	vand.u32 $0xFFFF0000, v53;
	v7 =	vadd.f32 v8, v7  }
0x228: {  	v6 =	vadd.f32 v9, v6;
	v8 =	vand.u32 $0xFFFF0000, v48  }
0x229: {  	v5 =	vadd.f32 v60, v5;
	v9 =	vand.u32 $0xFFFF0000, v49;
	v7 =	vadd.f32 v8, v7  }
0x22a: {  	v3 =	vadd.f32 v61, v3;
	v6 =	vadd.f32 v9, v6;
	v8 =	vand.u32 $0xFFFF0000, v37  }
0x22b: {  	v5 =	vadd.f32 v62, v5;
	v9 =	vand.u32 $0xFFFF0000, v38;
	v7 =	vadd.f32 v8, v7  }
0x22c: {  	v3 =	vadd.f32 v54, v3;
	v6 =	vadd.f32 v9, v6;
	v8 =	vand.u32 $0xFFFF0000, v35  }
0x22d: {  	v5 =	vadd.f32 v55, v5;
	v9 =	vand.u32 $0xFFFF0000, v36;
	v7 =	vadd.f32 v8, v7  }
0x22e: {  	v3 =	vadd.f32 v50, v3;
	v6 =	vadd.f32 v9, v6;
	v8 =	vand.u32 $0xFFFF0000, v20  }
0x22f: {  	v5 =	vadd.f32 v51, v5;
	v9 =	vand.u32 $0xFFFF0000, v21;
	v7 =	vadd.f32 v8, v7;
	v8 =	vld [tilespmem:$0x1FDE0]  }
0x230: {  	v3 =	vadd.f32 v46, v3;
	v6 =	vadd.f32 v9, v6;
	v9 =	vld [tilespmem:$0x1FDF0]  }
0x231: {  	v5 =	vadd.f32 v47, v5  }
0x232: {  	v3 =	vadd.f32 v24, v3  }
0x233: {  	v5 =	vadd.f32 v22, v5  }
0x234: {  	v3 =	vadd.f32 v8, v3;
	v8 =	vand.u32 $0xFFFF0000, v10  }
0x235: {  	v5 =	vadd.f32 v9, v5;
	v9 =	vand.u32 $0xFFFF0000, v11;
	v7 =	vadd.f32 v8, v7;
	v8 =	vld [tilespmem:$0x1FDC0]  }
0x236: {  	v6 =	vadd.f32 v9, v6;
	v9 =	vld [tilespmem:$0x1FDD0];
	_ =	sdelay $0x3  }
0x237: {  	v3 =	vadd.f32 v8, v3;
	v8 =	vand.u32 $0xFFFF0000, v18  }
0x238: {  	v5 =	vadd.f32 v9, v5;
	v9 =	vand.u32 $0xFFFF0000, v19;
	v7 =	vadd.f32 v8, v7;
	v8 =	vld [tilespmem:$0x1FDA0]  }
0x239: {  	v6 =	vadd.f32 v9, v6;
	v9 =	vld [tilespmem:$0x1FDB0];
	_ =	sdelay $0x3  }
0x23a: {  	v3 =	vadd.f32 v8, v3;
	v8 =	vand.u32 $0xFFFF0000, v14  }
0x23b: {  	v5 =	vadd.f32 v9, v5;
	v9 =	vand.u32 $0xFFFF0000, v16;
	v7 =	vadd.f32 v8, v7;
	v8 =	vld [tilespmem:$0x1FD70]  }
0x23c: {  	v6 =	vadd.f32 v9, v6;
	v9 =	vld [tilespmem:$0x1FD90];
	_ =	sdelay $0x3  }
0x23d: {  	v3 =	vadd.f32 v8, v3;
	v8 =	vld [tilespmem:$0x1FD60]  }
0x23e: {  	v5 =	vadd.f32 v9, v5;
	v9 =	vld [tilespmem:$0x1FD80];
	_ =	sdelay $0x3  }
0x23f: {  	v8 =	vand.u32 $0xFFFF0000, v8  }
0x240: {  	v9 =	vand.u32 $0xFFFF0000, v9;
	v7 =	vadd.f32 v8, v7;
	v8 =	vld [tilespmem:$0x1FD30]  }
0x241: {  	v6 =	vadd.f32 v9, v6;
	v9 =	vld [tilespmem:$0x1FD50];
	_ =	sdelay $0x3  }
0x242: {  	v0 =	vadd.f32 v33, v42;
	v3 =	vadd.f32 v8, v3;
	v8 =	vld [tilespmem:$0x1FD20]  }
0x243: {  	v1 =	vadd.f32 v34, v43;
	v5 =	vadd.f32 v9, v5;
	v9 =	vld [tilespmem:$0x1FD40]  }
0x244: {  	v2 =	vadd.f32 v32, v56;
	v4 =	vadd.f32 v17, v45  }
0x245: {  	v0 =	vadd.f32 v29, v0;
	v1 =	vadd.f32 v31, v1  }
0x246: {  	v2 =	vadd.f32 v15, v2;
	v4 =	vadd.f32 v28, v4  }
0x247: {  	v0 =	vadd.f32 v25, v0;
	v1 =	vadd.f32 v26, v1;
	v8 =	vand.u32 $0xFFFF0000, v8  }
0x248: {  	v2 =	vadd.f32 v2, v3;
	v9 =	vand.u32 $0xFFFF0000, v9;
	v7 =	vadd.f32 v8, v7  }
0x249: {  	v4 =	vadd.f32 v4, v5;
	v58 =	vadd.f32 v9, v6  }
0x24a: {  	v2 =	vmul.f32 $4.999999890e-03, v2;
	v0 =	vadd.f32 v0, v7  }
0x24b: {  	v4 =	vmul.f32 $4.999999890e-03, v4;
	v1 =	vadd.f32 v1, v58  }
0x24c: {  	[tilespmem:s30+$0x9680] =	vst v2;
	v0 =	vmul.f32 $4.999999890e-03, v0  }
0x24d: {  	[tilespmem:s30+$0x9690] =	vst v4;
	v1 =	vmul.f32 $4.999999890e-03, v1  }
0x24e: {  	[tilespmem:s30+$0x96A0] =	vst v0  }
0x24f: {  	s2 =	sadd.s32 @!p0 $0x4B0, s1;
	s10 =	simm.s32 @!p0 $0x80;
	s12 =	simm.s32 @!p0 $0x6400;
	[tilespmem:s30+$0x96B0] =	vst v1  }
0x250: {  	[tilespmem:s12], [sflag:$0x3] =	stream.indirect.gather @!p0 [hbm4b:s5+s10], $0x20, s2, s10, $0xb8;
	[tilespmem:$0xA600] =	vst v63  }
0x251: {  	s1 =	sadd.s32 @!p0 $0x530, s1;
	s2 =	simm.s32 @!p0 $0x48;
	s10 =	simm.s32 @!p0 $0x7400  }
0x252: {  	[tilespmem:s10], [sflag:$0x3] =	stream.indirect.gather @!p0 [hbm4b:s5+s2], $0x20, s1, s2, $0xb8;
	[tilespmem:$0xA600] =	vst v63  }
0x253: {  	_ =	swait.ge [sflag:s26], $0x1900  }
0x254: {  	[sflag:s26] =	ssyncset.done $0x0  }
0x255: {  	s30 =	simm.s32 $0x0;
	[sflag:s26] =	ssyncadd.s32 $0xFFFFE700  }
0x256: {  	v6 =	vld [tilespmem:s30+$0x7FE0]  }
0x257: {  	v7 =	vld [tilespmem:s30+$0x7FF0]  }
0x258: {  	v59 =	vld [tilespmem:s30+$0x8000]  }
0x259: {  	v60 =	vld [tilespmem:s30+$0x8010]  }
0x25a: {  	v12 =	vld [tilespmem:s30+$0x7FA0]  }
0x25b: {  	v13 =	vld [tilespmem:s30+$0x7FB0]  }
0x25c: {  	v61 =	vld [tilespmem:s30+$0x7FC0]  }
0x25d: {  	v62 =	vld [tilespmem:s30+$0x7FD0]  }
0x25e: {  	v15 =	vld [tilespmem:s30+$0x7F60]  }
0x25f: {  	v17 =	vld [tilespmem:s30+$0x7F70]  }
0x260: {  	v5 =	vld [tilespmem:s30+$0x7F80]  }
0x261: {  	v4 =	vld [tilespmem:s30+$0x7F90]  }
0x262: {  	v18 =	vld [tilespmem:s30+$0x7F20]  }
0x263: {  	v19 =	vld [tilespmem:s30+$0x7F30]  }
0x264: {  	v8 =	vld [tilespmem:s30+$0x7F40]  }
0x265: {  	v9 =	vld [tilespmem:s30+$0x7F50]  }
0x266: {  	v20 =	vld [tilespmem:s30+$0x7EE0]  }
0x267: {  	v21 =	vld [tilespmem:s30+$0x7EF0]  }
0x268: {  	v24 =	vimm.f32 $0.0e+00;
	v10 =	vld [tilespmem:s30+$0x7F00]  }
0x269: {  	v11 =	vld [tilespmem:s30+$0x7F10];
	v14 =	vshll.u32 v6, $0x10;
	v27 =	vshll.u32 v7, $0x10;
	v25 =	vand.u32 $0xFFFF0000, v6  }
0x26a: {  	v22 =	vld [tilespmem:s30+$0x7EA0];
	v28 =	vand.u32 $0xFFFF0000, v7;
	v1 =	vshll.u32 v59, $0x10;
	v0 =	vshll.u32 v60, $0x10  }
0x26b: {  	v63 =	vld [tilespmem:s30+$0x7EC0];
	v16 =	vshll.u32 v12, $0x10;
	v31 =	vshll.u32 v13, $0x10;
	v29 =	vand.u32 $0xFFFF0000, v12  }
0x26c: {  	v38 =	vld [tilespmem:s30+$0x7E70];
	v32 =	vand.u32 $0xFFFF0000, v13;
	v54 =	vshll.u32 v61, $0x10;
	v55 =	vshll.u32 v62, $0x10  }
0x26d: {  	v46 =	vld [tilespmem:s30+$0x7D70];
	[tilespmem:$0x1FC20] =	vst v59;
	v12 =	vshll.u32 v15, $0x10;
	v39 =	vshll.u32 v17, $0x10;
	v33 =	vand.u32 $0xFFFF0000, v15  }
0x26e: {  	v47 =	vld [tilespmem:s30+$0x7DA0];
	[tilespmem:$0x1FC40] =	vst v60;
	v34 =	vand.u32 $0xFFFF0000, v17;
	v56 =	vshll.u32 v5, $0x10;
	v57 =	vshll.u32 v4, $0x10  }
0x26f: {  	v23 =	vld [tilespmem:s30+$0x7ED0];
	[tilespmem:$0x1FC60] =	vst v61;
	v40 =	vshll.u32 v18, $0x10;
	v41 =	vshll.u32 v19, $0x10;
	v42 =	vand.u32 $0xFFFF0000, v18  }
0x270: {  	v37 =	vld [tilespmem:s30+$0x7D30];
	[tilespmem:$0x1FC80] =	vst v62;
	v43 =	vand.u32 $0xFFFF0000, v19;
	v58 =	vshll.u32 v8, $0x10;
	v59 =	vshll.u32 v9, $0x10  }
0x271: {  	v35 =	vld [tilespmem:s30+$0x7D60];
	v44 =	vshll.u32 v20, $0x10;
	v45 =	vshll.u32 v21, $0x10;
	v61 =	vshll.u32 v10, $0x10;
	[tilespmem:$0x1FC30] =	vst v1  }
0x272: {  	v49 =	vld [tilespmem:s30+$0x7DB0];
	v62 =	vshll.u32 v11, $0x10;
	v51 =	vshll.u32 v22, $0x10;
	v53 =	vshll.u32 v38, $0x10;
	[tilespmem:$0x1FC50] =	vst v0  }
0x273: {  	v6 =	vld [tilespmem:s30+$0x7EB0];
	v2 =	vshll.u32 v46, $0x10;
	v3 =	vshll.u32 v47, $0x10;
	v46 =	vand.u32 $0xFFFF0000, v46;
	[tilespmem:$0x1FCA0] =	vst v56  }
0x274: {  	v60 =	vld [tilespmem:s30+$0x7D20];
	v47 =	vand.u32 $0xFFFF0000, v47;
	[tilespmem:$0x1FCB0] =	vst v57;
	v56 =	vand.u32 $0xFFFF0000, v20;
	v57 =	vand.u32 $0xFFFF0000, v21  }
0x275: {  	[tilespmem:$0x1FC90] =	vst v55;
	v21 =	vmovc v23;
	v55 =	vand.u32 $0xFFFF0000, v22;
	v23 =	vshll.u32 v63, $0x10;
	v1 =	vshll.u32 v37, $0x10  }
0x276: {  	v7 =	vld [tilespmem:s30+$0x7E60];
	[tilespmem:$0x1FCC0] =	vst v58;
	v0 =	vshll.u32 v35, $0x10;
	v37 =	vand.u32 $0xFFFF0000, v37;
	v58 =	vadd.f32 v1, v24  }
0x277: {  	[tilespmem:$0x1FCE0] =	vst v61;
	v35 =	vand.u32 $0xFFFF0000, v35;
	v61 =	vld [tilespmem:s30+$0x7E20];
	v22 =	vshll.u32 v21, $0x10;
	v37 =	vadd.f32 v37, v24  }
0x278: {  	v52 =	vld [tilespmem:s30+$0x7DF0];
	v1 =	vshll.u32 v49, $0x10;
	v49 =	vand.u32 $0xFFFF0000, v49;
	v58 =	vadd.f32 v2, v58  }
0x279: {  	[tilespmem:$0x1FC70] =	vst v54;
	v20 =	vmovc v63;
	v54 =	vshll.u32 v6, $0x10;
	v63 =	vshll.u32 v60, $0x10;
	v36 =	vand.u32 $0xFFFF0000, v60;
	v60 =	vld [tilespmem:s30+$0x7DE0]  }
0x27a: {  	v6 =	vand.u32 $0xFFFF0000, v6;
	v48 =	vadd.f32 v63, v24;
	v36 =	vadd.f32 v36, v24  }
0x27b: {  	[tilespmem:$0x1FCD0] =	vst v59;
	v59 =	vld [tilespmem:s30+$0x7E30];
	v50 =	vshll.u32 v7, $0x10;
	v63 =	vadd.f32 v46, v37;
	v37 =	vadd.f32 v1, v58  }
0x27c: {  	v1 =	vshll.u32 v61, $0x10;
	v48 =	vadd.f32 v0, v48;
	v35 =	vadd.f32 v35, v36  }
0x27d: {  	v0 =	vshll.u32 v52, $0x10;
	v49 =	vadd.f32 v49, v63;
	v52 =	vand.u32 $0xFFFF0000, v52  }
0x27e: {  	v36 =	vld [tilespmem:s30+$0x7E90];
	v2 =	vadd.f32 v3, v48;
	v3 =	vshll.u32 v60, $0x10;
	v47 =	vadd.f32 v47, v35  }
0x27f: {  	v35 =	vld [tilespmem:s30+$0x7E80];
	v60 =	vand.u32 $0xFFFF0000, v60;
	v48 =	vadd.f32 v0, v37;
	v52 =	vadd.f32 v52, v49  }
0x280: {  	v37 =	vld [tilespmem:s30+$0x7E40];
	v46 =	vadd.f32 v3, v2;
	v2 =	vshll.u32 v59, $0x10;
	v59 =	vand.u32 $0xFFFF0000, v59  }
0x281: {  	v0 =	vand.u32 $0xFFFF0000, v61;
	v49 =	vld [tilespmem:s30+$0x7E10];
	v47 =	vadd.f32 v60, v47;
	v59 =	vadd.f32 v59, v52  }
0x282: {  	v3 =	vand.u32 $0xFFFF0000, v38;
	v38 =	vld [tilespmem:s30+$0x7E50];
	v58 =	vadd.f32 v1, v46;
	v1 =	vadd.f32 v2, v48  }
0x283: {  	v7 =	vand.u32 $0xFFFF0000, v7;
	v48 =	vld [tilespmem:s30+$0x7E00];
	v2 =	vadd.f32 v0, v47;
	v60 =	vadd.f32 v3, v59  }
0x284: {  	v52 =	vld [tilespmem:s30+$0x7DC0];
	v47 =	vshll.u32 v36, $0x10;
	v58 =	vadd.f32 v50, v58;
	v61 =	vadd.f32 v53, v1  }
0x285: {  	v46 =	vshll.u32 v35, $0x10;
	v59 =	vld [tilespmem:s30+$0x7D90];
	v7 =	vadd.f32 v7, v2;
	v6 =	vadd.f32 v6, v60  }
0x286: {  	v53 =	vld [tilespmem:s30+$0x7DD0];
	v50 =	vshll.u32 v37, $0x10;
	v3 =	vadd.f32 v51, v58;
	v61 =	vadd.f32 v54, v61  }
0x287: {  	v58 =	vld [tilespmem:s30+$0x7D80];
	v51 =	vshll.u32 v38, $0x10;
	v7 =	vadd.f32 v55, v7;
	v55 =	vshll.u32 v49, $0x10  }
0x288: {  	v54 =	vshll.u32 v48, $0x10;
	v44 =	vadd.f32 v44, v3;
	v45 =	vadd.f32 v45, v61  }
0x289: {  	v57 =	vadd.f32 v57, v6;
	v61 =	vshll.u32 v52, $0x10;
	v56 =	vadd.f32 v56, v7  }
0x28a: {  	v63 =	vld [tilespmem:s30+$0x7D40];
	v60 =	vshll.u32 v59, $0x10;
	v44 =	vadd.f32 v40, v44;
	v45 =	vadd.f32 v41, v45  }
0x28b: {  	[tilespmem:$0x1FCF0] =	vst v62;
	v6 =	vld [tilespmem:s30+$0x7D50];
	v62 =	vshll.u32 v53, $0x10;
	v40 =	vadd.f32 v42, v56;
	v41 =	vadd.f32 v43, v57  }
0x28c: {  	v15 =	vmovc v5;
	v17 =	vmovc v4;
	v42 =	vld [tilespmem:s30+$0x7D00];
	v7 =	vshll.u32 v58, $0x10;
	v43 =	vadd.f32 v12, v44;
	v56 =	vadd.f32 v39, v45  }
0x28d: {  	s1 =	simm.s32 $0xC80;
	v18 =	vmovc v8;
	v19 =	vmovc v9;
	v12 =	vld [tilespmem:s30+$0x7D10];
	v44 =	vimm.f32 $0.0e+00;
	v45 =	vimm.f32 $0.0e+00;
	v39 =	vimm.f32 $0.0e+00  }
.LBB2_10:
0x28e: {  	s2 =	sshra.s32 s1, $0x2;
	v30 =	vadd.f32 v16, v43;
	v31 =	vadd.f32 v31, v56;
	v43 =	vld [tilespmem:$0x1FCF0]  }
0x28f: {  	v33 =	vadd.f32 v33, v40;
	v34 =	vadd.f32 v34, v41;
	v16 =	vand.u32 $0xFFFF0000, v21;
	v21 =	vld [tilespmem:s2+$0x7ED0]  }
0x290: {  	v41 =	vadd.f32 v27, v31;
	v31 =	vld [tilespmem:s2+$0x7FD0]  }
0x291: {  	v29 =	vadd.f32 v29, v33;
	v32 =	vadd.f32 v32, v34;
	v34 =	vld [tilespmem:s2+$0x7F60]  }
0x292: {  	v40 =	vadd.f32 v14, v30;
	v30 =	vand.u32 $0xFFFF0000, v49;
	v49 =	vld [tilespmem:$0x1FC70]  }
0x293: {  	v56 =	vshll.u32 v42, $0x10;
	v26 =	vand.u32 $0xFFFF0000, v42;
	v42 =	vadd.f32 v25, v29;
	v25 =	vld [tilespmem:s2+$0x7FE0]  }
0x294: {  	v57 =	vshll.u32 v63, $0x10;
	v33 =	vshll.u32 v12, $0x10;
	v29 =	vld [tilespmem:s2+$0x7FF0]  }
0x295: {  	v12 =	vand.u32 $0xFFFF0000, v12;
	v0 =	vadd.f32 v28, v32;
	v28 =	vand.u32 $0xFFFF0000, v63;
	v63 =	vld [tilespmem:s2+$0x7F20]  }
0x296: {  	v12 =	vadd.f32 v12, v39;
	v39 =	vld [tilespmem:$0x1FCE0]  }
0x297: {  	v27 =	vadd.f32 v33, v44;
	v44 =	vld [tilespmem:$0x1FCC0]  }
0x298: {  	v13 =	vshll.u32 v6, $0x10;
	v24 =	vadd.f32 v56, v24;
	v26 =	vadd.f32 v26, v45;
	v45 =	vld [tilespmem:$0x1FCD0]  }
0x299: {  	v13 =	vadd.f32 v13, v27;
	v27 =	vld [tilespmem:s2+$0x8000]  }
0x29a: {  	v6 =	vand.u32 $0xFFFF0000, v6;
	v24 =	vadd.f32 v57, v24;
	v26 =	vadd.f32 v28, v26;
	v28 =	vld [tilespmem:s2+$0x8010]  }
0x29b: {  	v6 =	vadd.f32 v6, v12;
	v12 =	vand.u32 $0xFFFF0000, v58;
	v58 =	vld [tilespmem:s2+$0x7FA0]  }
0x29c: {  	v7 =	vadd.f32 v7, v24;
	v24 =	vand.u32 $0xFFFF0000, v59;
	v59 =	vld [tilespmem:s2+$0x7FB0]  }
0x29d: {  	v10 =	vand.u32 $0xFFFF0000, v10;
	v13 =	vadd.f32 v60, v13;
	v60 =	vld [tilespmem:s2+$0x7F70]  }
0x29e: {  	v11 =	vand.u32 $0xFFFF0000, v11;
	v12 =	vadd.f32 v12, v26;
	v26 =	vand.u32 $0xFFFF0000, v53;
	v53 =	vld [tilespmem:$0x1FC30]  }
0x29f: {  	v8 =	vand.u32 $0xFFFF0000, v18;
	v6 =	vadd.f32 v24, v6;
	v24 =	vand.u32 $0xFFFF0000, v52;
	v52 =	vld [tilespmem:$0x1FC20]  }
0x2a0: {  	v9 =	vand.u32 $0xFFFF0000, v19;
	v17 =	vand.u32 $0xFFFF0000, v17;
	v13 =	vadd.f32 v62, v13;
	v62 =	vld [tilespmem:s2+$0x7F90]  }
0x2a1: {  	v14 =	vand.u32 $0xFFFF0000, v20;
	v12 =	vadd.f32 v24, v12;
	v24 =	vand.u32 $0xFFFF0000, v48;
	v48 =	vld [tilespmem:$0x1FC60]  }
0x2a2: {  	v33 =	vand.u32 $0xFFFF0000, v34;
	v7 =	vadd.f32 v61, v7;
	v61 =	vand.u32 $0xFFFF0000, v36;
	v36 =	vld [tilespmem:s2+$0x7EB0]  }
0x2a3: {  	v6 =	vadd.f32 v26, v6;
	v26 =	vld [tilespmem:s2+$0x7FC0];
	v1 =	vmovc v27;
	v56 =	vmovc v28;
	v27 =	vshll.u32 v29, $0x10;
	v28 =	vand.u32 $0xFFFF0000, v29  }
0x2a4: {  	v29 =	vand.u32 $0xFFFF0000, v58;
	v7 =	vadd.f32 v54, v7;
	v13 =	vadd.f32 v55, v13;
	v54 =	vld [tilespmem:$0x1FC50]  }
0x2a5: {  	v12 =	vadd.f32 v24, v12;
	v24 =	vand.u32 $0xFFFF0000, v37;
	v55 =	vld [tilespmem:$0x1FC40];
	[tilespmem:$0x1FC20] =	vst v1;
	v1 =	vshll.u32 v1, $0x10  }
0x2a6: {  	v37 =	vld [tilespmem:s2+$0x7DA0];
	v6 =	vadd.f32 v30, v6;
	v30 =	vand.u32 $0xFFFF0000, v38;
	v7 =	vadd.f32 v50, v7  }
0x2a7: {  	v13 =	vadd.f32 v51, v13;
	v12 =	vadd.f32 v24, v12;
	v24 =	vand.u32 $0xFFFF0000, v35;
	v35 =	vld [tilespmem:s2+$0x7DB0]  }
0x2a8: {  	v2 =	vmovc v31;
	v31 =	vshll.u32 v59, $0x10;
	v6 =	vadd.f32 v30, v6;
	v30 =	vld [tilespmem:s2+$0x7F80];
	v7 =	vadd.f32 v46, v7  }
0x2a9: {  	v38 =	vld [tilespmem:s2+$0x7E20];
	v32 =	vand.u32 $0xFFFF0000, v59;
	v13 =	vadd.f32 v47, v13;
	v12 =	vadd.f32 v24, v12  }
0x2aa: {  	[tilespmem:$0x1FC30] =	vst v1;
	v1 =	vand.u32 $0xFFFF0000, v36;
	v46 =	vld [tilespmem:$0x1FCA0];
	v3 =	vmovc v26;
	v6 =	vadd.f32 v61, v6;
	v7 =	vadd.f32 v23, v7  }
0x2ab: {  	v47 =	vld [tilespmem:$0x1FCB0];
	v57 =	vshll.u32 v3, $0x10;
	v13 =	vadd.f32 v22, v13;
	v12 =	vadd.f32 v14, v12  }
0x2ac: {  	[tilespmem:$0x1FC70] =	vst v57;
	v57 =	vshll.u32 v60, $0x10;
	v6 =	vadd.f32 v16, v6;
	v16 =	vld [tilespmem:s2+$0x7F50];
	v7 =	vadd.f32 v39, v7  }
0x2ad: {  	v50 =	vld [tilespmem:$0x1FC90];
	v19 =	vshll.u32 v35, $0x10;
	v13 =	vadd.f32 v43, v13;
	v10 =	vadd.f32 v10, v12;
	v43 =	vmovc v30  }
0x2ae: {  	v51 =	vld [tilespmem:$0x1FC80];
	v6 =	vadd.f32 v11, v6;
	v59 =	vshll.u32 v43, $0x10;
	v7 =	vadd.f32 v44, v7  }
0x2af: {  	v14 =	vld [tilespmem:s2+$0x7F40];
	v11 =	vadd.f32 v45, v13;
	v8 =	vadd.f32 v8, v10;
	[tilespmem:$0x1FCA0] =	vst v59;
	v59 =	vshll.u32 v38, $0x10  }
0x2b0: {  	v30 =	vld [tilespmem:s2+$0x7F10];
	v6 =	vadd.f32 v9, v6;
	v9 =	vand.u32 $0xFFFF0000, v15;
	v7 =	vadd.f32 v46, v7  }
0x2b1: {  	v13 =	vld [tilespmem:s2+$0x7EF0];
	v15 =	vadd.f32 v47, v11;
	v18 =	vadd.f32 v9, v8;
	v26 =	vmovc v16;
	v16 =	vshll.u32 v58, $0x10  }
0x2b2: {  	v24 =	vld [tilespmem:s2+$0x7F00];
	v58 =	vshll.u32 v2, $0x10;
	v6 =	vadd.f32 v17, v6;
	v17 =	vand.u32 $0xFFFF0000, v48  }
0x2b3: {  	v22 =	vld [tilespmem:s2+$0x7F30];
	v10 =	vmovc v62;
	v62 =	vshll.u32 v26, $0x10;
	v7 =	vadd.f32 v49, v7;
	v15 =	vadd.f32 v50, v15  }
0x2b4: {  	v12 =	vld [tilespmem:s2+$0x7EE0];
	v11 =	vmovc v14;
	v14 =	vand.u32 $0xFFFF0000, v51;
	v17 =	vadd.f32 v17, v18;
	v18 =	vand.u32 $0xFFFF0000, v52  }
0x2b5: {  	[tilespmem:$0x1FC00] =	vst v0;
	v23 =	vld [tilespmem:s2+$0x7EA0];
	v51 =	vshll.u32 v30, $0x10;
	v6 =	vadd.f32 v14, v6;
	v14 =	vshll.u32 v25, $0x10  }
0x2b6: {  	v46 =	vld [tilespmem:s2+$0x7E30];
	[tilespmem:$0x1FCD0] =	vst v62;
	v25 =	vand.u32 $0xFFFF0000, v25;
	v61 =	vshll.u32 v11, $0x10;
	v62 =	vshll.u32 v13, $0x10  }
0x2b7: {  	[tilespmem:$0x1FC40] =	vst v56;
	v47 =	vld [tilespmem:s2+$0x7DE0];
	v13 =	vand.u32 $0xFFFF0000, v13;
	v0 =	vadd.f32 v53, v7;
	v44 =	vadd.f32 v54, v15  }
0x2b8: {  	[tilespmem:$0x1FC80] =	vst v2;
	v48 =	vld [tilespmem:s2+$0x7DF0];
	v7 =	vand.u32 $0xFFFF0000, v55;
	v45 =	vadd.f32 v18, v17;
	v15 =	vshll.u32 v63, $0x10  }
0x2b9: {  	v49 =	vld [tilespmem:s2+$0x7D60];
	v17 =	vshll.u32 v22, $0x10;
	[tilespmem:$0x1FCC0] =	vst v61;
	v61 =	vshll.u32 v12, $0x10;
	v12 =	vand.u32 $0xFFFF0000, v12  }
0x2ba: {  	[tilespmem:$0x1FCF0] =	vst v51;
	v51 =	vld [tilespmem:s2+$0x7D20];
	v54 =	vshll.u32 v23, $0x10;
	v55 =	vshll.u32 v36, $0x10;
	v36 =	vshll.u32 v37, $0x10  }
0x2bb: {  	[tilespmem:$0x1FC60] =	vst v3;
	v52 =	vld [tilespmem:s2+$0x7D30];
	v37 =	vand.u32 $0xFFFF0000, v37;
	v39 =	vadd.f32 v7, v6;
	v2 =	vshll.u32 v46, $0x10  }
0x2bc: {  	v50 =	vld [tilespmem:s2+$0x7D70];
	v3 =	vshll.u32 v47, $0x10;
	[tilespmem:$0x1FC10] =	vst v0;
	v0 =	vshll.u32 v56, $0x10;
	v56 =	vshll.u32 v34, $0x10  }
0x2bd: {  	v20 =	vld [tilespmem:s2+$0x7EC0];
	v34 =	vand.u32 $0xFFFF0000, v60;
	v60 =	vshll.u32 v10, $0x10;
	v4 =	vshll.u32 v48, $0x10;
	[tilespmem:$0x1FC50] =	vst v0  }
0x2be: {  	v6 =	vld [tilespmem:s2+$0x7E60];
	[tilespmem:$0x1FCB0] =	vst v60;
	v60 =	vand.u32 $0xFFFF0000, v63;
	v0 =	vand.u32 $0xFFFF0000, v22;
	v63 =	vshll.u32 v24, $0x10  }
0x2bf: {  	v7 =	vld [tilespmem:s2+$0x7E70];
	v22 =	vshll.u32 v21, $0x10;
	v5 =	vshll.u32 v49, $0x10;
	v8 =	vshll.u32 v51, $0x10  }
0x2c0: {  	v9 =	vshll.u32 v52, $0x10;
	v8 =	vadd.f32 v8, v40;
	v40 =	vand.u32 $0xFFFF0000, v52;
	v52 =	vld [tilespmem:$0x1FC00]  }
0x2c1: {  	v18 =	vshll.u32 v50, $0x10;
	v51 =	vand.u32 $0xFFFF0000, v51;
	v9 =	vadd.f32 v9, v41  }
0x2c2: {  	[tilespmem:$0x1FCE0] =	vst v63;
	v63 =	vand.u32 $0xFFFF0000, v23;
	v23 =	vshll.u32 v20, $0x10;
	v41 =	vadd.f32 v51, v42  }
0x2c3: {  	v51 =	vand.u32 $0xFFFF0000, v49;
	v5 =	vadd.f32 v5, v8;
	v8 =	vadd.f32 v18, v9  }
0x2c4: {  	[tilespmem:$0x1FC90] =	vst v58;
	v53 =	vshll.u32 v6, $0x10;
	v58 =	vshll.u32 v7, $0x10;
	v18 =	vadd.f32 v51, v41  }
0x2c5: {  	v8 =	vadd.f32 v19, v8;
	v19 =	vand.u32 $0xFFFF0000, v35;
	v35 =	vld [tilespmem:s2+$0x7E80];
	v40 =	vadd.f32 v40, v52  }
0x2c6: {  	v6 =	vand.u32 $0xFFFF0000, v6;
	v9 =	vand.u32 $0xFFFF0000, v50;
	v5 =	vadd.f32 v36, v5;
	v36 =	vld [tilespmem:s2+$0x7E90]  }
0x2c7: {  	v7 =	vand.u32 $0xFFFF0000, v7;
	v41 =	vadd.f32 v37, v18;
	v9 =	vadd.f32 v9, v40  }
0x2c8: {  	v37 =	vld [tilespmem:s2+$0x7E40];
	v52 =	vand.u32 $0xFFFF0000, v47;
	v3 =	vadd.f32 v3, v5;
	v4 =	vadd.f32 v4, v8  }
0x2c9: {  	v5 =	vand.u32 $0xFFFF0000, v48;
	v8 =	vadd.f32 v52, v41;
	v48 =	vld [tilespmem:s2+$0x7E00];
	v9 =	vadd.f32 v19, v9  }
0x2ca: {  	v49 =	vld [tilespmem:s2+$0x7E10];
	v3 =	vadd.f32 v59, v3;
	v2 =	vadd.f32 v2, v4;
	v4 =	vand.u32 $0xFFFF0000, v46  }
0x2cb: {  	v52 =	vld [tilespmem:s2+$0x7DC0];
	v46 =	vshll.u32 v35, $0x10;
	v47 =	vshll.u32 v36, $0x10;
	v5 =	vadd.f32 v5, v9  }
0x2cc: {  	v3 =	vadd.f32 v53, v3;
	v2 =	vadd.f32 v58, v2;
	v53 =	vld [tilespmem:s2+$0x7DD0];
	v9 =	vand.u32 $0xFFFF0000, v38  }
0x2cd: {  	v50 =	vshll.u32 v37, $0x10;
	v58 =	vld [tilespmem:s2+$0x7D80];
	v8 =	vadd.f32 v9, v8;
	v4 =	vadd.f32 v4, v5  }
0x2ce: {  	v38 =	vld [tilespmem:s2+$0x7E50];
	v3 =	vadd.f32 v54, v3;
	v2 =	vadd.f32 v55, v2;
	v54 =	vshll.u32 v48, $0x10  }
0x2cf: {  	v55 =	vshll.u32 v49, $0x10;
	v5 =	vadd.f32 v6, v8;
	v4 =	vadd.f32 v7, v4  }
0x2d0: {  	p0 =	sne.s32 s1, $0x5780;
	v59 =	vld [tilespmem:s2+$0x7D90];
	v3 =	vadd.f32 v61, v3;
	v2 =	vadd.f32 v62, v2;
	v61 =	vshll.u32 v52, $0x10  }
.Ltmp3:
0x2d1: {  	v42 =	vld [tilespmem:s2+$0x7D00];
	v62 =	vshll.u32 v53, $0x10;
	v5 =	vadd.f32 v63, v5;
	v1 =	vadd.f32 v1, v4;
	(pc) =	sbr.rel @p0 .LBB2_10-.Ltmp3, $4  }
0x2d2: {  	v6 =	vld [tilespmem:s2+$0x7D50];
	v7 =	vshll.u32 v58, $0x10;
	v3 =	vadd.f32 v15, v3;
	v2 =	vadd.f32 v17, v2  }
0x2d3: {  	v18 =	vmovc v11;
	v51 =	vshll.u32 v38, $0x10;
	v63 =	vld [tilespmem:s2+$0x7D40];
	v4 =	vadd.f32 v12, v5;
	v1 =	vadd.f32 v13, v1  }
0x2d4: {  	v15 =	vmovc v43;
	v17 =	vmovc v10;
	v10 =	vmov v24;
	v24 =	vld [tilespmem:$0x1FC10];
	v43 =	vadd.f32 v56, v3;
	v56 =	vadd.f32 v57, v2  }
0x2d5: {  	s1 =	sadd.s32 $0xC80, s1;
	v11 =	vmovc v30;
	v19 =	vmovc v26;
	v12 =	vld [tilespmem:s2+$0x7D10];
	v40 =	vadd.f32 v60, v4;
	v60 =	vshll.u32 v59, $0x10;
	v41 =	vadd.f32 v0, v1  }
0x2d6: {  	v2 =	vadd.f32 v16, v43  }
0x2d7: {  	v3 =	vadd.f32 v31, v56;
	v8 =	vand.u32 $0xFFFF0000, v42;
	v0 =	vadd.f32 v33, v40  }
0x2d8: {  	v4 =	vshll.u32 v42, $0x10;
	v1 =	vadd.f32 v34, v41;
	v8 =	vadd.f32 v8, v45  }
0x2d9: {  	v2 =	vadd.f32 v14, v2;
	v3 =	vadd.f32 v27, v3;
	v9 =	vshll.u32 v63, $0x10  }
0x2da: {  	v27 =	vand.u32 $0xFFFF0000, v63;
	v0 =	vadd.f32 v29, v0;
	v1 =	vadd.f32 v32, v1  }
0x2db: {  	v4 =	vadd.f32 v4, v24;
	v8 =	vadd.f32 v27, v8;
	v5 =	vshll.u32 v12, $0x10  }
0x2dc: {  	v26 =	vand.u32 $0xFFFF0000, v12;
	v0 =	vadd.f32 v25, v0;
	v5 =	vadd.f32 v5, v44  }
0x2dd: {  	v4 =	vadd.f32 v9, v4;
	v25 =	vshll.u32 v6, $0x10;
	v12 =	vadd.f32 v26, v39  }
0x2de: {  	v1 =	vadd.f32 v28, v1;
	v28 =	vand.u32 $0xFFFF0000, v6;
	v5 =	vadd.f32 v25, v5  }
0x2df: {  	v29 =	vand.u32 $0xFFFF0000, v58;
	v4 =	vadd.f32 v7, v4;
	v6 =	vadd.f32 v28, v12  }
0x2e0: {  	v30 =	vand.u32 $0xFFFF0000, v59;
	v7 =	vadd.f32 v29, v8;
	v5 =	vadd.f32 v60, v5  }
0x2e1: {  	v31 =	vand.u32 $0xFFFF0000, v52;
	v4 =	vadd.f32 v61, v4;
	v6 =	vadd.f32 v30, v6  }
0x2e2: {  	v32 =	vand.u32 $0xFFFF0000, v53;
	v7 =	vadd.f32 v31, v7;
	v5 =	vadd.f32 v62, v5  }
0x2e3: {  	v43 =	vld [tilespmem:$0x1FCE0];
	v33 =	vand.u32 $0xFFFF0000, v48;
	v4 =	vadd.f32 v54, v4;
	v6 =	vadd.f32 v32, v6  }
0x2e4: {  	v57 =	vld [tilespmem:$0x1FC90];
	v34 =	vand.u32 $0xFFFF0000, v49;
	v7 =	vadd.f32 v33, v7;
	v5 =	vadd.f32 v55, v5  }
0x2e5: {  	v37 =	vand.u32 $0xFFFF0000, v37;
	v59 =	vld [tilespmem:$0x1FC30];
	v4 =	vadd.f32 v50, v4;
	v6 =	vadd.f32 v34, v6  }
0x2e6: {  	v45 =	vld [tilespmem:$0x1FCF0];
	v39 =	vand.u32 $0xFFFF0000, v38;
	v7 =	vadd.f32 v37, v7;
	v5 =	vadd.f32 v51, v5  }
0x2e7: {  	v40 =	vand.u32 $0xFFFF0000, v35;
	v49 =	vld [tilespmem:$0x1FCD0];
	v4 =	vadd.f32 v46, v4;
	v6 =	vadd.f32 v39, v6  }
0x2e8: {  	v41 =	vand.u32 $0xFFFF0000, v36;
	v7 =	vadd.f32 v40, v7;
	v5 =	vadd.f32 v47, v5;
	v47 =	vld [tilespmem:$0x1FCC0]  }
0x2e9: {  	v42 =	vand.u32 $0xFFFF0000, v20;
	v53 =	vld [tilespmem:$0x1FCB0];
	v4 =	vadd.f32 v23, v4;
	v6 =	vadd.f32 v41, v6  }
0x2ea: {  	v44 =	vand.u32 $0xFFFF0000, v21;
	v51 =	vld [tilespmem:$0x1FCA0];
	v7 =	vadd.f32 v42, v7;
	v5 =	vadd.f32 v22, v5  }
0x2eb: {  	v58 =	vld [tilespmem:$0x1FC60];
	v46 =	vand.u32 $0xFFFF0000, v10;
	v4 =	vadd.f32 v43, v4;
	v6 =	vadd.f32 v44, v6  }
0x2ec: {  	v48 =	vand.u32 $0xFFFF0000, v11;
	v55 =	vld [tilespmem:$0x1FC70];
	v7 =	vadd.f32 v46, v7;
	v5 =	vadd.f32 v45, v5  }
0x2ed: {  	v60 =	vld [tilespmem:$0x1FC80];
	v50 =	vand.u32 $0xFFFF0000, v18;
	v6 =	vadd.f32 v48, v6;
	v4 =	vadd.f32 v47, v4  }
0x2ee: {  	v52 =	vand.u32 $0xFFFF0000, v19;
	v62 =	vld [tilespmem:$0x1FC20];
	v7 =	vadd.f32 v50, v7;
	v5 =	vadd.f32 v49, v5  }
0x2ef: {  	v63 =	vld [tilespmem:$0x1FC40];
	v54 =	vand.u32 $0xFFFF0000, v15;
	v6 =	vadd.f32 v52, v6;
	v4 =	vadd.f32 v51, v4  }
0x2f0: {  	v56 =	vand.u32 $0xFFFF0000, v17;
	v61 =	vld [tilespmem:$0x1FC50];
	v7 =	vadd.f32 v54, v7;
	v5 =	vadd.f32 v53, v5  }
0x2f1: {  	v8 =	vand.u32 $0xFFFF0000, v58;
	v6 =	vadd.f32 v56, v6;
	v4 =	vadd.f32 v55, v4  }
0x2f2: {  	v7 =	vadd.f32 v8, v7;
	v8 =	vand.u32 $0xFFFF0000, v60;
	v5 =	vadd.f32 v57, v5  }
0x2f3: {  	v6 =	vadd.f32 v8, v6;
	v8 =	vand.u32 $0xFFFF0000, v62;
	v4 =	vadd.f32 v59, v4  }
0x2f4: {  	v7 =	vadd.f32 v8, v7  }
0x2f5: {  	v5 =	vadd.f32 v61, v5;
	v2 =	vadd.f32 v2, v4;
	v4 =	vand.u32 $0xFFFF0000, v63  }
0x2f6: {  	s3 =	sadd.s32 $0x1, s3;
	v0 =	vadd.f32 v0, v7;
	v4 =	vadd.f32 v4, v6  }
0x2f7: {  	s1 =	sshll.u32 s7, $0x6;
	p0 =	sne.s32 s3, $0x10;
	v3 =	vadd.f32 v3, v5;
	v2 =	vmul.f32 $4.999999890e-03, v2  }
.Ltmp4:
0x2f8: {  	s1 =	sand.u32 $0x3FFFFFC0, s1;
	v0 =	vmul.f32 $4.999999890e-03, v0;
	v1 =	vadd.f32 v1, v4;
	(pc) =	sbr.rel @p0 .LBB2_3-.Ltmp4, $4  }
0x2f9: {  	v3 =	vmul.f32 $4.999999890e-03, v3;
	[tilespmem:s1+$0x9600] =	vst v2  }
0x2fa: {  	[tilespmem:s1+$0x9620] =	vst v0;
	v1 =	vmul.f32 $4.999999890e-03, v1  }
0x2fb: {  	[tilespmem:s1+$0x9610] =	vst v3  }
0x2fc: {  	[tilespmem:s1+$0x9630] =	vst v1  }
0x2fd: {  	s31 =	sadd.s32 $0x1, s31  }
0x2fe: {  	s0 =	sshll.u32 s0, $0x3;
	s1 =	rddreg [dreg:$0x1];
	p0 =	sne.s32 s31, $0x8  }
.Ltmp5:
0x2ff: {  	s30 =	simm.s32 $0x0;
	s0 =	sadd.s32 s1, s0;
	(pc) =	sbr.rel @p0 .LBB2_2-.Ltmp5, $4  }
0x300: {  	[hbm4b:s0+s30] =	stream.linear.scatter [tilespmem:s28], [sflag:$0x5], $0x1000, $0x38;
	[tilespmem:$0xA600] =	vst v63  }
0x301: {  	_ =	swait.ge [sflag:s29], $0x1000  }
0x302: {  	[sflag:s29] =	ssyncset.done $0x0  }
0x303: {  	[sflag:s29] =	ssyncadd.s32 $0xFFFFF000  }
0x304: {  	s1 =	rddreg [dreg:$0x4]  }
0x305: {  	s0 =	rddreg [dreg:$0x3];
	s1 =	sadd.s32 $0x1, s1  }
0x306: {  	p0 =	sne.s32 s1, s0  }
.Ltmp6:
0x307: {  	_ = 	snop;
	(pc) =	sbr.rel @p0 .LBB2_1-.Ltmp6, $1  }
0x308: {  	_ =	sdelay $0x3  }
0x309: {  	_ =	sfence.sel $0x180000  }
0x30a: {  	[bflag:$0x0] =	sbarrier.arrive $0xFFFF  }
0x30b: {  	_ =	strace $0x90000047  }
0x30c: {  	s0 =	stileid.u32;
	[bflag:$0x2] =	sbarrier.arrive $0xFFFF  }
0x30d: {  	p0 =	sne.s32 s0, $0x0;
	s0 =	rddreg [dreg:$0x2]  }
0x30e: {  	s0 =	sadd.s32 @!p0 $0x100000, s0  }
0x30f: {  	[sflag:s0] =	ssyncadd.tile.s32 @!p0 $0x1;
	_ =	shalt  }
.Lfunc_end2:
_tile_overlayer_lowered:
.L_overlay_start_2:
0x310: {  	(tag) =	ssettag $0x2  }
0x311: {  	s0 =	rddreg [dreg:$0x0];
	s2 =	stileid.u32  }
0x312: {  	s1 =	rddreg [dreg:$0x1];
	p0 =	sne.s32 s2, $0x0  }
0x313: {  	s3 =	rddreg [dreg:$0x2];
	[bflag:$0x3] =	sbarrier.arrive $0xFFFF;
	s2 =	simm.s32 @!p0 $0x1C06  }
0x314: {  	[timem:s3], [sflag:s2] =	dma.local @!p0 [hbm:s0], s1  }
0x315: {  	s0 =	simm.s32 @!p0 $0x6  }
0x316: {  	_ =	swait.ge @!p0 [sflag:s0], s1  }
0x317: {  	s1 =	ssub.s32 @!p0 $0x0, s1;
	[sflag:s0] =	ssyncset.done @!p0 $0x0  }
0x318: {  	[sflag:s0] =	ssyncadd.s32 @!p0 s1  }
0x319: {  	[bflag:$0x3] =	sbarrier.arrive $0xFFFF  }
0x31a: {  	_ =	shalt  }

</sc_bundles>
